<compile_context>
chip_gen: v7x
topology: tpu7x:2x2x1
jax: 0.10.2.dev20260603
libtpu: 0.0.44.dev20260713+nightly
codegen_flags: <defaults>
</compile_context>

<pallas_src>
import functools
import math

import jax
import jax.numpy as jnp
from jax import lax
from jax.experimental import pallas as pl
from jax.experimental.pallas import tpu as pltpu
from jax.experimental.pallas import tpu_sc as plsc


_TILE_R = 256


def _corr_kernel(q_ref, k_ref, s_ref):
    _, L, HE = k_ref.shape
    R = _TILE_R
    a = q_ref[0]
    kk = k_ref[0]
    a_hi = a.astype(jnp.bfloat16)
    a_lo = (a - a_hi.astype(jnp.float32)).astype(jnp.bfloat16)
    k_hi = kk.astype(jnp.bfloat16)
    k_lo = (kk - k_hi.astype(jnp.float32)).astype(jnp.bfloat16)
    dot = lambda x, y: jax.lax.dot_general(
        x, y, (((1,), (1,)), ((), ())), preferred_element_type=jnp.float32)
    g = dot(a_hi, k_hi) + dot(a_hi, k_lo) + dot(a_lo, k_hi)
    rows = jax.lax.broadcasted_iota(jnp.int32, (R, L), 0)
    for bit in range(R.bit_length() - 1):
        sh = 1 << bit
        rolled = jnp.roll(g, -sh, axis=1)
        g = jnp.where((rows >> bit) & 1 == 1, rolled, g)
    s_ref[0, 0] = jnp.sum(g, axis=0, keepdims=True) * (1.0 / HE)


def _topk_kernel(s_ref, idx_ref, w_ref, topk: int):
    Bsz, J, _, L = s_ref.shape
    u = jnp.zeros((Bsz, L), jnp.float32)
    for j in range(J):
        t0 = j * _TILE_R
        sj = s_ref[:, j, 0, :]
        u = u + (sj if t0 == 0 else jnp.roll(sj, -t0, axis=1))
    score = jnp.mean(u, axis=0, keepdims=True)
    lane = jax.lax.broadcasted_iota(jnp.int32, (1, L), 1)
    cols = []
    for i in range(topk):
        m = jnp.max(score)
        c_i = jnp.min(jnp.where(score == m, lane, L))
        idx_ref[i] = jnp.where(c_i == 0, 0, L - c_i)
        cols.append(jnp.sum(jnp.where(lane == c_i, u, 0.0), axis=1,
                            keepdims=True))
        score = jnp.where(lane == c_i, -jnp.inf, score)
    w = jnp.concatenate(cols, axis=1)
    m = jnp.max(w, axis=1, keepdims=True)
    e = jnp.exp(w - m)
    w = e / jnp.sum(e, axis=1, keepdims=True)
    w_ref[...] = jnp.concatenate(
        [w, jnp.zeros((Bsz, 8 - topk), jnp.float32)], axis=1)


_SC_CHUNK = 8


def _make_sc_agg(B_SC: int, L: int, HE: int, topk: int, b_off: int = 0):
    info = plsc.get_sparse_core_info()
    NW = info.num_cores * info.num_subcores
    per_b = NW // B_SC
    rows_pw = L // per_b
    nchunks = rows_pw // _SC_CHUNK
    mesh = plsc.VectorSubcoreMesh(core_axis_name="c", subcore_axis_name="s")

    @functools.partial(
        pl.kernel, mesh=mesh,
        out_type=jax.ShapeDtypeStruct((B_SC, L, HE), jnp.float32),
        scratch_types=[
            pltpu.VMEM((2, topk, _SC_CHUNK, HE), jnp.float32),
            pltpu.VMEM((_SC_CHUNK, HE), jnp.float32),
            pltpu.VMEM((topk, L // per_b + 128), jnp.int32),
            pltpu.VMEM((topk, 16), jnp.float32),
            pltpu.SemaphoreType.DMA((2, topk)),
        ],
    )
    def sc_agg(gidx_hbm, wexp_hbm, v_hbm, out_hbm, bufs, acc, gidx_v, w_v,
               sems):
        wid = lax.axis_index("s") * info.num_cores + lax.axis_index("c")
        bl = wid // per_b
        b = bl + b_off
        l0 = (wid % per_b) * rows_pw
        pltpu.sync_copy(gidx_hbm.at[:, pl.ds(l0, rows_pw + 128)], gidx_v)
        pltpu.sync_copy(wexp_hbm.at[b], w_v)

        def gather(chunk, bank, i):
            off = pl.multiple_of(chunk * _SC_CHUNK, _SC_CHUNK)
            return pltpu.make_async_copy(
                v_hbm.at[b].at[gidx_v.at[i, pl.ds(off, _SC_CHUNK)]],
                bufs.at[bank, i], sems.at[bank, i])

        def process(chunk, bank):
            for i in range(topk):
                gather(chunk + 1, bank ^ 1, i).start()
            for i in range(topk):
                gather(chunk, bank, i).wait()

            def body(cidx, _):
                off = cidx * 16
                for r in range(_SC_CHUNK):
                    s = None
                    for i in range(topk):
                        t = w_v[i, :] * bufs[bank, i, r, pl.ds(off, 16)]
                        s = t if s is None else s + t
                    acc[r, pl.ds(off, 16)] = s
                return 0

            lax.fori_loop(0, HE // 16, body, 0)
            pltpu.sync_copy(
                acc, out_hbm.at[bl, pl.ds(l0 + chunk * _SC_CHUNK, _SC_CHUNK)])

        for i in range(topk):
            gather(0, 0, i).start()

        def pair(t, _):
            process(2 * t, 0)
            process(2 * t + 1, 1)
            return 0

        lax.fori_loop(0, nchunks // 2, pair, 0)
        for i in range(topk):
            gather(nchunks, 0, i).wait()

    return sc_agg


def kernel(queries, keys, values, attn_mask):
    B, L, H, E = queries.shape
    HE = H * E
    topk = int(math.log(L))
    q2 = queries.reshape(B, L, HE)
    k2 = keys.reshape(B, L, HE)
    v2 = values.reshape(B, L, HE)

    J = L // _TILE_R
    s_tiles = pl.pallas_call(
        _corr_kernel,
        grid=(B, J),
        in_specs=[
            pl.BlockSpec((1, _TILE_R, HE), lambda b, j: (b, j, 0)),
            pl.BlockSpec((1, L, HE), lambda b, j: (b, 0, 0)),
        ],
        out_specs=pl.BlockSpec((1, 1, 1, L), lambda b, j: (b, j, 0, 0)),
        out_shape=jax.ShapeDtypeStruct((B, J, 1, L), jnp.float32),
    )(q2, k2)

    idx, w = pl.pallas_call(
        lambda c, i, wo: _topk_kernel(c, i, wo, topk),
        in_specs=[pl.BlockSpec((B, J, 1, L), lambda: (0, 0, 0, 0))],
        out_specs=[
            pl.BlockSpec(memory_space=pltpu.SMEM),
            pl.BlockSpec((B, 8), lambda: (0, 0)),
        ],
        out_shape=[
            jax.ShapeDtypeStruct((8,), jnp.int32),
            jax.ShapeDtypeStruct((B, 8), jnp.float32),
        ],
    )(s_tiles)

    idx7 = idx[:topk]
    gidx = jnp.mod(
        jax.lax.broadcasted_iota(jnp.int32, (topk, L + 128), 1)
        + idx7[:, None], L)
    wexp = jnp.broadcast_to(w[:, :topk, None], (B, topk, 16))
    out = _make_sc_agg(B, L, HE, topk)(gidx, wexp, v2)
    return out.reshape(B, L, H, E)

# --- scband reference (transcript-rebuilt; emitter-appended) ---
"""Pipeline reference for scband-autoformer-21612275434101 (READ-ONLY COPY).

The authoritative reference and input builder live on the scoring server;
editing this copy changes nothing except your own understanding.
"""

import jax, jax.numpy as jnp
import numpy as np
import math


def setup_inputs(seed: int = 0) -> dict:
    key = jax.random.key(seed)
    k1, k2, k3 = jax.random.split(key, 3)
    B, L, H, E = 4, 2048, 16, 64
    return {
        "queries": jax.random.normal(k1, (B, L, H, E), dtype=jnp.float32),
        "keys": jax.random.normal(k2, (B, L, H, E), dtype=jnp.float32),
        "values": jax.random.normal(k3, (B, L, H, E), dtype=jnp.float32),
        "attn_mask": jnp.zeros((1,), dtype=bool),
    }


def _autocorrelation(queries, keys, values, factor=1):
    # queries/keys/values: (B, L, H, E). Training-mode AutoCorrelation (module default).
    B, L, H, E = queries.shape
    S = values.shape[1]
    # L == S here, so keys/values are truncated to L (no-op)
    keys = keys[:, :L, :, :]
    values = values[:, :L, :, :]
    q = jnp.transpose(queries, (0, 2, 3, 1))  # (B, H, E, L)
    k = jnp.transpose(keys, (0, 2, 3, 1))
    v = jnp.transpose(values, (0, 2, 3, 1))
    q_fft = jnp.fft.rfft(q, axis=-1)
    k_fft = jnp.fft.rfft(k, axis=-1)
    res = q_fft * jnp.conj(k_fft)
    corr = jnp.fft.irfft(res, n=L, axis=-1)  # (B, H, E, L)
    # time_delay_agg_training
    top_k = int(factor * math.log(L))
    mean_value = jnp.mean(jnp.mean(corr, axis=1), axis=1)  # (B, L)
    _, index = jax.lax.top_k(jnp.mean(mean_value, axis=0), top_k)  # (top_k,)
    weights = jnp.stack([mean_value[:, index[i]] for i in range(top_k)], axis=-1)  # (B, top_k)
    tmp_corr = jax.nn.softmax(weights, axis=-1)
    delays_agg = jnp.zeros_like(v)
    for i in range(top_k):
        pattern = jnp.roll(v, -index[i], axis=-1)
        delays_agg = delays_agg + pattern * tmp_corr[:, i][:, None, None, None]
    V = jnp.transpose(delays_agg, (0, 3, 1, 2))  # (B, L, H, E)
    return V


def reference(queries, keys, values, attn_mask):
    # attn_mask is unused by AutoCorrelation (kept for signature parity)
    return _autocorrelation(queries, keys, values, factor=1)

if __name__ == "__main__":
    import jax
    _d = setup_inputs()
    print(jax.jit(kernel)(*tuple(_d.values())))

</pallas_src>

<mosaic_0001>
#map = affine_map<(d0, d1) -> (0, 0)>
#map1 = affine_map<(d0, d1) -> (0, 0, 0)>
module attributes {stable_mosaic.version = 14 : i64} {
  func.func @sc_agg(%arg0: i32, %arg1: i32, %arg2: memref<7x2176xi32, #tpu.memory_space<hbm>>, %arg3: memref<4x7x16xf32, #tpu.memory_space<hbm>>, %arg4: memref<4x2048x1024xf32, #tpu.memory_space<hbm>>, %arg5: memref<4x2048x1024xf32, #tpu.memory_space<hbm>>, %arg6: memref<2x7x8x1024xf32, #tpu.memory_space<vmem>>, %arg7: memref<8x1024xf32, #tpu.memory_space<vmem>>, %arg8: memref<7x384xi32, #tpu.memory_space<vmem>>, %arg9: memref<7x16xf32, #tpu.memory_space<vmem>>, %arg10: memref<2x7x!tpu.dma_semaphore, #tpu.memory_space<semaphore_mem>>) attributes {dimension_semantics = [#tpu.dimension_semantics<core_parallel>, #tpu.dimension_semantics<subcore_parallel>], iteration_bounds = array<i64: 2, 16>, scalar_prefetch = 0 : i64, scratch_operands = 5 : i64, tpu.core_type = #tpu.core_type<sc_vector_subcore>, window_params = [{transform_indices = #map}, {transform_indices = #map1}, {transform_indices = #map1}, {transform_indices = #map1}]} {
    %mul3A = arith.constant 2 : i32
    %mul3A_0 = arith.muli %arg1, %mul3A : i32
    %add3A = arith.addi %mul3A_0, %arg0 : i32
    %jit3A = arith.constant 8 : i32
    %div3A = arith.divsi %add3A, %jit3A : i32
    %sign3A = arith.constant 0 : i32
    %sign3A_1 = arith.cmpi sgt, %add3A, %sign3A : i32
    %sign3A_2 = arith.extui %sign3A_1 : i1 to i32
    %sign3A_3 = arith.constant 0 : i32
    %sign3A_4 = arith.cmpi slt, %add3A, %sign3A_3 : i32
    %sign3A_5 = arith.extui %sign3A_4 : i1 to i32
    %sign3A_6 = arith.subi %sign3A_2, %sign3A_5 : i32
    %sign3A_7 = arith.constant 0 : i32
    %sign3A_8 = arith.cmpi sgt, %jit3A, %sign3A_7 : i32
    %sign3A_9 = arith.extui %sign3A_8 : i1 to i32
    %sign3A_10 = arith.constant 0 : i32
    %sign3A_11 = arith.cmpi slt, %jit3A, %sign3A_10 : i32
    %sign3A_12 = arith.extui %sign3A_11 : i1 to i32
    %sign3A_13 = arith.subi %sign3A_9, %sign3A_12 : i32
    %ne3A = arith.cmpi ne, %sign3A_6, %sign3A_13 : i32
    %rem3A = arith.remsi %add3A, %jit3A : i32
    %ne3A_14 = arith.constant 0 : i32
    %ne3A_15 = arith.cmpi ne, %rem3A, %ne3A_14 : i32
    %and3A = arith.andi %ne3A, %ne3A_15 : i1
    %sub3A = arith.constant 1 : i32
    %sub3A_16 = arith.subi %div3A, %sub3A : i32
    %select_n3A = arith.select %and3A, %sub3A_16, %div3A : i32
    %add3A_17 = arith.constant 0 : i32
    %add3A_18 = arith.addi %select_n3A, %add3A_17 : i32
    %jit3A_19 = arith.constant 8 : i32
    %eq3A = arith.constant 0 : i32
    %eq3A_20 = arith.cmpi eq, %jit3A_19, %eq3A : i32
    %jit3A_21 = arith.constant 1 : i32
    %select_n3A_22 = arith.select %eq3A_20, %jit3A_21, %jit3A_19 : i32
    %rem3A_23 = arith.remsi %add3A, %select_n3A_22 : i32
    %ne3A_24 = arith.constant 0 : i32
    %ne3A_25 = arith.cmpi ne, %rem3A_23, %ne3A_24 : i32
    %lt3A = arith.constant 0 : i32
    %lt3A_26 = arith.cmpi slt, %rem3A_23, %lt3A : i32
    %lt3A_27 = arith.constant 0 : i32
    %lt3A_28 = arith.cmpi slt, %select_n3A_22, %lt3A_27 : i32
    %ne3A_29 = arith.xori %lt3A_26, %lt3A_28 : i1
    %and3A_30 = arith.andi %ne3A_29, %ne3A_25 : i1
    %add3A_31 = arith.addi %rem3A_23, %select_n3A_22 : i32
    %select_n3A_32 = arith.select %and3A_30, %add3A_31, %rem3A_23 : i32
    %mul3A_33 = arith.constant 256 : i32
    %mul3A_34 = arith.muli %select_n3A_32, %mul3A_33 : i32
    "tpu.region"() ({
      %run_scoped3A = tpu.sem_alloc : memref<!tpu.dma_semaphore, #tpu.memory_space<semaphore_mem>>
      %dma_start3A_346 = arith.constant 0 : i32
      %dma_start3A_347 = tpu.memref_slice %arg2[%dma_start3A_346, %mul3A_34] : memref<7x2176xi32, #tpu.memory_space<hbm>> -> memref<7x384xi32, #tpu.memory_space<hbm>>
      %dma_start3A_348 = arith.constant 0 : i32
      %dma_start3A_349 = tpu.memref_slice %arg2[%dma_start3A_348, %mul3A_34] : memref<7x2176xi32, #tpu.memory_space<hbm>> -> memref<7x384xi32, #tpu.memory_space<hbm>>
      tpu.enqueue_dma source(%dma_start3A_349 : memref<7x384xi32, #tpu.memory_space<hbm>>) target(%arg8 : memref<7x384xi32, #tpu.memory_space<vmem>>) target_semaphore(%run_scoped3A : memref<!tpu.dma_semaphore, #tpu.memory_space<semaphore_mem>>)
      %dma_wait3A_350 = arith.constant 0 : i32
      %dma_wait3A_351 = tpu.memref_slice %arg2[%dma_wait3A_350, %mul3A_34] : memref<7x2176xi32, #tpu.memory_space<hbm>> -> memref<7x384xi32, #tpu.memory_space<hbm>>
      %dma_wait3A_352 = arith.constant 0 : i32
      %dma_wait3A_353 = tpu.memref_slice %arg2[%dma_wait3A_352, %mul3A_34] : memref<7x2176xi32, #tpu.memory_space<hbm>> -> memref<7x384xi32, #tpu.memory_space<hbm>>
      tpu.wait_dma2 semaphore(%run_scoped3A : memref<!tpu.dma_semaphore, #tpu.memory_space<semaphore_mem>>) src(%dma_wait3A_353 : memref<7x384xi32, #tpu.memory_space<hbm>>) dst(%arg8 : memref<7x384xi32, #tpu.memory_space<vmem>>)
      tpu.yield
    }) : () -> ()
    "tpu.region"() ({
      %run_scoped3A = tpu.sem_alloc : memref<!tpu.dma_semaphore, #tpu.memory_space<semaphore_mem>>
      %dma_start3A_346 = arith.constant 0 : i32
      %dma_start3A_347 = arith.constant 0 : i32
      %dma_start3A_348 = tpu.memref_slice %arg3[%add3A_18, %dma_start3A_346, %dma_start3A_347] : memref<4x7x16xf32, #tpu.memory_space<hbm>> -> memref<1x7x16xf32, #tpu.memory_space<hbm>>
      %dma_start3A_349 = tpu.memref_squeeze %dma_start3A_348 : memref<1x7x16xf32, #tpu.memory_space<hbm>> -> memref<7x16xf32, #tpu.memory_space<hbm>>
      %dma_start3A_350 = arith.constant 0 : i32
      %dma_start3A_351 = arith.constant 0 : i32
      %dma_start3A_352 = tpu.memref_slice %arg3[%add3A_18, %dma_start3A_350, %dma_start3A_351] : memref<4x7x16xf32, #tpu.memory_space<hbm>> -> memref<1x7x16xf32, #tpu.memory_space<hbm>>
      %dma_start3A_353 = tpu.memref_squeeze %dma_start3A_352 : memref<1x7x16xf32, #tpu.memory_space<hbm>> -> memref<7x16xf32, #tpu.memory_space<hbm>>
      tpu.enqueue_dma source(%dma_start3A_353 : memref<7x16xf32, #tpu.memory_space<hbm>>) target(%arg9 : memref<7x16xf32, #tpu.memory_space<vmem>>) target_semaphore(%run_scoped3A : memref<!tpu.dma_semaphore, #tpu.memory_space<semaphore_mem>>)
      %dma_wait3A_354 = arith.constant 0 : i32
      %dma_wait3A_355 = arith.constant 0 : i32
      %dma_wait3A_356 = tpu.memref_slice %arg3[%add3A_18, %dma_wait3A_354, %dma_wait3A_355] : memref<4x7x16xf32, #tpu.memory_space<hbm>> -> memref<1x7x16xf32, #tpu.memory_space<hbm>>
      %dma_wait3A_357 = tpu.memref_squeeze %dma_wait3A_356 : memref<1x7x16xf32, #tpu.memory_space<hbm>> -> memref<7x16xf32, #tpu.memory_space<hbm>>
      %dma_wait3A_358 = arith.constant 0 : i32
      %dma_wait3A_359 = arith.constant 0 : i32
      %dma_wait3A_360 = tpu.memref_slice %arg3[%add3A_18, %dma_wait3A_358, %dma_wait3A_359] : memref<4x7x16xf32, #tpu.memory_space<hbm>> -> memref<1x7x16xf32, #tpu.memory_space<hbm>>
      %dma_wait3A_361 = tpu.memref_squeeze %dma_wait3A_360 : memref<1x7x16xf32, #tpu.memory_space<hbm>> -> memref<7x16xf32, #tpu.memory_space<hbm>>
      tpu.wait_dma2 semaphore(%run_scoped3A : memref<!tpu.dma_semaphore, #tpu.memory_space<semaphore_mem>>) src(%dma_wait3A_361 : memref<7x16xf32, #tpu.memory_space<hbm>>) dst(%arg9 : memref<7x16xf32, #tpu.memory_space<vmem>>)
      tpu.yield
    }) : () -> ()
    %multiple_of3A = arith.constant 0 : i32
    %multiple_of3A_35 = tpu.assume_multiple %multiple_of3A, 8 : i32
    %dma_start3A = arith.constant 0 : i32
    %dma_start3A_36 = arith.constant 0 : i32
    %dma_start3A_37 = arith.constant 0 : i32
    %dma_start3A_38 = arith.constant 0 : i32
    %dma_start3A_39 = arith.constant 0 : i32
    %dma_start3A_40 = arith.constant 0 : i32
    %dma_start3A_41 = arith.constant 0 : i32
    %dma_start3A_42 = tpu.memref_slice %arg6[%dma_start3A_36, %dma_start3A_37, %dma_start3A_40, %dma_start3A_41] : memref<2x7x8x1024xf32, #tpu.memory_space<vmem>> -> memref<1x1x8x1024xf32, #tpu.memory_space<vmem>>
    %dma_start3A_43 = tpu.memref_squeeze %dma_start3A_42 : memref<1x1x8x1024xf32, #tpu.memory_space<vmem>> -> memref<8x1024xf32, #tpu.memory_space<vmem>>
    %dma_start3A_44 = tpu.memref_slice %arg8[%dma_start3A, %multiple_of3A_35] : memref<7x384xi32, #tpu.memory_space<vmem>> -> memref<1x8xi32, #tpu.memory_space<vmem>>
    %dma_start3A_45 = tpu.memref_squeeze %dma_start3A_44 : memref<1x8xi32, #tpu.memory_space<vmem>> -> memref<8xi32, #tpu.memory_space<vmem>>
    %dma_start3A_46 = arith.constant 0 : i32
    %dma_start3A_47 = arith.constant 0 : i32
    %dma_start3A_48 = tpu.memref_slice %arg4[%add3A_18, %dma_start3A_46, %dma_start3A_47] : memref<4x2048x1024xf32, #tpu.memory_space<hbm>> -> memref<1x2048x1024xf32, #tpu.memory_space<hbm>>
    %dma_start3A_49 = tpu.memref_squeeze %dma_start3A_48 : memref<1x2048x1024xf32, #tpu.memory_space<hbm>> -> memref<2048x1024xf32, #tpu.memory_space<hbm>>
    %dma_start3A_50 = arith.constant 0 : i32
    %dma_start3A_51 = arith.constant 0 : i32
    %dma_start3A_52 = tpu.memref_slice %dma_start3A_49[%dma_start3A_50, %dma_start3A_51] : memref<2048x1024xf32, #tpu.memory_space<hbm>> -> memref<2048x1024xf32, #tpu.memory_space<hbm>>
    %dma_start3A_53 = tpu.memref_slice %arg10[%dma_start3A_38, %dma_start3A_39] : memref<2x7x!tpu.dma_semaphore, #tpu.memory_space<semaphore_mem>> -> memref<1x1x!tpu.dma_semaphore, #tpu.memory_space<semaphore_mem>>
    %dma_start3A_54 = tpu.memref_squeeze %dma_start3A_53 : memref<1x1x!tpu.dma_semaphore, #tpu.memory_space<semaphore_mem>> -> memref<!tpu.dma_semaphore, #tpu.memory_space<semaphore_mem>>
    tpu.enqueue_indirect_dma source(%dma_start3A_52 : memref<2048x1024xf32, #tpu.memory_space<hbm>>) target(%dma_start3A_43 : memref<8x1024xf32, #tpu.memory_space<vmem>>) offsets(%dma_start3A_45 : memref<8xi32, #tpu.memory_space<vmem>>) semaphore(%dma_start3A_54 : memref<!tpu.dma_semaphore, #tpu.memory_space<semaphore_mem>>)
    %multiple_of3A_55 = arith.constant 0 : i32
    %multiple_of3A_56 = tpu.assume_multiple %multiple_of3A_55, 8 : i32
    %dma_start3A_57 = arith.constant 1 : i32
    %dma_start3A_58 = arith.constant 0 : i32
    %dma_start3A_59 = arith.constant 1 : i32
    %dma_start3A_60 = arith.constant 0 : i32
    %dma_start3A_61 = arith.constant 1 : i32
    %dma_start3A_62 = arith.constant 0 : i32
    %dma_start3A_63 = arith.constant 0 : i32
    %dma_start3A_64 = tpu.memref_slice %arg6[%dma_start3A_58, %dma_start3A_59, %dma_start3A_62, %dma_start3A_63] : memref<2x7x8x1024xf32, #tpu.memory_space<vmem>> -> memref<1x1x8x1024xf32, #tpu.memory_space<vmem>>
    %dma_start3A_65 = tpu.memref_squeeze %dma_start3A_64 : memref<1x1x8x1024xf32, #tpu.memory_space<vmem>> -> memref<8x1024xf32, #tpu.memory_space<vmem>>
    %dma_start3A_66 = tpu.memref_slice %arg8[%dma_start3A_57, %multiple_of3A_56] : memref<7x384xi32, #tpu.memory_space<vmem>> -> memref<1x8xi32, #tpu.memory_space<vmem>>
    %dma_start3A_67 = tpu.memref_squeeze %dma_start3A_66 : memref<1x8xi32, #tpu.memory_space<vmem>> -> memref<8xi32, #tpu.memory_space<vmem>>
    %dma_start3A_68 = arith.constant 0 : i32
    %dma_start3A_69 = arith.constant 0 : i32
    %dma_start3A_70 = tpu.memref_slice %arg4[%add3A_18, %dma_start3A_68, %dma_start3A_69] : memref<4x2048x1024xf32, #tpu.memory_space<hbm>> -> memref<1x2048x1024xf32, #tpu.memory_space<hbm>>
    %dma_start3A_71 = tpu.memref_squeeze %dma_start3A_70 : memref<1x2048x1024xf32, #tpu.memory_space<hbm>> -> memref<2048x1024xf32, #tpu.memory_space<hbm>>
    %dma_start3A_72 = arith.constant 0 : i32
    %dma_start3A_73 = arith.constant 0 : i32
    %dma_start3A_74 = tpu.memref_slice %dma_start3A_71[%dma_start3A_72, %dma_start3A_73] : memref<2048x1024xf32, #tpu.memory_space<hbm>> -> memref<2048x1024xf32, #tpu.memory_space<hbm>>
    %dma_start3A_75 = tpu.memref_slice %arg10[%dma_start3A_60, %dma_start3A_61] : memref<2x7x!tpu.dma_semaphore, #tpu.memory_space<semaphore_mem>> -> memref<1x1x!tpu.dma_semaphore, #tpu.memory_space<semaphore_mem>>
    %dma_start3A_76 = tpu.memref_squeeze %dma_start3A_75 : memref<1x1x!tpu.dma_semaphore, #tpu.memory_space<semaphore_mem>> -> memref<!tpu.dma_semaphore, #tpu.memory_space<semaphore_mem>>
    tpu.enqueue_indirect_dma source(%dma_start3A_74 : memref<2048x1024xf32, #tpu.memory_space<hbm>>) target(%dma_start3A_65 : memref<8x1024xf32, #tpu.memory_space<vmem>>) offsets(%dma_start3A_67 : memref<8xi32, #tpu.memory_space<vmem>>) semaphore(%dma_start3A_76 : memref<!tpu.dma_semaphore, #tpu.memory_space<semaphore_mem>>)
    %multiple_of3A_77 = arith.constant 0 : i32
    %multiple_of3A_78 = tpu.assume_multiple %multiple_of3A_77, 8 : i32
    %dma_start3A_79 = arith.constant 2 : i32
    %dma_start3A_80 = arith.constant 0 : i32
    %dma_start3A_81 = arith.constant 2 : i32
    %dma_start3A_82 = arith.constant 0 : i32
    %dma_start3A_83 = arith.constant 2 : i32
    %dma_start3A_84 = arith.constant 0 : i32
    %dma_start3A_85 = arith.constant 0 : i32
    %dma_start3A_86 = tpu.memref_slice %arg6[%dma_start3A_80, %dma_start3A_81, %dma_start3A_84, %dma_start3A_85] : memref<2x7x8x1024xf32, #tpu.memory_space<vmem>> -> memref<1x1x8x1024xf32, #tpu.memory_space<vmem>>
    %dma_start3A_87 = tpu.memref_squeeze %dma_start3A_86 : memref<1x1x8x1024xf32, #tpu.memory_space<vmem>> -> memref<8x1024xf32, #tpu.memory_space<vmem>>
    %dma_start3A_88 = tpu.memref_slice %arg8[%dma_start3A_79, %multiple_of3A_78] : memref<7x384xi32, #tpu.memory_space<vmem>> -> memref<1x8xi32, #tpu.memory_space<vmem>>
    %dma_start3A_89 = tpu.memref_squeeze %dma_start3A_88 : memref<1x8xi32, #tpu.memory_space<vmem>> -> memref<8xi32, #tpu.memory_space<vmem>>
    %dma_start3A_90 = arith.constant 0 : i32
    %dma_start3A_91 = arith.constant 0 : i32
    %dma_start3A_92 = tpu.memref_slice %arg4[%add3A_18, %dma_start3A_90, %dma_start3A_91] : memref<4x2048x1024xf32, #tpu.memory_space<hbm>> -> memref<1x2048x1024xf32, #tpu.memory_space<hbm>>
    %dma_start3A_93 = tpu.memref_squeeze %dma_start3A_92 : memref<1x2048x1024xf32, #tpu.memory_space<hbm>> -> memref<2048x1024xf32, #tpu.memory_space<hbm>>
    %dma_start3A_94 = arith.constant 0 : i32
    %dma_start3A_95 = arith.constant 0 : i32
    %dma_start3A_96 = tpu.memref_slice %dma_start3A_93[%dma_start3A_94, %dma_start3A_95] : memref<2048x1024xf32, #tpu.memory_space<hbm>> -> memref<2048x1024xf32, #tpu.memory_space<hbm>>
    %dma_start3A_97 = tpu.memref_slice %arg10[%dma_start3A_82, %dma_start3A_83] : memref<2x7x!tpu.dma_semaphore, #tpu.memory_space<semaphore_mem>> -> memref<1x1x!tpu.dma_semaphore, #tpu.memory_space<semaphore_mem>>
    %dma_start3A_98 = tpu.memref_squeeze %dma_start3A_97 : memref<1x1x!tpu.dma_semaphore, #tpu.memory_space<semaphore_mem>> -> memref<!tpu.dma_semaphore, #tpu.memory_space<semaphore_mem>>
    tpu.enqueue_indirect_dma source(%dma_start3A_96 : memref<2048x1024xf32, #tpu.memory_space<hbm>>) target(%dma_start3A_87 : memref<8x1024xf32, #tpu.memory_space<vmem>>) offsets(%dma_start3A_89 : memref<8xi32, #tpu.memory_space<vmem>>) semaphore(%dma_start3A_98 : memref<!tpu.dma_semaphore, #tpu.memory_space<semaphore_mem>>)
    %multiple_of3A_99 = arith.constant 0 : i32
    %multiple_of3A_100 = tpu.assume_multiple %multiple_of3A_99, 8 : i32
    %dma_start3A_101 = arith.constant 3 : i32
    %dma_start3A_102 = arith.constant 0 : i32
    %dma_start3A_103 = arith.constant 3 : i32
    %dma_start3A_104 = arith.constant 0 : i32
    %dma_start3A_105 = arith.constant 3 : i32
    %dma_start3A_106 = arith.constant 0 : i32
    %dma_start3A_107 = arith.constant 0 : i32
    %dma_start3A_108 = tpu.memref_slice %arg6[%dma_start3A_102, %dma_start3A_103, %dma_start3A_106, %dma_start3A_107] : memref<2x7x8x1024xf32, #tpu.memory_space<vmem>> -> memref<1x1x8x1024xf32, #tpu.memory_space<vmem>>
    %dma_start3A_109 = tpu.memref_squeeze %dma_start3A_108 : memref<1x1x8x1024xf32, #tpu.memory_space<vmem>> -> memref<8x1024xf32, #tpu.memory_space<vmem>>
    %dma_start3A_110 = tpu.memref_slice %arg8[%dma_start3A_101, %multiple_of3A_100] : memref<7x384xi32, #tpu.memory_space<vmem>> -> memref<1x8xi32, #tpu.memory_space<vmem>>
    %dma_start3A_111 = tpu.memref_squeeze %dma_start3A_110 : memref<1x8xi32, #tpu.memory_space<vmem>> -> memref<8xi32, #tpu.memory_space<vmem>>
    %dma_start3A_112 = arith.constant 0 : i32
    %dma_start3A_113 = arith.constant 0 : i32
    %dma_start3A_114 = tpu.memref_slice %arg4[%add3A_18, %dma_start3A_112, %dma_start3A_113] : memref<4x2048x1024xf32, #tpu.memory_space<hbm>> -> memref<1x2048x1024xf32, #tpu.memory_space<hbm>>
    %dma_start3A_115 = tpu.memref_squeeze %dma_start3A_114 : memref<1x2048x1024xf32, #tpu.memory_space<hbm>> -> memref<2048x1024xf32, #tpu.memory_space<hbm>>
    %dma_start3A_116 = arith.constant 0 : i32
    %dma_start3A_117 = arith.constant 0 : i32
    %dma_start3A_118 = tpu.memref_slice %dma_start3A_115[%dma_start3A_116, %dma_start3A_117] : memref<2048x1024xf32, #tpu.memory_space<hbm>> -> memref<2048x1024xf32, #tpu.memory_space<hbm>>
    %dma_start3A_119 = tpu.memref_slice %arg10[%dma_start3A_104, %dma_start3A_105] : memref<2x7x!tpu.dma_semaphore, #tpu.memory_space<semaphore_mem>> -> memref<1x1x!tpu.dma_semaphore, #tpu.memory_space<semaphore_mem>>
    %dma_start3A_120 = tpu.memref_squeeze %dma_start3A_119 : memref<1x1x!tpu.dma_semaphore, #tpu.memory_space<semaphore_mem>> -> memref<!tpu.dma_semaphore, #tpu.memory_space<semaphore_mem>>
    tpu.enqueue_indirect_dma source(%dma_start3A_118 : memref<2048x1024xf32, #tpu.memory_space<hbm>>) target(%dma_start3A_109 : memref<8x1024xf32, #tpu.memory_space<vmem>>) offsets(%dma_start3A_111 : memref<8xi32, #tpu.memory_space<vmem>>) semaphore(%dma_start3A_120 : memref<!tpu.dma_semaphore, #tpu.memory_space<semaphore_mem>>)
    %multiple_of3A_121 = arith.constant 0 : i32
    %multiple_of3A_122 = tpu.assume_multiple %multiple_of3A_121, 8 : i32
    %dma_start3A_123 = arith.constant 4 : i32
    %dma_start3A_124 = arith.constant 0 : i32
    %dma_start3A_125 = arith.constant 4 : i32
    %dma_start3A_126 = arith.constant 0 : i32
    %dma_start3A_127 = arith.constant 4 : i32
    %dma_start3A_128 = arith.constant 0 : i32
    %dma_start3A_129 = arith.constant 0 : i32
    %dma_start3A_130 = tpu.memref_slice %arg6[%dma_start3A_124, %dma_start3A_125, %dma_start3A_128, %dma_start3A_129] : memref<2x7x8x1024xf32, #tpu.memory_space<vmem>> -> memref<1x1x8x1024xf32, #tpu.memory_space<vmem>>
    %dma_start3A_131 = tpu.memref_squeeze %dma_start3A_130 : memref<1x1x8x1024xf32, #tpu.memory_space<vmem>> -> memref<8x1024xf32, #tpu.memory_space<vmem>>
    %dma_start3A_132 = tpu.memref_slice %arg8[%dma_start3A_123, %multiple_of3A_122] : memref<7x384xi32, #tpu.memory_space<vmem>> -> memref<1x8xi32, #tpu.memory_space<vmem>>
    %dma_start3A_133 = tpu.memref_squeeze %dma_start3A_132 : memref<1x8xi32, #tpu.memory_space<vmem>> -> memref<8xi32, #tpu.memory_space<vmem>>
    %dma_start3A_134 = arith.constant 0 : i32
    %dma_start3A_135 = arith.constant 0 : i32
    %dma_start3A_136 = tpu.memref_slice %arg4[%add3A_18, %dma_start3A_134, %dma_start3A_135] : memref<4x2048x1024xf32, #tpu.memory_space<hbm>> -> memref<1x2048x1024xf32, #tpu.memory_space<hbm>>
    %dma_start3A_137 = tpu.memref_squeeze %dma_start3A_136 : memref<1x2048x1024xf32, #tpu.memory_space<hbm>> -> memref<2048x1024xf32, #tpu.memory_space<hbm>>
    %dma_start3A_138 = arith.constant 0 : i32
    %dma_start3A_139 = arith.constant 0 : i32
    %dma_start3A_140 = tpu.memref_slice %dma_start3A_137[%dma_start3A_138, %dma_start3A_139] : memref<2048x1024xf32, #tpu.memory_space<hbm>> -> memref<2048x1024xf32, #tpu.memory_space<hbm>>
    %dma_start3A_141 = tpu.memref_slice %arg10[%dma_start3A_126, %dma_start3A_127] : memref<2x7x!tpu.dma_semaphore, #tpu.memory_space<semaphore_mem>> -> memref<1x1x!tpu.dma_semaphore, #tpu.memory_space<semaphore_mem>>
    %dma_start3A_142 = tpu.memref_squeeze %dma_start3A_141 : memref<1x1x!tpu.dma_semaphore, #tpu.memory_space<semaphore_mem>> -> memref<!tpu.dma_semaphore, #tpu.memory_space<semaphore_mem>>
    tpu.enqueue_indirect_dma source(%dma_start3A_140 : memref<2048x1024xf32, #tpu.memory_space<hbm>>) target(%dma_start3A_131 : memref<8x1024xf32, #tpu.memory_space<vmem>>) offsets(%dma_start3A_133 : memref<8xi32, #tpu.memory_space<vmem>>) semaphore(%dma_start3A_142 : memref<!tpu.dma_semaphore, #tpu.memory_space<semaphore_mem>>)
    %multiple_of3A_143 = arith.constant 0 : i32
    %multiple_of3A_144 = tpu.assume_multiple %multiple_of3A_143, 8 : i32
    %dma_start3A_145 = arith.constant 5 : i32
    %dma_start3A_146 = arith.constant 0 : i32
    %dma_start3A_147 = arith.constant 5 : i32
    %dma_start3A_148 = arith.constant 0 : i32
    %dma_start3A_149 = arith.constant 5 : i32
    %dma_start3A_150 = arith.constant 0 : i32
    %dma_start3A_151 = arith.constant 0 : i32
    %dma_start3A_152 = tpu.memref_slice %arg6[%dma_start3A_146, %dma_start3A_147, %dma_start3A_150, %dma_start3A_151] : memref<2x7x8x1024xf32, #tpu.memory_space<vmem>> -> memref<1x1x8x1024xf32, #tpu.memory_space<vmem>>
    %dma_start3A_153 = tpu.memref_squeeze %dma_start3A_152 : memref<1x1x8x1024xf32, #tpu.memory_space<vmem>> -> memref<8x1024xf32, #tpu.memory_space<vmem>>
    %dma_start3A_154 = tpu.memref_slice %arg8[%dma_start3A_145, %multiple_of3A_144] : memref<7x384xi32, #tpu.memory_space<vmem>> -> memref<1x8xi32, #tpu.memory_space<vmem>>
    %dma_start3A_155 = tpu.memref_squeeze %dma_start3A_154 : memref<1x8xi32, #tpu.memory_space<vmem>> -> memref<8xi32, #tpu.memory_space<vmem>>
    %dma_start3A_156 = arith.constant 0 : i32
    %dma_start3A_157 = arith.constant 0 : i32
    %dma_start3A_158 = tpu.memref_slice %arg4[%add3A_18, %dma_start3A_156, %dma_start3A_157] : memref<4x2048x1024xf32, #tpu.memory_space<hbm>> -> memref<1x2048x1024xf32, #tpu.memory_space<hbm>>
    %dma_start3A_159 = tpu.memref_squeeze %dma_start3A_158 : memref<1x2048x1024xf32, #tpu.memory_space<hbm>> -> memref<2048x1024xf32, #tpu.memory_space<hbm>>
    %dma_start3A_160 = arith.constant 0 : i32
    %dma_start3A_161 = arith.constant 0 : i32
    %dma_start3A_162 = tpu.memref_slice %dma_start3A_159[%dma_start3A_160, %dma_start3A_161] : memref<2048x1024xf32, #tpu.memory_space<hbm>> -> memref<2048x1024xf32, #tpu.memory_space<hbm>>
    %dma_start3A_163 = tpu.memref_slice %arg10[%dma_start3A_148, %dma_start3A_149] : memref<2x7x!tpu.dma_semaphore, #tpu.memory_space<semaphore_mem>> -> memref<1x1x!tpu.dma_semaphore, #tpu.memory_space<semaphore_mem>>
    %dma_start3A_164 = tpu.memref_squeeze %dma_start3A_163 : memref<1x1x!tpu.dma_semaphore, #tpu.memory_space<semaphore_mem>> -> memref<!tpu.dma_semaphore, #tpu.memory_space<semaphore_mem>>
    tpu.enqueue_indirect_dma source(%dma_start3A_162 : memref<2048x1024xf32, #tpu.memory_space<hbm>>) target(%dma_start3A_153 : memref<8x1024xf32, #tpu.memory_space<vmem>>) offsets(%dma_start3A_155 : memref<8xi32, #tpu.memory_space<vmem>>) semaphore(%dma_start3A_164 : memref<!tpu.dma_semaphore, #tpu.memory_space<semaphore_mem>>)
    %multiple_of3A_165 = arith.constant 0 : i32
    %multiple_of3A_166 = tpu.assume_multiple %multiple_of3A_165, 8 : i32
    %dma_start3A_167 = arith.constant 6 : i32
    %dma_start3A_168 = arith.constant 0 : i32
    %dma_start3A_169 = arith.constant 6 : i32
    %dma_start3A_170 = arith.constant 0 : i32
    %dma_start3A_171 = arith.constant 6 : i32
    %dma_start3A_172 = arith.constant 0 : i32
    %dma_start3A_173 = arith.constant 0 : i32
    %dma_start3A_174 = tpu.memref_slice %arg6[%dma_start3A_168, %dma_start3A_169, %dma_start3A_172, %dma_start3A_173] : memref<2x7x8x1024xf32, #tpu.memory_space<vmem>> -> memref<1x1x8x1024xf32, #tpu.memory_space<vmem>>
    %dma_start3A_175 = tpu.memref_squeeze %dma_start3A_174 : memref<1x1x8x1024xf32, #tpu.memory_space<vmem>> -> memref<8x1024xf32, #tpu.memory_space<vmem>>
    %dma_start3A_176 = tpu.memref_slice %arg8[%dma_start3A_167, %multiple_of3A_166] : memref<7x384xi32, #tpu.memory_space<vmem>> -> memref<1x8xi32, #tpu.memory_space<vmem>>
    %dma_start3A_177 = tpu.memref_squeeze %dma_start3A_176 : memref<1x8xi32, #tpu.memory_space<vmem>> -> memref<8xi32, #tpu.memory_space<vmem>>
    %dma_start3A_178 = arith.constant 0 : i32
    %dma_start3A_179 = arith.constant 0 : i32
    %dma_start3A_180 = tpu.memref_slice %arg4[%add3A_18, %dma_start3A_178, %dma_start3A_179] : memref<4x2048x1024xf32, #tpu.memory_space<hbm>> -> memref<1x2048x1024xf32, #tpu.memory_space<hbm>>
    %dma_start3A_181 = tpu.memref_squeeze %dma_start3A_180 : memref<1x2048x1024xf32, #tpu.memory_space<hbm>> -> memref<2048x1024xf32, #tpu.memory_space<hbm>>
    %dma_start3A_182 = arith.constant 0 : i32
    %dma_start3A_183 = arith.constant 0 : i32
    %dma_start3A_184 = tpu.memref_slice %dma_start3A_181[%dma_start3A_182, %dma_start3A_183] : memref<2048x1024xf32, #tpu.memory_space<hbm>> -> memref<2048x1024xf32, #tpu.memory_space<hbm>>
    %dma_start3A_185 = tpu.memref_slice %arg10[%dma_start3A_170, %dma_start3A_171] : memref<2x7x!tpu.dma_semaphore, #tpu.memory_space<semaphore_mem>> -> memref<1x1x!tpu.dma_semaphore, #tpu.memory_space<semaphore_mem>>
    %dma_start3A_186 = tpu.memref_squeeze %dma_start3A_185 : memref<1x1x!tpu.dma_semaphore, #tpu.memory_space<semaphore_mem>> -> memref<!tpu.dma_semaphore, #tpu.memory_space<semaphore_mem>>
    tpu.enqueue_indirect_dma source(%dma_start3A_184 : memref<2048x1024xf32, #tpu.memory_space<hbm>>) target(%dma_start3A_175 : memref<8x1024xf32, #tpu.memory_space<vmem>>) offsets(%dma_start3A_177 : memref<8xi32, #tpu.memory_space<vmem>>) semaphore(%dma_start3A_186 : memref<!tpu.dma_semaphore, #tpu.memory_space<semaphore_mem>>)
    %scan3A = arith.constant 0 : i32
    %scan3A_187 = arith.constant 0 : i32
    %scan3A_188 = arith.constant 16 : i32
    %scan3A_189 = arith.addi %scan3A_187, %scan3A_188 : i32
    %scan3A_190 = arith.constant 1 : i32
    %scan3A_191 = scf.for %scan3A_346 = %scan3A_187 to %scan3A_189 step %scan3A_190 iter_args(%scan3A_347 = %scan3A) -> (i32)  : i32 {
      %mul3A_348 = arith.constant 2 : i32
      %mul3A_349 = arith.muli %mul3A_348, %scan3A_346 : i32
      %add3A_350 = arith.constant 1 : i32
      %add3A_351 = arith.addi %mul3A_349, %add3A_350 : i32
      %mul3A_352 = arith.constant 8 : i32
      %mul3A_353 = arith.muli %add3A_351, %mul3A_352 : i32
      %multiple_of3A_354 = tpu.assume_multiple %mul3A_353, 8 : i32
      %dma_start3A_355 = arith.constant 0 : i32
      %dma_start3A_356 = arith.constant 1 : i32
      %dma_start3A_357 = arith.constant 0 : i32
      %dma_start3A_358 = arith.constant 1 : i32
      %dma_start3A_359 = arith.constant 0 : i32
      %dma_start3A_360 = arith.constant 0 : i32
      %dma_start3A_361 = arith.constant 0 : i32
      %dma_start3A_362 = tpu.memref_slice %arg6[%dma_start3A_356, %dma_start3A_357, %dma_start3A_360, %dma_start3A_361] : memref<2x7x8x1024xf32, #tpu.memory_space<vmem>> -> memref<1x1x8x1024xf32, #tpu.memory_space<vmem>>
      %dma_start3A_363 = tpu.memref_squeeze %dma_start3A_362 : memref<1x1x8x1024xf32, #tpu.memory_space<vmem>> -> memref<8x1024xf32, #tpu.memory_space<vmem>>
      %dma_start3A_364 = tpu.memref_slice %arg8[%dma_start3A_355, %multiple_of3A_354] : memref<7x384xi32, #tpu.memory_space<vmem>> -> memref<1x8xi32, #tpu.memory_space<vmem>>
      %dma_start3A_365 = tpu.memref_squeeze %dma_start3A_364 : memref<1x8xi32, #tpu.memory_space<vmem>> -> memref<8xi32, #tpu.memory_space<vmem>>
      %dma_start3A_366 = arith.constant 0 : i32
      %dma_start3A_367 = arith.constant 0 : i32
      %dma_start3A_368 = tpu.memref_slice %arg4[%add3A_18, %dma_start3A_366, %dma_start3A_367] : memref<4x2048x1024xf32, #tpu.memory_space<hbm>> -> memref<1x2048x1024xf32, #tpu.memory_space<hbm>>
      %dma_start3A_369 = tpu.memref_squeeze %dma_start3A_368 : memref<1x2048x1024xf32, #tpu.memory_space<hbm>> -> memref<2048x1024xf32, #tpu.memory_space<hbm>>
      %dma_start3A_370 = arith.constant 0 : i32
      %dma_start3A_371 = arith.constant 0 : i32
      %dma_start3A_372 = tpu.memref_slice %dma_start3A_369[%dma_start3A_370, %dma_start3A_371] : memref<2048x1024xf32, #tpu.memory_space<hbm>> -> memref<2048x1024xf32, #tpu.memory_space<hbm>>
      %dma_start3A_373 = tpu.memref_slice %arg10[%dma_start3A_358, %dma_start3A_359] : memref<2x7x!tpu.dma_semaphore, #tpu.memory_space<semaphore_mem>> -> memref<1x1x!tpu.dma_semaphore, #tpu.memory_space<semaphore_mem>>
      %dma_start3A_374 = tpu.memref_squeeze %dma_start3A_373 : memref<1x1x!tpu.dma_semaphore, #tpu.memory_space<semaphore_mem>> -> memref<!tpu.dma_semaphore, #tpu.memory_space<semaphore_mem>>
      tpu.enqueue_indirect_dma source(%dma_start3A_372 : memref<2048x1024xf32, #tpu.memory_space<hbm>>) target(%dma_start3A_363 : memref<8x1024xf32, #tpu.memory_space<vmem>>) offsets(%dma_start3A_365 : memref<8xi32, #tpu.memory_space<vmem>>) semaphore(%dma_start3A_374 : memref<!tpu.dma_semaphore, #tpu.memory_space<semaphore_mem>>)
      %add3A_375 = arith.constant 1 : i32
      %add3A_376 = arith.addi %mul3A_349, %add3A_375 : i32
      %mul3A_377 = arith.constant 8 : i32
      %mul3A_378 = arith.muli %add3A_376, %mul3A_377 : i32
      %multiple_of3A_379 = tpu.assume_multiple %mul3A_378, 8 : i32
      %dma_start3A_380 = arith.constant 1 : i32
      %dma_start3A_381 = arith.constant 1 : i32
      %dma_start3A_382 = arith.constant 1 : i32
      %dma_start3A_383 = arith.constant 1 : i32
      %dma_start3A_384 = arith.constant 1 : i32
      %dma_start3A_385 = arith.constant 0 : i32
      %dma_start3A_386 = arith.constant 0 : i32
      %dma_start3A_387 = tpu.memref_slice %arg6[%dma_start3A_381, %dma_start3A_382, %dma_start3A_385, %dma_start3A_386] : memref<2x7x8x1024xf32, #tpu.memory_space<vmem>> -> memref<1x1x8x1024xf32, #tpu.memory_space<vmem>>
      %dma_start3A_388 = tpu.memref_squeeze %dma_start3A_387 : memref<1x1x8x1024xf32, #tpu.memory_space<vmem>> -> memref<8x1024xf32, #tpu.memory_space<vmem>>
      %dma_start3A_389 = tpu.memref_slice %arg8[%dma_start3A_380, %multiple_of3A_379] : memref<7x384xi32, #tpu.memory_space<vmem>> -> memref<1x8xi32, #tpu.memory_space<vmem>>
      %dma_start3A_390 = tpu.memref_squeeze %dma_start3A_389 : memref<1x8xi32, #tpu.memory_space<vmem>> -> memref<8xi32, #tpu.memory_space<vmem>>
      %dma_start3A_391 = arith.constant 0 : i32
      %dma_start3A_392 = arith.constant 0 : i32
      %dma_start3A_393 = tpu.memref_slice %arg4[%add3A_18, %dma_start3A_391, %dma_start3A_392] : memref<4x2048x1024xf32, #tpu.memory_space<hbm>> -> memref<1x2048x1024xf32, #tpu.memory_space<hbm>>
      %dma_start3A_394 = tpu.memref_squeeze %dma_start3A_393 : memref<1x2048x1024xf32, #tpu.memory_space<hbm>> -> memref<2048x1024xf32, #tpu.memory_space<hbm>>
      %dma_start3A_395 = arith.constant 0 : i32
      %dma_start3A_396 = arith.constant 0 : i32
      %dma_start3A_397 = tpu.memref_slice %dma_start3A_394[%dma_start3A_395, %dma_start3A_396] : memref<2048x1024xf32, #tpu.memory_space<hbm>> -> memref<2048x1024xf32, #tpu.memory_space<hbm>>
      %dma_start3A_398 = tpu.memref_slice %arg10[%dma_start3A_383, %dma_start3A_384] : memref<2x7x!tpu.dma_semaphore, #tpu.memory_space<semaphore_mem>> -> memref<1x1x!tpu.dma_semaphore, #tpu.memory_space<semaphore_mem>>
      %dma_start3A_399 = tpu.memref_squeeze %dma_start3A_398 : memref<1x1x!tpu.dma_semaphore, #tpu.memory_space<semaphore_mem>> -> memref<!tpu.dma_semaphore, #tpu.memory_space<semaphore_mem>>
      tpu.enqueue_indirect_dma source(%dma_start3A_397 : memref<2048x1024xf32, #tpu.memory_space<hbm>>) target(%dma_start3A_388 : memref<8x1024xf32, #tpu.memory_space<vmem>>) offsets(%dma_start3A_390 : memref<8xi32, #tpu.memory_space<vmem>>) semaphore(%dma_start3A_399 : memref<!tpu.dma_semaphore, #tpu.memory_space<semaphore_mem>>)
      %add3A_400 = arith.constant 1 : i32
      %add3A_401 = arith.addi %mul3A_349, %add3A_400 : i32
      %mul3A_402 = arith.constant 8 : i32
      %mul3A_403 = arith.muli %add3A_401, %mul3A_402 : i32
      %multiple_of3A_404 = tpu.assume_multiple %mul3A_403, 8 : i32
      %dma_start3A_405 = arith.constant 2 : i32
      %dma_start3A_406 = arith.constant 1 : i32
      %dma_start3A_407 = arith.constant 2 : i32
      %dma_start3A_408 = arith.constant 1 : i32
      %dma_start3A_409 = arith.constant 2 : i32
      %dma_start3A_410 = arith.constant 0 : i32
      %dma_start3A_411 = arith.constant 0 : i32
      %dma_start3A_412 = tpu.memref_slice %arg6[%dma_start3A_406, %dma_start3A_407, %dma_start3A_410, %dma_start3A_411] : memref<2x7x8x1024xf32, #tpu.memory_space<vmem>> -> memref<1x1x8x1024xf32, #tpu.memory_space<vmem>>
      %dma_start3A_413 = tpu.memref_squeeze %dma_start3A_412 : memref<1x1x8x1024xf32, #tpu.memory_space<vmem>> -> memref<8x1024xf32, #tpu.memory_space<vmem>>
      %dma_start3A_414 = tpu.memref_slice %arg8[%dma_start3A_405, %multiple_of3A_404] : memref<7x384xi32, #tpu.memory_space<vmem>> -> memref<1x8xi32, #tpu.memory_space<vmem>>
      %dma_start3A_415 = tpu.memref_squeeze %dma_start3A_414 : memref<1x8xi32, #tpu.memory_space<vmem>> -> memref<8xi32, #tpu.memory_space<vmem>>
      %dma_start3A_416 = arith.constant 0 : i32
      %dma_start3A_417 = arith.constant 0 : i32
      %dma_start3A_418 = tpu.memref_slice %arg4[%add3A_18, %dma_start3A_416, %dma_start3A_417] : memref<4x2048x1024xf32, #tpu.memory_space<hbm>> -> memref<1x2048x1024xf32, #tpu.memory_space<hbm>>
      %dma_start3A_419 = tpu.memref_squeeze %dma_start3A_418 : memref<1x2048x1024xf32, #tpu.memory_space<hbm>> -> memref<2048x1024xf32, #tpu.memory_space<hbm>>
      %dma_start3A_420 = arith.constant 0 : i32
      %dma_start3A_421 = arith.constant 0 : i32
      %dma_start3A_422 = tpu.memref_slice %dma_start3A_419[%dma_start3A_420, %dma_start3A_421] : memref<2048x1024xf32, #tpu.memory_space<hbm>> -> memref<2048x1024xf32, #tpu.memory_space<hbm>>
      %dma_start3A_423 = tpu.memref_slice %arg10[%dma_start3A_408, %dma_start3A_409] : memref<2x7x!tpu.dma_semaphore, #tpu.memory_space<semaphore_mem>> -> memref<1x1x!tpu.dma_semaphore, #tpu.memory_space<semaphore_mem>>
      %dma_start3A_424 = tpu.memref_squeeze %dma_start3A_423 : memref<1x1x!tpu.dma_semaphore, #tpu.memory_space<semaphore_mem>> -> memref<!tpu.dma_semaphore, #tpu.memory_space<semaphore_mem>>
      tpu.enqueue_indirect_dma source(%dma_start3A_422 : memref<2048x1024xf32, #tpu.memory_space<hbm>>) target(%dma_start3A_413 : memref<8x1024xf32, #tpu.memory_space<vmem>>) offsets(%dma_start3A_415 : memref<8xi32, #tpu.memory_space<vmem>>) semaphore(%dma_start3A_424 : memref<!tpu.dma_semaphore, #tpu.memory_space<semaphore_mem>>)
      %add3A_425 = arith.constant 1 : i32
      %add3A_426 = arith.addi %mul3A_349, %add3A_425 : i32
      %mul3A_427 = arith.constant 8 : i32
      %mul3A_428 = arith.muli %add3A_426, %mul3A_427 : i32
      %multiple_of3A_429 = tpu.assume_multiple %mul3A_428, 8 : i32
      %dma_start3A_430 = arith.constant 3 : i32
      %dma_start3A_431 = arith.constant 1 : i32
      %dma_start3A_432 = arith.constant 3 : i32
      %dma_start3A_433 = arith.constant 1 : i32
      %dma_start3A_434 = arith.constant 3 : i32
      %dma_start3A_435 = arith.constant 0 : i32
      %dma_start3A_436 = arith.constant 0 : i32
      %dma_start3A_437 = tpu.memref_slice %arg6[%dma_start3A_431, %dma_start3A_432, %dma_start3A_435, %dma_start3A_436] : memref<2x7x8x1024xf32, #tpu.memory_space<vmem>> -> memref<1x1x8x1024xf32, #tpu.memory_space<vmem>>
      %dma_start3A_438 = tpu.memref_squeeze %dma_start3A_437 : memref<1x1x8x1024xf32, #tpu.memory_space<vmem>> -> memref<8x1024xf32, #tpu.memory_space<vmem>>
      %dma_start3A_439 = tpu.memref_slice %arg8[%dma_start3A_430, %multiple_of3A_429] : memref<7x384xi32, #tpu.memory_space<vmem>> -> memref<1x8xi32, #tpu.memory_space<vmem>>
      %dma_start3A_440 = tpu.memref_squeeze %dma_start3A_439 : memref<1x8xi32, #tpu.memory_space<vmem>> -> memref<8xi32, #tpu.memory_space<vmem>>
      %dma_start3A_441 = arith.constant 0 : i32
      %dma_start3A_442 = arith.constant 0 : i32
      %dma_start3A_443 = tpu.memref_slice %arg4[%add3A_18, %dma_start3A_441, %dma_start3A_442] : memref<4x2048x1024xf32, #tpu.memory_space<hbm>> -> memref<1x2048x1024xf32, #tpu.memory_space<hbm>>
      %dma_start3A_444 = tpu.memref_squeeze %dma_start3A_443 : memref<1x2048x1024xf32, #tpu.memory_space<hbm>> -> memref<2048x1024xf32, #tpu.memory_space<hbm>>
      %dma_start3A_445 = arith.constant 0 : i32
      %dma_start3A_446 = arith.constant 0 : i32
      %dma_start3A_447 = tpu.memref_slice %dma_start3A_444[%dma_start3A_445, %dma_start3A_446] : memref<2048x1024xf32, #tpu.memory_space<hbm>> -> memref<2048x1024xf32, #tpu.memory_space<hbm>>
      %dma_start3A_448 = tpu.memref_slice %arg10[%dma_start3A_433, %dma_start3A_434] : memref<2x7x!tpu.dma_semaphore, #tpu.memory_space<semaphore_mem>> -> memref<1x1x!tpu.dma_semaphore, #tpu.memory_space<semaphore_mem>>
      %dma_start3A_449 = tpu.memref_squeeze %dma_start3A_448 : memref<1x1x!tpu.dma_semaphore, #tpu.memory_space<semaphore_mem>> -> memref<!tpu.dma_semaphore, #tpu.memory_space<semaphore_mem>>
      tpu.enqueue_indirect_dma source(%dma_start3A_447 : memref<2048x1024xf32, #tpu.memory_space<hbm>>) target(%dma_start3A_438 : memref<8x1024xf32, #tpu.memory_space<vmem>>) offsets(%dma_start3A_440 : memref<8xi32, #tpu.memory_space<vmem>>) semaphore(%dma_start3A_449 : memref<!tpu.dma_semaphore, #tpu.memory_space<semaphore_mem>>)
      %add3A_450 = arith.constant 1 : i32
      %add3A_451 = arith.addi %mul3A_349, %add3A_450 : i32
      %mul3A_452 = arith.constant 8 : i32
      %mul3A_453 = arith.muli %add3A_451, %mul3A_452 : i32
      %multiple_of3A_454 = tpu.assume_multiple %mul3A_453, 8 : i32
      %dma_start3A_455 = arith.constant 4 : i32
      %dma_start3A_456 = arith.constant 1 : i32
      %dma_start3A_457 = arith.constant 4 : i32
      %dma_start3A_458 = arith.constant 1 : i32
      %dma_start3A_459 = arith.constant 4 : i32
      %dma_start3A_460 = arith.constant 0 : i32
      %dma_start3A_461 = arith.constant 0 : i32
      %dma_start3A_462 = tpu.memref_slice %arg6[%dma_start3A_456, %dma_start3A_457, %dma_start3A_460, %dma_start3A_461] : memref<2x7x8x1024xf32, #tpu.memory_space<vmem>> -> memref<1x1x8x1024xf32, #tpu.memory_space<vmem>>
      %dma_start3A_463 = tpu.memref_squeeze %dma_start3A_462 : memref<1x1x8x1024xf32, #tpu.memory_space<vmem>> -> memref<8x1024xf32, #tpu.memory_space<vmem>>
      %dma_start3A_464 = tpu.memref_slice %arg8[%dma_start3A_455, %multiple_of3A_454] : memref<7x384xi32, #tpu.memory_space<vmem>> -> memref<1x8xi32, #tpu.memory_space<vmem>>
      %dma_start3A_465 = tpu.memref_squeeze %dma_start3A_464 : memref<1x8xi32, #tpu.memory_space<vmem>> -> memref<8xi32, #tpu.memory_space<vmem>>
      %dma_start3A_466 = arith.constant 0 : i32
      %dma_start3A_467 = arith.constant 0 : i32
      %dma_start3A_468 = tpu.memref_slice %arg4[%add3A_18, %dma_start3A_466, %dma_start3A_467] : memref<4x2048x1024xf32, #tpu.memory_space<hbm>> -> memref<1x2048x1024xf32, #tpu.memory_space<hbm>>
      %dma_start3A_469 = tpu.memref_squeeze %dma_start3A_468 : memref<1x2048x1024xf32, #tpu.memory_space<hbm>> -> memref<2048x1024xf32, #tpu.memory_space<hbm>>
      %dma_start3A_470 = arith.constant 0 : i32
      %dma_start3A_471 = arith.constant 0 : i32
      %dma_start3A_472 = tpu.memref_slice %dma_start3A_469[%dma_start3A_470, %dma_start3A_471] : memref<2048x1024xf32, #tpu.memory_space<hbm>> -> memref<2048x1024xf32, #tpu.memory_space<hbm>>
      %dma_start3A_473 = tpu.memref_slice %arg10[%dma_start3A_458, %dma_start3A_459] : memref<2x7x!tpu.dma_semaphore, #tpu.memory_space<semaphore_mem>> -> memref<1x1x!tpu.dma_semaphore, #tpu.memory_space<semaphore_mem>>
      %dma_start3A_474 = tpu.memref_squeeze %dma_start3A_473 : memref<1x1x!tpu.dma_semaphore, #tpu.memory_space<semaphore_mem>> -> memref<!tpu.dma_semaphore, #tpu.memory_space<semaphore_mem>>
      tpu.enqueue_indirect_dma source(%dma_start3A_472 : memref<2048x1024xf32, #tpu.memory_space<hbm>>) target(%dma_start3A_463 : memref<8x1024xf32, #tpu.memory_space<vmem>>) offsets(%dma_start3A_465 : memref<8xi32, #tpu.memory_space<vmem>>) semaphore(%dma_start3A_474 : memref<!tpu.dma_semaphore, #tpu.memory_space<semaphore_mem>>)
      %add3A_475 = arith.constant 1 : i32
      %add3A_476 = arith.addi %mul3A_349, %add3A_475 : i32
      %mul3A_477 = arith.constant 8 : i32
      %mul3A_478 = arith.muli %add3A_476, %mul3A_477 : i32
      %multiple_of3A_479 = tpu.assume_multiple %mul3A_478, 8 : i32
      %dma_start3A_480 = arith.constant 5 : i32
      %dma_start3A_481 = arith.constant 1 : i32
      %dma_start3A_482 = arith.constant 5 : i32
      %dma_start3A_483 = arith.constant 1 : i32
      %dma_start3A_484 = arith.constant 5 : i32
      %dma_start3A_485 = arith.constant 0 : i32
      %dma_start3A_486 = arith.constant 0 : i32
      %dma_start3A_487 = tpu.memref_slice %arg6[%dma_start3A_481, %dma_start3A_482, %dma_start3A_485, %dma_start3A_486] : memref<2x7x8x1024xf32, #tpu.memory_space<vmem>> -> memref<1x1x8x1024xf32, #tpu.memory_space<vmem>>
      %dma_start3A_488 = tpu.memref_squeeze %dma_start3A_487 : memref<1x1x8x1024xf32, #tpu.memory_space<vmem>> -> memref<8x1024xf32, #tpu.memory_space<vmem>>
      %dma_start3A_489 = tpu.memref_slice %arg8[%dma_start3A_480, %multiple_of3A_479] : memref<7x384xi32, #tpu.memory_space<vmem>> -> memref<1x8xi32, #tpu.memory_space<vmem>>
      %dma_start3A_490 = tpu.memref_squeeze %dma_start3A_489 : memref<1x8xi32, #tpu.memory_space<vmem>> -> memref<8xi32, #tpu.memory_space<vmem>>
      %dma_start3A_491 = arith.constant 0 : i32
      %dma_start3A_492 = arith.constant 0 : i32
      %dma_start3A_493 = tpu.memref_slice %arg4[%add3A_18, %dma_start3A_491, %dma_start3A_492] : memref<4x2048x1024xf32, #tpu.memory_space<hbm>> -> memref<1x2048x1024xf32, #tpu.memory_space<hbm>>
      %dma_start3A_494 = tpu.memref_squeeze %dma_start3A_493 : memref<1x2048x1024xf32, #tpu.memory_space<hbm>> -> memref<2048x1024xf32, #tpu.memory_space<hbm>>
      %dma_start3A_495 = arith.constant 0 : i32
      %dma_start3A_496 = arith.constant 0 : i32
      %dma_start3A_497 = tpu.memref_slice %dma_start3A_494[%dma_start3A_495, %dma_start3A_496] : memref<2048x1024xf32, #tpu.memory_space<hbm>> -> memref<2048x1024xf32, #tpu.memory_space<hbm>>
      %dma_start3A_498 = tpu.memref_slice %arg10[%dma_start3A_483, %dma_start3A_484] : memref<2x7x!tpu.dma_semaphore, #tpu.memory_space<semaphore_mem>> -> memref<1x1x!tpu.dma_semaphore, #tpu.memory_space<semaphore_mem>>
      %dma_start3A_499 = tpu.memref_squeeze %dma_start3A_498 : memref<1x1x!tpu.dma_semaphore, #tpu.memory_space<semaphore_mem>> -> memref<!tpu.dma_semaphore, #tpu.memory_space<semaphore_mem>>
      tpu.enqueue_indirect_dma source(%dma_start3A_497 : memref<2048x1024xf32, #tpu.memory_space<hbm>>) target(%dma_start3A_488 : memref<8x1024xf32, #tpu.memory_space<vmem>>) offsets(%dma_start3A_490 : memref<8xi32, #tpu.memory_space<vmem>>) semaphore(%dma_start3A_499 : memref<!tpu.dma_semaphore, #tpu.memory_space<semaphore_mem>>)
      %add3A_500 = arith.constant 1 : i32
      %add3A_501 = arith.addi %mul3A_349, %add3A_500 : i32
      %mul3A_502 = arith.constant 8 : i32
      %mul3A_503 = arith.muli %add3A_501, %mul3A_502 : i32
      %multiple_of3A_504 = tpu.assume_multiple %mul3A_503, 8 : i32
      %dma_start3A_505 = arith.constant 6 : i32
      %dma_start3A_506 = arith.constant 1 : i32
      %dma_start3A_507 = arith.constant 6 : i32
      %dma_start3A_508 = arith.constant 1 : i32
      %dma_start3A_509 = arith.constant 6 : i32
      %dma_start3A_510 = arith.constant 0 : i32
      %dma_start3A_511 = arith.constant 0 : i32
      %dma_start3A_512 = tpu.memref_slice %arg6[%dma_start3A_506, %dma_start3A_507, %dma_start3A_510, %dma_start3A_511] : memref<2x7x8x1024xf32, #tpu.memory_space<vmem>> -> memref<1x1x8x1024xf32, #tpu.memory_space<vmem>>
      %dma_start3A_513 = tpu.memref_squeeze %dma_start3A_512 : memref<1x1x8x1024xf32, #tpu.memory_space<vmem>> -> memref<8x1024xf32, #tpu.memory_space<vmem>>
      %dma_start3A_514 = tpu.memref_slice %arg8[%dma_start3A_505, %multiple_of3A_504] : memref<7x384xi32, #tpu.memory_space<vmem>> -> memref<1x8xi32, #tpu.memory_space<vmem>>
      %dma_start3A_515 = tpu.memref_squeeze %dma_start3A_514 : memref<1x8xi32, #tpu.memory_space<vmem>> -> memref<8xi32, #tpu.memory_space<vmem>>
      %dma_start3A_516 = arith.constant 0 : i32
      %dma_start3A_517 = arith.constant 0 : i32
      %dma_start3A_518 = tpu.memref_slice %arg4[%add3A_18, %dma_start3A_516, %dma_start3A_517] : memref<4x2048x1024xf32, #tpu.memory_space<hbm>> -> memref<1x2048x1024xf32, #tpu.memory_space<hbm>>
      %dma_start3A_519 = tpu.memref_squeeze %dma_start3A_518 : memref<1x2048x1024xf32, #tpu.memory_space<hbm>> -> memref<2048x1024xf32, #tpu.memory_space<hbm>>
      %dma_start3A_520 = arith.constant 0 : i32
      %dma_start3A_521 = arith.constant 0 : i32
      %dma_start3A_522 = tpu.memref_slice %dma_start3A_519[%dma_start3A_520, %dma_start3A_521] : memref<2048x1024xf32, #tpu.memory_space<hbm>> -> memref<2048x1024xf32, #tpu.memory_space<hbm>>
      %dma_start3A_523 = tpu.memref_slice %arg10[%dma_start3A_508, %dma_start3A_509] : memref<2x7x!tpu.dma_semaphore, #tpu.memory_space<semaphore_mem>> -> memref<1x1x!tpu.dma_semaphore, #tpu.memory_space<semaphore_mem>>
      %dma_start3A_524 = tpu.memref_squeeze %dma_start3A_523 : memref<1x1x!tpu.dma_semaphore, #tpu.memory_space<semaphore_mem>> -> memref<!tpu.dma_semaphore, #tpu.memory_space<semaphore_mem>>
      tpu.enqueue_indirect_dma source(%dma_start3A_522 : memref<2048x1024xf32, #tpu.memory_space<hbm>>) target(%dma_start3A_513 : memref<8x1024xf32, #tpu.memory_space<vmem>>) offsets(%dma_start3A_515 : memref<8xi32, #tpu.memory_space<vmem>>) semaphore(%dma_start3A_524 : memref<!tpu.dma_semaphore, #tpu.memory_space<semaphore_mem>>)
      %mul3A_525 = arith.constant 8 : i32
      %mul3A_526 = arith.muli %mul3A_349, %mul3A_525 : i32
      %multiple_of3A_527 = tpu.assume_multiple %mul3A_526, 8 : i32
      %dma_wait3A_528 = arith.constant 0 : i32
      %dma_wait3A_529 = arith.constant 0 : i32
      %dma_wait3A_530 = arith.constant 0 : i32
      %dma_wait3A_531 = arith.constant 0 : i32
      %dma_wait3A_532 = arith.constant 0 : i32
      %dma_wait3A_533 = arith.constant 0 : i32
      %dma_wait3A_534 = arith.constant 0 : i32
      %dma_wait3A_535 = tpu.memref_slice %arg6[%dma_wait3A_529, %dma_wait3A_530, %dma_wait3A_533, %dma_wait3A_534] : memref<2x7x8x1024xf32, #tpu.memory_space<vmem>> -> memref<1x1x8x1024xf32, #tpu.memory_space<vmem>>
      %dma_wait3A_536 = tpu.memref_squeeze %dma_wait3A_535 : memref<1x1x8x1024xf32, #tpu.memory_space<vmem>> -> memref<8x1024xf32, #tpu.memory_space<vmem>>
      %dma_wait3A_537 = tpu.memref_slice %arg8[%dma_wait3A_528, %multiple_of3A_527] : memref<7x384xi32, #tpu.memory_space<vmem>> -> memref<1x8xi32, #tpu.memory_space<vmem>>
      %dma_wait3A_538 = tpu.memref_squeeze %dma_wait3A_537 : memref<1x8xi32, #tpu.memory_space<vmem>> -> memref<8xi32, #tpu.memory_space<vmem>>
      %dma_wait3A_539 = arith.constant 0 : i32
      %dma_wait3A_540 = arith.constant 0 : i32
      %dma_wait3A_541 = tpu.memref_slice %arg4[%add3A_18, %dma_wait3A_539, %dma_wait3A_540] : memref<4x2048x1024xf32, #tpu.memory_space<hbm>> -> memref<1x2048x1024xf32, #tpu.memory_space<hbm>>
      %dma_wait3A_542 = tpu.memref_squeeze %dma_wait3A_541 : memref<1x2048x1024xf32, #tpu.memory_space<hbm>> -> memref<2048x1024xf32, #tpu.memory_space<hbm>>
      %dma_wait3A_543 = arith.constant 0 : i32
      %dma_wait3A_544 = arith.constant 0 : i32
      %dma_wait3A_545 = tpu.memref_slice %dma_wait3A_542[%dma_wait3A_543, %dma_wait3A_544] : memref<2048x1024xf32, #tpu.memory_space<hbm>> -> memref<2048x1024xf32, #tpu.memory_space<hbm>>
      %dma_wait3A_546 = tpu.memref_slice %arg10[%dma_wait3A_531, %dma_wait3A_532] : memref<2x7x!tpu.dma_semaphore, #tpu.memory_space<semaphore_mem>> -> memref<1x1x!tpu.dma_semaphore, #tpu.memory_space<semaphore_mem>>
      %dma_wait3A_547 = tpu.memref_squeeze %dma_wait3A_546 : memref<1x1x!tpu.dma_semaphore, #tpu.memory_space<semaphore_mem>> -> memref<!tpu.dma_semaphore, #tpu.memory_space<semaphore_mem>>
      tpu.wait_indirect_dma semaphore(%dma_wait3A_547 : memref<!tpu.dma_semaphore, #tpu.memory_space<semaphore_mem>>) src(%dma_wait3A_545 : memref<2048x1024xf32, #tpu.memory_space<hbm>>) dst(%dma_wait3A_536 : memref<8x1024xf32, #tpu.memory_space<vmem>>)
      %mul3A_548 = arith.constant 8 : i32
      %mul3A_549 = arith.muli %mul3A_349, %mul3A_548 : i32
      %multiple_of3A_550 = tpu.assume_multiple %mul3A_549, 8 : i32
      %dma_wait3A_551 = arith.constant 1 : i32
      %dma_wait3A_552 = arith.constant 0 : i32
      %dma_wait3A_553 = arith.constant 1 : i32
      %dma_wait3A_554 = arith.constant 0 : i32
      %dma_wait3A_555 = arith.constant 1 : i32
      %dma_wait3A_556 = arith.constant 0 : i32
      %dma_wait3A_557 = arith.constant 0 : i32
      %dma_wait3A_558 = tpu.memref_slice %arg6[%dma_wait3A_552, %dma_wait3A_553, %dma_wait3A_556, %dma_wait3A_557] : memref<2x7x8x1024xf32, #tpu.memory_space<vmem>> -> memref<1x1x8x1024xf32, #tpu.memory_space<vmem>>
      %dma_wait3A_559 = tpu.memref_squeeze %dma_wait3A_558 : memref<1x1x8x1024xf32, #tpu.memory_space<vmem>> -> memref<8x1024xf32, #tpu.memory_space<vmem>>
      %dma_wait3A_560 = tpu.memref_slice %arg8[%dma_wait3A_551, %multiple_of3A_550] : memref<7x384xi32, #tpu.memory_space<vmem>> -> memref<1x8xi32, #tpu.memory_space<vmem>>
      %dma_wait3A_561 = tpu.memref_squeeze %dma_wait3A_560 : memref<1x8xi32, #tpu.memory_space<vmem>> -> memref<8xi32, #tpu.memory_space<vmem>>
      %dma_wait3A_562 = arith.constant 0 : i32
      %dma_wait3A_563 = arith.constant 0 : i32
      %dma_wait3A_564 = tpu.memref_slice %arg4[%add3A_18, %dma_wait3A_562, %dma_wait3A_563] : memref<4x2048x1024xf32, #tpu.memory_space<hbm>> -> memref<1x2048x1024xf32, #tpu.memory_space<hbm>>
      %dma_wait3A_565 = tpu.memref_squeeze %dma_wait3A_564 : memref<1x2048x1024xf32, #tpu.memory_space<hbm>> -> memref<2048x1024xf32, #tpu.memory_space<hbm>>
      %dma_wait3A_566 = arith.constant 0 : i32
      %dma_wait3A_567 = arith.constant 0 : i32
      %dma_wait3A_568 = tpu.memref_slice %dma_wait3A_565[%dma_wait3A_566, %dma_wait3A_567] : memref<2048x1024xf32, #tpu.memory_space<hbm>> -> memref<2048x1024xf32, #tpu.memory_space<hbm>>
      %dma_wait3A_569 = tpu.memref_slice %arg10[%dma_wait3A_554, %dma_wait3A_555] : memref<2x7x!tpu.dma_semaphore, #tpu.memory_space<semaphore_mem>> -> memref<1x1x!tpu.dma_semaphore, #tpu.memory_space<semaphore_mem>>
      %dma_wait3A_570 = tpu.memref_squeeze %dma_wait3A_569 : memref<1x1x!tpu.dma_semaphore, #tpu.memory_space<semaphore_mem>> -> memref<!tpu.dma_semaphore, #tpu.memory_space<semaphore_mem>>
      tpu.wait_indirect_dma semaphore(%dma_wait3A_570 : memref<!tpu.dma_semaphore, #tpu.memory_space<semaphore_mem>>) src(%dma_wait3A_568 : memref<2048x1024xf32, #tpu.memory_space<hbm>>) dst(%dma_wait3A_559 : memref<8x1024xf32, #tpu.memory_space<vmem>>)
      %mul3A_571 = arith.constant 8 : i32
      %mul3A_572 = arith.muli %mul3A_349, %mul3A_571 : i32
      %multiple_of3A_573 = tpu.assume_multiple %mul3A_572, 8 : i32
      %dma_wait3A_574 = arith.constant 2 : i32
      %dma_wait3A_575 = arith.constant 0 : i32
      %dma_wait3A_576 = arith.constant 2 : i32
      %dma_wait3A_577 = arith.constant 0 : i32
      %dma_wait3A_578 = arith.constant 2 : i32
      %dma_wait3A_579 = arith.constant 0 : i32
      %dma_wait3A_580 = arith.constant 0 : i32
      %dma_wait3A_581 = tpu.memref_slice %arg6[%dma_wait3A_575, %dma_wait3A_576, %dma_wait3A_579, %dma_wait3A_580] : memref<2x7x8x1024xf32, #tpu.memory_space<vmem>> -> memref<1x1x8x1024xf32, #tpu.memory_space<vmem>>
      %dma_wait3A_582 = tpu.memref_squeeze %dma_wait3A_581 : memref<1x1x8x1024xf32, #tpu.memory_space<vmem>> -> memref<8x1024xf32, #tpu.memory_space<vmem>>
      %dma_wait3A_583 = tpu.memref_slice %arg8[%dma_wait3A_574, %multiple_of3A_573] : memref<7x384xi32, #tpu.memory_space<vmem>> -> memref<1x8xi32, #tpu.memory_space<vmem>>
      %dma_wait3A_584 = tpu.memref_squeeze %dma_wait3A_583 : memref<1x8xi32, #tpu.memory_space<vmem>> -> memref<8xi32, #tpu.memory_space<vmem>>
      %dma_wait3A_585 = arith.constant 0 : i32
      %dma_wait3A_586 = arith.constant 0 : i32
      %dma_wait3A_587 = tpu.memref_slice %arg4[%add3A_18, %dma_wait3A_585, %dma_wait3A_586] : memref<4x2048x1024xf32, #tpu.memory_space<hbm>> -> memref<1x2048x1024xf32, #tpu.memory_space<hbm>>
      %dma_wait3A_588 = tpu.memref_squeeze %dma_wait3A_587 : memref<1x2048x1024xf32, #tpu.memory_space<hbm>> -> memref<2048x1024xf32, #tpu.memory_space<hbm>>
      %dma_wait3A_589 = arith.constant 0 : i32
      %dma_wait3A_590 = arith.constant 0 : i32
      %dma_wait3A_591 = tpu.memref_slice %dma_wait3A_588[%dma_wait3A_589, %dma_wait3A_590] : memref<2048x1024xf32, #tpu.memory_space<hbm>> -> memref<2048x1024xf32, #tpu.memory_space<hbm>>
      %dma_wait3A_592 = tpu.memref_slice %arg10[%dma_wait3A_577, %dma_wait3A_578] : memref<2x7x!tpu.dma_semaphore, #tpu.memory_space<semaphore_mem>> -> memref<1x1x!tpu.dma_semaphore, #tpu.memory_space<semaphore_mem>>
      %dma_wait3A_593 = tpu.memref_squeeze %dma_wait3A_592 : memref<1x1x!tpu.dma_semaphore, #tpu.memory_space<semaphore_mem>> -> memref<!tpu.dma_semaphore, #tpu.memory_space<semaphore_mem>>
      tpu.wait_indirect_dma semaphore(%dma_wait3A_593 : memref<!tpu.dma_semaphore, #tpu.memory_space<semaphore_mem>>) src(%dma_wait3A_591 : memref<2048x1024xf32, #tpu.memory_space<hbm>>) dst(%dma_wait3A_582 : memref<8x1024xf32, #tpu.memory_space<vmem>>)
      %mul3A_594 = arith.constant 8 : i32
      %mul3A_595 = arith.muli %mul3A_349, %mul3A_594 : i32
      %multiple_of3A_596 = tpu.assume_multiple %mul3A_595, 8 : i32
      %dma_wait3A_597 = arith.constant 3 : i32
      %dma_wait3A_598 = arith.constant 0 : i32
      %dma_wait3A_599 = arith.constant 3 : i32
      %dma_wait3A_600 = arith.constant 0 : i32
      %dma_wait3A_601 = arith.constant 3 : i32
      %dma_wait3A_602 = arith.constant 0 : i32
      %dma_wait3A_603 = arith.constant 0 : i32
      %dma_wait3A_604 = tpu.memref_slice %arg6[%dma_wait3A_598, %dma_wait3A_599, %dma_wait3A_602, %dma_wait3A_603] : memref<2x7x8x1024xf32, #tpu.memory_space<vmem>> -> memref<1x1x8x1024xf32, #tpu.memory_space<vmem>>
      %dma_wait3A_605 = tpu.memref_squeeze %dma_wait3A_604 : memref<1x1x8x1024xf32, #tpu.memory_space<vmem>> -> memref<8x1024xf32, #tpu.memory_space<vmem>>
      %dma_wait3A_606 = tpu.memref_slice %arg8[%dma_wait3A_597, %multiple_of3A_596] : memref<7x384xi32, #tpu.memory_space<vmem>> -> memref<1x8xi32, #tpu.memory_space<vmem>>
      %dma_wait3A_607 = tpu.memref_squeeze %dma_wait3A_606 : memref<1x8xi32, #tpu.memory_space<vmem>> -> memref<8xi32, #tpu.memory_space<vmem>>
      %dma_wait3A_608 = arith.constant 0 : i32
      %dma_wait3A_609 = arith.constant 0 : i32
      %dma_wait3A_610 = tpu.memref_slice %arg4[%add3A_18, %dma_wait3A_608, %dma_wait3A_609] : memref<4x2048x1024xf32, #tpu.memory_space<hbm>> -> memref<1x2048x1024xf32, #tpu.memory_space<hbm>>
      %dma_wait3A_611 = tpu.memref_squeeze %dma_wait3A_610 : memref<1x2048x1024xf32, #tpu.memory_space<hbm>> -> memref<2048x1024xf32, #tpu.memory_space<hbm>>
      %dma_wait3A_612 = arith.constant 0 : i32
      %dma_wait3A_613 = arith.constant 0 : i32
      %dma_wait3A_614 = tpu.memref_slice %dma_wait3A_611[%dma_wait3A_612, %dma_wait3A_613] : memref<2048x1024xf32, #tpu.memory_space<hbm>> -> memref<2048x1024xf32, #tpu.memory_space<hbm>>
      %dma_wait3A_615 = tpu.memref_slice %arg10[%dma_wait3A_600, %dma_wait3A_601] : memref<2x7x!tpu.dma_semaphore, #tpu.memory_space<semaphore_mem>> -> memref<1x1x!tpu.dma_semaphore, #tpu.memory_space<semaphore_mem>>
      %dma_wait3A_616 = tpu.memref_squeeze %dma_wait3A_615 : memref<1x1x!tpu.dma_semaphore, #tpu.memory_space<semaphore_mem>> -> memref<!tpu.dma_semaphore, #tpu.memory_space<semaphore_mem>>
      tpu.wait_indirect_dma semaphore(%dma_wait3A_616 : memref<!tpu.dma_semaphore, #tpu.memory_space<semaphore_mem>>) src(%dma_wait3A_614 : memref<2048x1024xf32, #tpu.memory_space<hbm>>) dst(%dma_wait3A_605 : memref<8x1024xf32, #tpu.memory_space<vmem>>)
      %mul3A_617 = arith.constant 8 : i32
      %mul3A_618 = arith.muli %mul3A_349, %mul3A_617 : i32
      %multiple_of3A_619 = tpu.assume_multiple %mul3A_618, 8 : i32
      %dma_wait3A_620 = arith.constant 4 : i32
      %dma_wait3A_621 = arith.constant 0 : i32
      %dma_wait3A_622 = arith.constant 4 : i32
      %dma_wait3A_623 = arith.constant 0 : i32
      %dma_wait3A_624 = arith.constant 4 : i32
      %dma_wait3A_625 = arith.constant 0 : i32
      %dma_wait3A_626 = arith.constant 0 : i32
      %dma_wait3A_627 = tpu.memref_slice %arg6[%dma_wait3A_621, %dma_wait3A_622, %dma_wait3A_625, %dma_wait3A_626] : memref<2x7x8x1024xf32, #tpu.memory_space<vmem>> -> memref<1x1x8x1024xf32, #tpu.memory_space<vmem>>
      %dma_wait3A_628 = tpu.memref_squeeze %dma_wait3A_627 : memref<1x1x8x1024xf32, #tpu.memory_space<vmem>> -> memref<8x1024xf32, #tpu.memory_space<vmem>>
      %dma_wait3A_629 = tpu.memref_slice %arg8[%dma_wait3A_620, %multiple_of3A_619] : memref<7x384xi32, #tpu.memory_space<vmem>> -> memref<1x8xi32, #tpu.memory_space<vmem>>
      %dma_wait3A_630 = tpu.memref_squeeze %dma_wait3A_629 : memref<1x8xi32, #tpu.memory_space<vmem>> -> memref<8xi32, #tpu.memory_space<vmem>>
      %dma_wait3A_631 = arith.constant 0 : i32
      %dma_wait3A_632 = arith.constant 0 : i32
      %dma_wait3A_633 = tpu.memref_slice %arg4[%add3A_18, %dma_wait3A_631, %dma_wait3A_632] : memref<4x2048x1024xf32, #tpu.memory_space<hbm>> -> memref<1x2048x1024xf32, #tpu.memory_space<hbm>>
      %dma_wait3A_634 = tpu.memref_squeeze %dma_wait3A_633 : memref<1x2048x1024xf32, #tpu.memory_space<hbm>> -> memref<2048x1024xf32, #tpu.memory_space<hbm>>
      %dma_wait3A_635 = arith.constant 0 : i32
      %dma_wait3A_636 = arith.constant 0 : i32
      %dma_wait3A_637 = tpu.memref_slice %dma_wait3A_634[%dma_wait3A_635, %dma_wait3A_636] : memref<2048x1024xf32, #tpu.memory_space<hbm>> -> memref<2048x1024xf32, #tpu.memory_space<hbm>>
      %dma_wait3A_638 = tpu.memref_slice %arg10[%dma_wait3A_623, %dma_wait3A_624] : memref<2x7x!tpu.dma_semaphore, #tpu.memory_space<semaphore_mem>> -> memref<1x1x!tpu.dma_semaphore, #tpu.memory_space<semaphore_mem>>
      %dma_wait3A_639 = tpu.memref_squeeze %dma_wait3A_638 : memref<1x1x!tpu.dma_semaphore, #tpu.memory_space<semaphore_mem>> -> memref<!tpu.dma_semaphore, #tpu.memory_space<semaphore_mem>>
      tpu.wait_indirect_dma semaphore(%dma_wait3A_639 : memref<!tpu.dma_semaphore, #tpu.memory_space<semaphore_mem>>) src(%dma_wait3A_637 : memref<2048x1024xf32, #tpu.memory_space<hbm>>) dst(%dma_wait3A_628 : memref<8x1024xf32, #tpu.memory_space<vmem>>)
      %mul3A_640 = arith.constant 8 : i32
      %mul3A_641 = arith.muli %mul3A_349, %mul3A_640 : i32
      %multiple_of3A_642 = tpu.assume_multiple %mul3A_641, 8 : i32
      %dma_wait3A_643 = arith.constant 5 : i32
      %dma_wait3A_644 = arith.constant 0 : i32
      %dma_wait3A_645 = arith.constant 5 : i32
      %dma_wait3A_646 = arith.constant 0 : i32
      %dma_wait3A_647 = arith.constant 5 : i32
      %dma_wait3A_648 = arith.constant 0 : i32
      %dma_wait3A_649 = arith.constant 0 : i32
      %dma_wait3A_650 = tpu.memref_slice %arg6[%dma_wait3A_644, %dma_wait3A_645, %dma_wait3A_648, %dma_wait3A_649] : memref<2x7x8x1024xf32, #tpu.memory_space<vmem>> -> memref<1x1x8x1024xf32, #tpu.memory_space<vmem>>
      %dma_wait3A_651 = tpu.memref_squeeze %dma_wait3A_650 : memref<1x1x8x1024xf32, #tpu.memory_space<vmem>> -> memref<8x1024xf32, #tpu.memory_space<vmem>>
      %dma_wait3A_652 = tpu.memref_slice %arg8[%dma_wait3A_643, %multiple_of3A_642] : memref<7x384xi32, #tpu.memory_space<vmem>> -> memref<1x8xi32, #tpu.memory_space<vmem>>
      %dma_wait3A_653 = tpu.memref_squeeze %dma_wait3A_652 : memref<1x8xi32, #tpu.memory_space<vmem>> -> memref<8xi32, #tpu.memory_space<vmem>>
      %dma_wait3A_654 = arith.constant 0 : i32
      %dma_wait3A_655 = arith.constant 0 : i32
      %dma_wait3A_656 = tpu.memref_slice %arg4[%add3A_18, %dma_wait3A_654, %dma_wait3A_655] : memref<4x2048x1024xf32, #tpu.memory_space<hbm>> -> memref<1x2048x1024xf32, #tpu.memory_space<hbm>>
      %dma_wait3A_657 = tpu.memref_squeeze %dma_wait3A_656 : memref<1x2048x1024xf32, #tpu.memory_space<hbm>> -> memref<2048x1024xf32, #tpu.memory_space<hbm>>
      %dma_wait3A_658 = arith.constant 0 : i32
      %dma_wait3A_659 = arith.constant 0 : i32
      %dma_wait3A_660 = tpu.memref_slice %dma_wait3A_657[%dma_wait3A_658, %dma_wait3A_659] : memref<2048x1024xf32, #tpu.memory_space<hbm>> -> memref<2048x1024xf32, #tpu.memory_space<hbm>>
      %dma_wait3A_661 = tpu.memref_slice %arg10[%dma_wait3A_646, %dma_wait3A_647] : memref<2x7x!tpu.dma_semaphore, #tpu.memory_space<semaphore_mem>> -> memref<1x1x!tpu.dma_semaphore, #tpu.memory_space<semaphore_mem>>
      %dma_wait3A_662 = tpu.memref_squeeze %dma_wait3A_661 : memref<1x1x!tpu.dma_semaphore, #tpu.memory_space<semaphore_mem>> -> memref<!tpu.dma_semaphore, #tpu.memory_space<semaphore_mem>>
      tpu.wait_indirect_dma semaphore(%dma_wait3A_662 : memref<!tpu.dma_semaphore, #tpu.memory_space<semaphore_mem>>) src(%dma_wait3A_660 : memref<2048x1024xf32, #tpu.memory_space<hbm>>) dst(%dma_wait3A_651 : memref<8x1024xf32, #tpu.memory_space<vmem>>)
      %mul3A_663 = arith.constant 8 : i32
      %mul3A_664 = arith.muli %mul3A_349, %mul3A_663 : i32
      %multiple_of3A_665 = tpu.assume_multiple %mul3A_664, 8 : i32
      %dma_wait3A_666 = arith.constant 6 : i32
      %dma_wait3A_667 = arith.constant 0 : i32
      %dma_wait3A_668 = arith.constant 6 : i32
      %dma_wait3A_669 = arith.constant 0 : i32
      %dma_wait3A_670 = arith.constant 6 : i32
      %dma_wait3A_671 = arith.constant 0 : i32
      %dma_wait3A_672 = arith.constant 0 : i32
      %dma_wait3A_673 = tpu.memref_slice %arg6[%dma_wait3A_667, %dma_wait3A_668, %dma_wait3A_671, %dma_wait3A_672] : memref<2x7x8x1024xf32, #tpu.memory_space<vmem>> -> memref<1x1x8x1024xf32, #tpu.memory_space<vmem>>
      %dma_wait3A_674 = tpu.memref_squeeze %dma_wait3A_673 : memref<1x1x8x1024xf32, #tpu.memory_space<vmem>> -> memref<8x1024xf32, #tpu.memory_space<vmem>>
      %dma_wait3A_675 = tpu.memref_slice %arg8[%dma_wait3A_666, %multiple_of3A_665] : memref<7x384xi32, #tpu.memory_space<vmem>> -> memref<1x8xi32, #tpu.memory_space<vmem>>
      %dma_wait3A_676 = tpu.memref_squeeze %dma_wait3A_675 : memref<1x8xi32, #tpu.memory_space<vmem>> -> memref<8xi32, #tpu.memory_space<vmem>>
      %dma_wait3A_677 = arith.constant 0 : i32
      %dma_wait3A_678 = arith.constant 0 : i32
      %dma_wait3A_679 = tpu.memref_slice %arg4[%add3A_18, %dma_wait3A_677, %dma_wait3A_678] : memref<4x2048x1024xf32, #tpu.memory_space<hbm>> -> memref<1x2048x1024xf32, #tpu.memory_space<hbm>>
      %dma_wait3A_680 = tpu.memref_squeeze %dma_wait3A_679 : memref<1x2048x1024xf32, #tpu.memory_space<hbm>> -> memref<2048x1024xf32, #tpu.memory_space<hbm>>
      %dma_wait3A_681 = arith.constant 0 : i32
      %dma_wait3A_682 = arith.constant 0 : i32
      %dma_wait3A_683 = tpu.memref_slice %dma_wait3A_680[%dma_wait3A_681, %dma_wait3A_682] : memref<2048x1024xf32, #tpu.memory_space<hbm>> -> memref<2048x1024xf32, #tpu.memory_space<hbm>>
      %dma_wait3A_684 = tpu.memref_slice %arg10[%dma_wait3A_669, %dma_wait3A_670] : memref<2x7x!tpu.dma_semaphore, #tpu.memory_space<semaphore_mem>> -> memref<1x1x!tpu.dma_semaphore, #tpu.memory_space<semaphore_mem>>
      %dma_wait3A_685 = tpu.memref_squeeze %dma_wait3A_684 : memref<1x1x!tpu.dma_semaphore, #tpu.memory_space<semaphore_mem>> -> memref<!tpu.dma_semaphore, #tpu.memory_space<semaphore_mem>>
      tpu.wait_indirect_dma semaphore(%dma_wait3A_685 : memref<!tpu.dma_semaphore, #tpu.memory_space<semaphore_mem>>) src(%dma_wait3A_683 : memref<2048x1024xf32, #tpu.memory_space<hbm>>) dst(%dma_wait3A_674 : memref<8x1024xf32, #tpu.memory_space<vmem>>)
      %scan3A_686 = arith.constant 0 : i32
      %scan3A_687 = arith.constant 0 : i32
      %scan3A_688 = arith.constant 64 : i32
      %scan3A_689 = arith.addi %scan3A_687, %scan3A_688 : i32
      %scan3A_690 = arith.constant 1 : i32
      %scan3A_691 = scf.for %scan3A_1047 = %scan3A_687 to %scan3A_689 step %scan3A_690 iter_args(%scan3A_1048 = %scan3A_686) -> (i32)  : i32 {
        %mul3A_1049 = arith.constant 16 : i32
        %mul3A_1050 = arith.muli %scan3A_1047, %mul3A_1049 : i32
        %get3A = arith.constant 0 : i32
        %get3A_1051 = arith.index_cast %get3A : i32 to index
        %get3A_1052 = arith.constant 0 : index
        %get3A_1053 = tpu.vector_load %arg9[%get3A_1051, %get3A_1052] {strides = array<i32>} : memref<7x16xf32, #tpu.memory_space<vmem>>, vector<1x16xf32>,
        %get3A_1054 = vector.shape_cast %get3A_1053 : vector<1x16xf32> to vector<16xf32>
        %get3A_1055 = arith.constant 0 : i32
        %get3A_1056 = arith.constant 0 : i32
        %get3A_1057 = arith.constant 0 : i32
        %get3A_1058 = arith.index_cast %get3A_1055 : i32 to index
        %get3A_1059 = arith.index_cast %get3A_1056 : i32 to index
        %get3A_1060 = arith.index_cast %get3A_1057 : i32 to index
        %get3A_1061 = arith.index_cast %mul3A_1050 : i32 to index
        %get3A_1062 = tpu.vector_load %arg6[%get3A_1058, %get3A_1059, %get3A_1060, %get3A_1061] {strides = array<i32>} : memref<2x7x8x1024xf32, #tpu.memory_space<vmem>>, vector<1x1x1x16xf32>,
        %get3A_1063 = vector.shape_cast %get3A_1062 : vector<1x1x1x16xf32> to vector<16xf32>
        %mul3A_1064 = arith.mulf %get3A_1054, %get3A_1063 : vector<16xf32>
        %get3A_1065 = arith.constant 1 : i32
        %get3A_1066 = arith.index_cast %get3A_1065 : i32 to index
        %get3A_1067 = arith.constant 0 : index
        %get3A_1068 = tpu.vector_load %arg9[%get3A_1066, %get3A_1067] {strides = array<i32>} : memref<7x16xf32, #tpu.memory_space<vmem>>, vector<1x16xf32>,
        %get3A_1069 = vector.shape_cast %get3A_1068 : vector<1x16xf32> to vector<16xf32>
        %get3A_1070 = arith.constant 0 : i32
        %get3A_1071 = arith.constant 1 : i32
        %get3A_1072 = arith.constant 0 : i32
        %get3A_1073 = arith.index_cast %get3A_1070 : i32 to index
        %get3A_1074 = arith.index_cast %get3A_1071 : i32 to index
        %get3A_1075 = arith.index_cast %get3A_1072 : i32 to index
        %get3A_1076 = arith.index_cast %mul3A_1050 : i32 to index
        %get3A_1077 = tpu.vector_load %arg6[%get3A_1073, %get3A_1074, %get3A_1075, %get3A_1076] {strides = array<i32>} : memref<2x7x8x1024xf32, #tpu.memory_space<vmem>>, vector<1x1x1x16xf32>,
        %get3A_1078 = vector.shape_cast %get3A_1077 : vector<1x1x1x16xf32> to vector<16xf32>
        %mul3A_1079 = arith.mulf %get3A_1069, %get3A_1078 : vector<16xf32>
        %add3A_1080 = arith.addf %mul3A_1064, %mul3A_1079 : vector<16xf32>
        %get3A_1081 = arith.constant 2 : i32
        %get3A_1082 = arith.index_cast %get3A_1081 : i32 to index
        %get3A_1083 = arith.constant 0 : index
        %get3A_1084 = tpu.vector_load %arg9[%get3A_1082, %get3A_1083] {strides = array<i32>} : memref<7x16xf32, #tpu.memory_space<vmem>>, vector<1x16xf32>,
        %get3A_1085 = vector.shape_cast %get3A_1084 : vector<1x16xf32> to vector<16xf32>
        %get3A_1086 = arith.constant 0 : i32
        %get3A_1087 = arith.constant 2 : i32
        %get3A_1088 = arith.constant 0 : i32
        %get3A_1089 = arith.index_cast %get3A_1086 : i32 to index
        %get3A_1090 = arith.index_cast %get3A_1087 : i32 to index
        %get3A_1091 = arith.index_cast %get3A_1088 : i32 to index
        %get3A_1092 = arith.index_cast %mul3A_1050 : i32 to index
        %get3A_1093 = tpu.vector_load %arg6[%get3A_1089, %get3A_1090, %get3A_1091, %get3A_1092] {strides = array<i32>} : memref<2x7x8x1024xf32, #tpu.memory_space<vmem>>, vector<1x1x1x16xf32>,
        %get3A_1094 = vector.shape_cast %get3A_1093 : vector<1x1x1x16xf32> to vector<16xf32>
        %mul3A_1095 = arith.mulf %get3A_1085, %get3A_1094 : vector<16xf32>
        %add3A_1096 = arith.addf %add3A_1080, %mul3A_1095 : vector<16xf32>
        %get3A_1097 = arith.constant 3 : i32
        %get3A_1098 = arith.index_cast %get3A_1097 : i32 to index
        %get3A_1099 = arith.constant 0 : index
        %get3A_1100 = tpu.vector_load %arg9[%get3A_1098, %get3A_1099] {strides = array<i32>} : memref<7x16xf32, #tpu.memory_space<vmem>>, vector<1x16xf32>,
        %get3A_1101 = vector.shape_cast %get3A_1100 : vector<1x16xf32> to vector<16xf32>
        %get3A_1102 = arith.constant 0 : i32
        %get3A_1103 = arith.constant 3 : i32
        %get3A_1104 = arith.constant 0 : i32
        %get3A_1105 = arith.index_cast %get3A_1102 : i32 to index
        %get3A_1106 = arith.index_cast %get3A_1103 : i32 to index
        %get3A_1107 = arith.index_cast %get3A_1104 : i32 to index
        %get3A_1108 = arith.index_cast %mul3A_1050 : i32 to index
        %get3A_1109 = tpu.vector_load %arg6[%get3A_1105, %get3A_1106, %get3A_1107, %get3A_1108] {strides = array<i32>} : memref<2x7x8x1024xf32, #tpu.memory_space<vmem>>, vector<1x1x1x16xf32>,
        %get3A_1110 = vector.shape_cast %get3A_1109 : vector<1x1x1x16xf32> to vector<16xf32>
        %mul3A_1111 = arith.mulf %get3A_1101, %get3A_1110 : vector<16xf32>
        %add3A_1112 = arith.addf %add3A_1096, %mul3A_1111 : vector<16xf32>
        %get3A_1113 = arith.constant 4 : i32
        %get3A_1114 = arith.index_cast %get3A_1113 : i32 to index
        %get3A_1115 = arith.constant 0 : index
        %get3A_1116 = tpu.vector_load %arg9[%get3A_1114, %get3A_1115] {strides = array<i32>} : memref<7x16xf32, #tpu.memory_space<vmem>>, vector<1x16xf32>,
        %get3A_1117 = vector.shape_cast %get3A_1116 : vector<1x16xf32> to vector<16xf32>
        %get3A_1118 = arith.constant 0 : i32
        %get3A_1119 = arith.constant 4 : i32
        %get3A_1120 = arith.constant 0 : i32
        %get3A_1121 = arith.index_cast %get3A_1118 : i32 to index
        %get3A_1122 = arith.index_cast %get3A_1119 : i32 to index
        %get3A_1123 = arith.index_cast %get3A_1120 : i32 to index
        %get3A_1124 = arith.index_cast %mul3A_1050 : i32 to index
        %get3A_1125 = tpu.vector_load %arg6[%get3A_1121, %get3A_1122, %get3A_1123, %get3A_1124] {strides = array<i32>} : memref<2x7x8x1024xf32, #tpu.memory_space<vmem>>, vector<1x1x1x16xf32>,
        %get3A_1126 = vector.shape_cast %get3A_1125 : vector<1x1x1x16xf32> to vector<16xf32>
        %mul3A_1127 = arith.mulf %get3A_1117, %get3A_1126 : vector<16xf32>
        %add3A_1128 = arith.addf %add3A_1112, %mul3A_1127 : vector<16xf32>
        %get3A_1129 = arith.constant 5 : i32
        %get3A_1130 = arith.index_cast %get3A_1129 : i32 to index
        %get3A_1131 = arith.constant 0 : index
        %get3A_1132 = tpu.vector_load %arg9[%get3A_1130, %get3A_1131] {strides = array<i32>} : memref<7x16xf32, #tpu.memory_space<vmem>>, vector<1x16xf32>,
        %get3A_1133 = vector.shape_cast %get3A_1132 : vector<1x16xf32> to vector<16xf32>
        %get3A_1134 = arith.constant 0 : i32
        %get3A_1135 = arith.constant 5 : i32
        %get3A_1136 = arith.constant 0 : i32
        %get3A_1137 = arith.index_cast %get3A_1134 : i32 to index
        %get3A_1138 = arith.index_cast %get3A_1135 : i32 to index
        %get3A_1139 = arith.index_cast %get3A_1136 : i32 to index
        %get3A_1140 = arith.index_cast %mul3A_1050 : i32 to index
        %get3A_1141 = tpu.vector_load %arg6[%get3A_1137, %get3A_1138, %get3A_1139, %get3A_1140] {strides = array<i32>} : memref<2x7x8x1024xf32, #tpu.memory_space<vmem>>, vector<1x1x1x16xf32>,
        %get3A_1142 = vector.shape_cast %get3A_1141 : vector<1x1x1x16xf32> to vector<16xf32>
        %mul3A_1143 = arith.mulf %get3A_1133, %get3A_1142 : vector<16xf32>
        %add3A_1144 = arith.addf %add3A_1128, %mul3A_1143 : vector<16xf32>
        %get3A_1145 = arith.constant 6 : i32
        %get3A_1146 = arith.index_cast %get3A_1145 : i32 to index
        %get3A_1147 = arith.constant 0 : index
        %get3A_1148 = tpu.vector_load %arg9[%get3A_1146, %get3A_1147] {strides = array<i32>} : memref<7x16xf32, #tpu.memory_space<vmem>>, vector<1x16xf32>,
        %get3A_1149 = vector.shape_cast %get3A_1148 : vector<1x16xf32> to vector<16xf32>
        %get3A_1150 = arith.constant 0 : i32
        %get3A_1151 = arith.constant 6 : i32
        %get3A_1152 = arith.constant 0 : i32
        %get3A_1153 = arith.index_cast %get3A_1150 : i32 to index
        %get3A_1154 = arith.index_cast %get3A_1151 : i32 to index
        %get3A_1155 = arith.index_cast %get3A_1152 : i32 to index
        %get3A_1156 = arith.index_cast %mul3A_1050 : i32 to index
        %get3A_1157 = tpu.vector_load %arg6[%get3A_1153, %get3A_1154, %get3A_1155, %get3A_1156] {strides = array<i32>} : memref<2x7x8x1024xf32, #tpu.memory_space<vmem>>, vector<1x1x1x16xf32>,
        %get3A_1158 = vector.shape_cast %get3A_1157 : vector<1x1x1x16xf32> to vector<16xf32>
        %mul3A_1159 = arith.mulf %get3A_1149, %get3A_1158 : vector<16xf32>
        %add3A_1160 = arith.addf %add3A_1144, %mul3A_1159 : vector<16xf32>
        %swap3A = arith.constant 0 : i32
        %swap3A_1161 = arith.index_cast %swap3A : i32 to index
        %swap3A_1162 = arith.index_cast %mul3A_1050 : i32 to index
        %swap3A_1163 = tpu.vector_load %arg7[%swap3A_1161, %swap3A_1162] {strides = array<i32>} : memref<8x1024xf32, #tpu.memory_space<vmem>>, vector<1x16xf32>,
        %swap3A_1164 = vector.shape_cast %swap3A_1163 : vector<1x16xf32> to vector<16xf32>
        %swap3A_1165 = vector.shape_cast %add3A_1160 : vector<16xf32> to vector<1x16xf32>
        tpu.vector_store %arg7[%swap3A_1161, %swap3A_1162], %swap3A_1165 {strides = array<i32>} : memref<8x1024xf32, #tpu.memory_space<vmem>>, vector<1x16xf32>,
        %get3A_1166 = arith.constant 0 : i32
        %get3A_1167 = arith.index_cast %get3A_1166 : i32 to index
        %get3A_1168 = arith.constant 0 : index
        %get3A_1169 = tpu.vector_load %arg9[%get3A_1167, %get3A_1168] {strides = array<i32>} : memref<7x16xf32, #tpu.memory_space<vmem>>, vector<1x16xf32>,
        %get3A_1170 = vector.shape_cast %get3A_1169 : vector<1x16xf32> to vector<16xf32>
        %get3A_1171 = arith.constant 0 : i32
        %get3A_1172 = arith.constant 0 : i32
        %get3A_1173 = arith.constant 1 : i32
        %get3A_1174 = arith.index_cast %get3A_1171 : i32 to index
        %get3A_1175 = arith.index_cast %get3A_1172 : i32 to index
        %get3A_1176 = arith.index_cast %get3A_1173 : i32 to index
        %get3A_1177 = arith.index_cast %mul3A_1050 : i32 to index
        %get3A_1178 = tpu.vector_load %arg6[%get3A_1174, %get3A_1175, %get3A_1176, %get3A_1177] {strides = array<i32>} : memref<2x7x8x1024xf32, #tpu.memory_space<vmem>>, vector<1x1x1x16xf32>,
        %get3A_1179 = vector.shape_cast %get3A_1178 : vector<1x1x1x16xf32> to vector<16xf32>
        %mul3A_1180 = arith.mulf %get3A_1170, %get3A_1179 : vector<16xf32>
        %get3A_1181 = arith.constant 1 : i32
        %get3A_1182 = arith.index_cast %get3A_1181 : i32 to index
        %get3A_1183 = arith.constant 0 : index
        %get3A_1184 = tpu.vector_load %arg9[%get3A_1182, %get3A_1183] {strides = array<i32>} : memref<7x16xf32, #tpu.memory_space<vmem>>, vector<1x16xf32>,
        %get3A_1185 = vector.shape_cast %get3A_1184 : vector<1x16xf32> to vector<16xf32>
        %get3A_1186 = arith.constant 0 : i32
        %get3A_1187 = arith.constant 1 : i32
        %get3A_1188 = arith.constant 1 : i32
        %get3A_1189 = arith.index_cast %get3A_1186 : i32 to index
        %get3A_1190 = arith.index_cast %get3A_1187 : i32 to index
        %get3A_1191 = arith.index_cast %get3A_1188 : i32 to index
        %get3A_1192 = arith.index_cast %mul3A_1050 : i32 to index
        %get3A_1193 = tpu.vector_load %arg6[%get3A_1189, %get3A_1190, %get3A_1191, %get3A_1192] {strides = array<i32>} : memref<2x7x8x1024xf32, #tpu.memory_space<vmem>>, vector<1x1x1x16xf32>,
        %get3A_1194 = vector.shape_cast %get3A_1193 : vector<1x1x1x16xf32> to vector<16xf32>
        %mul3A_1195 = arith.mulf %get3A_1185, %get3A_1194 : vector<16xf32>
        %add3A_1196 = arith.addf %mul3A_1180, %mul3A_1195 : vector<16xf32>
        %get3A_1197 = arith.constant 2 : i32
        %get3A_1198 = arith.index_cast %get3A_1197 : i32 to index
        %get3A_1199 = arith.constant 0 : index
        %get3A_1200 = tpu.vector_load %arg9[%get3A_1198, %get3A_1199] {strides = array<i32>} : memref<7x16xf32, #tpu.memory_space<vmem>>, vector<1x16xf32>,
        %get3A_1201 = vector.shape_cast %get3A_1200 : vector<1x16xf32> to vector<16xf32>
        %get3A_1202 = arith.constant 0 : i32
        %get3A_1203 = arith.constant 2 : i32
        %get3A_1204 = arith.constant 1 : i32
        %get3A_1205 = arith.index_cast %get3A_1202 : i32 to index
        %get3A_1206 = arith.index_cast %get3A_1203 : i32 to index
        %get3A_1207 = arith.index_cast %get3A_1204 : i32 to index
        %get3A_1208 = arith.index_cast %mul3A_1050 : i32 to index
        %get3A_1209 = tpu.vector_load %arg6[%get3A_1205, %get3A_1206, %get3A_1207, %get3A_1208] {strides = array<i32>} : memref<2x7x8x1024xf32, #tpu.memory_space<vmem>>, vector<1x1x1x16xf32>,
        %get3A_1210 = vector.shape_cast %get3A_1209 : vector<1x1x1x16xf32> to vector<16xf32>
        %mul3A_1211 = arith.mulf %get3A_1201, %get3A_1210 : vector<16xf32>
        %add3A_1212 = arith.addf %add3A_1196, %mul3A_1211 : vector<16xf32>
        %get3A_1213 = arith.constant 3 : i32
        %get3A_1214 = arith.index_cast %get3A_1213 : i32 to index
        %get3A_1215 = arith.constant 0 : index
        %get3A_1216 = tpu.vector_load %arg9[%get3A_1214, %get3A_1215] {strides = array<i32>} : memref<7x16xf32, #tpu.memory_space<vmem>>, vector<1x16xf32>,
        %get3A_1217 = vector.shape_cast %get3A_1216 : vector<1x16xf32> to vector<16xf32>
        %get3A_1218 = arith.constant 0 : i32
        %get3A_1219 = arith.constant 3 : i32
        %get3A_1220 = arith.constant 1 : i32
        %get3A_1221 = arith.index_cast %get3A_1218 : i32 to index
        %get3A_1222 = arith.index_cast %get3A_1219 : i32 to index
        %get3A_1223 = arith.index_cast %get3A_1220 : i32 to index
        %get3A_1224 = arith.index_cast %mul3A_1050 : i32 to index
        %get3A_1225 = tpu.vector_load %arg6[%get3A_1221, %get3A_1222, %get3A_1223, %get3A_1224] {strides = array<i32>} : memref<2x7x8x1024xf32, #tpu.memory_space<vmem>>, vector<1x1x1x16xf32>,
        %get3A_1226 = vector.shape_cast %get3A_1225 : vector<1x1x1x16xf32> to vector<16xf32>
        %mul3A_1227 = arith.mulf %get3A_1217, %get3A_1226 : vector<16xf32>
        %add3A_1228 = arith.addf %add3A_1212, %mul3A_1227 : vector<16xf32>
        %get3A_1229 = arith.constant 4 : i32
        %get3A_1230 = arith.index_cast %get3A_1229 : i32 to index
        %get3A_1231 = arith.constant 0 : index
        %get3A_1232 = tpu.vector_load %arg9[%get3A_1230, %get3A_1231] {strides = array<i32>} : memref<7x16xf32, #tpu.memory_space<vmem>>, vector<1x16xf32>,
        %get3A_1233 = vector.shape_cast %get3A_1232 : vector<1x16xf32> to vector<16xf32>
        %get3A_1234 = arith.constant 0 : i32
        %get3A_1235 = arith.constant 4 : i32
        %get3A_1236 = arith.constant 1 : i32
        %get3A_1237 = arith.index_cast %get3A_1234 : i32 to index
        %get3A_1238 = arith.index_cast %get3A_1235 : i32 to index
        %get3A_1239 = arith.index_cast %get3A_1236 : i32 to index
        %get3A_1240 = arith.index_cast %mul3A_1050 : i32 to index
        %get3A_1241 = tpu.vector_load %arg6[%get3A_1237, %get3A_1238, %get3A_1239, %get3A_1240] {strides = array<i32>} : memref<2x7x8x1024xf32, #tpu.memory_space<vmem>>, vector<1x1x1x16xf32>,
        %get3A_1242 = vector.shape_cast %get3A_1241 : vector<1x1x1x16xf32> to vector<16xf32>
        %mul3A_1243 = arith.mulf %get3A_1233, %get3A_1242 : vector<16xf32>
        %add3A_1244 = arith.addf %add3A_1228, %mul3A_1243 : vector<16xf32>
        %get3A_1245 = arith.constant 5 : i32
        %get3A_1246 = arith.index_cast %get3A_1245 : i32 to index
        %get3A_1247 = arith.constant 0 : index
        %get3A_1248 = tpu.vector_load %arg9[%get3A_1246, %get3A_1247] {strides = array<i32>} : memref<7x16xf32, #tpu.memory_space<vmem>>, vector<1x16xf32>,
        %get3A_1249 = vector.shape_cast %get3A_1248 : vector<1x16xf32> to vector<16xf32>
        %get3A_1250 = arith.constant 0 : i32
        %get3A_1251 = arith.constant 5 : i32
        %get3A_1252 = arith.constant 1 : i32
        %get3A_1253 = arith.index_cast %get3A_1250 : i32 to index
        %get3A_1254 = arith.index_cast %get3A_1251 : i32 to index
        %get3A_1255 = arith.index_cast %get3A_1252 : i32 to index
        %get3A_1256 = arith.index_cast %mul3A_1050 : i32 to index
        %get3A_1257 = tpu.vector_load %arg6[%get3A_1253, %get3A_1254, %get3A_1255, %get3A_1256] {strides = array<i32>} : memref<2x7x8x1024xf32, #tpu.memory_space<vmem>>, vector<1x1x1x16xf32>,
        %get3A_1258 = vector.shape_cast %get3A_1257 : vector<1x1x1x16xf32> to vector<16xf32>
        %mul3A_1259 = arith.mulf %get3A_1249, %get3A_1258 : vector<16xf32>
        %add3A_1260 = arith.addf %add3A_1244, %mul3A_1259 : vector<16xf32>
        %get3A_1261 = arith.constant 6 : i32
        %get3A_1262 = arith.index_cast %get3A_1261 : i32 to index
        %get3A_1263 = arith.constant 0 : index
        %get3A_1264 = tpu.vector_load %arg9[%get3A_1262, %get3A_1263] {strides = array<i32>} : memref<7x16xf32, #tpu.memory_space<vmem>>, vector<1x16xf32>,
        %get3A_1265 = vector.shape_cast %get3A_1264 : vector<1x16xf32> to vector<16xf32>
        %get3A_1266 = arith.constant 0 : i32
        %get3A_1267 = arith.constant 6 : i32
        %get3A_1268 = arith.constant 1 : i32
        %get3A_1269 = arith.index_cast %get3A_1266 : i32 to index
        %get3A_1270 = arith.index_cast %get3A_1267 : i32 to index
        %get3A_1271 = arith.index_cast %get3A_1268 : i32 to index
        %get3A_1272 = arith.index_cast %mul3A_1050 : i32 to index
        %get3A_1273 = tpu.vector_load %arg6[%get3A_1269, %get3A_1270, %get3A_1271, %get3A_1272] {strides = array<i32>} : memref<2x7x8x1024xf32, #tpu.memory_space<vmem>>, vector<1x1x1x16xf32>,
        %get3A_1274 = vector.shape_cast %get3A_1273 : vector<1x1x1x16xf32> to vector<16xf32>
        %mul3A_1275 = arith.mulf %get3A_1265, %get3A_1274 : vector<16xf32>
        %add3A_1276 = arith.addf %add3A_1260, %mul3A_1275 : vector<16xf32>
        %swap3A_1277 = arith.constant 1 : i32
        %swap3A_1278 = arith.index_cast %swap3A_1277 : i32 to index
        %swap3A_1279 = arith.index_cast %mul3A_1050 : i32 to index
        %swap3A_1280 = tpu.vector_load %arg7[%swap3A_1278, %swap3A_1279] {strides = array<i32>} : memref<8x1024xf32, #tpu.memory_space<vmem>>, vector<1x16xf32>,
        %swap3A_1281 = vector.shape_cast %swap3A_1280 : vector<1x16xf32> to vector<16xf32>
        %swap3A_1282 = vector.shape_cast %add3A_1276 : vector<16xf32> to vector<1x16xf32>
        tpu.vector_store %arg7[%swap3A_1278, %swap3A_1279], %swap3A_1282 {strides = array<i32>} : memref<8x1024xf32, #tpu.memory_space<vmem>>, vector<1x16xf32>,
        %get3A_1283 = arith.constant 0 : i32
        %get3A_1284 = arith.index_cast %get3A_1283 : i32 to index
        %get3A_1285 = arith.constant 0 : index
        %get3A_1286 = tpu.vector_load %arg9[%get3A_1284, %get3A_1285] {strides = array<i32>} : memref<7x16xf32, #tpu.memory_space<vmem>>, vector<1x16xf32>,
        %get3A_1287 = vector.shape_cast %get3A_1286 : vector<1x16xf32> to vector<16xf32>
        %get3A_1288 = arith.constant 0 : i32
        %get3A_1289 = arith.constant 0 : i32
        %get3A_1290 = arith.constant 2 : i32
        %get3A_1291 = arith.index_cast %get3A_1288 : i32 to index
        %get3A_1292 = arith.index_cast %get3A_1289 : i32 to index
        %get3A_1293 = arith.index_cast %get3A_1290 : i32 to index
        %get3A_1294 = arith.index_cast %mul3A_1050 : i32 to index
        %get3A_1295 = tpu.vector_load %arg6[%get3A_1291, %get3A_1292, %get3A_1293, %get3A_1294] {strides = array<i32>} : memref<2x7x8x1024xf32, #tpu.memory_space<vmem>>, vector<1x1x1x16xf32>,
        %get3A_1296 = vector.shape_cast %get3A_1295 : vector<1x1x1x16xf32> to vector<16xf32>
        %mul3A_1297 = arith.mulf %get3A_1287, %get3A_1296 : vector<16xf32>
        %get3A_1298 = arith.constant 1 : i32
        %get3A_1299 = arith.index_cast %get3A_1298 : i32 to index
        %get3A_1300 = arith.constant 0 : index
        %get3A_1301 = tpu.vector_load %arg9[%get3A_1299, %get3A_1300] {strides = array<i32>} : memref<7x16xf32, #tpu.memory_space<vmem>>, vector<1x16xf32>,
        %get3A_1302 = vector.shape_cast %get3A_1301 : vector<1x16xf32> to vector<16xf32>
        %get3A_1303 = arith.constant 0 : i32
        %get3A_1304 = arith.constant 1 : i32
        %get3A_1305 = arith.constant 2 : i32
        %get3A_1306 = arith.index_cast %get3A_1303 : i32 to index
        %get3A_1307 = arith.index_cast %get3A_1304 : i32 to index
        %get3A_1308 = arith.index_cast %get3A_1305 : i32 to index
        %get3A_1309 = arith.index_cast %mul3A_1050 : i32 to index
        %get3A_1310 = tpu.vector_load %arg6[%get3A_1306, %get3A_1307, %get3A_1308, %get3A_1309] {strides = array<i32>} : memref<2x7x8x1024xf32, #tpu.memory_space<vmem>>, vector<1x1x1x16xf32>,
        %get3A_1311 = vector.shape_cast %get3A_1310 : vector<1x1x1x16xf32> to vector<16xf32>
        %mul3A_1312 = arith.mulf %get3A_1302, %get3A_1311 : vector<16xf32>
        %add3A_1313 = arith.addf %mul3A_1297, %mul3A_1312 : vector<16xf32>
        %get3A_1314 = arith.constant 2 : i32
        %get3A_1315 = arith.index_cast %get3A_1314 : i32 to index
        %get3A_1316 = arith.constant 0 : index
        %get3A_1317 = tpu.vector_load %arg9[%get3A_1315, %get3A_1316] {strides = array<i32>} : memref<7x16xf32, #tpu.memory_space<vmem>>, vector<1x16xf32>,
        %get3A_1318 = vector.shape_cast %get3A_1317 : vector<1x16xf32> to vector<16xf32>
        %get3A_1319 = arith.constant 0 : i32
        %get3A_1320 = arith.constant 2 : i32
        %get3A_1321 = arith.constant 2 : i32
        %get3A_1322 = arith.index_cast %get3A_1319 : i32 to index
        %get3A_1323 = arith.index_cast %get3A_1320 : i32 to index
        %get3A_1324 = arith.index_cast %get3A_1321 : i32 to index
        %get3A_1325 = arith.index_cast %mul3A_1050 : i32 to index
        %get3A_1326 = tpu.vector_load %arg6[%get3A_1322, %get3A_1323, %get3A_1324, %get3A_1325] {strides = array<i32>} : memref<2x7x8x1024xf32, #tpu.memory_space<vmem>>, vector<1x1x1x16xf32>,
        %get3A_1327 = vector.shape_cast %get3A_1326 : vector<1x1x1x16xf32> to vector<16xf32>
        %mul3A_1328 = arith.mulf %get3A_1318, %get3A_1327 : vector<16xf32>
        %add3A_1329 = arith.addf %add3A_1313, %mul3A_1328 : vector<16xf32>
        %get3A_1330 = arith.constant 3 : i32
        %get3A_1331 = arith.index_cast %get3A_1330 : i32 to index
        %get3A_1332 = arith.constant 0 : index
        %get3A_1333 = tpu.vector_load %arg9[%get3A_1331, %get3A_1332] {strides = array<i32>} : memref<7x16xf32, #tpu.memory_space<vmem>>, vector<1x16xf32>,
        %get3A_1334 = vector.shape_cast %get3A_1333 : vector<1x16xf32> to vector<16xf32>
        %get3A_1335 = arith.constant 0 : i32
        %get3A_1336 = arith.constant 3 : i32
        %get3A_1337 = arith.constant 2 : i32
        %get3A_1338 = arith.index_cast %get3A_1335 : i32 to index
        %get3A_1339 = arith.index_cast %get3A_1336 : i32 to index
        %get3A_1340 = arith.index_cast %get3A_1337 : i32 to index
        %get3A_1341 = arith.index_cast %mul3A_1050 : i32 to index
        %get3A_1342 = tpu.vector_load %arg6[%get3A_1338, %get3A_1339, %get3A_1340, %get3A_1341] {strides = array<i32>} : memref<2x7x8x1024xf32, #tpu.memory_space<vmem>>, vector<1x1x1x16xf32>,
        %get3A_1343 = vector.shape_cast %get3A_1342 : vector<1x1x1x16xf32> to vector<16xf32>
        %mul3A_1344 = arith.mulf %get3A_1334, %get3A_1343 : vector<16xf32>
        %add3A_1345 = arith.addf %add3A_1329, %mul3A_1344 : vector<16xf32>
        %get3A_1346 = arith.constant 4 : i32
        %get3A_1347 = arith.index_cast %get3A_1346 : i32 to index
        %get3A_1348 = arith.constant 0 : index
        %get3A_1349 = tpu.vector_load %arg9[%get3A_1347, %get3A_1348] {strides = array<i32>} : memref<7x16xf32, #tpu.memory_space<vmem>>, vector<1x16xf32>,
        %get3A_1350 = vector.shape_cast %get3A_1349 : vector<1x16xf32> to vector<16xf32>
        %get3A_1351 = arith.constant 0 : i32
        %get3A_1352 = arith.constant 4 : i32
        %get3A_1353 = arith.constant 2 : i32
        %get3A_1354 = arith.index_cast %get3A_1351 : i32 to index
        %get3A_1355 = arith.index_cast %get3A_1352 : i32 to index
        %get3A_1356 = arith.index_cast %get3A_1353 : i32 to index
        %get3A_1357 = arith.index_cast %mul3A_1050 : i32 to index
        %get3A_1358 = tpu.vector_load %arg6[%get3A_1354, %get3A_1355, %get3A_1356, %get3A_1357] {strides = array<i32>} : memref<2x7x8x1024xf32, #tpu.memory_space<vmem>>, vector<1x1x1x16xf32>,
        %get3A_1359 = vector.shape_cast %get3A_1358 : vector<1x1x1x16xf32> to vector<16xf32>
        %mul3A_1360 = arith.mulf %get3A_1350, %get3A_1359 : vector<16xf32>
        %add3A_1361 = arith.addf %add3A_1345, %mul3A_1360 : vector<16xf32>
        %get3A_1362 = arith.constant 5 : i32
        %get3A_1363 = arith.index_cast %get3A_1362 : i32 to index
        %get3A_1364 = arith.constant 0 : index
        %get3A_1365 = tpu.vector_load %arg9[%get3A_1363, %get3A_1364] {strides = array<i32>} : memref<7x16xf32, #tpu.memory_space<vmem>>, vector<1x16xf32>,
        %get3A_1366 = vector.shape_cast %get3A_1365 : vector<1x16xf32> to vector<16xf32>
        %get3A_1367 = arith.constant 0 : i32
        %get3A_1368 = arith.constant 5 : i32
        %get3A_1369 = arith.constant 2 : i32
        %get3A_1370 = arith.index_cast %get3A_1367 : i32 to index
        %get3A_1371 = arith.index_cast %get3A_1368 : i32 to index
        %get3A_1372 = arith.index_cast %get3A_1369 : i32 to index
        %get3A_1373 = arith.index_cast %mul3A_1050 : i32 to index
        %get3A_1374 = tpu.vector_load %arg6[%get3A_1370, %get3A_1371, %get3A_1372, %get3A_1373] {strides = array<i32>} : memref<2x7x8x1024xf32, #tpu.memory_space<vmem>>, vector<1x1x1x16xf32>,
        %get3A_1375 = vector.shape_cast %get3A_1374 : vector<1x1x1x16xf32> to vector<16xf32>
        %mul3A_1376 = arith.mulf %get3A_1366, %get3A_1375 : vector<16xf32>
        %add3A_1377 = arith.addf %add3A_1361, %mul3A_1376 : vector<16xf32>
        %get3A_1378 = arith.constant 6 : i32
        %get3A_1379 = arith.index_cast %get3A_1378 : i32 to index
        %get3A_1380 = arith.constant 0 : index
        %get3A_1381 = tpu.vector_load %arg9[%get3A_1379, %get3A_1380] {strides = array<i32>} : memref<7x16xf32, #tpu.memory_space<vmem>>, vector<1x16xf32>,
        %get3A_1382 = vector.shape_cast %get3A_1381 : vector<1x16xf32> to vector<16xf32>
        %get3A_1383 = arith.constant 0 : i32
        %get3A_1384 = arith.constant 6 : i32
        %get3A_1385 = arith.constant 2 : i32
        %get3A_1386 = arith.index_cast %get3A_1383 : i32 to index
        %get3A_1387 = arith.index_cast %get3A_1384 : i32 to index
        %get3A_1388 = arith.index_cast %get3A_1385 : i32 to index
        %get3A_1389 = arith.index_cast %mul3A_1050 : i32 to index
        %get3A_1390 = tpu.vector_load %arg6[%get3A_1386, %get3A_1387, %get3A_1388, %get3A_1389] {strides = array<i32>} : memref<2x7x8x1024xf32, #tpu.memory_space<vmem>>, vector<1x1x1x16xf32>,
        %get3A_1391 = vector.shape_cast %get3A_1390 : vector<1x1x1x16xf32> to vector<16xf32>
        %mul3A_1392 = arith.mulf %get3A_1382, %get3A_1391 : vector<16xf32>
        %add3A_1393 = arith.addf %add3A_1377, %mul3A_1392 : vector<16xf32>
        %swap3A_1394 = arith.constant 2 : i32
        %swap3A_1395 = arith.index_cast %swap3A_1394 : i32 to index
        %swap3A_1396 = arith.index_cast %mul3A_1050 : i32 to index
        %swap3A_1397 = tpu.vector_load %arg7[%swap3A_1395, %swap3A_1396] {strides = array<i32>} : memref<8x1024xf32, #tpu.memory_space<vmem>>, vector<1x16xf32>,
        %swap3A_1398 = vector.shape_cast %swap3A_1397 : vector<1x16xf32> to vector<16xf32>
        %swap3A_1399 = vector.shape_cast %add3A_1393 : vector<16xf32> to vector<1x16xf32>
        tpu.vector_store %arg7[%swap3A_1395, %swap3A_1396], %swap3A_1399 {strides = array<i32>} : memref<8x1024xf32, #tpu.memory_space<vmem>>, vector<1x16xf32>,
        %get3A_1400 = arith.constant 0 : i32
        %get3A_1401 = arith.index_cast %get3A_1400 : i32 to index
        %get3A_1402 = arith.constant 0 : index
        %get3A_1403 = tpu.vector_load %arg9[%get3A_1401, %get3A_1402] {strides = array<i32>} : memref<7x16xf32, #tpu.memory_space<vmem>>, vector<1x16xf32>,
        %get3A_1404 = vector.shape_cast %get3A_1403 : vector<1x16xf32> to vector<16xf32>
        %get3A_1405 = arith.constant 0 : i32
        %get3A_1406 = arith.constant 0 : i32
        %get3A_1407 = arith.constant 3 : i32
        %get3A_1408 = arith.index_cast %get3A_1405 : i32 to index
        %get3A_1409 = arith.index_cast %get3A_1406 : i32 to index
        %get3A_1410 = arith.index_cast %get3A_1407 : i32 to index
        %get3A_1411 = arith.index_cast %mul3A_1050 : i32 to index
        %get3A_1412 = tpu.vector_load %arg6[%get3A_1408, %get3A_1409, %get3A_1410, %get3A_1411] {strides = array<i32>} : memref<2x7x8x1024xf32, #tpu.memory_space<vmem>>, vector<1x1x1x16xf32>,
        %get3A_1413 = vector.shape_cast %get3A_1412 : vector<1x1x1x16xf32> to vector<16xf32>
        %mul3A_1414 = arith.mulf %get3A_1404, %get3A_1413 : vector<16xf32>
        %get3A_1415 = arith.constant 1 : i32
        %get3A_1416 = arith.index_cast %get3A_1415 : i32 to index
        %get3A_1417 = arith.constant 0 : index
        %get3A_1418 = tpu.vector_load %arg9[%get3A_1416, %get3A_1417] {strides = array<i32>} : memref<7x16xf32, #tpu.memory_space<vmem>>, vector<1x16xf32>,
        %get3A_1419 = vector.shape_cast %get3A_1418 : vector<1x16xf32> to vector<16xf32>
        %get3A_1420 = arith.constant 0 : i32
        %get3A_1421 = arith.constant 1 : i32
        %get3A_1422 = arith.constant 3 : i32
        %get3A_1423 = arith.index_cast %get3A_1420 : i32 to index
        %get3A_1424 = arith.index_cast %get3A_1421 : i32 to index
        %get3A_1425 = arith.index_cast %get3A_1422 : i32 to index
        %get3A_1426 = arith.index_cast %mul3A_1050 : i32 to index
        %get3A_1427 = tpu.vector_load %arg6[%get3A_1423, %get3A_1424, %get3A_1425, %get3A_1426] {strides = array<i32>} : memref<2x7x8x1024xf32, #tpu.memory_space<vmem>>, vector<1x1x1x16xf32>,
        %get3A_1428 = vector.shape_cast %get3A_1427 : vector<1x1x1x16xf32> to vector<16xf32>
        %mul3A_1429 = arith.mulf %get3A_1419, %get3A_1428 : vector<16xf32>
        %add3A_1430 = arith.addf %mul3A_1414, %mul3A_1429 : vector<16xf32>
        %get3A_1431 = arith.constant 2 : i32
        %get3A_1432 = arith.index_cast %get3A_1431 : i32 to index
        %get3A_1433 = arith.constant 0 : index
        %get3A_1434 = tpu.vector_load %arg9[%get3A_1432, %get3A_1433] {strides = array<i32>} : memref<7x16xf32, #tpu.memory_space<vmem>>, vector<1x16xf32>,
        %get3A_1435 = vector.shape_cast %get3A_1434 : vector<1x16xf32> to vector<16xf32>
        %get3A_1436 = arith.constant 0 : i32
        %get3A_1437 = arith.constant 2 : i32
        %get3A_1438 = arith.constant 3 : i32
        %get3A_1439 = arith.index_cast %get3A_1436 : i32 to index
        %get3A_1440 = arith.index_cast %get3A_1437 : i32 to index
        %get3A_1441 = arith.index_cast %get3A_1438 : i32 to index
        %get3A_1442 = arith.index_cast %mul3A_1050 : i32 to index
        %get3A_1443 = tpu.vector_load %arg6[%get3A_1439, %get3A_1440, %get3A_1441, %get3A_1442] {strides = array<i32>} : memref<2x7x8x1024xf32, #tpu.memory_space<vmem>>, vector<1x1x1x16xf32>,
        %get3A_1444 = vector.shape_cast %get3A_1443 : vector<1x1x1x16xf32> to vector<16xf32>
        %mul3A_1445 = arith.mulf %get3A_1435, %get3A_1444 : vector<16xf32>
        %add3A_1446 = arith.addf %add3A_1430, %mul3A_1445 : vector<16xf32>
        %get3A_1447 = arith.constant 3 : i32
        %get3A_1448 = arith.index_cast %get3A_1447 : i32 to index
        %get3A_1449 = arith.constant 0 : index
        %get3A_1450 = tpu.vector_load %arg9[%get3A_1448, %get3A_1449] {strides = array<i32>} : memref<7x16xf32, #tpu.memory_space<vmem>>, vector<1x16xf32>,
        %get3A_1451 = vector.shape_cast %get3A_1450 : vector<1x16xf32> to vector<16xf32>
        %get3A_1452 = arith.constant 0 : i32
        %get3A_1453 = arith.constant 3 : i32
        %get3A_1454 = arith.constant 3 : i32
        %get3A_1455 = arith.index_cast %get3A_1452 : i32 to index
        %get3A_1456 = arith.index_cast %get3A_1453 : i32 to index
        %get3A_1457 = arith.index_cast %get3A_1454 : i32 to index
        %get3A_1458 = arith.index_cast %mul3A_1050 : i32 to index
        %get3A_1459 = tpu.vector_load %arg6[%get3A_1455, %get3A_1456, %get3A_1457, %get3A_1458] {strides = array<i32>} : memref<2x7x8x1024xf32, #tpu.memory_space<vmem>>, vector<1x1x1x16xf32>,
        %get3A_1460 = vector.shape_cast %get3A_1459 : vector<1x1x1x16xf32> to vector<16xf32>
        %mul3A_1461 = arith.mulf %get3A_1451, %get3A_1460 : vector<16xf32>
        %add3A_1462 = arith.addf %add3A_1446, %mul3A_1461 : vector<16xf32>
        %get3A_1463 = arith.constant 4 : i32
        %get3A_1464 = arith.index_cast %get3A_1463 : i32 to index
        %get3A_1465 = arith.constant 0 : index
        %get3A_1466 = tpu.vector_load %arg9[%get3A_1464, %get3A_1465] {strides = array<i32>} : memref<7x16xf32, #tpu.memory_space<vmem>>, vector<1x16xf32>,
        %get3A_1467 = vector.shape_cast %get3A_1466 : vector<1x16xf32> to vector<16xf32>
        %get3A_1468 = arith.constant 0 : i32
        %get3A_1469 = arith.constant 4 : i32
        %get3A_1470 = arith.constant 3 : i32
        %get3A_1471 = arith.index_cast %get3A_1468 : i32 to index
        %get3A_1472 = arith.index_cast %get3A_1469 : i32 to index
        %get3A_1473 = arith.index_cast %get3A_1470 : i32 to index
        %get3A_1474 = arith.index_cast %mul3A_1050 : i32 to index
        %get3A_1475 = tpu.vector_load %arg6[%get3A_1471, %get3A_1472, %get3A_1473, %get3A_1474] {strides = array<i32>} : memref<2x7x8x1024xf32, #tpu.memory_space<vmem>>, vector<1x1x1x16xf32>,
        %get3A_1476 = vector.shape_cast %get3A_1475 : vector<1x1x1x16xf32> to vector<16xf32>
        %mul3A_1477 = arith.mulf %get3A_1467, %get3A_1476 : vector<16xf32>
        %add3A_1478 = arith.addf %add3A_1462, %mul3A_1477 : vector<16xf32>
        %get3A_1479 = arith.constant 5 : i32
        %get3A_1480 = arith.index_cast %get3A_1479 : i32 to index
        %get3A_1481 = arith.constant 0 : index
        %get3A_1482 = tpu.vector_load %arg9[%get3A_1480, %get3A_1481] {strides = array<i32>} : memref<7x16xf32, #tpu.memory_space<vmem>>, vector<1x16xf32>,
        %get3A_1483 = vector.shape_cast %get3A_1482 : vector<1x16xf32> to vector<16xf32>
        %get3A_1484 = arith.constant 0 : i32
        %get3A_1485 = arith.constant 5 : i32
        %get3A_1486 = arith.constant 3 : i32
        %get3A_1487 = arith.index_cast %get3A_1484 : i32 to index
        %get3A_1488 = arith.index_cast %get3A_1485 : i32 to index
        %get3A_1489 = arith.index_cast %get3A_1486 : i32 to index
        %get3A_1490 = arith.index_cast %mul3A_1050 : i32 to index
        %get3A_1491 = tpu.vector_load %arg6[%get3A_1487, %get3A_1488, %get3A_1489, %get3A_1490] {strides = array<i32>} : memref<2x7x8x1024xf32, #tpu.memory_space<vmem>>, vector<1x1x1x16xf32>,
        %get3A_1492 = vector.shape_cast %get3A_1491 : vector<1x1x1x16xf32> to vector<16xf32>
        %mul3A_1493 = arith.mulf %get3A_1483, %get3A_1492 : vector<16xf32>
        %add3A_1494 = arith.addf %add3A_1478, %mul3A_1493 : vector<16xf32>
        %get3A_1495 = arith.constant 6 : i32
        %get3A_1496 = arith.index_cast %get3A_1495 : i32 to index
        %get3A_1497 = arith.constant 0 : index
        %get3A_1498 = tpu.vector_load %arg9[%get3A_1496, %get3A_1497] {strides = array<i32>} : memref<7x16xf32, #tpu.memory_space<vmem>>, vector<1x16xf32>,
        %get3A_1499 = vector.shape_cast %get3A_1498 : vector<1x16xf32> to vector<16xf32>
        %get3A_1500 = arith.constant 0 : i32
        %get3A_1501 = arith.constant 6 : i32
        %get3A_1502 = arith.constant 3 : i32
        %get3A_1503 = arith.index_cast %get3A_1500 : i32 to index
        %get3A_1504 = arith.index_cast %get3A_1501 : i32 to index
        %get3A_1505 = arith.index_cast %get3A_1502 : i32 to index
        %get3A_1506 = arith.index_cast %mul3A_1050 : i32 to index
        %get3A_1507 = tpu.vector_load %arg6[%get3A_1503, %get3A_1504, %get3A_1505, %get3A_1506] {strides = array<i32>} : memref<2x7x8x1024xf32, #tpu.memory_space<vmem>>, vector<1x1x1x16xf32>,
        %get3A_1508 = vector.shape_cast %get3A_1507 : vector<1x1x1x16xf32> to vector<16xf32>
        %mul3A_1509 = arith.mulf %get3A_1499, %get3A_1508 : vector<16xf32>
        %add3A_1510 = arith.addf %add3A_1494, %mul3A_1509 : vector<16xf32>
        %swap3A_1511 = arith.constant 3 : i32
        %swap3A_1512 = arith.index_cast %swap3A_1511 : i32 to index
        %swap3A_1513 = arith.index_cast %mul3A_1050 : i32 to index
        %swap3A_1514 = tpu.vector_load %arg7[%swap3A_1512, %swap3A_1513] {strides = array<i32>} : memref<8x1024xf32, #tpu.memory_space<vmem>>, vector<1x16xf32>,
        %swap3A_1515 = vector.shape_cast %swap3A_1514 : vector<1x16xf32> to vector<16xf32>
        %swap3A_1516 = vector.shape_cast %add3A_1510 : vector<16xf32> to vector<1x16xf32>
        tpu.vector_store %arg7[%swap3A_1512, %swap3A_1513], %swap3A_1516 {strides = array<i32>} : memref<8x1024xf32, #tpu.memory_space<vmem>>, vector<1x16xf32>,
        %get3A_1517 = arith.constant 0 : i32
        %get3A_1518 = arith.index_cast %get3A_1517 : i32 to index
        %get3A_1519 = arith.constant 0 : index
        %get3A_1520 = tpu.vector_load %arg9[%get3A_1518, %get3A_1519] {strides = array<i32>} : memref<7x16xf32, #tpu.memory_space<vmem>>, vector<1x16xf32>,
        %get3A_1521 = vector.shape_cast %get3A_1520 : vector<1x16xf32> to vector<16xf32>
        %get3A_1522 = arith.constant 0 : i32
        %get3A_1523 = arith.constant 0 : i32
        %get3A_1524 = arith.constant 4 : i32
        %get3A_1525 = arith.index_cast %get3A_1522 : i32 to index
        %get3A_1526 = arith.index_cast %get3A_1523 : i32 to index
        %get3A_1527 = arith.index_cast %get3A_1524 : i32 to index
        %get3A_1528 = arith.index_cast %mul3A_1050 : i32 to index
        %get3A_1529 = tpu.vector_load %arg6[%get3A_1525, %get3A_1526, %get3A_1527, %get3A_1528] {strides = array<i32>} : memref<2x7x8x1024xf32, #tpu.memory_space<vmem>>, vector<1x1x1x16xf32>,
        %get3A_1530 = vector.shape_cast %get3A_1529 : vector<1x1x1x16xf32> to vector<16xf32>
        %mul3A_1531 = arith.mulf %get3A_1521, %get3A_1530 : vector<16xf32>
        %get3A_1532 = arith.constant 1 : i32
        %get3A_1533 = arith.index_cast %get3A_1532 : i32 to index
        %get3A_1534 = arith.constant 0 : index
        %get3A_1535 = tpu.vector_load %arg9[%get3A_1533, %get3A_1534] {strides = array<i32>} : memref<7x16xf32, #tpu.memory_space<vmem>>, vector<1x16xf32>,
        %get3A_1536 = vector.shape_cast %get3A_1535 : vector<1x16xf32> to vector<16xf32>
        %get3A_1537 = arith.constant 0 : i32
        %get3A_1538 = arith.constant 1 : i32
        %get3A_1539 = arith.constant 4 : i32
        %get3A_1540 = arith.index_cast %get3A_1537 : i32 to index
        %get3A_1541 = arith.index_cast %get3A_1538 : i32 to index
        %get3A_1542 = arith.index_cast %get3A_1539 : i32 to index
        %get3A_1543 = arith.index_cast %mul3A_1050 : i32 to index
        %get3A_1544 = tpu.vector_load %arg6[%get3A_1540, %get3A_1541, %get3A_1542, %get3A_1543] {strides = array<i32>} : memref<2x7x8x1024xf32, #tpu.memory_space<vmem>>, vector<1x1x1x16xf32>,
        %get3A_1545 = vector.shape_cast %get3A_1544 : vector<1x1x1x16xf32> to vector<16xf32>
        %mul3A_1546 = arith.mulf %get3A_1536, %get3A_1545 : vector<16xf32>
        %add3A_1547 = arith.addf %mul3A_1531, %mul3A_1546 : vector<16xf32>
        %get3A_1548 = arith.constant 2 : i32
        %get3A_1549 = arith.index_cast %get3A_1548 : i32 to index
        %get3A_1550 = arith.constant 0 : index
        %get3A_1551 = tpu.vector_load %arg9[%get3A_1549, %get3A_1550] {strides = array<i32>} : memref<7x16xf32, #tpu.memory_space<vmem>>, vector<1x16xf32>,
        %get3A_1552 = vector.shape_cast %get3A_1551 : vector<1x16xf32> to vector<16xf32>
        %get3A_1553 = arith.constant 0 : i32
        %get3A_1554 = arith.constant 2 : i32
        %get3A_1555 = arith.constant 4 : i32
        %get3A_1556 = arith.index_cast %get3A_1553 : i32 to index
        %get3A_1557 = arith.index_cast %get3A_1554 : i32 to index
        %get3A_1558 = arith.index_cast %get3A_1555 : i32 to index
        %get3A_1559 = arith.index_cast %mul3A_1050 : i32 to index
        %get3A_1560 = tpu.vector_load %arg6[%get3A_1556, %get3A_1557, %get3A_1558, %get3A_1559] {strides = array<i32>} : memref<2x7x8x1024xf32, #tpu.memory_space<vmem>>, vector<1x1x1x16xf32>,
        %get3A_1561 = vector.shape_cast %get3A_1560 : vector<1x1x1x16xf32> to vector<16xf32>
        %mul3A_1562 = arith.mulf %get3A_1552, %get3A_1561 : vector<16xf32>
        %add3A_1563 = arith.addf %add3A_1547, %mul3A_1562 : vector<16xf32>
        %get3A_1564 = arith.constant 3 : i32
        %get3A_1565 = arith.index_cast %get3A_1564 : i32 to index
        %get3A_1566 = arith.constant 0 : index
        %get3A_1567 = tpu.vector_load %arg9[%get3A_1565, %get3A_1566] {strides = array<i32>} : memref<7x16xf32, #tpu.memory_space<vmem>>, vector<1x16xf32>,
        %get3A_1568 = vector.shape_cast %get3A_1567 : vector<1x16xf32> to vector<16xf32>
        %get3A_1569 = arith.constant 0 : i32
        %get3A_1570 = arith.constant 3 : i32
        %get3A_1571 = arith.constant 4 : i32
        %get3A_1572 = arith.index_cast %get3A_1569 : i32 to index
        %get3A_1573 = arith.index_cast %get3A_1570 : i32 to index
        %get3A_1574 = arith.index_cast %get3A_1571 : i32 to index
        %get3A_1575 = arith.index_cast %mul3A_1050 : i32 to index
        %get3A_1576 = tpu.vector_load %arg6[%get3A_1572, %get3A_1573, %get3A_1574, %get3A_1575] {strides = array<i32>} : memref<2x7x8x1024xf32, #tpu.memory_space<vmem>>, vector<1x1x1x16xf32>,
        %get3A_1577 = vector.shape_cast %get3A_1576 : vector<1x1x1x16xf32> to vector<16xf32>
        %mul3A_1578 = arith.mulf %get3A_1568, %get3A_1577 : vector<16xf32>
        %add3A_1579 = arith.addf %add3A_1563, %mul3A_1578 : vector<16xf32>
        %get3A_1580 = arith.constant 4 : i32
        %get3A_1581 = arith.index_cast %get3A_1580 : i32 to index
        %get3A_1582 = arith.constant 0 : index
        %get3A_1583 = tpu.vector_load %arg9[%get3A_1581, %get3A_1582] {strides = array<i32>} : memref<7x16xf32, #tpu.memory_space<vmem>>, vector<1x16xf32>,
        %get3A_1584 = vector.shape_cast %get3A_1583 : vector<1x16xf32> to vector<16xf32>
        %get3A_1585 = arith.constant 0 : i32
        %get3A_1586 = arith.constant 4 : i32
        %get3A_1587 = arith.constant 4 : i32
        %get3A_1588 = arith.index_cast %get3A_1585 : i32 to index
        %get3A_1589 = arith.index_cast %get3A_1586 : i32 to index
        %get3A_1590 = arith.index_cast %get3A_1587 : i32 to index
        %get3A_1591 = arith.index_cast %mul3A_1050 : i32 to index
        %get3A_1592 = tpu.vector_load %arg6[%get3A_1588, %get3A_1589, %get3A_1590, %get3A_1591] {strides = array<i32>} : memref<2x7x8x1024xf32, #tpu.memory_space<vmem>>, vector<1x1x1x16xf32>,
        %get3A_1593 = vector.shape_cast %get3A_1592 : vector<1x1x1x16xf32> to vector<16xf32>
        %mul3A_1594 = arith.mulf %get3A_1584, %get3A_1593 : vector<16xf32>
        %add3A_1595 = arith.addf %add3A_1579, %mul3A_1594 : vector<16xf32>
        %get3A_1596 = arith.constant 5 : i32
        %get3A_1597 = arith.index_cast %get3A_1596 : i32 to index
        %get3A_1598 = arith.constant 0 : index
        %get3A_1599 = tpu.vector_load %arg9[%get3A_1597, %get3A_1598] {strides = array<i32>} : memref<7x16xf32, #tpu.memory_space<vmem>>, vector<1x16xf32>,
        %get3A_1600 = vector.shape_cast %get3A_1599 : vector<1x16xf32> to vector<16xf32>
        %get3A_1601 = arith.constant 0 : i32
        %get3A_1602 = arith.constant 5 : i32
        %get3A_1603 = arith.constant 4 : i32
        %get3A_1604 = arith.index_cast %get3A_1601 : i32 to index
        %get3A_1605 = arith.index_cast %get3A_1602 : i32 to index
        %get3A_1606 = arith.index_cast %get3A_1603 : i32 to index
        %get3A_1607 = arith.index_cast %mul3A_1050 : i32 to index
        %get3A_1608 = tpu.vector_load %arg6[%get3A_1604, %get3A_1605, %get3A_1606, %get3A_1607] {strides = array<i32>} : memref<2x7x8x1024xf32, #tpu.memory_space<vmem>>, vector<1x1x1x16xf32>,
        %get3A_1609 = vector.shape_cast %get3A_1608 : vector<1x1x1x16xf32> to vector<16xf32>
        %mul3A_1610 = arith.mulf %get3A_1600, %get3A_1609 : vector<16xf32>
        %add3A_1611 = arith.addf %add3A_1595, %mul3A_1610 : vector<16xf32>
        %get3A_1612 = arith.constant 6 : i32
        %get3A_1613 = arith.index_cast %get3A_1612 : i32 to index
        %get3A_1614 = arith.constant 0 : index
        %get3A_1615 = tpu.vector_load %arg9[%get3A_1613, %get3A_1614] {strides = array<i32>} : memref<7x16xf32, #tpu.memory_space<vmem>>, vector<1x16xf32>,
        %get3A_1616 = vector.shape_cast %get3A_1615 : vector<1x16xf32> to vector<16xf32>
        %get3A_1617 = arith.constant 0 : i32
        %get3A_1618 = arith.constant 6 : i32
        %get3A_1619 = arith.constant 4 : i32
        %get3A_1620 = arith.index_cast %get3A_1617 : i32 to index
        %get3A_1621 = arith.index_cast %get3A_1618 : i32 to index
        %get3A_1622 = arith.index_cast %get3A_1619 : i32 to index
        %get3A_1623 = arith.index_cast %mul3A_1050 : i32 to index
        %get3A_1624 = tpu.vector_load %arg6[%get3A_1620, %get3A_1621, %get3A_1622, %get3A_1623] {strides = array<i32>} : memref<2x7x8x1024xf32, #tpu.memory_space<vmem>>, vector<1x1x1x16xf32>,
        %get3A_1625 = vector.shape_cast %get3A_1624 : vector<1x1x1x16xf32> to vector<16xf32>
        %mul3A_1626 = arith.mulf %get3A_1616, %get3A_1625 : vector<16xf32>
        %add3A_1627 = arith.addf %add3A_1611, %mul3A_1626 : vector<16xf32>
        %swap3A_1628 = arith.constant 4 : i32
        %swap3A_1629 = arith.index_cast %swap3A_1628 : i32 to index
        %swap3A_1630 = arith.index_cast %mul3A_1050 : i32 to index
        %swap3A_1631 = tpu.vector_load %arg7[%swap3A_1629, %swap3A_1630] {strides = array<i32>} : memref<8x1024xf32, #tpu.memory_space<vmem>>, vector<1x16xf32>,
        %swap3A_1632 = vector.shape_cast %swap3A_1631 : vector<1x16xf32> to vector<16xf32>
        %swap3A_1633 = vector.shape_cast %add3A_1627 : vector<16xf32> to vector<1x16xf32>
        tpu.vector_store %arg7[%swap3A_1629, %swap3A_1630], %swap3A_1633 {strides = array<i32>} : memref<8x1024xf32, #tpu.memory_space<vmem>>, vector<1x16xf32>,
        %get3A_1634 = arith.constant 0 : i32
        %get3A_1635 = arith.index_cast %get3A_1634 : i32 to index
        %get3A_1636 = arith.constant 0 : index
        %get3A_1637 = tpu.vector_load %arg9[%get3A_1635, %get3A_1636] {strides = array<i32>} : memref<7x16xf32, #tpu.memory_space<vmem>>, vector<1x16xf32>,
        %get3A_1638 = vector.shape_cast %get3A_1637 : vector<1x16xf32> to vector<16xf32>
        %get3A_1639 = arith.constant 0 : i32
        %get3A_1640 = arith.constant 0 : i32
        %get3A_1641 = arith.constant 5 : i32
        %get3A_1642 = arith.index_cast %get3A_1639 : i32 to index
        %get3A_1643 = arith.index_cast %get3A_1640 : i32 to index
        %get3A_1644 = arith.index_cast %get3A_1641 : i32 to index
        %get3A_1645 = arith.index_cast %mul3A_1050 : i32 to index
        %get3A_1646 = tpu.vector_load %arg6[%get3A_1642, %get3A_1643, %get3A_1644, %get3A_1645] {strides = array<i32>} : memref<2x7x8x1024xf32, #tpu.memory_space<vmem>>, vector<1x1x1x16xf32>,
        %get3A_1647 = vector.shape_cast %get3A_1646 : vector<1x1x1x16xf32> to vector<16xf32>
        %mul3A_1648 = arith.mulf %get3A_1638, %get3A_1647 : vector<16xf32>
        %get3A_1649 = arith.constant 1 : i32
        %get3A_1650 = arith.index_cast %get3A_1649 : i32 to index
        %get3A_1651 = arith.constant 0 : index
        %get3A_1652 = tpu.vector_load %arg9[%get3A_1650, %get3A_1651] {strides = array<i32>} : memref<7x16xf32, #tpu.memory_space<vmem>>, vector<1x16xf32>,
        %get3A_1653 = vector.shape_cast %get3A_1652 : vector<1x16xf32> to vector<16xf32>
        %get3A_1654 = arith.constant 0 : i32
        %get3A_1655 = arith.constant 1 : i32
        %get3A_1656 = arith.constant 5 : i32
        %get3A_1657 = arith.index_cast %get3A_1654 : i32 to index
        %get3A_1658 = arith.index_cast %get3A_1655 : i32 to index
        %get3A_1659 = arith.index_cast %get3A_1656 : i32 to index
        %get3A_1660 = arith.index_cast %mul3A_1050 : i32 to index
        %get3A_1661 = tpu.vector_load %arg6[%get3A_1657, %get3A_1658, %get3A_1659, %get3A_1660] {strides = array<i32>} : memref<2x7x8x1024xf32, #tpu.memory_space<vmem>>, vector<1x1x1x16xf32>,
        %get3A_1662 = vector.shape_cast %get3A_1661 : vector<1x1x1x16xf32> to vector<16xf32>
        %mul3A_1663 = arith.mulf %get3A_1653, %get3A_1662 : vector<16xf32>
        %add3A_1664 = arith.addf %mul3A_1648, %mul3A_1663 : vector<16xf32>
        %get3A_1665 = arith.constant 2 : i32
        %get3A_1666 = arith.index_cast %get3A_1665 : i32 to index
        %get3A_1667 = arith.constant 0 : index
        %get3A_1668 = tpu.vector_load %arg9[%get3A_1666, %get3A_1667] {strides = array<i32>} : memref<7x16xf32, #tpu.memory_space<vmem>>, vector<1x16xf32>,
        %get3A_1669 = vector.shape_cast %get3A_1668 : vector<1x16xf32> to vector<16xf32>
        %get3A_1670 = arith.constant 0 : i32
        %get3A_1671 = arith.constant 2 : i32
        %get3A_1672 = arith.constant 5 : i32
        %get3A_1673 = arith.index_cast %get3A_1670 : i32 to index
        %get3A_1674 = arith.index_cast %get3A_1671 : i32 to index
        %get3A_1675 = arith.index_cast %get3A_1672 : i32 to index
        %get3A_1676 = arith.index_cast %mul3A_1050 : i32 to index
        %get3A_1677 = tpu.vector_load %arg6[%get3A_1673, %get3A_1674, %get3A_1675, %get3A_1676] {strides = array<i32>} : memref<2x7x8x1024xf32, #tpu.memory_space<vmem>>, vector<1x1x1x16xf32>,
        %get3A_1678 = vector.shape_cast %get3A_1677 : vector<1x1x1x16xf32> to vector<16xf32>
        %mul3A_1679 = arith.mulf %get3A_1669, %get3A_1678 : vector<16xf32>
        %add3A_1680 = arith.addf %add3A_1664, %mul3A_1679 : vector<16xf32>
        %get3A_1681 = arith.constant 3 : i32
        %get3A_1682 = arith.index_cast %get3A_1681 : i32 to index
        %get3A_1683 = arith.constant 0 : index
        %get3A_1684 = tpu.vector_load %arg9[%get3A_1682, %get3A_1683] {strides = array<i32>} : memref<7x16xf32, #tpu.memory_space<vmem>>, vector<1x16xf32>,
        %get3A_1685 = vector.shape_cast %get3A_1684 : vector<1x16xf32> to vector<16xf32>
        %get3A_1686 = arith.constant 0 : i32
        %get3A_1687 = arith.constant 3 : i32
        %get3A_1688 = arith.constant 5 : i32
        %get3A_1689 = arith.index_cast %get3A_1686 : i32 to index
        %get3A_1690 = arith.index_cast %get3A_1687 : i32 to index
        %get3A_1691 = arith.index_cast %get3A_1688 : i32 to index
        %get3A_1692 = arith.index_cast %mul3A_1050 : i32 to index
        %get3A_1693 = tpu.vector_load %arg6[%get3A_1689, %get3A_1690, %get3A_1691, %get3A_1692] {strides = array<i32>} : memref<2x7x8x1024xf32, #tpu.memory_space<vmem>>, vector<1x1x1x16xf32>,
        %get3A_1694 = vector.shape_cast %get3A_1693 : vector<1x1x1x16xf32> to vector<16xf32>
        %mul3A_1695 = arith.mulf %get3A_1685, %get3A_1694 : vector<16xf32>
        %add3A_1696 = arith.addf %add3A_1680, %mul3A_1695 : vector<16xf32>
        %get3A_1697 = arith.constant 4 : i32
        %get3A_1698 = arith.index_cast %get3A_1697 : i32 to index
        %get3A_1699 = arith.constant 0 : index
        %get3A_1700 = tpu.vector_load %arg9[%get3A_1698, %get3A_1699] {strides = array<i32>} : memref<7x16xf32, #tpu.memory_space<vmem>>, vector<1x16xf32>,
        %get3A_1701 = vector.shape_cast %get3A_1700 : vector<1x16xf32> to vector<16xf32>
        %get3A_1702 = arith.constant 0 : i32
        %get3A_1703 = arith.constant 4 : i32
        %get3A_1704 = arith.constant 5 : i32
        %get3A_1705 = arith.index_cast %get3A_1702 : i32 to index
        %get3A_1706 = arith.index_cast %get3A_1703 : i32 to index
        %get3A_1707 = arith.index_cast %get3A_1704 : i32 to index
        %get3A_1708 = arith.index_cast %mul3A_1050 : i32 to index
        %get3A_1709 = tpu.vector_load %arg6[%get3A_1705, %get3A_1706, %get3A_1707, %get3A_1708] {strides = array<i32>} : memref<2x7x8x1024xf32, #tpu.memory_space<vmem>>, vector<1x1x1x16xf32>,
        %get3A_1710 = vector.shape_cast %get3A_1709 : vector<1x1x1x16xf32> to vector<16xf32>
        %mul3A_1711 = arith.mulf %get3A_1701, %get3A_1710 : vector<16xf32>
        %add3A_1712 = arith.addf %add3A_1696, %mul3A_1711 : vector<16xf32>
        %get3A_1713 = arith.constant 5 : i32
        %get3A_1714 = arith.index_cast %get3A_1713 : i32 to index
        %get3A_1715 = arith.constant 0 : index
        %get3A_1716 = tpu.vector_load %arg9[%get3A_1714, %get3A_1715] {strides = array<i32>} : memref<7x16xf32, #tpu.memory_space<vmem>>, vector<1x16xf32>,
        %get3A_1717 = vector.shape_cast %get3A_1716 : vector<1x16xf32> to vector<16xf32>
        %get3A_1718 = arith.constant 0 : i32
        %get3A_1719 = arith.constant 5 : i32
        %get3A_1720 = arith.constant 5 : i32
        %get3A_1721 = arith.index_cast %get3A_1718 : i32 to index
        %get3A_1722 = arith.index_cast %get3A_1719 : i32 to index
        %get3A_1723 = arith.index_cast %get3A_1720 : i32 to index
        %get3A_1724 = arith.index_cast %mul3A_1050 : i32 to index
        %get3A_1725 = tpu.vector_load %arg6[%get3A_1721, %get3A_1722, %get3A_1723, %get3A_1724] {strides = array<i32>} : memref<2x7x8x1024xf32, #tpu.memory_space<vmem>>, vector<1x1x1x16xf32>,
        %get3A_1726 = vector.shape_cast %get3A_1725 : vector<1x1x1x16xf32> to vector<16xf32>
        %mul3A_1727 = arith.mulf %get3A_1717, %get3A_1726 : vector<16xf32>
        %add3A_1728 = arith.addf %add3A_1712, %mul3A_1727 : vector<16xf32>
        %get3A_1729 = arith.constant 6 : i32
        %get3A_1730 = arith.index_cast %get3A_1729 : i32 to index
        %get3A_1731 = arith.constant 0 : index
        %get3A_1732 = tpu.vector_load %arg9[%get3A_1730, %get3A_1731] {strides = array<i32>} : memref<7x16xf32, #tpu.memory_space<vmem>>, vector<1x16xf32>,
        %get3A_1733 = vector.shape_cast %get3A_1732 : vector<1x16xf32> to vector<16xf32>
        %get3A_1734 = arith.constant 0 : i32
        %get3A_1735 = arith.constant 6 : i32
        %get3A_1736 = arith.constant 5 : i32
        %get3A_1737 = arith.index_cast %get3A_1734 : i32 to index
        %get3A_1738 = arith.index_cast %get3A_1735 : i32 to index
        %get3A_1739 = arith.index_cast %get3A_1736 : i32 to index
        %get3A_1740 = arith.index_cast %mul3A_1050 : i32 to index
        %get3A_1741 = tpu.vector_load %arg6[%get3A_1737, %get3A_1738, %get3A_1739, %get3A_1740] {strides = array<i32>} : memref<2x7x8x1024xf32, #tpu.memory_space<vmem>>, vector<1x1x1x16xf32>,
        %get3A_1742 = vector.shape_cast %get3A_1741 : vector<1x1x1x16xf32> to vector<16xf32>
        %mul3A_1743 = arith.mulf %get3A_1733, %get3A_1742 : vector<16xf32>
        %add3A_1744 = arith.addf %add3A_1728, %mul3A_1743 : vector<16xf32>
        %swap3A_1745 = arith.constant 5 : i32
        %swap3A_1746 = arith.index_cast %swap3A_1745 : i32 to index
        %swap3A_1747 = arith.index_cast %mul3A_1050 : i32 to index
        %swap3A_1748 = tpu.vector_load %arg7[%swap3A_1746, %swap3A_1747] {strides = array<i32>} : memref<8x1024xf32, #tpu.memory_space<vmem>>, vector<1x16xf32>,
        %swap3A_1749 = vector.shape_cast %swap3A_1748 : vector<1x16xf32> to vector<16xf32>
        %swap3A_1750 = vector.shape_cast %add3A_1744 : vector<16xf32> to vector<1x16xf32>
        tpu.vector_store %arg7[%swap3A_1746, %swap3A_1747], %swap3A_1750 {strides = array<i32>} : memref<8x1024xf32, #tpu.memory_space<vmem>>, vector<1x16xf32>,
        %get3A_1751 = arith.constant 0 : i32
        %get3A_1752 = arith.index_cast %get3A_1751 : i32 to index
        %get3A_1753 = arith.constant 0 : index
        %get3A_1754 = tpu.vector_load %arg9[%get3A_1752, %get3A_1753] {strides = array<i32>} : memref<7x16xf32, #tpu.memory_space<vmem>>, vector<1x16xf32>,
        %get3A_1755 = vector.shape_cast %get3A_1754 : vector<1x16xf32> to vector<16xf32>
        %get3A_1756 = arith.constant 0 : i32
        %get3A_1757 = arith.constant 0 : i32
        %get3A_1758 = arith.constant 6 : i32
        %get3A_1759 = arith.index_cast %get3A_1756 : i32 to index
        %get3A_1760 = arith.index_cast %get3A_1757 : i32 to index
        %get3A_1761 = arith.index_cast %get3A_1758 : i32 to index
        %get3A_1762 = arith.index_cast %mul3A_1050 : i32 to index
        %get3A_1763 = tpu.vector_load %arg6[%get3A_1759, %get3A_1760, %get3A_1761, %get3A_1762] {strides = array<i32>} : memref<2x7x8x1024xf32, #tpu.memory_space<vmem>>, vector<1x1x1x16xf32>,
        %get3A_1764 = vector.shape_cast %get3A_1763 : vector<1x1x1x16xf32> to vector<16xf32>
        %mul3A_1765 = arith.mulf %get3A_1755, %get3A_1764 : vector<16xf32>
        %get3A_1766 = arith.constant 1 : i32
        %get3A_1767 = arith.index_cast %get3A_1766 : i32 to index
        %get3A_1768 = arith.constant 0 : index
        %get3A_1769 = tpu.vector_load %arg9[%get3A_1767, %get3A_1768] {strides = array<i32>} : memref<7x16xf32, #tpu.memory_space<vmem>>, vector<1x16xf32>,
        %get3A_1770 = vector.shape_cast %get3A_1769 : vector<1x16xf32> to vector<16xf32>
        %get3A_1771 = arith.constant 0 : i32
        %get3A_1772 = arith.constant 1 : i32
        %get3A_1773 = arith.constant 6 : i32
        %get3A_1774 = arith.index_cast %get3A_1771 : i32 to index
        %get3A_1775 = arith.index_cast %get3A_1772 : i32 to index
        %get3A_1776 = arith.index_cast %get3A_1773 : i32 to index
        %get3A_1777 = arith.index_cast %mul3A_1050 : i32 to index
        %get3A_1778 = tpu.vector_load %arg6[%get3A_1774, %get3A_1775, %get3A_1776, %get3A_1777] {strides = array<i32>} : memref<2x7x8x1024xf32, #tpu.memory_space<vmem>>, vector<1x1x1x16xf32>,
        %get3A_1779 = vector.shape_cast %get3A_1778 : vector<1x1x1x16xf32> to vector<16xf32>
        %mul3A_1780 = arith.mulf %get3A_1770, %get3A_1779 : vector<16xf32>
        %add3A_1781 = arith.addf %mul3A_1765, %mul3A_1780 : vector<16xf32>
        %get3A_1782 = arith.constant 2 : i32
        %get3A_1783 = arith.index_cast %get3A_1782 : i32 to index
        %get3A_1784 = arith.constant 0 : index
        %get3A_1785 = tpu.vector_load %arg9[%get3A_1783, %get3A_1784] {strides = array<i32>} : memref<7x16xf32, #tpu.memory_space<vmem>>, vector<1x16xf32>,
        %get3A_1786 = vector.shape_cast %get3A_1785 : vector<1x16xf32> to vector<16xf32>
        %get3A_1787 = arith.constant 0 : i32
        %get3A_1788 = arith.constant 2 : i32
        %get3A_1789 = arith.constant 6 : i32
        %get3A_1790 = arith.index_cast %get3A_1787 : i32 to index
        %get3A_1791 = arith.index_cast %get3A_1788 : i32 to index
        %get3A_1792 = arith.index_cast %get3A_1789 : i32 to index
        %get3A_1793 = arith.index_cast %mul3A_1050 : i32 to index
        %get3A_1794 = tpu.vector_load %arg6[%get3A_1790, %get3A_1791, %get3A_1792, %get3A_1793] {strides = array<i32>} : memref<2x7x8x1024xf32, #tpu.memory_space<vmem>>, vector<1x1x1x16xf32>,
        %get3A_1795 = vector.shape_cast %get3A_1794 : vector<1x1x1x16xf32> to vector<16xf32>
        %mul3A_1796 = arith.mulf %get3A_1786, %get3A_1795 : vector<16xf32>
        %add3A_1797 = arith.addf %add3A_1781, %mul3A_1796 : vector<16xf32>
        %get3A_1798 = arith.constant 3 : i32
        %get3A_1799 = arith.index_cast %get3A_1798 : i32 to index
        %get3A_1800 = arith.constant 0 : index
        %get3A_1801 = tpu.vector_load %arg9[%get3A_1799, %get3A_1800] {strides = array<i32>} : memref<7x16xf32, #tpu.memory_space<vmem>>, vector<1x16xf32>,
        %get3A_1802 = vector.shape_cast %get3A_1801 : vector<1x16xf32> to vector<16xf32>
        %get3A_1803 = arith.constant 0 : i32
        %get3A_1804 = arith.constant 3 : i32
        %get3A_1805 = arith.constant 6 : i32
        %get3A_1806 = arith.index_cast %get3A_1803 : i32 to index
        %get3A_1807 = arith.index_cast %get3A_1804 : i32 to index
        %get3A_1808 = arith.index_cast %get3A_1805 : i32 to index
        %get3A_1809 = arith.index_cast %mul3A_1050 : i32 to index
        %get3A_1810 = tpu.vector_load %arg6[%get3A_1806, %get3A_1807, %get3A_1808, %get3A_1809] {strides = array<i32>} : memref<2x7x8x1024xf32, #tpu.memory_space<vmem>>, vector<1x1x1x16xf32>,
        %get3A_1811 = vector.shape_cast %get3A_1810 : vector<1x1x1x16xf32> to vector<16xf32>
        %mul3A_1812 = arith.mulf %get3A_1802, %get3A_1811 : vector<16xf32>
        %add3A_1813 = arith.addf %add3A_1797, %mul3A_1812 : vector<16xf32>
        %get3A_1814 = arith.constant 4 : i32
        %get3A_1815 = arith.index_cast %get3A_1814 : i32 to index
        %get3A_1816 = arith.constant 0 : index
        %get3A_1817 = tpu.vector_load %arg9[%get3A_1815, %get3A_1816] {strides = array<i32>} : memref<7x16xf32, #tpu.memory_space<vmem>>, vector<1x16xf32>,
        %get3A_1818 = vector.shape_cast %get3A_1817 : vector<1x16xf32> to vector<16xf32>
        %get3A_1819 = arith.constant 0 : i32
        %get3A_1820 = arith.constant 4 : i32
        %get3A_1821 = arith.constant 6 : i32
        %get3A_1822 = arith.index_cast %get3A_1819 : i32 to index
        %get3A_1823 = arith.index_cast %get3A_1820 : i32 to index
        %get3A_1824 = arith.index_cast %get3A_1821 : i32 to index
        %get3A_1825 = arith.index_cast %mul3A_1050 : i32 to index
        %get3A_1826 = tpu.vector_load %arg6[%get3A_1822, %get3A_1823, %get3A_1824, %get3A_1825] {strides = array<i32>} : memref<2x7x8x1024xf32, #tpu.memory_space<vmem>>, vector<1x1x1x16xf32>,
        %get3A_1827 = vector.shape_cast %get3A_1826 : vector<1x1x1x16xf32> to vector<16xf32>
        %mul3A_1828 = arith.mulf %get3A_1818, %get3A_1827 : vector<16xf32>
        %add3A_1829 = arith.addf %add3A_1813, %mul3A_1828 : vector<16xf32>
        %get3A_1830 = arith.constant 5 : i32
        %get3A_1831 = arith.index_cast %get3A_1830 : i32 to index
        %get3A_1832 = arith.constant 0 : index
        %get3A_1833 = tpu.vector_load %arg9[%get3A_1831, %get3A_1832] {strides = array<i32>} : memref<7x16xf32, #tpu.memory_space<vmem>>, vector<1x16xf32>,
        %get3A_1834 = vector.shape_cast %get3A_1833 : vector<1x16xf32> to vector<16xf32>
        %get3A_1835 = arith.constant 0 : i32
        %get3A_1836 = arith.constant 5 : i32
        %get3A_1837 = arith.constant 6 : i32
        %get3A_1838 = arith.index_cast %get3A_1835 : i32 to index
        %get3A_1839 = arith.index_cast %get3A_1836 : i32 to index
        %get3A_1840 = arith.index_cast %get3A_1837 : i32 to index
        %get3A_1841 = arith.index_cast %mul3A_1050 : i32 to index
        %get3A_1842 = tpu.vector_load %arg6[%get3A_1838, %get3A_1839, %get3A_1840, %get3A_1841] {strides = array<i32>} : memref<2x7x8x1024xf32, #tpu.memory_space<vmem>>, vector<1x1x1x16xf32>,
        %get3A_1843 = vector.shape_cast %get3A_1842 : vector<1x1x1x16xf32> to vector<16xf32>
        %mul3A_1844 = arith.mulf %get3A_1834, %get3A_1843 : vector<16xf32>
        %add3A_1845 = arith.addf %add3A_1829, %mul3A_1844 : vector<16xf32>
        %get3A_1846 = arith.constant 6 : i32
        %get3A_1847 = arith.index_cast %get3A_1846 : i32 to index
        %get3A_1848 = arith.constant 0 : index
        %get3A_1849 = tpu.vector_load %arg9[%get3A_1847, %get3A_1848] {strides = array<i32>} : memref<7x16xf32, #tpu.memory_space<vmem>>, vector<1x16xf32>,
        %get3A_1850 = vector.shape_cast %get3A_1849 : vector<1x16xf32> to vector<16xf32>
        %get3A_1851 = arith.constant 0 : i32
        %get3A_1852 = arith.constant 6 : i32
        %get3A_1853 = arith.constant 6 : i32
        %get3A_1854 = arith.index_cast %get3A_1851 : i32 to index
        %get3A_1855 = arith.index_cast %get3A_1852 : i32 to index
        %get3A_1856 = arith.index_cast %get3A_1853 : i32 to index
        %get3A_1857 = arith.index_cast %mul3A_1050 : i32 to index
        %get3A_1858 = tpu.vector_load %arg6[%get3A_1854, %get3A_1855, %get3A_1856, %get3A_1857] {strides = array<i32>} : memref<2x7x8x1024xf32, #tpu.memory_space<vmem>>, vector<1x1x1x16xf32>,
        %get3A_1859 = vector.shape_cast %get3A_1858 : vector<1x1x1x16xf32> to vector<16xf32>
        %mul3A_1860 = arith.mulf %get3A_1850, %get3A_1859 : vector<16xf32>
        %add3A_1861 = arith.addf %add3A_1845, %mul3A_1860 : vector<16xf32>
        %swap3A_1862 = arith.constant 6 : i32
        %swap3A_1863 = arith.index_cast %swap3A_1862 : i32 to index
        %swap3A_1864 = arith.index_cast %mul3A_1050 : i32 to index
        %swap3A_1865 = tpu.vector_load %arg7[%swap3A_1863, %swap3A_1864] {strides = array<i32>} : memref<8x1024xf32, #tpu.memory_space<vmem>>, vector<1x16xf32>,
        %swap3A_1866 = vector.shape_cast %swap3A_1865 : vector<1x16xf32> to vector<16xf32>
        %swap3A_1867 = vector.shape_cast %add3A_1861 : vector<16xf32> to vector<1x16xf32>
        tpu.vector_store %arg7[%swap3A_1863, %swap3A_1864], %swap3A_1867 {strides = array<i32>} : memref<8x1024xf32, #tpu.memory_space<vmem>>, vector<1x16xf32>,
        %get3A_1868 = arith.constant 0 : i32
        %get3A_1869 = arith.index_cast %get3A_1868 : i32 to index
        %get3A_1870 = arith.constant 0 : index
        %get3A_1871 = tpu.vector_load %arg9[%get3A_1869, %get3A_1870] {strides = array<i32>} : memref<7x16xf32, #tpu.memory_space<vmem>>, vector<1x16xf32>,
        %get3A_1872 = vector.shape_cast %get3A_1871 : vector<1x16xf32> to vector<16xf32>
        %get3A_1873 = arith.constant 0 : i32
        %get3A_1874 = arith.constant 0 : i32
        %get3A_1875 = arith.constant 7 : i32
        %get3A_1876 = arith.index_cast %get3A_1873 : i32 to index
        %get3A_1877 = arith.index_cast %get3A_1874 : i32 to index
        %get3A_1878 = arith.index_cast %get3A_1875 : i32 to index
        %get3A_1879 = arith.index_cast %mul3A_1050 : i32 to index
        %get3A_1880 = tpu.vector_load %arg6[%get3A_1876, %get3A_1877, %get3A_1878, %get3A_1879] {strides = array<i32>} : memref<2x7x8x1024xf32, #tpu.memory_space<vmem>>, vector<1x1x1x16xf32>,
        %get3A_1881 = vector.shape_cast %get3A_1880 : vector<1x1x1x16xf32> to vector<16xf32>
        %mul3A_1882 = arith.mulf %get3A_1872, %get3A_1881 : vector<16xf32>
        %get3A_1883 = arith.constant 1 : i32
        %get3A_1884 = arith.index_cast %get3A_1883 : i32 to index
        %get3A_1885 = arith.constant 0 : index
        %get3A_1886 = tpu.vector_load %arg9[%get3A_1884, %get3A_1885] {strides = array<i32>} : memref<7x16xf32, #tpu.memory_space<vmem>>, vector<1x16xf32>,
        %get3A_1887 = vector.shape_cast %get3A_1886 : vector<1x16xf32> to vector<16xf32>
        %get3A_1888 = arith.constant 0 : i32
        %get3A_1889 = arith.constant 1 : i32
        %get3A_1890 = arith.constant 7 : i32
        %get3A_1891 = arith.index_cast %get3A_1888 : i32 to index
        %get3A_1892 = arith.index_cast %get3A_1889 : i32 to index
        %get3A_1893 = arith.index_cast %get3A_1890 : i32 to index
        %get3A_1894 = arith.index_cast %mul3A_1050 : i32 to index
        %get3A_1895 = tpu.vector_load %arg6[%get3A_1891, %get3A_1892, %get3A_1893, %get3A_1894] {strides = array<i32>} : memref<2x7x8x1024xf32, #tpu.memory_space<vmem>>, vector<1x1x1x16xf32>,
        %get3A_1896 = vector.shape_cast %get3A_1895 : vector<1x1x1x16xf32> to vector<16xf32>
        %mul3A_1897 = arith.mulf %get3A_1887, %get3A_1896 : vector<16xf32>
        %add3A_1898 = arith.addf %mul3A_1882, %mul3A_1897 : vector<16xf32>
        %get3A_1899 = arith.constant 2 : i32
        %get3A_1900 = arith.index_cast %get3A_1899 : i32 to index
        %get3A_1901 = arith.constant 0 : index
        %get3A_1902 = tpu.vector_load %arg9[%get3A_1900, %get3A_1901] {strides = array<i32>} : memref<7x16xf32, #tpu.memory_space<vmem>>, vector<1x16xf32>,
        %get3A_1903 = vector.shape_cast %get3A_1902 : vector<1x16xf32> to vector<16xf32>
        %get3A_1904 = arith.constant 0 : i32
        %get3A_1905 = arith.constant 2 : i32
        %get3A_1906 = arith.constant 7 : i32
        %get3A_1907 = arith.index_cast %get3A_1904 : i32 to index
        %get3A_1908 = arith.index_cast %get3A_1905 : i32 to index
        %get3A_1909 = arith.index_cast %get3A_1906 : i32 to index
        %get3A_1910 = arith.index_cast %mul3A_1050 : i32 to index
        %get3A_1911 = tpu.vector_load %arg6[%get3A_1907, %get3A_1908, %get3A_1909, %get3A_1910] {strides = array<i32>} : memref<2x7x8x1024xf32, #tpu.memory_space<vmem>>, vector<1x1x1x16xf32>,
        %get3A_1912 = vector.shape_cast %get3A_1911 : vector<1x1x1x16xf32> to vector<16xf32>
        %mul3A_1913 = arith.mulf %get3A_1903, %get3A_1912 : vector<16xf32>
        %add3A_1914 = arith.addf %add3A_1898, %mul3A_1913 : vector<16xf32>
        %get3A_1915 = arith.constant 3 : i32
        %get3A_1916 = arith.index_cast %get3A_1915 : i32 to index
        %get3A_1917 = arith.constant 0 : index
        %get3A_1918 = tpu.vector_load %arg9[%get3A_1916, %get3A_1917] {strides = array<i32>} : memref<7x16xf32, #tpu.memory_space<vmem>>, vector<1x16xf32>,
        %get3A_1919 = vector.shape_cast %get3A_1918 : vector<1x16xf32> to vector<16xf32>
        %get3A_1920 = arith.constant 0 : i32
        %get3A_1921 = arith.constant 3 : i32
        %get3A_1922 = arith.constant 7 : i32
        %get3A_1923 = arith.index_cast %get3A_1920 : i32 to index
        %get3A_1924 = arith.index_cast %get3A_1921 : i32 to index
        %get3A_1925 = arith.index_cast %get3A_1922 : i32 to index
        %get3A_1926 = arith.index_cast %mul3A_1050 : i32 to index
        %get3A_1927 = tpu.vector_load %arg6[%get3A_1923, %get3A_1924, %get3A_1925, %get3A_1926] {strides = array<i32>} : memref<2x7x8x1024xf32, #tpu.memory_space<vmem>>, vector<1x1x1x16xf32>,
        %get3A_1928 = vector.shape_cast %get3A_1927 : vector<1x1x1x16xf32> to vector<16xf32>
        %mul3A_1929 = arith.mulf %get3A_1919, %get3A_1928 : vector<16xf32>
        %add3A_1930 = arith.addf %add3A_1914, %mul3A_1929 : vector<16xf32>
        %get3A_1931 = arith.constant 4 : i32
        %get3A_1932 = arith.index_cast %get3A_1931 : i32 to index
        %get3A_1933 = arith.constant 0 : index
        %get3A_1934 = tpu.vector_load %arg9[%get3A_1932, %get3A_1933] {strides = array<i32>} : memref<7x16xf32, #tpu.memory_space<vmem>>, vector<1x16xf32>,
        %get3A_1935 = vector.shape_cast %get3A_1934 : vector<1x16xf32> to vector<16xf32>
        %get3A_1936 = arith.constant 0 : i32
        %get3A_1937 = arith.constant 4 : i32
        %get3A_1938 = arith.constant 7 : i32
        %get3A_1939 = arith.index_cast %get3A_1936 : i32 to index
        %get3A_1940 = arith.index_cast %get3A_1937 : i32 to index
        %get3A_1941 = arith.index_cast %get3A_1938 : i32 to index
        %get3A_1942 = arith.index_cast %mul3A_1050 : i32 to index
        %get3A_1943 = tpu.vector_load %arg6[%get3A_1939, %get3A_1940, %get3A_1941, %get3A_1942] {strides = array<i32>} : memref<2x7x8x1024xf32, #tpu.memory_space<vmem>>, vector<1x1x1x16xf32>,
        %get3A_1944 = vector.shape_cast %get3A_1943 : vector<1x1x1x16xf32> to vector<16xf32>
        %mul3A_1945 = arith.mulf %get3A_1935, %get3A_1944 : vector<16xf32>
        %add3A_1946 = arith.addf %add3A_1930, %mul3A_1945 : vector<16xf32>
        %get3A_1947 = arith.constant 5 : i32
        %get3A_1948 = arith.index_cast %get3A_1947 : i32 to index
        %get3A_1949 = arith.constant 0 : index
        %get3A_1950 = tpu.vector_load %arg9[%get3A_1948, %get3A_1949] {strides = array<i32>} : memref<7x16xf32, #tpu.memory_space<vmem>>, vector<1x16xf32>,
        %get3A_1951 = vector.shape_cast %get3A_1950 : vector<1x16xf32> to vector<16xf32>
        %get3A_1952 = arith.constant 0 : i32
        %get3A_1953 = arith.constant 5 : i32
        %get3A_1954 = arith.constant 7 : i32
        %get3A_1955 = arith.index_cast %get3A_1952 : i32 to index
        %get3A_1956 = arith.index_cast %get3A_1953 : i32 to index
        %get3A_1957 = arith.index_cast %get3A_1954 : i32 to index
        %get3A_1958 = arith.index_cast %mul3A_1050 : i32 to index
        %get3A_1959 = tpu.vector_load %arg6[%get3A_1955, %get3A_1956, %get3A_1957, %get3A_1958] {strides = array<i32>} : memref<2x7x8x1024xf32, #tpu.memory_space<vmem>>, vector<1x1x1x16xf32>,
        %get3A_1960 = vector.shape_cast %get3A_1959 : vector<1x1x1x16xf32> to vector<16xf32>
        %mul3A_1961 = arith.mulf %get3A_1951, %get3A_1960 : vector<16xf32>
        %add3A_1962 = arith.addf %add3A_1946, %mul3A_1961 : vector<16xf32>
        %get3A_1963 = arith.constant 6 : i32
        %get3A_1964 = arith.index_cast %get3A_1963 : i32 to index
        %get3A_1965 = arith.constant 0 : index
        %get3A_1966 = tpu.vector_load %arg9[%get3A_1964, %get3A_1965] {strides = array<i32>} : memref<7x16xf32, #tpu.memory_space<vmem>>, vector<1x16xf32>,
        %get3A_1967 = vector.shape_cast %get3A_1966 : vector<1x16xf32> to vector<16xf32>
        %get3A_1968 = arith.constant 0 : i32
        %get3A_1969 = arith.constant 6 : i32
        %get3A_1970 = arith.constant 7 : i32
        %get3A_1971 = arith.index_cast %get3A_1968 : i32 to index
        %get3A_1972 = arith.index_cast %get3A_1969 : i32 to index
        %get3A_1973 = arith.index_cast %get3A_1970 : i32 to index
        %get3A_1974 = arith.index_cast %mul3A_1050 : i32 to index
        %get3A_1975 = tpu.vector_load %arg6[%get3A_1971, %get3A_1972, %get3A_1973, %get3A_1974] {strides = array<i32>} : memref<2x7x8x1024xf32, #tpu.memory_space<vmem>>, vector<1x1x1x16xf32>,
        %get3A_1976 = vector.shape_cast %get3A_1975 : vector<1x1x1x16xf32> to vector<16xf32>
        %mul3A_1977 = arith.mulf %get3A_1967, %get3A_1976 : vector<16xf32>
        %add3A_1978 = arith.addf %add3A_1962, %mul3A_1977 : vector<16xf32>
        %swap3A_1979 = arith.constant 7 : i32
        %swap3A_1980 = arith.index_cast %swap3A_1979 : i32 to index
        %swap3A_1981 = arith.index_cast %mul3A_1050 : i32 to index
        %swap3A_1982 = tpu.vector_load %arg7[%swap3A_1980, %swap3A_1981] {strides = array<i32>} : memref<8x1024xf32, #tpu.memory_space<vmem>>, vector<1x16xf32>,
        %swap3A_1983 = vector.shape_cast %swap3A_1982 : vector<1x16xf32> to vector<16xf32>
        %swap3A_1984 = vector.shape_cast %add3A_1978 : vector<16xf32> to vector<1x16xf32>
        tpu.vector_store %arg7[%swap3A_1980, %swap3A_1981], %swap3A_1984 {strides = array<i32>} : memref<8x1024xf32, #tpu.memory_space<vmem>>, vector<1x16xf32>,
        %scan3A_1985 = arith.constant 0 : i32
        scf.yield %scan3A_1985 : i32
      }
      %scan3A_692 = arith.constant 64 : i32
      %mul3A_693 = arith.constant 8 : i32
      %mul3A_694 = arith.muli %mul3A_349, %mul3A_693 : i32
      %add3A_695 = arith.addi %mul3A_34, %mul3A_694 : i32
      "tpu.region"() ({
        %run_scoped3A = tpu.sem_alloc : memref<!tpu.dma_semaphore, #tpu.memory_space<semaphore_mem>>
        %dma_start3A_1047 = arith.constant 0 : i32
        %dma_start3A_1048 = tpu.memref_slice %arg5[%select_n3A, %add3A_695, %dma_start3A_1047] : memref<4x2048x1024xf32, #tpu.memory_space<hbm>> -> memref<1x8x1024xf32, #tpu.memory_space<hbm>>
        %dma_start3A_1049 = tpu.memref_squeeze %dma_start3A_1048 : memref<1x8x1024xf32, #tpu.memory_space<hbm>> -> memref<8x1024xf32, #tpu.memory_space<hbm>>
        %dma_start3A_1050 = arith.constant 0 : i32
        %dma_start3A_1051 = tpu.memref_slice %arg5[%select_n3A, %add3A_695, %dma_start3A_1050] : memref<4x2048x1024xf32, #tpu.memory_space<hbm>> -> memref<1x8x1024xf32, #tpu.memory_space<hbm>>
        %dma_start3A_1052 = tpu.memref_squeeze %dma_start3A_1051 : memref<1x8x1024xf32, #tpu.memory_space<hbm>> -> memref<8x1024xf32, #tpu.memory_space<hbm>>
        tpu.enqueue_dma source(%arg7 : memref<8x1024xf32, #tpu.memory_space<vmem>>) target(%dma_start3A_1052 : memref<8x1024xf32, #tpu.memory_space<hbm>>) target_semaphore(%run_scoped3A : memref<!tpu.dma_semaphore, #tpu.memory_space<semaphore_mem>>)
        %dma_wait3A_1053 = arith.constant 0 : i32
        %dma_wait3A_1054 = tpu.memref_slice %arg5[%select_n3A, %add3A_695, %dma_wait3A_1053] : memref<4x2048x1024xf32, #tpu.memory_space<hbm>> -> memref<1x8x1024xf32, #tpu.memory_space<hbm>>
        %dma_wait3A_1055 = tpu.memref_squeeze %dma_wait3A_1054 : memref<1x8x1024xf32, #tpu.memory_space<hbm>> -> memref<8x1024xf32, #tpu.memory_space<hbm>>
        %dma_wait3A_1056 = arith.constant 0 : i32
        %dma_wait3A_1057 = tpu.memref_slice %arg5[%select_n3A, %add3A_695, %dma_wait3A_1056] : memref<4x2048x1024xf32, #tpu.memory_space<hbm>> -> memref<1x8x1024xf32, #tpu.memory_space<hbm>>
        %dma_wait3A_1058 = tpu.memref_squeeze %dma_wait3A_1057 : memref<1x8x1024xf32, #tpu.memory_space<hbm>> -> memref<8x1024xf32, #tpu.memory_space<hbm>>
        tpu.wait_dma2 semaphore(%run_scoped3A : memref<!tpu.dma_semaphore, #tpu.memory_space<semaphore_mem>>) src(%arg7 : memref<8x1024xf32, #tpu.memory_space<vmem>>) dst(%dma_wait3A_1058 : memref<8x1024xf32, #tpu.memory_space<hbm>>)
        tpu.yield
      }) : () -> ()
      %mul3A_696 = arith.constant 2 : i32
      %mul3A_697 = arith.muli %mul3A_696, %scan3A_346 : i32
      %add3A_698 = arith.constant 1 : i32
      %add3A_699 = arith.addi %mul3A_697, %add3A_698 : i32
      %add3A_700 = arith.constant 1 : i32
      %add3A_701 = arith.addi %add3A_699, %add3A_700 : i32
      %mul3A_702 = arith.constant 8 : i32
      %mul3A_703 = arith.muli %add3A_701, %mul3A_702 : i32
      %multiple_of3A_704 = tpu.assume_multiple %mul3A_703, 8 : i32
      %dma_start3A_705 = arith.constant 0 : i32
      %dma_start3A_706 = arith.constant 0 : i32
      %dma_start3A_707 = arith.constant 0 : i32
      %dma_start3A_708 = arith.constant 0 : i32
      %dma_start3A_709 = arith.constant 0 : i32
      %dma_start3A_710 = arith.constant 0 : i32
      %dma_start3A_711 = arith.constant 0 : i32
      %dma_start3A_712 = tpu.memref_slice %arg6[%dma_start3A_706, %dma_start3A_707, %dma_start3A_710, %dma_start3A_711] : memref<2x7x8x1024xf32, #tpu.memory_space<vmem>> -> memref<1x1x8x1024xf32, #tpu.memory_space<vmem>>
      %dma_start3A_713 = tpu.memref_squeeze %dma_start3A_712 : memref<1x1x8x1024xf32, #tpu.memory_space<vmem>> -> memref<8x1024xf32, #tpu.memory_space<vmem>>
      %dma_start3A_714 = tpu.memref_slice %arg8[%dma_start3A_705, %multiple_of3A_704] : memref<7x384xi32, #tpu.memory_space<vmem>> -> memref<1x8xi32, #tpu.memory_space<vmem>>
      %dma_start3A_715 = tpu.memref_squeeze %dma_start3A_714 : memref<1x8xi32, #tpu.memory_space<vmem>> -> memref<8xi32, #tpu.memory_space<vmem>>
      %dma_start3A_716 = arith.constant 0 : i32
      %dma_start3A_717 = arith.constant 0 : i32
      %dma_start3A_718 = tpu.memref_slice %arg4[%add3A_18, %dma_start3A_716, %dma_start3A_717] : memref<4x2048x1024xf32, #tpu.memory_space<hbm>> -> memref<1x2048x1024xf32, #tpu.memory_space<hbm>>
      %dma_start3A_719 = tpu.memref_squeeze %dma_start3A_718 : memref<1x2048x1024xf32, #tpu.memory_space<hbm>> -> memref<2048x1024xf32, #tpu.memory_space<hbm>>
      %dma_start3A_720 = arith.constant 0 : i32
      %dma_start3A_721 = arith.constant 0 : i32
      %dma_start3A_722 = tpu.memref_slice %dma_start3A_719[%dma_start3A_720, %dma_start3A_721] : memref<2048x1024xf32, #tpu.memory_space<hbm>> -> memref<2048x1024xf32, #tpu.memory_space<hbm>>
      %dma_start3A_723 = tpu.memref_slice %arg10[%dma_start3A_708, %dma_start3A_709] : memref<2x7x!tpu.dma_semaphore, #tpu.memory_space<semaphore_mem>> -> memref<1x1x!tpu.dma_semaphore, #tpu.memory_space<semaphore_mem>>
      %dma_start3A_724 = tpu.memref_squeeze %dma_start3A_723 : memref<1x1x!tpu.dma_semaphore, #tpu.memory_space<semaphore_mem>> -> memref<!tpu.dma_semaphore, #tpu.memory_space<semaphore_mem>>
      tpu.enqueue_indirect_dma source(%dma_start3A_722 : memref<2048x1024xf32, #tpu.memory_space<hbm>>) target(%dma_start3A_713 : memref<8x1024xf32, #tpu.memory_space<vmem>>) offsets(%dma_start3A_715 : memref<8xi32, #tpu.memory_space<vmem>>) semaphore(%dma_start3A_724 : memref<!tpu.dma_semaphore, #tpu.memory_space<semaphore_mem>>)
      %add3A_725 = arith.constant 1 : i32
      %add3A_726 = arith.addi %add3A_699, %add3A_725 : i32
      %mul3A_727 = arith.constant 8 : i32
      %mul3A_728 = arith.muli %add3A_726, %mul3A_727 : i32
      %multiple_of3A_729 = tpu.assume_multiple %mul3A_728, 8 : i32
      %dma_start3A_730 = arith.constant 1 : i32
      %dma_start3A_731 = arith.constant 0 : i32
      %dma_start3A_732 = arith.constant 1 : i32
      %dma_start3A_733 = arith.constant 0 : i32
      %dma_start3A_734 = arith.constant 1 : i32
      %dma_start3A_735 = arith.constant 0 : i32
      %dma_start3A_736 = arith.constant 0 : i32
      %dma_start3A_737 = tpu.memref_slice %arg6[%dma_start3A_731, %dma_start3A_732, %dma_start3A_735, %dma_start3A_736] : memref<2x7x8x1024xf32, #tpu.memory_space<vmem>> -> memref<1x1x8x1024xf32, #tpu.memory_space<vmem>>
      %dma_start3A_738 = tpu.memref_squeeze %dma_start3A_737 : memref<1x1x8x1024xf32, #tpu.memory_space<vmem>> -> memref<8x1024xf32, #tpu.memory_space<vmem>>
      %dma_start3A_739 = tpu.memref_slice %arg8[%dma_start3A_730, %multiple_of3A_729] : memref<7x384xi32, #tpu.memory_space<vmem>> -> memref<1x8xi32, #tpu.memory_space<vmem>>
      %dma_start3A_740 = tpu.memref_squeeze %dma_start3A_739 : memref<1x8xi32, #tpu.memory_space<vmem>> -> memref<8xi32, #tpu.memory_space<vmem>>
      %dma_start3A_741 = arith.constant 0 : i32
      %dma_start3A_742 = arith.constant 0 : i32
      %dma_start3A_743 = tpu.memref_slice %arg4[%add3A_18, %dma_start3A_741, %dma_start3A_742] : memref<4x2048x1024xf32, #tpu.memory_space<hbm>> -> memref<1x2048x1024xf32, #tpu.memory_space<hbm>>
      %dma_start3A_744 = tpu.memref_squeeze %dma_start3A_743 : memref<1x2048x1024xf32, #tpu.memory_space<hbm>> -> memref<2048x1024xf32, #tpu.memory_space<hbm>>
      %dma_start3A_745 = arith.constant 0 : i32
      %dma_start3A_746 = arith.constant 0 : i32
      %dma_start3A_747 = tpu.memref_slice %dma_start3A_744[%dma_start3A_745, %dma_start3A_746] : memref<2048x1024xf32, #tpu.memory_space<hbm>> -> memref<2048x1024xf32, #tpu.memory_space<hbm>>
      %dma_start3A_748 = tpu.memref_slice %arg10[%dma_start3A_733, %dma_start3A_734] : memref<2x7x!tpu.dma_semaphore, #tpu.memory_space<semaphore_mem>> -> memref<1x1x!tpu.dma_semaphore, #tpu.memory_space<semaphore_mem>>
      %dma_start3A_749 = tpu.memref_squeeze %dma_start3A_748 : memref<1x1x!tpu.dma_semaphore, #tpu.memory_space<semaphore_mem>> -> memref<!tpu.dma_semaphore, #tpu.memory_space<semaphore_mem>>
      tpu.enqueue_indirect_dma source(%dma_start3A_747 : memref<2048x1024xf32, #tpu.memory_space<hbm>>) target(%dma_start3A_738 : memref<8x1024xf32, #tpu.memory_space<vmem>>) offsets(%dma_start3A_740 : memref<8xi32, #tpu.memory_space<vmem>>) semaphore(%dma_start3A_749 : memref<!tpu.dma_semaphore, #tpu.memory_space<semaphore_mem>>)
      %add3A_750 = arith.constant 1 : i32
      %add3A_751 = arith.addi %add3A_699, %add3A_750 : i32
      %mul3A_752 = arith.constant 8 : i32
      %mul3A_753 = arith.muli %add3A_751, %mul3A_752 : i32
      %multiple_of3A_754 = tpu.assume_multiple %mul3A_753, 8 : i32
      %dma_start3A_755 = arith.constant 2 : i32
      %dma_start3A_756 = arith.constant 0 : i32
      %dma_start3A_757 = arith.constant 2 : i32
      %dma_start3A_758 = arith.constant 0 : i32
      %dma_start3A_759 = arith.constant 2 : i32
      %dma_start3A_760 = arith.constant 0 : i32
      %dma_start3A_761 = arith.constant 0 : i32
      %dma_start3A_762 = tpu.memref_slice %arg6[%dma_start3A_756, %dma_start3A_757, %dma_start3A_760, %dma_start3A_761] : memref<2x7x8x1024xf32, #tpu.memory_space<vmem>> -> memref<1x1x8x1024xf32, #tpu.memory_space<vmem>>
      %dma_start3A_763 = tpu.memref_squeeze %dma_start3A_762 : memref<1x1x8x1024xf32, #tpu.memory_space<vmem>> -> memref<8x1024xf32, #tpu.memory_space<vmem>>
      %dma_start3A_764 = tpu.memref_slice %arg8[%dma_start3A_755, %multiple_of3A_754] : memref<7x384xi32, #tpu.memory_space<vmem>> -> memref<1x8xi32, #tpu.memory_space<vmem>>
      %dma_start3A_765 = tpu.memref_squeeze %dma_start3A_764 : memref<1x8xi32, #tpu.memory_space<vmem>> -> memref<8xi32, #tpu.memory_space<vmem>>
      %dma_start3A_766 = arith.constant 0 : i32
      %dma_start3A_767 = arith.constant 0 : i32
      %dma_start3A_768 = tpu.memref_slice %arg4[%add3A_18, %dma_start3A_766, %dma_start3A_767] : memref<4x2048x1024xf32, #tpu.memory_space<hbm>> -> memref<1x2048x1024xf32, #tpu.memory_space<hbm>>
      %dma_start3A_769 = tpu.memref_squeeze %dma_start3A_768 : memref<1x2048x1024xf32, #tpu.memory_space<hbm>> -> memref<2048x1024xf32, #tpu.memory_space<hbm>>
      %dma_start3A_770 = arith.constant 0 : i32
      %dma_start3A_771 = arith.constant 0 : i32
      %dma_start3A_772 = tpu.memref_slice %dma_start3A_769[%dma_start3A_770, %dma_start3A_771] : memref<2048x1024xf32, #tpu.memory_space<hbm>> -> memref<2048x1024xf32, #tpu.memory_space<hbm>>
      %dma_start3A_773 = tpu.memref_slice %arg10[%dma_start3A_758, %dma_start3A_759] : memref<2x7x!tpu.dma_semaphore, #tpu.memory_space<semaphore_mem>> -> memref<1x1x!tpu.dma_semaphore, #tpu.memory_space<semaphore_mem>>
      %dma_start3A_774 = tpu.memref_squeeze %dma_start3A_773 : memref<1x1x!tpu.dma_semaphore, #tpu.memory_space<semaphore_mem>> -> memref<!tpu.dma_semaphore, #tpu.memory_space<semaphore_mem>>
      tpu.enqueue_indirect_dma source(%dma_start3A_772 : memref<2048x1024xf32, #tpu.memory_space<hbm>>) target(%dma_start3A_763 : memref<8x1024xf32, #tpu.memory_space<vmem>>) offsets(%dma_start3A_765 : memref<8xi32, #tpu.memory_space<vmem>>) semaphore(%dma_start3A_774 : memref<!tpu.dma_semaphore, #tpu.memory_space<semaphore_mem>>)
      %add3A_775 = arith.constant 1 : i32
      %add3A_776 = arith.addi %add3A_699, %add3A_775 : i32
      %mul3A_777 = arith.constant 8 : i32
      %mul3A_778 = arith.muli %add3A_776, %mul3A_777 : i32
      %multiple_of3A_779 = tpu.assume_multiple %mul3A_778, 8 : i32
      %dma_start3A_780 = arith.constant 3 : i32
      %dma_start3A_781 = arith.constant 0 : i32
      %dma_start3A_782 = arith.constant 3 : i32
      %dma_start3A_783 = arith.constant 0 : i32
      %dma_start3A_784 = arith.constant 3 : i32
      %dma_start3A_785 = arith.constant 0 : i32
      %dma_start3A_786 = arith.constant 0 : i32
      %dma_start3A_787 = tpu.memref_slice %arg6[%dma_start3A_781, %dma_start3A_782, %dma_start3A_785, %dma_start3A_786] : memref<2x7x8x1024xf32, #tpu.memory_space<vmem>> -> memref<1x1x8x1024xf32, #tpu.memory_space<vmem>>
      %dma_start3A_788 = tpu.memref_squeeze %dma_start3A_787 : memref<1x1x8x1024xf32, #tpu.memory_space<vmem>> -> memref<8x1024xf32, #tpu.memory_space<vmem>>
      %dma_start3A_789 = tpu.memref_slice %arg8[%dma_start3A_780, %multiple_of3A_779] : memref<7x384xi32, #tpu.memory_space<vmem>> -> memref<1x8xi32, #tpu.memory_space<vmem>>
      %dma_start3A_790 = tpu.memref_squeeze %dma_start3A_789 : memref<1x8xi32, #tpu.memory_space<vmem>> -> memref<8xi32, #tpu.memory_space<vmem>>
      %dma_start3A_791 = arith.constant 0 : i32
      %dma_start3A_792 = arith.constant 0 : i32
      %dma_start3A_793 = tpu.memref_slice %arg4[%add3A_18, %dma_start3A_791, %dma_start3A_792] : memref<4x2048x1024xf32, #tpu.memory_space<hbm>> -> memref<1x2048x1024xf32, #tpu.memory_space<hbm>>
      %dma_start3A_794 = tpu.memref_squeeze %dma_start3A_793 : memref<1x2048x1024xf32, #tpu.memory_space<hbm>> -> memref<2048x1024xf32, #tpu.memory_space<hbm>>
      %dma_start3A_795 = arith.constant 0 : i32
      %dma_start3A_796 = arith.constant 0 : i32
      %dma_start3A_797 = tpu.memref_slice %dma_start3A_794[%dma_start3A_795, %dma_start3A_796] : memref<2048x1024xf32, #tpu.memory_space<hbm>> -> memref<2048x1024xf32, #tpu.memory_space<hbm>>
      %dma_start3A_798 = tpu.memref_slice %arg10[%dma_start3A_783, %dma_start3A_784] : memref<2x7x!tpu.dma_semaphore, #tpu.memory_space<semaphore_mem>> -> memref<1x1x!tpu.dma_semaphore, #tpu.memory_space<semaphore_mem>>
      %dma_start3A_799 = tpu.memref_squeeze %dma_start3A_798 : memref<1x1x!tpu.dma_semaphore, #tpu.memory_space<semaphore_mem>> -> memref<!tpu.dma_semaphore, #tpu.memory_space<semaphore_mem>>
      tpu.enqueue_indirect_dma source(%dma_start3A_797 : memref<2048x1024xf32, #tpu.memory_space<hbm>>) target(%dma_start3A_788 : memref<8x1024xf32, #tpu.memory_space<vmem>>) offsets(%dma_start3A_790 : memref<8xi32, #tpu.memory_space<vmem>>) semaphore(%dma_start3A_799 : memref<!tpu.dma_semaphore, #tpu.memory_space<semaphore_mem>>)
      %add3A_800 = arith.constant 1 : i32
      %add3A_801 = arith.addi %add3A_699, %add3A_800 : i32
      %mul3A_802 = arith.constant 8 : i32
      %mul3A_803 = arith.muli %add3A_801, %mul3A_802 : i32
      %multiple_of3A_804 = tpu.assume_multiple %mul3A_803, 8 : i32
      %dma_start3A_805 = arith.constant 4 : i32
      %dma_start3A_806 = arith.constant 0 : i32
      %dma_start3A_807 = arith.constant 4 : i32
      %dma_start3A_808 = arith.constant 0 : i32
      %dma_start3A_809 = arith.constant 4 : i32
      %dma_start3A_810 = arith.constant 0 : i32
      %dma_start3A_811 = arith.constant 0 : i32
      %dma_start3A_812 = tpu.memref_slice %arg6[%dma_start3A_806, %dma_start3A_807, %dma_start3A_810, %dma_start3A_811] : memref<2x7x8x1024xf32, #tpu.memory_space<vmem>> -> memref<1x1x8x1024xf32, #tpu.memory_space<vmem>>
      %dma_start3A_813 = tpu.memref_squeeze %dma_start3A_812 : memref<1x1x8x1024xf32, #tpu.memory_space<vmem>> -> memref<8x1024xf32, #tpu.memory_space<vmem>>
      %dma_start3A_814 = tpu.memref_slice %arg8[%dma_start3A_805, %multiple_of3A_804] : memref<7x384xi32, #tpu.memory_space<vmem>> -> memref<1x8xi32, #tpu.memory_space<vmem>>
      %dma_start3A_815 = tpu.memref_squeeze %dma_start3A_814 : memref<1x8xi32, #tpu.memory_space<vmem>> -> memref<8xi32, #tpu.memory_space<vmem>>
      %dma_start3A_816 = arith.constant 0 : i32
      %dma_start3A_817 = arith.constant 0 : i32
      %dma_start3A_818 = tpu.memref_slice %arg4[%add3A_18, %dma_start3A_816, %dma_start3A_817] : memref<4x2048x1024xf32, #tpu.memory_space<hbm>> -> memref<1x2048x1024xf32, #tpu.memory_space<hbm>>
      %dma_start3A_819 = tpu.memref_squeeze %dma_start3A_818 : memref<1x2048x1024xf32, #tpu.memory_space<hbm>> -> memref<2048x1024xf32, #tpu.memory_space<hbm>>
      %dma_start3A_820 = arith.constant 0 : i32
      %dma_start3A_821 = arith.constant 0 : i32
      %dma_start3A_822 = tpu.memref_slice %dma_start3A_819[%dma_start3A_820, %dma_start3A_821] : memref<2048x1024xf32, #tpu.memory_space<hbm>> -> memref<2048x1024xf32, #tpu.memory_space<hbm>>
      %dma_start3A_823 = tpu.memref_slice %arg10[%dma_start3A_808, %dma_start3A_809] : memref<2x7x!tpu.dma_semaphore, #tpu.memory_space<semaphore_mem>> -> memref<1x1x!tpu.dma_semaphore, #tpu.memory_space<semaphore_mem>>
      %dma_start3A_824 = tpu.memref_squeeze %dma_start3A_823 : memref<1x1x!tpu.dma_semaphore, #tpu.memory_space<semaphore_mem>> -> memref<!tpu.dma_semaphore, #tpu.memory_space<semaphore_mem>>
      tpu.enqueue_indirect_dma source(%dma_start3A_822 : memref<2048x1024xf32, #tpu.memory_space<hbm>>) target(%dma_start3A_813 : memref<8x1024xf32, #tpu.memory_space<vmem>>) offsets(%dma_start3A_815 : memref<8xi32, #tpu.memory_space<vmem>>) semaphore(%dma_start3A_824 : memref<!tpu.dma_semaphore, #tpu.memory_space<semaphore_mem>>)
      %add3A_825 = arith.constant 1 : i32
      %add3A_826 = arith.addi %add3A_699, %add3A_825 : i32
      %mul3A_827 = arith.constant 8 : i32
      %mul3A_828 = arith.muli %add3A_826, %mul3A_827 : i32
      %multiple_of3A_829 = tpu.assume_multiple %mul3A_828, 8 : i32
      %dma_start3A_830 = arith.constant 5 : i32
      %dma_start3A_831 = arith.constant 0 : i32
      %dma_start3A_832 = arith.constant 5 : i32
      %dma_start3A_833 = arith.constant 0 : i32
      %dma_start3A_834 = arith.constant 5 : i32
      %dma_start3A_835 = arith.constant 0 : i32
      %dma_start3A_836 = arith.constant 0 : i32
      %dma_start3A_837 = tpu.memref_slice %arg6[%dma_start3A_831, %dma_start3A_832, %dma_start3A_835, %dma_start3A_836] : memref<2x7x8x1024xf32, #tpu.memory_space<vmem>> -> memref<1x1x8x1024xf32, #tpu.memory_space<vmem>>
      %dma_start3A_838 = tpu.memref_squeeze %dma_start3A_837 : memref<1x1x8x1024xf32, #tpu.memory_space<vmem>> -> memref<8x1024xf32, #tpu.memory_space<vmem>>
      %dma_start3A_839 = tpu.memref_slice %arg8[%dma_start3A_830, %multiple_of3A_829] : memref<7x384xi32, #tpu.memory_space<vmem>> -> memref<1x8xi32, #tpu.memory_space<vmem>>
      %dma_start3A_840 = tpu.memref_squeeze %dma_start3A_839 : memref<1x8xi32, #tpu.memory_space<vmem>> -> memref<8xi32, #tpu.memory_space<vmem>>
      %dma_start3A_841 = arith.constant 0 : i32
      %dma_start3A_842 = arith.constant 0 : i32
      %dma_start3A_843 = tpu.memref_slice %arg4[%add3A_18, %dma_start3A_841, %dma_start3A_842] : memref<4x2048x1024xf32, #tpu.memory_space<hbm>> -> memref<1x2048x1024xf32, #tpu.memory_space<hbm>>
      %dma_start3A_844 = tpu.memref_squeeze %dma_start3A_843 : memref<1x2048x1024xf32, #tpu.memory_space<hbm>> -> memref<2048x1024xf32, #tpu.memory_space<hbm>>
      %dma_start3A_845 = arith.constant 0 : i32
      %dma_start3A_846 = arith.constant 0 : i32
      %dma_start3A_847 = tpu.memref_slice %dma_start3A_844[%dma_start3A_845, %dma_start3A_846] : memref<2048x1024xf32, #tpu.memory_space<hbm>> -> memref<2048x1024xf32, #tpu.memory_space<hbm>>
      %dma_start3A_848 = tpu.memref_slice %arg10[%dma_start3A_833, %dma_start3A_834] : memref<2x7x!tpu.dma_semaphore, #tpu.memory_space<semaphore_mem>> -> memref<1x1x!tpu.dma_semaphore, #tpu.memory_space<semaphore_mem>>
      %dma_start3A_849 = tpu.memref_squeeze %dma_start3A_848 : memref<1x1x!tpu.dma_semaphore, #tpu.memory_space<semaphore_mem>> -> memref<!tpu.dma_semaphore, #tpu.memory_space<semaphore_mem>>
      tpu.enqueue_indirect_dma source(%dma_start3A_847 : memref<2048x1024xf32, #tpu.memory_space<hbm>>) target(%dma_start3A_838 : memref<8x1024xf32, #tpu.memory_space<vmem>>) offsets(%dma_start3A_840 : memref<8xi32, #tpu.memory_space<vmem>>) semaphore(%dma_start3A_849 : memref<!tpu.dma_semaphore, #tpu.memory_space<semaphore_mem>>)
      %add3A_850 = arith.constant 1 : i32
      %add3A_851 = arith.addi %add3A_699, %add3A_850 : i32
      %mul3A_852 = arith.constant 8 : i32
      %mul3A_853 = arith.muli %add3A_851, %mul3A_852 : i32
      %multiple_of3A_854 = tpu.assume_multiple %mul3A_853, 8 : i32
      %dma_start3A_855 = arith.constant 6 : i32
      %dma_start3A_856 = arith.constant 0 : i32
      %dma_start3A_857 = arith.constant 6 : i32
      %dma_start3A_858 = arith.constant 0 : i32
      %dma_start3A_859 = arith.constant 6 : i32
      %dma_start3A_860 = arith.constant 0 : i32
      %dma_start3A_861 = arith.constant 0 : i32
      %dma_start3A_862 = tpu.memref_slice %arg6[%dma_start3A_856, %dma_start3A_857, %dma_start3A_860, %dma_start3A_861] : memref<2x7x8x1024xf32, #tpu.memory_space<vmem>> -> memref<1x1x8x1024xf32, #tpu.memory_space<vmem>>
      %dma_start3A_863 = tpu.memref_squeeze %dma_start3A_862 : memref<1x1x8x1024xf32, #tpu.memory_space<vmem>> -> memref<8x1024xf32, #tpu.memory_space<vmem>>
      %dma_start3A_864 = tpu.memref_slice %arg8[%dma_start3A_855, %multiple_of3A_854] : memref<7x384xi32, #tpu.memory_space<vmem>> -> memref<1x8xi32, #tpu.memory_space<vmem>>
      %dma_start3A_865 = tpu.memref_squeeze %dma_start3A_864 : memref<1x8xi32, #tpu.memory_space<vmem>> -> memref<8xi32, #tpu.memory_space<vmem>>
      %dma_start3A_866 = arith.constant 0 : i32
      %dma_start3A_867 = arith.constant 0 : i32
      %dma_start3A_868 = tpu.memref_slice %arg4[%add3A_18, %dma_start3A_866, %dma_start3A_867] : memref<4x2048x1024xf32, #tpu.memory_space<hbm>> -> memref<1x2048x1024xf32, #tpu.memory_space<hbm>>
      %dma_start3A_869 = tpu.memref_squeeze %dma_start3A_868 : memref<1x2048x1024xf32, #tpu.memory_space<hbm>> -> memref<2048x1024xf32, #tpu.memory_space<hbm>>
      %dma_start3A_870 = arith.constant 0 : i32
      %dma_start3A_871 = arith.constant 0 : i32
      %dma_start3A_872 = tpu.memref_slice %dma_start3A_869[%dma_start3A_870, %dma_start3A_871] : memref<2048x1024xf32, #tpu.memory_space<hbm>> -> memref<2048x1024xf32, #tpu.memory_space<hbm>>
      %dma_start3A_873 = tpu.memref_slice %arg10[%dma_start3A_858, %dma_start3A_859] : memref<2x7x!tpu.dma_semaphore, #tpu.memory_space<semaphore_mem>> -> memref<1x1x!tpu.dma_semaphore, #tpu.memory_space<semaphore_mem>>
      %dma_start3A_874 = tpu.memref_squeeze %dma_start3A_873 : memref<1x1x!tpu.dma_semaphore, #tpu.memory_space<semaphore_mem>> -> memref<!tpu.dma_semaphore, #tpu.memory_space<semaphore_mem>>
      tpu.enqueue_indirect_dma source(%dma_start3A_872 : memref<2048x1024xf32, #tpu.memory_space<hbm>>) target(%dma_start3A_863 : memref<8x1024xf32, #tpu.memory_space<vmem>>) offsets(%dma_start3A_865 : memref<8xi32, #tpu.memory_space<vmem>>) semaphore(%dma_start3A_874 : memref<!tpu.dma_semaphore, #tpu.memory_space<semaphore_mem>>)
      %mul3A_875 = arith.constant 8 : i32
      %mul3A_876 = arith.muli %add3A_699, %mul3A_875 : i32
      %multiple_of3A_877 = tpu.assume_multiple %mul3A_876, 8 : i32
      %dma_wait3A_878 = arith.constant 0 : i32
      %dma_wait3A_879 = arith.constant 1 : i32
      %dma_wait3A_880 = arith.constant 0 : i32
      %dma_wait3A_881 = arith.constant 1 : i32
      %dma_wait3A_882 = arith.constant 0 : i32
      %dma_wait3A_883 = arith.constant 0 : i32
      %dma_wait3A_884 = arith.constant 0 : i32
      %dma_wait3A_885 = tpu.memref_slice %arg6[%dma_wait3A_879, %dma_wait3A_880, %dma_wait3A_883, %dma_wait3A_884] : memref<2x7x8x1024xf32, #tpu.memory_space<vmem>> -> memref<1x1x8x1024xf32, #tpu.memory_space<vmem>>
      %dma_wait3A_886 = tpu.memref_squeeze %dma_wait3A_885 : memref<1x1x8x1024xf32, #tpu.memory_space<vmem>> -> memref<8x1024xf32, #tpu.memory_space<vmem>>
      %dma_wait3A_887 = tpu.memref_slice %arg8[%dma_wait3A_878, %multiple_of3A_877] : memref<7x384xi32, #tpu.memory_space<vmem>> -> memref<1x8xi32, #tpu.memory_space<vmem>>
      %dma_wait3A_888 = tpu.memref_squeeze %dma_wait3A_887 : memref<1x8xi32, #tpu.memory_space<vmem>> -> memref<8xi32, #tpu.memory_space<vmem>>
      %dma_wait3A_889 = arith.constant 0 : i32
      %dma_wait3A_890 = arith.constant 0 : i32
      %dma_wait3A_891 = tpu.memref_slice %arg4[%add3A_18, %dma_wait3A_889, %dma_wait3A_890] : memref<4x2048x1024xf32, #tpu.memory_space<hbm>> -> memref<1x2048x1024xf32, #tpu.memory_space<hbm>>
      %dma_wait3A_892 = tpu.memref_squeeze %dma_wait3A_891 : memref<1x2048x1024xf32, #tpu.memory_space<hbm>> -> memref<2048x1024xf32, #tpu.memory_space<hbm>>
      %dma_wait3A_893 = arith.constant 0 : i32
      %dma_wait3A_894 = arith.constant 0 : i32
      %dma_wait3A_895 = tpu.memref_slice %dma_wait3A_892[%dma_wait3A_893, %dma_wait3A_894] : memref<2048x1024xf32, #tpu.memory_space<hbm>> -> memref<2048x1024xf32, #tpu.memory_space<hbm>>
      %dma_wait3A_896 = tpu.memref_slice %arg10[%dma_wait3A_881, %dma_wait3A_882] : memref<2x7x!tpu.dma_semaphore, #tpu.memory_space<semaphore_mem>> -> memref<1x1x!tpu.dma_semaphore, #tpu.memory_space<semaphore_mem>>
      %dma_wait3A_897 = tpu.memref_squeeze %dma_wait3A_896 : memref<1x1x!tpu.dma_semaphore, #tpu.memory_space<semaphore_mem>> -> memref<!tpu.dma_semaphore, #tpu.memory_space<semaphore_mem>>
      tpu.wait_indirect_dma semaphore(%dma_wait3A_897 : memref<!tpu.dma_semaphore, #tpu.memory_space<semaphore_mem>>) src(%dma_wait3A_895 : memref<2048x1024xf32, #tpu.memory_space<hbm>>) dst(%dma_wait3A_886 : memref<8x1024xf32, #tpu.memory_space<vmem>>)
      %mul3A_898 = arith.constant 8 : i32
      %mul3A_899 = arith.muli %add3A_699, %mul3A_898 : i32
      %multiple_of3A_900 = tpu.assume_multiple %mul3A_899, 8 : i32
      %dma_wait3A_901 = arith.constant 1 : i32
      %dma_wait3A_902 = arith.constant 1 : i32
      %dma_wait3A_903 = arith.constant 1 : i32
      %dma_wait3A_904 = arith.constant 1 : i32
      %dma_wait3A_905 = arith.constant 1 : i32
      %dma_wait3A_906 = arith.constant 0 : i32
      %dma_wait3A_907 = arith.constant 0 : i32
      %dma_wait3A_908 = tpu.memref_slice %arg6[%dma_wait3A_902, %dma_wait3A_903, %dma_wait3A_906, %dma_wait3A_907] : memref<2x7x8x1024xf32, #tpu.memory_space<vmem>> -> memref<1x1x8x1024xf32, #tpu.memory_space<vmem>>
      %dma_wait3A_909 = tpu.memref_squeeze %dma_wait3A_908 : memref<1x1x8x1024xf32, #tpu.memory_space<vmem>> -> memref<8x1024xf32, #tpu.memory_space<vmem>>
      %dma_wait3A_910 = tpu.memref_slice %arg8[%dma_wait3A_901, %multiple_of3A_900] : memref<7x384xi32, #tpu.memory_space<vmem>> -> memref<1x8xi32, #tpu.memory_space<vmem>>
      %dma_wait3A_911 = tpu.memref_squeeze %dma_wait3A_910 : memref<1x8xi32, #tpu.memory_space<vmem>> -> memref<8xi32, #tpu.memory_space<vmem>>
      %dma_wait3A_912 = arith.constant 0 : i32
      %dma_wait3A_913 = arith.constant 0 : i32
      %dma_wait3A_914 = tpu.memref_slice %arg4[%add3A_18, %dma_wait3A_912, %dma_wait3A_913] : memref<4x2048x1024xf32, #tpu.memory_space<hbm>> -> memref<1x2048x1024xf32, #tpu.memory_space<hbm>>
      %dma_wait3A_915 = tpu.memref_squeeze %dma_wait3A_914 : memref<1x2048x1024xf32, #tpu.memory_space<hbm>> -> memref<2048x1024xf32, #tpu.memory_space<hbm>>
      %dma_wait3A_916 = arith.constant 0 : i32
      %dma_wait3A_917 = arith.constant 0 : i32
      %dma_wait3A_918 = tpu.memref_slice %dma_wait3A_915[%dma_wait3A_916, %dma_wait3A_917] : memref<2048x1024xf32, #tpu.memory_space<hbm>> -> memref<2048x1024xf32, #tpu.memory_space<hbm>>
      %dma_wait3A_919 = tpu.memref_slice %arg10[%dma_wait3A_904, %dma_wait3A_905] : memref<2x7x!tpu.dma_semaphore, #tpu.memory_space<semaphore_mem>> -> memref<1x1x!tpu.dma_semaphore, #tpu.memory_space<semaphore_mem>>
      %dma_wait3A_920 = tpu.memref_squeeze %dma_wait3A_919 : memref<1x1x!tpu.dma_semaphore, #tpu.memory_space<semaphore_mem>> -> memref<!tpu.dma_semaphore, #tpu.memory_space<semaphore_mem>>
      tpu.wait_indirect_dma semaphore(%dma_wait3A_920 : memref<!tpu.dma_semaphore, #tpu.memory_space<semaphore_mem>>) src(%dma_wait3A_918 : memref<2048x1024xf32, #tpu.memory_space<hbm>>) dst(%dma_wait3A_909 : memref<8x1024xf32, #tpu.memory_space<vmem>>)
      %mul3A_921 = arith.constant 8 : i32
      %mul3A_922 = arith.muli %add3A_699, %mul3A_921 : i32
      %multiple_of3A_923 = tpu.assume_multiple %mul3A_922, 8 : i32
      %dma_wait3A_924 = arith.constant 2 : i32
      %dma_wait3A_925 = arith.constant 1 : i32
      %dma_wait3A_926 = arith.constant 2 : i32
      %dma_wait3A_927 = arith.constant 1 : i32
      %dma_wait3A_928 = arith.constant 2 : i32
      %dma_wait3A_929 = arith.constant 0 : i32
      %dma_wait3A_930 = arith.constant 0 : i32
      %dma_wait3A_931 = tpu.memref_slice %arg6[%dma_wait3A_925, %dma_wait3A_926, %dma_wait3A_929, %dma_wait3A_930] : memref<2x7x8x1024xf32, #tpu.memory_space<vmem>> -> memref<1x1x8x1024xf32, #tpu.memory_space<vmem>>
      %dma_wait3A_932 = tpu.memref_squeeze %dma_wait3A_931 : memref<1x1x8x1024xf32, #tpu.memory_space<vmem>> -> memref<8x1024xf32, #tpu.memory_space<vmem>>
      %dma_wait3A_933 = tpu.memref_slice %arg8[%dma_wait3A_924, %multiple_of3A_923] : memref<7x384xi32, #tpu.memory_space<vmem>> -> memref<1x8xi32, #tpu.memory_space<vmem>>
      %dma_wait3A_934 = tpu.memref_squeeze %dma_wait3A_933 : memref<1x8xi32, #tpu.memory_space<vmem>> -> memref<8xi32, #tpu.memory_space<vmem>>
      %dma_wait3A_935 = arith.constant 0 : i32
      %dma_wait3A_936 = arith.constant 0 : i32
      %dma_wait3A_937 = tpu.memref_slice %arg4[%add3A_18, %dma_wait3A_935, %dma_wait3A_936] : memref<4x2048x1024xf32, #tpu.memory_space<hbm>> -> memref<1x2048x1024xf32, #tpu.memory_space<hbm>>
      %dma_wait3A_938 = tpu.memref_squeeze %dma_wait3A_937 : memref<1x2048x1024xf32, #tpu.memory_space<hbm>> -> memref<2048x1024xf32, #tpu.memory_space<hbm>>
      %dma_wait3A_939 = arith.constant 0 : i32
      %dma_wait3A_940 = arith.constant 0 : i32
      %dma_wait3A_941 = tpu.memref_slice %dma_wait3A_938[%dma_wait3A_939, %dma_wait3A_940] : memref<2048x1024xf32, #tpu.memory_space<hbm>> -> memref<2048x1024xf32, #tpu.memory_space<hbm>>
      %dma_wait3A_942 = tpu.memref_slice %arg10[%dma_wait3A_927, %dma_wait3A_928] : memref<2x7x!tpu.dma_semaphore, #tpu.memory_space<semaphore_mem>> -> memref<1x1x!tpu.dma_semaphore, #tpu.memory_space<semaphore_mem>>
      %dma_wait3A_943 = tpu.memref_squeeze %dma_wait3A_942 : memref<1x1x!tpu.dma_semaphore, #tpu.memory_space<semaphore_mem>> -> memref<!tpu.dma_semaphore, #tpu.memory_space<semaphore_mem>>
      tpu.wait_indirect_dma semaphore(%dma_wait3A_943 : memref<!tpu.dma_semaphore, #tpu.memory_space<semaphore_mem>>) src(%dma_wait3A_941 : memref<2048x1024xf32, #tpu.memory_space<hbm>>) dst(%dma_wait3A_932 : memref<8x1024xf32, #tpu.memory_space<vmem>>)
      %mul3A_944 = arith.constant 8 : i32
      %mul3A_945 = arith.muli %add3A_699, %mul3A_944 : i32
      %multiple_of3A_946 = tpu.assume_multiple %mul3A_945, 8 : i32
      %dma_wait3A_947 = arith.constant 3 : i32
      %dma_wait3A_948 = arith.constant 1 : i32
      %dma_wait3A_949 = arith.constant 3 : i32
      %dma_wait3A_950 = arith.constant 1 : i32
      %dma_wait3A_951 = arith.constant 3 : i32
      %dma_wait3A_952 = arith.constant 0 : i32
      %dma_wait3A_953 = arith.constant 0 : i32
      %dma_wait3A_954 = tpu.memref_slice %arg6[%dma_wait3A_948, %dma_wait3A_949, %dma_wait3A_952, %dma_wait3A_953] : memref<2x7x8x1024xf32, #tpu.memory_space<vmem>> -> memref<1x1x8x1024xf32, #tpu.memory_space<vmem>>
      %dma_wait3A_955 = tpu.memref_squeeze %dma_wait3A_954 : memref<1x1x8x1024xf32, #tpu.memory_space<vmem>> -> memref<8x1024xf32, #tpu.memory_space<vmem>>
      %dma_wait3A_956 = tpu.memref_slice %arg8[%dma_wait3A_947, %multiple_of3A_946] : memref<7x384xi32, #tpu.memory_space<vmem>> -> memref<1x8xi32, #tpu.memory_space<vmem>>
      %dma_wait3A_957 = tpu.memref_squeeze %dma_wait3A_956 : memref<1x8xi32, #tpu.memory_space<vmem>> -> memref<8xi32, #tpu.memory_space<vmem>>
      %dma_wait3A_958 = arith.constant 0 : i32
      %dma_wait3A_959 = arith.constant 0 : i32
      %dma_wait3A_960 = tpu.memref_slice %arg4[%add3A_18, %dma_wait3A_958, %dma_wait3A_959] : memref<4x2048x1024xf32, #tpu.memory_space<hbm>> -> memref<1x2048x1024xf32, #tpu.memory_space<hbm>>
      %dma_wait3A_961 = tpu.memref_squeeze %dma_wait3A_960 : memref<1x2048x1024xf32, #tpu.memory_space<hbm>> -> memref<2048x1024xf32, #tpu.memory_space<hbm>>
      %dma_wait3A_962 = arith.constant 0 : i32
      %dma_wait3A_963 = arith.constant 0 : i32
      %dma_wait3A_964 = tpu.memref_slice %dma_wait3A_961[%dma_wait3A_962, %dma_wait3A_963] : memref<2048x1024xf32, #tpu.memory_space<hbm>> -> memref<2048x1024xf32, #tpu.memory_space<hbm>>
      %dma_wait3A_965 = tpu.memref_slice %arg10[%dma_wait3A_950, %dma_wait3A_951] : memref<2x7x!tpu.dma_semaphore, #tpu.memory_space<semaphore_mem>> -> memref<1x1x!tpu.dma_semaphore, #tpu.memory_space<semaphore_mem>>
      %dma_wait3A_966 = tpu.memref_squeeze %dma_wait3A_965 : memref<1x1x!tpu.dma_semaphore, #tpu.memory_space<semaphore_mem>> -> memref<!tpu.dma_semaphore, #tpu.memory_space<semaphore_mem>>
      tpu.wait_indirect_dma semaphore(%dma_wait3A_966 : memref<!tpu.dma_semaphore, #tpu.memory_space<semaphore_mem>>) src(%dma_wait3A_964 : memref<2048x1024xf32, #tpu.memory_space<hbm>>) dst(%dma_wait3A_955 : memref<8x1024xf32, #tpu.memory_space<vmem>>)
      %mul3A_967 = arith.constant 8 : i32
      %mul3A_968 = arith.muli %add3A_699, %mul3A_967 : i32
      %multiple_of3A_969 = tpu.assume_multiple %mul3A_968, 8 : i32
      %dma_wait3A_970 = arith.constant 4 : i32
      %dma_wait3A_971 = arith.constant 1 : i32
      %dma_wait3A_972 = arith.constant 4 : i32
      %dma_wait3A_973 = arith.constant 1 : i32
      %dma_wait3A_974 = arith.constant 4 : i32
      %dma_wait3A_975 = arith.constant 0 : i32
      %dma_wait3A_976 = arith.constant 0 : i32
      %dma_wait3A_977 = tpu.memref_slice %arg6[%dma_wait3A_971, %dma_wait3A_972, %dma_wait3A_975, %dma_wait3A_976] : memref<2x7x8x1024xf32, #tpu.memory_space<vmem>> -> memref<1x1x8x1024xf32, #tpu.memory_space<vmem>>
      %dma_wait3A_978 = tpu.memref_squeeze %dma_wait3A_977 : memref<1x1x8x1024xf32, #tpu.memory_space<vmem>> -> memref<8x1024xf32, #tpu.memory_space<vmem>>
      %dma_wait3A_979 = tpu.memref_slice %arg8[%dma_wait3A_970, %multiple_of3A_969] : memref<7x384xi32, #tpu.memory_space<vmem>> -> memref<1x8xi32, #tpu.memory_space<vmem>>
      %dma_wait3A_980 = tpu.memref_squeeze %dma_wait3A_979 : memref<1x8xi32, #tpu.memory_space<vmem>> -> memref<8xi32, #tpu.memory_space<vmem>>
      %dma_wait3A_981 = arith.constant 0 : i32
      %dma_wait3A_982 = arith.constant 0 : i32
      %dma_wait3A_983 = tpu.memref_slice %arg4[%add3A_18, %dma_wait3A_981, %dma_wait3A_982] : memref<4x2048x1024xf32, #tpu.memory_space<hbm>> -> memref<1x2048x1024xf32, #tpu.memory_space<hbm>>
      %dma_wait3A_984 = tpu.memref_squeeze %dma_wait3A_983 : memref<1x2048x1024xf32, #tpu.memory_space<hbm>> -> memref<2048x1024xf32, #tpu.memory_space<hbm>>
      %dma_wait3A_985 = arith.constant 0 : i32
      %dma_wait3A_986 = arith.constant 0 : i32
      %dma_wait3A_987 = tpu.memref_slice %dma_wait3A_984[%dma_wait3A_985, %dma_wait3A_986] : memref<2048x1024xf32, #tpu.memory_space<hbm>> -> memref<2048x1024xf32, #tpu.memory_space<hbm>>
      %dma_wait3A_988 = tpu.memref_slice %arg10[%dma_wait3A_973, %dma_wait3A_974] : memref<2x7x!tpu.dma_semaphore, #tpu.memory_space<semaphore_mem>> -> memref<1x1x!tpu.dma_semaphore, #tpu.memory_space<semaphore_mem>>
      %dma_wait3A_989 = tpu.memref_squeeze %dma_wait3A_988 : memref<1x1x!tpu.dma_semaphore, #tpu.memory_space<semaphore_mem>> -> memref<!tpu.dma_semaphore, #tpu.memory_space<semaphore_mem>>
      tpu.wait_indirect_dma semaphore(%dma_wait3A_989 : memref<!tpu.dma_semaphore, #tpu.memory_space<semaphore_mem>>) src(%dma_wait3A_987 : memref<2048x1024xf32, #tpu.memory_space<hbm>>) dst(%dma_wait3A_978 : memref<8x1024xf32, #tpu.memory_space<vmem>>)
      %mul3A_990 = arith.constant 8 : i32
      %mul3A_991 = arith.muli %add3A_699, %mul3A_990 : i32
      %multiple_of3A_992 = tpu.assume_multiple %mul3A_991, 8 : i32
      %dma_wait3A_993 = arith.constant 5 : i32
      %dma_wait3A_994 = arith.constant 1 : i32
      %dma_wait3A_995 = arith.constant 5 : i32
      %dma_wait3A_996 = arith.constant 1 : i32
      %dma_wait3A_997 = arith.constant 5 : i32
      %dma_wait3A_998 = arith.constant 0 : i32
      %dma_wait3A_999 = arith.constant 0 : i32
      %dma_wait3A_1000 = tpu.memref_slice %arg6[%dma_wait3A_994, %dma_wait3A_995, %dma_wait3A_998, %dma_wait3A_999] : memref<2x7x8x1024xf32, #tpu.memory_space<vmem>> -> memref<1x1x8x1024xf32, #tpu.memory_space<vmem>>
      %dma_wait3A_1001 = tpu.memref_squeeze %dma_wait3A_1000 : memref<1x1x8x1024xf32, #tpu.memory_space<vmem>> -> memref<8x1024xf32, #tpu.memory_space<vmem>>
      %dma_wait3A_1002 = tpu.memref_slice %arg8[%dma_wait3A_993, %multiple_of3A_992] : memref<7x384xi32, #tpu.memory_space<vmem>> -> memref<1x8xi32, #tpu.memory_space<vmem>>
      %dma_wait3A_1003 = tpu.memref_squeeze %dma_wait3A_1002 : memref<1x8xi32, #tpu.memory_space<vmem>> -> memref<8xi32, #tpu.memory_space<vmem>>
      %dma_wait3A_1004 = arith.constant 0 : i32
      %dma_wait3A_1005 = arith.constant 0 : i32
      %dma_wait3A_1006 = tpu.memref_slice %arg4[%add3A_18, %dma_wait3A_1004, %dma_wait3A_1005] : memref<4x2048x1024xf32, #tpu.memory_space<hbm>> -> memref<1x2048x1024xf32, #tpu.memory_space<hbm>>
      %dma_wait3A_1007 = tpu.memref_squeeze %dma_wait3A_1006 : memref<1x2048x1024xf32, #tpu.memory_space<hbm>> -> memref<2048x1024xf32, #tpu.memory_space<hbm>>
      %dma_wait3A_1008 = arith.constant 0 : i32
      %dma_wait3A_1009 = arith.constant 0 : i32
      %dma_wait3A_1010 = tpu.memref_slice %dma_wait3A_1007[%dma_wait3A_1008, %dma_wait3A_1009] : memref<2048x1024xf32, #tpu.memory_space<hbm>> -> memref<2048x1024xf32, #tpu.memory_space<hbm>>
      %dma_wait3A_1011 = tpu.memref_slice %arg10[%dma_wait3A_996, %dma_wait3A_997] : memref<2x7x!tpu.dma_semaphore, #tpu.memory_space<semaphore_mem>> -> memref<1x1x!tpu.dma_semaphore, #tpu.memory_space<semaphore_mem>>
      %dma_wait3A_1012 = tpu.memref_squeeze %dma_wait3A_1011 : memref<1x1x!tpu.dma_semaphore, #tpu.memory_space<semaphore_mem>> -> memref<!tpu.dma_semaphore, #tpu.memory_space<semaphore_mem>>
      tpu.wait_indirect_dma semaphore(%dma_wait3A_1012 : memref<!tpu.dma_semaphore, #tpu.memory_space<semaphore_mem>>) src(%dma_wait3A_1010 : memref<2048x1024xf32, #tpu.memory_space<hbm>>) dst(%dma_wait3A_1001 : memref<8x1024xf32, #tpu.memory_space<vmem>>)
      %mul3A_1013 = arith.constant 8 : i32
      %mul3A_1014 = arith.muli %add3A_699, %mul3A_1013 : i32
      %multiple_of3A_1015 = tpu.assume_multiple %mul3A_1014, 8 : i32
      %dma_wait3A_1016 = arith.constant 6 : i32
      %dma_wait3A_1017 = arith.constant 1 : i32
      %dma_wait3A_1018 = arith.constant 6 : i32
      %dma_wait3A_1019 = arith.constant 1 : i32
      %dma_wait3A_1020 = arith.constant 6 : i32
      %dma_wait3A_1021 = arith.constant 0 : i32
      %dma_wait3A_1022 = arith.constant 0 : i32
      %dma_wait3A_1023 = tpu.memref_slice %arg6[%dma_wait3A_1017, %dma_wait3A_1018, %dma_wait3A_1021, %dma_wait3A_1022] : memref<2x7x8x1024xf32, #tpu.memory_space<vmem>> -> memref<1x1x8x1024xf32, #tpu.memory_space<vmem>>
      %dma_wait3A_1024 = tpu.memref_squeeze %dma_wait3A_1023 : memref<1x1x8x1024xf32, #tpu.memory_space<vmem>> -> memref<8x1024xf32, #tpu.memory_space<vmem>>
      %dma_wait3A_1025 = tpu.memref_slice %arg8[%dma_wait3A_1016, %multiple_of3A_1015] : memref<7x384xi32, #tpu.memory_space<vmem>> -> memref<1x8xi32, #tpu.memory_space<vmem>>
      %dma_wait3A_1026 = tpu.memref_squeeze %dma_wait3A_1025 : memref<1x8xi32, #tpu.memory_space<vmem>> -> memref<8xi32, #tpu.memory_space<vmem>>
      %dma_wait3A_1027 = arith.constant 0 : i32
      %dma_wait3A_1028 = arith.constant 0 : i32
      %dma_wait3A_1029 = tpu.memref_slice %arg4[%add3A_18, %dma_wait3A_1027, %dma_wait3A_1028] : memref<4x2048x1024xf32, #tpu.memory_space<hbm>> -> memref<1x2048x1024xf32, #tpu.memory_space<hbm>>
      %dma_wait3A_1030 = tpu.memref_squeeze %dma_wait3A_1029 : memref<1x2048x1024xf32, #tpu.memory_space<hbm>> -> memref<2048x1024xf32, #tpu.memory_space<hbm>>
      %dma_wait3A_1031 = arith.constant 0 : i32
      %dma_wait3A_1032 = arith.constant 0 : i32
      %dma_wait3A_1033 = tpu.memref_slice %dma_wait3A_1030[%dma_wait3A_1031, %dma_wait3A_1032] : memref<2048x1024xf32, #tpu.memory_space<hbm>> -> memref<2048x1024xf32, #tpu.memory_space<hbm>>
      %dma_wait3A_1034 = tpu.memref_slice %arg10[%dma_wait3A_1019, %dma_wait3A_1020] : memref<2x7x!tpu.dma_semaphore, #tpu.memory_space<semaphore_mem>> -> memref<1x1x!tpu.dma_semaphore, #tpu.memory_space<semaphore_mem>>
      %dma_wait3A_1035 = tpu.memref_squeeze %dma_wait3A_1034 : memref<1x1x!tpu.dma_semaphore, #tpu.memory_space<semaphore_mem>> -> memref<!tpu.dma_semaphore, #tpu.memory_space<semaphore_mem>>
      tpu.wait_indirect_dma semaphore(%dma_wait3A_1035 : memref<!tpu.dma_semaphore, #tpu.memory_space<semaphore_mem>>) src(%dma_wait3A_1033 : memref<2048x1024xf32, #tpu.memory_space<hbm>>) dst(%dma_wait3A_1024 : memref<8x1024xf32, #tpu.memory_space<vmem>>)
      %scan3A_1036 = arith.constant 0 : i32
      %scan3A_1037 = arith.constant 0 : i32
      %scan3A_1038 = arith.constant 64 : i32
      %scan3A_1039 = arith.addi %scan3A_1037, %scan3A_1038 : i32
      %scan3A_1040 = arith.constant 1 : i32
      %scan3A_1041 = scf.for %scan3A_1047 = %scan3A_1037 to %scan3A_1039 step %scan3A_1040 iter_args(%scan3A_1048 = %scan3A_1036) -> (i32)  : i32 {
        %mul3A_1049 = arith.constant 16 : i32
        %mul3A_1050 = arith.muli %scan3A_1047, %mul3A_1049 : i32
        %get3A = arith.constant 0 : i32
        %get3A_1051 = arith.index_cast %get3A : i32 to index
        %get3A_1052 = arith.constant 0 : index
        %get3A_1053 = tpu.vector_load %arg9[%get3A_1051, %get3A_1052] {strides = array<i32>} : memref<7x16xf32, #tpu.memory_space<vmem>>, vector<1x16xf32>,
        %get3A_1054 = vector.shape_cast %get3A_1053 : vector<1x16xf32> to vector<16xf32>
        %get3A_1055 = arith.constant 1 : i32
        %get3A_1056 = arith.constant 0 : i32
        %get3A_1057 = arith.constant 0 : i32
        %get3A_1058 = arith.index_cast %get3A_1055 : i32 to index
        %get3A_1059 = arith.index_cast %get3A_1056 : i32 to index
        %get3A_1060 = arith.index_cast %get3A_1057 : i32 to index
        %get3A_1061 = arith.index_cast %mul3A_1050 : i32 to index
        %get3A_1062 = tpu.vector_load %arg6[%get3A_1058, %get3A_1059, %get3A_1060, %get3A_1061] {strides = array<i32>} : memref<2x7x8x1024xf32, #tpu.memory_space<vmem>>, vector<1x1x1x16xf32>,
        %get3A_1063 = vector.shape_cast %get3A_1062 : vector<1x1x1x16xf32> to vector<16xf32>
        %mul3A_1064 = arith.mulf %get3A_1054, %get3A_1063 : vector<16xf32>
        %get3A_1065 = arith.constant 1 : i32
        %get3A_1066 = arith.index_cast %get3A_1065 : i32 to index
        %get3A_1067 = arith.constant 0 : index
        %get3A_1068 = tpu.vector_load %arg9[%get3A_1066, %get3A_1067] {strides = array<i32>} : memref<7x16xf32, #tpu.memory_space<vmem>>, vector<1x16xf32>,
        %get3A_1069 = vector.shape_cast %get3A_1068 : vector<1x16xf32> to vector<16xf32>
        %get3A_1070 = arith.constant 1 : i32
        %get3A_1071 = arith.constant 1 : i32
        %get3A_1072 = arith.constant 0 : i32
        %get3A_1073 = arith.index_cast %get3A_1070 : i32 to index
        %get3A_1074 = arith.index_cast %get3A_1071 : i32 to index
        %get3A_1075 = arith.index_cast %get3A_1072 : i32 to index
        %get3A_1076 = arith.index_cast %mul3A_1050 : i32 to index
        %get3A_1077 = tpu.vector_load %arg6[%get3A_1073, %get3A_1074, %get3A_1075, %get3A_1076] {strides = array<i32>} : memref<2x7x8x1024xf32, #tpu.memory_space<vmem>>, vector<1x1x1x16xf32>,
        %get3A_1078 = vector.shape_cast %get3A_1077 : vector<1x1x1x16xf32> to vector<16xf32>
        %mul3A_1079 = arith.mulf %get3A_1069, %get3A_1078 : vector<16xf32>
        %add3A_1080 = arith.addf %mul3A_1064, %mul3A_1079 : vector<16xf32>
        %get3A_1081 = arith.constant 2 : i32
        %get3A_1082 = arith.index_cast %get3A_1081 : i32 to index
        %get3A_1083 = arith.constant 0 : index
        %get3A_1084 = tpu.vector_load %arg9[%get3A_1082, %get3A_1083] {strides = array<i32>} : memref<7x16xf32, #tpu.memory_space<vmem>>, vector<1x16xf32>,
        %get3A_1085 = vector.shape_cast %get3A_1084 : vector<1x16xf32> to vector<16xf32>
        %get3A_1086 = arith.constant 1 : i32
        %get3A_1087 = arith.constant 2 : i32
        %get3A_1088 = arith.constant 0 : i32
        %get3A_1089 = arith.index_cast %get3A_1086 : i32 to index
        %get3A_1090 = arith.index_cast %get3A_1087 : i32 to index
        %get3A_1091 = arith.index_cast %get3A_1088 : i32 to index
        %get3A_1092 = arith.index_cast %mul3A_1050 : i32 to index
        %get3A_1093 = tpu.vector_load %arg6[%get3A_1089, %get3A_1090, %get3A_1091, %get3A_1092] {strides = array<i32>} : memref<2x7x8x1024xf32, #tpu.memory_space<vmem>>, vector<1x1x1x16xf32>,
        %get3A_1094 = vector.shape_cast %get3A_1093 : vector<1x1x1x16xf32> to vector<16xf32>
        %mul3A_1095 = arith.mulf %get3A_1085, %get3A_1094 : vector<16xf32>
        %add3A_1096 = arith.addf %add3A_1080, %mul3A_1095 : vector<16xf32>
        %get3A_1097 = arith.constant 3 : i32
        %get3A_1098 = arith.index_cast %get3A_1097 : i32 to index
        %get3A_1099 = arith.constant 0 : index
        %get3A_1100 = tpu.vector_load %arg9[%get3A_1098, %get3A_1099] {strides = array<i32>} : memref<7x16xf32, #tpu.memory_space<vmem>>, vector<1x16xf32>,
        %get3A_1101 = vector.shape_cast %get3A_1100 : vector<1x16xf32> to vector<16xf32>
        %get3A_1102 = arith.constant 1 : i32
        %get3A_1103 = arith.constant 3 : i32
        %get3A_1104 = arith.constant 0 : i32
        %get3A_1105 = arith.index_cast %get3A_1102 : i32 to index
        %get3A_1106 = arith.index_cast %get3A_1103 : i32 to index
        %get3A_1107 = arith.index_cast %get3A_1104 : i32 to index
        %get3A_1108 = arith.index_cast %mul3A_1050 : i32 to index
        %get3A_1109 = tpu.vector_load %arg6[%get3A_1105, %get3A_1106, %get3A_1107, %get3A_1108] {strides = array<i32>} : memref<2x7x8x1024xf32, #tpu.memory_space<vmem>>, vector<1x1x1x16xf32>,
        %get3A_1110 = vector.shape_cast %get3A_1109 : vector<1x1x1x16xf32> to vector<16xf32>
        %mul3A_1111 = arith.mulf %get3A_1101, %get3A_1110 : vector<16xf32>
        %add3A_1112 = arith.addf %add3A_1096, %mul3A_1111 : vector<16xf32>
        %get3A_1113 = arith.constant 4 : i32
        %get3A_1114 = arith.index_cast %get3A_1113 : i32 to index
        %get3A_1115 = arith.constant 0 : index
        %get3A_1116 = tpu.vector_load %arg9[%get3A_1114, %get3A_1115] {strides = array<i32>} : memref<7x16xf32, #tpu.memory_space<vmem>>, vector<1x16xf32>,
        %get3A_1117 = vector.shape_cast %get3A_1116 : vector<1x16xf32> to vector<16xf32>
        %get3A_1118 = arith.constant 1 : i32
        %get3A_1119 = arith.constant 4 : i32
        %get3A_1120 = arith.constant 0 : i32
        %get3A_1121 = arith.index_cast %get3A_1118 : i32 to index
        %get3A_1122 = arith.index_cast %get3A_1119 : i32 to index
        %get3A_1123 = arith.index_cast %get3A_1120 : i32 to index
        %get3A_1124 = arith.index_cast %mul3A_1050 : i32 to index
        %get3A_1125 = tpu.vector_load %arg6[%get3A_1121, %get3A_1122, %get3A_1123, %get3A_1124] {strides = array<i32>} : memref<2x7x8x1024xf32, #tpu.memory_space<vmem>>, vector<1x1x1x16xf32>,
        %get3A_1126 = vector.shape_cast %get3A_1125 : vector<1x1x1x16xf32> to vector<16xf32>
        %mul3A_1127 = arith.mulf %get3A_1117, %get3A_1126 : vector<16xf32>
        %add3A_1128 = arith.addf %add3A_1112, %mul3A_1127 : vector<16xf32>
        %get3A_1129 = arith.constant 5 : i32
        %get3A_1130 = arith.index_cast %get3A_1129 : i32 to index
        %get3A_1131 = arith.constant 0 : index
        %get3A_1132 = tpu.vector_load %arg9[%get3A_1130, %get3A_1131] {strides = array<i32>} : memref<7x16xf32, #tpu.memory_space<vmem>>, vector<1x16xf32>,
        %get3A_1133 = vector.shape_cast %get3A_1132 : vector<1x16xf32> to vector<16xf32>
        %get3A_1134 = arith.constant 1 : i32
        %get3A_1135 = arith.constant 5 : i32
        %get3A_1136 = arith.constant 0 : i32
        %get3A_1137 = arith.index_cast %get3A_1134 : i32 to index
        %get3A_1138 = arith.index_cast %get3A_1135 : i32 to index
        %get3A_1139 = arith.index_cast %get3A_1136 : i32 to index
        %get3A_1140 = arith.index_cast %mul3A_1050 : i32 to index
        %get3A_1141 = tpu.vector_load %arg6[%get3A_1137, %get3A_1138, %get3A_1139, %get3A_1140] {strides = array<i32>} : memref<2x7x8x1024xf32, #tpu.memory_space<vmem>>, vector<1x1x1x16xf32>,
        %get3A_1142 = vector.shape_cast %get3A_1141 : vector<1x1x1x16xf32> to vector<16xf32>
        %mul3A_1143 = arith.mulf %get3A_1133, %get3A_1142 : vector<16xf32>
        %add3A_1144 = arith.addf %add3A_1128, %mul3A_1143 : vector<16xf32>
        %get3A_1145 = arith.constant 6 : i32
        %get3A_1146 = arith.index_cast %get3A_1145 : i32 to index
        %get3A_1147 = arith.constant 0 : index
        %get3A_1148 = tpu.vector_load %arg9[%get3A_1146, %get3A_1147] {strides = array<i32>} : memref<7x16xf32, #tpu.memory_space<vmem>>, vector<1x16xf32>,
        %get3A_1149 = vector.shape_cast %get3A_1148 : vector<1x16xf32> to vector<16xf32>
        %get3A_1150 = arith.constant 1 : i32
        %get3A_1151 = arith.constant 6 : i32
        %get3A_1152 = arith.constant 0 : i32
        %get3A_1153 = arith.index_cast %get3A_1150 : i32 to index
        %get3A_1154 = arith.index_cast %get3A_1151 : i32 to index
        %get3A_1155 = arith.index_cast %get3A_1152 : i32 to index
        %get3A_1156 = arith.index_cast %mul3A_1050 : i32 to index
        %get3A_1157 = tpu.vector_load %arg6[%get3A_1153, %get3A_1154, %get3A_1155, %get3A_1156] {strides = array<i32>} : memref<2x7x8x1024xf32, #tpu.memory_space<vmem>>, vector<1x1x1x16xf32>,
        %get3A_1158 = vector.shape_cast %get3A_1157 : vector<1x1x1x16xf32> to vector<16xf32>
        %mul3A_1159 = arith.mulf %get3A_1149, %get3A_1158 : vector<16xf32>
        %add3A_1160 = arith.addf %add3A_1144, %mul3A_1159 : vector<16xf32>
        %swap3A = arith.constant 0 : i32
        %swap3A_1161 = arith.index_cast %swap3A : i32 to index
        %swap3A_1162 = arith.index_cast %mul3A_1050 : i32 to index
        %swap3A_1163 = tpu.vector_load %arg7[%swap3A_1161, %swap3A_1162] {strides = array<i32>} : memref<8x1024xf32, #tpu.memory_space<vmem>>, vector<1x16xf32>,
        %swap3A_1164 = vector.shape_cast %swap3A_1163 : vector<1x16xf32> to vector<16xf32>
        %swap3A_1165 = vector.shape_cast %add3A_1160 : vector<16xf32> to vector<1x16xf32>
        tpu.vector_store %arg7[%swap3A_1161, %swap3A_1162], %swap3A_1165 {strides = array<i32>} : memref<8x1024xf32, #tpu.memory_space<vmem>>, vector<1x16xf32>,
        %get3A_1166 = arith.constant 0 : i32
        %get3A_1167 = arith.index_cast %get3A_1166 : i32 to index
        %get3A_1168 = arith.constant 0 : index
        %get3A_1169 = tpu.vector_load %arg9[%get3A_1167, %get3A_1168] {strides = array<i32>} : memref<7x16xf32, #tpu.memory_space<vmem>>, vector<1x16xf32>,
        %get3A_1170 = vector.shape_cast %get3A_1169 : vector<1x16xf32> to vector<16xf32>
        %get3A_1171 = arith.constant 1 : i32
        %get3A_1172 = arith.constant 0 : i32
        %get3A_1173 = arith.constant 1 : i32
        %get3A_1174 = arith.index_cast %get3A_1171 : i32 to index
        %get3A_1175 = arith.index_cast %get3A_1172 : i32 to index
        %get3A_1176 = arith.index_cast %get3A_1173 : i32 to index
        %get3A_1177 = arith.index_cast %mul3A_1050 : i32 to index
        %get3A_1178 = tpu.vector_load %arg6[%get3A_1174, %get3A_1175, %get3A_1176, %get3A_1177] {strides = array<i32>} : memref<2x7x8x1024xf32, #tpu.memory_space<vmem>>, vector<1x1x1x16xf32>,
        %get3A_1179 = vector.shape_cast %get3A_1178 : vector<1x1x1x16xf32> to vector<16xf32>
        %mul3A_1180 = arith.mulf %get3A_1170, %get3A_1179 : vector<16xf32>
        %get3A_1181 = arith.constant 1 : i32
        %get3A_1182 = arith.index_cast %get3A_1181 : i32 to index
        %get3A_1183 = arith.constant 0 : index
        %get3A_1184 = tpu.vector_load %arg9[%get3A_1182, %get3A_1183] {strides = array<i32>} : memref<7x16xf32, #tpu.memory_space<vmem>>, vector<1x16xf32>,
        %get3A_1185 = vector.shape_cast %get3A_1184 : vector<1x16xf32> to vector<16xf32>
        %get3A_1186 = arith.constant 1 : i32
        %get3A_1187 = arith.constant 1 : i32
        %get3A_1188 = arith.constant 1 : i32
        %get3A_1189 = arith.index_cast %get3A_1186 : i32 to index
        %get3A_1190 = arith.index_cast %get3A_1187 : i32 to index
        %get3A_1191 = arith.index_cast %get3A_1188 : i32 to index
        %get3A_1192 = arith.index_cast %mul3A_1050 : i32 to index
        %get3A_1193 = tpu.vector_load %arg6[%get3A_1189, %get3A_1190, %get3A_1191, %get3A_1192] {strides = array<i32>} : memref<2x7x8x1024xf32, #tpu.memory_space<vmem>>, vector<1x1x1x16xf32>,
        %get3A_1194 = vector.shape_cast %get3A_1193 : vector<1x1x1x16xf32> to vector<16xf32>
        %mul3A_1195 = arith.mulf %get3A_1185, %get3A_1194 : vector<16xf32>
        %add3A_1196 = arith.addf %mul3A_1180, %mul3A_1195 : vector<16xf32>
        %get3A_1197 = arith.constant 2 : i32
        %get3A_1198 = arith.index_cast %get3A_1197 : i32 to index
        %get3A_1199 = arith.constant 0 : index
        %get3A_1200 = tpu.vector_load %arg9[%get3A_1198, %get3A_1199] {strides = array<i32>} : memref<7x16xf32, #tpu.memory_space<vmem>>, vector<1x16xf32>,
        %get3A_1201 = vector.shape_cast %get3A_1200 : vector<1x16xf32> to vector<16xf32>
        %get3A_1202 = arith.constant 1 : i32
        %get3A_1203 = arith.constant 2 : i32
        %get3A_1204 = arith.constant 1 : i32
        %get3A_1205 = arith.index_cast %get3A_1202 : i32 to index
        %get3A_1206 = arith.index_cast %get3A_1203 : i32 to index
        %get3A_1207 = arith.index_cast %get3A_1204 : i32 to index
        %get3A_1208 = arith.index_cast %mul3A_1050 : i32 to index
        %get3A_1209 = tpu.vector_load %arg6[%get3A_1205, %get3A_1206, %get3A_1207, %get3A_1208] {strides = array<i32>} : memref<2x7x8x1024xf32, #tpu.memory_space<vmem>>, vector<1x1x1x16xf32>,
        %get3A_1210 = vector.shape_cast %get3A_1209 : vector<1x1x1x16xf32> to vector<16xf32>
        %mul3A_1211 = arith.mulf %get3A_1201, %get3A_1210 : vector<16xf32>
        %add3A_1212 = arith.addf %add3A_1196, %mul3A_1211 : vector<16xf32>
        %get3A_1213 = arith.constant 3 : i32
        %get3A_1214 = arith.index_cast %get3A_1213 : i32 to index
        %get3A_1215 = arith.constant 0 : index
        %get3A_1216 = tpu.vector_load %arg9[%get3A_1214, %get3A_1215] {strides = array<i32>} : memref<7x16xf32, #tpu.memory_space<vmem>>, vector<1x16xf32>,
        %get3A_1217 = vector.shape_cast %get3A_1216 : vector<1x16xf32> to vector<16xf32>
        %get3A_1218 = arith.constant 1 : i32
        %get3A_1219 = arith.constant 3 : i32
        %get3A_1220 = arith.constant 1 : i32
        %get3A_1221 = arith.index_cast %get3A_1218 : i32 to index
        %get3A_1222 = arith.index_cast %get3A_1219 : i32 to index
        %get3A_1223 = arith.index_cast %get3A_1220 : i32 to index
        %get3A_1224 = arith.index_cast %mul3A_1050 : i32 to index
        %get3A_1225 = tpu.vector_load %arg6[%get3A_1221, %get3A_1222, %get3A_1223, %get3A_1224] {strides = array<i32>} : memref<2x7x8x1024xf32, #tpu.memory_space<vmem>>, vector<1x1x1x16xf32>,
        %get3A_1226 = vector.shape_cast %get3A_1225 : vector<1x1x1x16xf32> to vector<16xf32>
        %mul3A_1227 = arith.mulf %get3A_1217, %get3A_1226 : vector<16xf32>
        %add3A_1228 = arith.addf %add3A_1212, %mul3A_1227 : vector<16xf32>
        %get3A_1229 = arith.constant 4 : i32
        %get3A_1230 = arith.index_cast %get3A_1229 : i32 to index
        %get3A_1231 = arith.constant 0 : index
        %get3A_1232 = tpu.vector_load %arg9[%get3A_1230, %get3A_1231] {strides = array<i32>} : memref<7x16xf32, #tpu.memory_space<vmem>>, vector<1x16xf32>,
        %get3A_1233 = vector.shape_cast %get3A_1232 : vector<1x16xf32> to vector<16xf32>
        %get3A_1234 = arith.constant 1 : i32
        %get3A_1235 = arith.constant 4 : i32
        %get3A_1236 = arith.constant 1 : i32
        %get3A_1237 = arith.index_cast %get3A_1234 : i32 to index
        %get3A_1238 = arith.index_cast %get3A_1235 : i32 to index
        %get3A_1239 = arith.index_cast %get3A_1236 : i32 to index
        %get3A_1240 = arith.index_cast %mul3A_1050 : i32 to index
        %get3A_1241 = tpu.vector_load %arg6[%get3A_1237, %get3A_1238, %get3A_1239, %get3A_1240] {strides = array<i32>} : memref<2x7x8x1024xf32, #tpu.memory_space<vmem>>, vector<1x1x1x16xf32>,
        %get3A_1242 = vector.shape_cast %get3A_1241 : vector<1x1x1x16xf32> to vector<16xf32>
        %mul3A_1243 = arith.mulf %get3A_1233, %get3A_1242 : vector<16xf32>
        %add3A_1244 = arith.addf %add3A_1228, %mul3A_1243 : vector<16xf32>
        %get3A_1245 = arith.constant 5 : i32
        %get3A_1246 = arith.index_cast %get3A_1245 : i32 to index
        %get3A_1247 = arith.constant 0 : index
        %get3A_1248 = tpu.vector_load %arg9[%get3A_1246, %get3A_1247] {strides = array<i32>} : memref<7x16xf32, #tpu.memory_space<vmem>>, vector<1x16xf32>,
        %get3A_1249 = vector.shape_cast %get3A_1248 : vector<1x16xf32> to vector<16xf32>
        %get3A_1250 = arith.constant 1 : i32
        %get3A_1251 = arith.constant 5 : i32
        %get3A_1252 = arith.constant 1 : i32
        %get3A_1253 = arith.index_cast %get3A_1250 : i32 to index
        %get3A_1254 = arith.index_cast %get3A_1251 : i32 to index
        %get3A_1255 = arith.index_cast %get3A_1252 : i32 to index
        %get3A_1256 = arith.index_cast %mul3A_1050 : i32 to index
        %get3A_1257 = tpu.vector_load %arg6[%get3A_1253, %get3A_1254, %get3A_1255, %get3A_1256] {strides = array<i32>} : memref<2x7x8x1024xf32, #tpu.memory_space<vmem>>, vector<1x1x1x16xf32>,
        %get3A_1258 = vector.shape_cast %get3A_1257 : vector<1x1x1x16xf32> to vector<16xf32>
        %mul3A_1259 = arith.mulf %get3A_1249, %get3A_1258 : vector<16xf32>
        %add3A_1260 = arith.addf %add3A_1244, %mul3A_1259 : vector<16xf32>
        %get3A_1261 = arith.constant 6 : i32
        %get3A_1262 = arith.index_cast %get3A_1261 : i32 to index
        %get3A_1263 = arith.constant 0 : index
        %get3A_1264 = tpu.vector_load %arg9[%get3A_1262, %get3A_1263] {strides = array<i32>} : memref<7x16xf32, #tpu.memory_space<vmem>>, vector<1x16xf32>,
        %get3A_1265 = vector.shape_cast %get3A_1264 : vector<1x16xf32> to vector<16xf32>
        %get3A_1266 = arith.constant 1 : i32
        %get3A_1267 = arith.constant 6 : i32
        %get3A_1268 = arith.constant 1 : i32
        %get3A_1269 = arith.index_cast %get3A_1266 : i32 to index
        %get3A_1270 = arith.index_cast %get3A_1267 : i32 to index
        %get3A_1271 = arith.index_cast %get3A_1268 : i32 to index
        %get3A_1272 = arith.index_cast %mul3A_1050 : i32 to index
        %get3A_1273 = tpu.vector_load %arg6[%get3A_1269, %get3A_1270, %get3A_1271, %get3A_1272] {strides = array<i32>} : memref<2x7x8x1024xf32, #tpu.memory_space<vmem>>, vector<1x1x1x16xf32>,
        %get3A_1274 = vector.shape_cast %get3A_1273 : vector<1x1x1x16xf32> to vector<16xf32>
        %mul3A_1275 = arith.mulf %get3A_1265, %get3A_1274 : vector<16xf32>
        %add3A_1276 = arith.addf %add3A_1260, %mul3A_1275 : vector<16xf32>
        %swap3A_1277 = arith.constant 1 : i32
        %swap3A_1278 = arith.index_cast %swap3A_1277 : i32 to index
        %swap3A_1279 = arith.index_cast %mul3A_1050 : i32 to index
        %swap3A_1280 = tpu.vector_load %arg7[%swap3A_1278, %swap3A_1279] {strides = array<i32>} : memref<8x1024xf32, #tpu.memory_space<vmem>>, vector<1x16xf32>,
        %swap3A_1281 = vector.shape_cast %swap3A_1280 : vector<1x16xf32> to vector<16xf32>
        %swap3A_1282 = vector.shape_cast %add3A_1276 : vector<16xf32> to vector<1x16xf32>
        tpu.vector_store %arg7[%swap3A_1278, %swap3A_1279], %swap3A_1282 {strides = array<i32>} : memref<8x1024xf32, #tpu.memory_space<vmem>>, vector<1x16xf32>,
        %get3A_1283 = arith.constant 0 : i32
        %get3A_1284 = arith.index_cast %get3A_1283 : i32 to index
        %get3A_1285 = arith.constant 0 : index
        %get3A_1286 = tpu.vector_load %arg9[%get3A_1284, %get3A_1285] {strides = array<i32>} : memref<7x16xf32, #tpu.memory_space<vmem>>, vector<1x16xf32>,
        %get3A_1287 = vector.shape_cast %get3A_1286 : vector<1x16xf32> to vector<16xf32>
        %get3A_1288 = arith.constant 1 : i32
        %get3A_1289 = arith.constant 0 : i32
        %get3A_1290 = arith.constant 2 : i32
        %get3A_1291 = arith.index_cast %get3A_1288 : i32 to index
        %get3A_1292 = arith.index_cast %get3A_1289 : i32 to index
        %get3A_1293 = arith.index_cast %get3A_1290 : i32 to index
        %get3A_1294 = arith.index_cast %mul3A_1050 : i32 to index
        %get3A_1295 = tpu.vector_load %arg6[%get3A_1291, %get3A_1292, %get3A_1293, %get3A_1294] {strides = array<i32>} : memref<2x7x8x1024xf32, #tpu.memory_space<vmem>>, vector<1x1x1x16xf32>,
        %get3A_1296 = vector.shape_cast %get3A_1295 : vector<1x1x1x16xf32> to vector<16xf32>
        %mul3A_1297 = arith.mulf %get3A_1287, %get3A_1296 : vector<16xf32>
        %get3A_1298 = arith.constant 1 : i32
        %get3A_1299 = arith.index_cast %get3A_1298 : i32 to index
        %get3A_1300 = arith.constant 0 : index
        %get3A_1301 = tpu.vector_load %arg9[%get3A_1299, %get3A_1300] {strides = array<i32>} : memref<7x16xf32, #tpu.memory_space<vmem>>, vector<1x16xf32>,
        %get3A_1302 = vector.shape_cast %get3A_1301 : vector<1x16xf32> to vector<16xf32>
        %get3A_1303 = arith.constant 1 : i32
        %get3A_1304 = arith.constant 1 : i32
        %get3A_1305 = arith.constant 2 : i32
        %get3A_1306 = arith.index_cast %get3A_1303 : i32 to index
        %get3A_1307 = arith.index_cast %get3A_1304 : i32 to index
        %get3A_1308 = arith.index_cast %get3A_1305 : i32 to index
        %get3A_1309 = arith.index_cast %mul3A_1050 : i32 to index
        %get3A_1310 = tpu.vector_load %arg6[%get3A_1306, %get3A_1307, %get3A_1308, %get3A_1309] {strides = array<i32>} : memref<2x7x8x1024xf32, #tpu.memory_space<vmem>>, vector<1x1x1x16xf32>,
        %get3A_1311 = vector.shape_cast %get3A_1310 : vector<1x1x1x16xf32> to vector<16xf32>
        %mul3A_1312 = arith.mulf %get3A_1302, %get3A_1311 : vector<16xf32>
        %add3A_1313 = arith.addf %mul3A_1297, %mul3A_1312 : vector<16xf32>
        %get3A_1314 = arith.constant 2 : i32
        %get3A_1315 = arith.index_cast %get3A_1314 : i32 to index
        %get3A_1316 = arith.constant 0 : index
        %get3A_1317 = tpu.vector_load %arg9[%get3A_1315, %get3A_1316] {strides = array<i32>} : memref<7x16xf32, #tpu.memory_space<vmem>>, vector<1x16xf32>,
        %get3A_1318 = vector.shape_cast %get3A_1317 : vector<1x16xf32> to vector<16xf32>
        %get3A_1319 = arith.constant 1 : i32
        %get3A_1320 = arith.constant 2 : i32
        %get3A_1321 = arith.constant 2 : i32
        %get3A_1322 = arith.index_cast %get3A_1319 : i32 to index
        %get3A_1323 = arith.index_cast %get3A_1320 : i32 to index
        %get3A_1324 = arith.index_cast %get3A_1321 : i32 to index
        %get3A_1325 = arith.index_cast %mul3A_1050 : i32 to index
        %get3A_1326 = tpu.vector_load %arg6[%get3A_1322, %get3A_1323, %get3A_1324, %get3A_1325] {strides = array<i32>} : memref<2x7x8x1024xf32, #tpu.memory_space<vmem>>, vector<1x1x1x16xf32>,
        %get3A_1327 = vector.shape_cast %get3A_1326 : vector<1x1x1x16xf32> to vector<16xf32>
        %mul3A_1328 = arith.mulf %get3A_1318, %get3A_1327 : vector<16xf32>
        %add3A_1329 = arith.addf %add3A_1313, %mul3A_1328 : vector<16xf32>
        %get3A_1330 = arith.constant 3 : i32
        %get3A_1331 = arith.index_cast %get3A_1330 : i32 to index
        %get3A_1332 = arith.constant 0 : index
        %get3A_1333 = tpu.vector_load %arg9[%get3A_1331, %get3A_1332] {strides = array<i32>} : memref<7x16xf32, #tpu.memory_space<vmem>>, vector<1x16xf32>,
        %get3A_1334 = vector.shape_cast %get3A_1333 : vector<1x16xf32> to vector<16xf32>
        %get3A_1335 = arith.constant 1 : i32
        %get3A_1336 = arith.constant 3 : i32
        %get3A_1337 = arith.constant 2 : i32
        %get3A_1338 = arith.index_cast %get3A_1335 : i32 to index
        %get3A_1339 = arith.index_cast %get3A_1336 : i32 to index
        %get3A_1340 = arith.index_cast %get3A_1337 : i32 to index
        %get3A_1341 = arith.index_cast %mul3A_1050 : i32 to index
        %get3A_1342 = tpu.vector_load %arg6[%get3A_1338, %get3A_1339, %get3A_1340, %get3A_1341] {strides = array<i32>} : memref<2x7x8x1024xf32, #tpu.memory_space<vmem>>, vector<1x1x1x16xf32>,
        %get3A_1343 = vector.shape_cast %get3A_1342 : vector<1x1x1x16xf32> to vector<16xf32>
        %mul3A_1344 = arith.mulf %get3A_1334, %get3A_1343 : vector<16xf32>
        %add3A_1345 = arith.addf %add3A_1329, %mul3A_1344 : vector<16xf32>
        %get3A_1346 = arith.constant 4 : i32
        %get3A_1347 = arith.index_cast %get3A_1346 : i32 to index
        %get3A_1348 = arith.constant 0 : index
        %get3A_1349 = tpu.vector_load %arg9[%get3A_1347, %get3A_1348] {strides = array<i32>} : memref<7x16xf32, #tpu.memory_space<vmem>>, vector<1x16xf32>,
        %get3A_1350 = vector.shape_cast %get3A_1349 : vector<1x16xf32> to vector<16xf32>
        %get3A_1351 = arith.constant 1 : i32
        %get3A_1352 = arith.constant 4 : i32
        %get3A_1353 = arith.constant 2 : i32
        %get3A_1354 = arith.index_cast %get3A_1351 : i32 to index
        %get3A_1355 = arith.index_cast %get3A_1352 : i32 to index
        %get3A_1356 = arith.index_cast %get3A_1353 : i32 to index
        %get3A_1357 = arith.index_cast %mul3A_1050 : i32 to index
        %get3A_1358 = tpu.vector_load %arg6[%get3A_1354, %get3A_1355, %get3A_1356, %get3A_1357] {strides = array<i32>} : memref<2x7x8x1024xf32, #tpu.memory_space<vmem>>, vector<1x1x1x16xf32>,
        %get3A_1359 = vector.shape_cast %get3A_1358 : vector<1x1x1x16xf32> to vector<16xf32>
        %mul3A_1360 = arith.mulf %get3A_1350, %get3A_1359 : vector<16xf32>
        %add3A_1361 = arith.addf %add3A_1345, %mul3A_1360 : vector<16xf32>
        %get3A_1362 = arith.constant 5 : i32
        %get3A_1363 = arith.index_cast %get3A_1362 : i32 to index
        %get3A_1364 = arith.constant 0 : index
        %get3A_1365 = tpu.vector_load %arg9[%get3A_1363, %get3A_1364] {strides = array<i32>} : memref<7x16xf32, #tpu.memory_space<vmem>>, vector<1x16xf32>,
        %get3A_1366 = vector.shape_cast %get3A_1365 : vector<1x16xf32> to vector<16xf32>
        %get3A_1367 = arith.constant 1 : i32
        %get3A_1368 = arith.constant 5 : i32
        %get3A_1369 = arith.constant 2 : i32
        %get3A_1370 = arith.index_cast %get3A_1367 : i32 to index
        %get3A_1371 = arith.index_cast %get3A_1368 : i32 to index
        %get3A_1372 = arith.index_cast %get3A_1369 : i32 to index
        %get3A_1373 = arith.index_cast %mul3A_1050 : i32 to index
        %get3A_1374 = tpu.vector_load %arg6[%get3A_1370, %get3A_1371, %get3A_1372, %get3A_1373] {strides = array<i32>} : memref<2x7x8x1024xf32, #tpu.memory_space<vmem>>, vector<1x1x1x16xf32>,
        %get3A_1375 = vector.shape_cast %get3A_1374 : vector<1x1x1x16xf32> to vector<16xf32>
        %mul3A_1376 = arith.mulf %get3A_1366, %get3A_1375 : vector<16xf32>
        %add3A_1377 = arith.addf %add3A_1361, %mul3A_1376 : vector<16xf32>
        %get3A_1378 = arith.constant 6 : i32
        %get3A_1379 = arith.index_cast %get3A_1378 : i32 to index
        %get3A_1380 = arith.constant 0 : index
        %get3A_1381 = tpu.vector_load %arg9[%get3A_1379, %get3A_1380] {strides = array<i32>} : memref<7x16xf32, #tpu.memory_space<vmem>>, vector<1x16xf32>,
        %get3A_1382 = vector.shape_cast %get3A_1381 : vector<1x16xf32> to vector<16xf32>
        %get3A_1383 = arith.constant 1 : i32
        %get3A_1384 = arith.constant 6 : i32
        %get3A_1385 = arith.constant 2 : i32
        %get3A_1386 = arith.index_cast %get3A_1383 : i32 to index
        %get3A_1387 = arith.index_cast %get3A_1384 : i32 to index
        %get3A_1388 = arith.index_cast %get3A_1385 : i32 to index
        %get3A_1389 = arith.index_cast %mul3A_1050 : i32 to index
        %get3A_1390 = tpu.vector_load %arg6[%get3A_1386, %get3A_1387, %get3A_1388, %get3A_1389] {strides = array<i32>} : memref<2x7x8x1024xf32, #tpu.memory_space<vmem>>, vector<1x1x1x16xf32>,
        %get3A_1391 = vector.shape_cast %get3A_1390 : vector<1x1x1x16xf32> to vector<16xf32>
        %mul3A_1392 = arith.mulf %get3A_1382, %get3A_1391 : vector<16xf32>
        %add3A_1393 = arith.addf %add3A_1377, %mul3A_1392 : vector<16xf32>
        %swap3A_1394 = arith.constant 2 : i32
        %swap3A_1395 = arith.index_cast %swap3A_1394 : i32 to index
        %swap3A_1396 = arith.index_cast %mul3A_1050 : i32 to index
        %swap3A_1397 = tpu.vector_load %arg7[%swap3A_1395, %swap3A_1396] {strides = array<i32>} : memref<8x1024xf32, #tpu.memory_space<vmem>>, vector<1x16xf32>,
        %swap3A_1398 = vector.shape_cast %swap3A_1397 : vector<1x16xf32> to vector<16xf32>
        %swap3A_1399 = vector.shape_cast %add3A_1393 : vector<16xf32> to vector<1x16xf32>
        tpu.vector_store %arg7[%swap3A_1395, %swap3A_1396], %swap3A_1399 {strides = array<i32>} : memref<8x1024xf32, #tpu.memory_space<vmem>>, vector<1x16xf32>,
        %get3A_1400 = arith.constant 0 : i32
        %get3A_1401 = arith.index_cast %get3A_1400 : i32 to index
        %get3A_1402 = arith.constant 0 : index
        %get3A_1403 = tpu.vector_load %arg9[%get3A_1401, %get3A_1402] {strides = array<i32>} : memref<7x16xf32, #tpu.memory_space<vmem>>, vector<1x16xf32>,
        %get3A_1404 = vector.shape_cast %get3A_1403 : vector<1x16xf32> to vector<16xf32>
        %get3A_1405 = arith.constant 1 : i32
        %get3A_1406 = arith.constant 0 : i32
        %get3A_1407 = arith.constant 3 : i32
        %get3A_1408 = arith.index_cast %get3A_1405 : i32 to index
        %get3A_1409 = arith.index_cast %get3A_1406 : i32 to index
        %get3A_1410 = arith.index_cast %get3A_1407 : i32 to index
        %get3A_1411 = arith.index_cast %mul3A_1050 : i32 to index
        %get3A_1412 = tpu.vector_load %arg6[%get3A_1408, %get3A_1409, %get3A_1410, %get3A_1411] {strides = array<i32>} : memref<2x7x8x1024xf32, #tpu.memory_space<vmem>>, vector<1x1x1x16xf32>,
        %get3A_1413 = vector.shape_cast %get3A_1412 : vector<1x1x1x16xf32> to vector<16xf32>
        %mul3A_1414 = arith.mulf %get3A_1404, %get3A_1413 : vector<16xf32>
        %get3A_1415 = arith.constant 1 : i32
        %get3A_1416 = arith.index_cast %get3A_1415 : i32 to index
        %get3A_1417 = arith.constant 0 : index
        %get3A_1418 = tpu.vector_load %arg9[%get3A_1416, %get3A_1417] {strides = array<i32>} : memref<7x16xf32, #tpu.memory_space<vmem>>, vector<1x16xf32>,
        %get3A_1419 = vector.shape_cast %get3A_1418 : vector<1x16xf32> to vector<16xf32>
        %get3A_1420 = arith.constant 1 : i32
        %get3A_1421 = arith.constant 1 : i32
        %get3A_1422 = arith.constant 3 : i32
        %get3A_1423 = arith.index_cast %get3A_1420 : i32 to index
        %get3A_1424 = arith.index_cast %get3A_1421 : i32 to index
        %get3A_1425 = arith.index_cast %get3A_1422 : i32 to index
        %get3A_1426 = arith.index_cast %mul3A_1050 : i32 to index
        %get3A_1427 = tpu.vector_load %arg6[%get3A_1423, %get3A_1424, %get3A_1425, %get3A_1426] {strides = array<i32>} : memref<2x7x8x1024xf32, #tpu.memory_space<vmem>>, vector<1x1x1x16xf32>,
        %get3A_1428 = vector.shape_cast %get3A_1427 : vector<1x1x1x16xf32> to vector<16xf32>
        %mul3A_1429 = arith.mulf %get3A_1419, %get3A_1428 : vector<16xf32>
        %add3A_1430 = arith.addf %mul3A_1414, %mul3A_1429 : vector<16xf32>
        %get3A_1431 = arith.constant 2 : i32
        %get3A_1432 = arith.index_cast %get3A_1431 : i32 to index
        %get3A_1433 = arith.constant 0 : index
        %get3A_1434 = tpu.vector_load %arg9[%get3A_1432, %get3A_1433] {strides = array<i32>} : memref<7x16xf32, #tpu.memory_space<vmem>>, vector<1x16xf32>,
        %get3A_1435 = vector.shape_cast %get3A_1434 : vector<1x16xf32> to vector<16xf32>
        %get3A_1436 = arith.constant 1 : i32
        %get3A_1437 = arith.constant 2 : i32
        %get3A_1438 = arith.constant 3 : i32
        %get3A_1439 = arith.index_cast %get3A_1436 : i32 to index
        %get3A_1440 = arith.index_cast %get3A_1437 : i32 to index
        %get3A_1441 = arith.index_cast %get3A_1438 : i32 to index
        %get3A_1442 = arith.index_cast %mul3A_1050 : i32 to index
        %get3A_1443 = tpu.vector_load %arg6[%get3A_1439, %get3A_1440, %get3A_1441, %get3A_1442] {strides = array<i32>} : memref<2x7x8x1024xf32, #tpu.memory_space<vmem>>, vector<1x1x1x16xf32>,
        %get3A_1444 = vector.shape_cast %get3A_1443 : vector<1x1x1x16xf32> to vector<16xf32>
        %mul3A_1445 = arith.mulf %get3A_1435, %get3A_1444 : vector<16xf32>
        %add3A_1446 = arith.addf %add3A_1430, %mul3A_1445 : vector<16xf32>
        %get3A_1447 = arith.constant 3 : i32
        %get3A_1448 = arith.index_cast %get3A_1447 : i32 to index
        %get3A_1449 = arith.constant 0 : index
        %get3A_1450 = tpu.vector_load %arg9[%get3A_1448, %get3A_1449] {strides = array<i32>} : memref<7x16xf32, #tpu.memory_space<vmem>>, vector<1x16xf32>,
        %get3A_1451 = vector.shape_cast %get3A_1450 : vector<1x16xf32> to vector<16xf32>
        %get3A_1452 = arith.constant 1 : i32
        %get3A_1453 = arith.constant 3 : i32
        %get3A_1454 = arith.constant 3 : i32
        %get3A_1455 = arith.index_cast %get3A_1452 : i32 to index
        %get3A_1456 = arith.index_cast %get3A_1453 : i32 to index
        %get3A_1457 = arith.index_cast %get3A_1454 : i32 to index
        %get3A_1458 = arith.index_cast %mul3A_1050 : i32 to index
        %get3A_1459 = tpu.vector_load %arg6[%get3A_1455, %get3A_1456, %get3A_1457, %get3A_1458] {strides = array<i32>} : memref<2x7x8x1024xf32, #tpu.memory_space<vmem>>, vector<1x1x1x16xf32>,
        %get3A_1460 = vector.shape_cast %get3A_1459 : vector<1x1x1x16xf32> to vector<16xf32>
        %mul3A_1461 = arith.mulf %get3A_1451, %get3A_1460 : vector<16xf32>
        %add3A_1462 = arith.addf %add3A_1446, %mul3A_1461 : vector<16xf32>
        %get3A_1463 = arith.constant 4 : i32
        %get3A_1464 = arith.index_cast %get3A_1463 : i32 to index
        %get3A_1465 = arith.constant 0 : index
        %get3A_1466 = tpu.vector_load %arg9[%get3A_1464, %get3A_1465] {strides = array<i32>} : memref<7x16xf32, #tpu.memory_space<vmem>>, vector<1x16xf32>,
        %get3A_1467 = vector.shape_cast %get3A_1466 : vector<1x16xf32> to vector<16xf32>
        %get3A_1468 = arith.constant 1 : i32
        %get3A_1469 = arith.constant 4 : i32
        %get3A_1470 = arith.constant 3 : i32
        %get3A_1471 = arith.index_cast %get3A_1468 : i32 to index
        %get3A_1472 = arith.index_cast %get3A_1469 : i32 to index
        %get3A_1473 = arith.index_cast %get3A_1470 : i32 to index
        %get3A_1474 = arith.index_cast %mul3A_1050 : i32 to index
        %get3A_1475 = tpu.vector_load %arg6[%get3A_1471, %get3A_1472, %get3A_1473, %get3A_1474] {strides = array<i32>} : memref<2x7x8x1024xf32, #tpu.memory_space<vmem>>, vector<1x1x1x16xf32>,
        %get3A_1476 = vector.shape_cast %get3A_1475 : vector<1x1x1x16xf32> to vector<16xf32>
        %mul3A_1477 = arith.mulf %get3A_1467, %get3A_1476 : vector<16xf32>
        %add3A_1478 = arith.addf %add3A_1462, %mul3A_1477 : vector<16xf32>
        %get3A_1479 = arith.constant 5 : i32
        %get3A_1480 = arith.index_cast %get3A_1479 : i32 to index
        %get3A_1481 = arith.constant 0 : index
        %get3A_1482 = tpu.vector_load %arg9[%get3A_1480, %get3A_1481] {strides = array<i32>} : memref<7x16xf32, #tpu.memory_space<vmem>>, vector<1x16xf32>,
        %get3A_1483 = vector.shape_cast %get3A_1482 : vector<1x16xf32> to vector<16xf32>
        %get3A_1484 = arith.constant 1 : i32
        %get3A_1485 = arith.constant 5 : i32
        %get3A_1486 = arith.constant 3 : i32
        %get3A_1487 = arith.index_cast %get3A_1484 : i32 to index
        %get3A_1488 = arith.index_cast %get3A_1485 : i32 to index
        %get3A_1489 = arith.index_cast %get3A_1486 : i32 to index
        %get3A_1490 = arith.index_cast %mul3A_1050 : i32 to index
        %get3A_1491 = tpu.vector_load %arg6[%get3A_1487, %get3A_1488, %get3A_1489, %get3A_1490] {strides = array<i32>} : memref<2x7x8x1024xf32, #tpu.memory_space<vmem>>, vector<1x1x1x16xf32>,
        %get3A_1492 = vector.shape_cast %get3A_1491 : vector<1x1x1x16xf32> to vector<16xf32>
        %mul3A_1493 = arith.mulf %get3A_1483, %get3A_1492 : vector<16xf32>
        %add3A_1494 = arith.addf %add3A_1478, %mul3A_1493 : vector<16xf32>
        %get3A_1495 = arith.constant 6 : i32
        %get3A_1496 = arith.index_cast %get3A_1495 : i32 to index
        %get3A_1497 = arith.constant 0 : index
        %get3A_1498 = tpu.vector_load %arg9[%get3A_1496, %get3A_1497] {strides = array<i32>} : memref<7x16xf32, #tpu.memory_space<vmem>>, vector<1x16xf32>,
        %get3A_1499 = vector.shape_cast %get3A_1498 : vector<1x16xf32> to vector<16xf32>
        %get3A_1500 = arith.constant 1 : i32
        %get3A_1501 = arith.constant 6 : i32
        %get3A_1502 = arith.constant 3 : i32
        %get3A_1503 = arith.index_cast %get3A_1500 : i32 to index
        %get3A_1504 = arith.index_cast %get3A_1501 : i32 to index
        %get3A_1505 = arith.index_cast %get3A_1502 : i32 to index
        %get3A_1506 = arith.index_cast %mul3A_1050 : i32 to index
        %get3A_1507 = tpu.vector_load %arg6[%get3A_1503, %get3A_1504, %get3A_1505, %get3A_1506] {strides = array<i32>} : memref<2x7x8x1024xf32, #tpu.memory_space<vmem>>, vector<1x1x1x16xf32>,
        %get3A_1508 = vector.shape_cast %get3A_1507 : vector<1x1x1x16xf32> to vector<16xf32>
        %mul3A_1509 = arith.mulf %get3A_1499, %get3A_1508 : vector<16xf32>
        %add3A_1510 = arith.addf %add3A_1494, %mul3A_1509 : vector<16xf32>
        %swap3A_1511 = arith.constant 3 : i32
        %swap3A_1512 = arith.index_cast %swap3A_1511 : i32 to index
        %swap3A_1513 = arith.index_cast %mul3A_1050 : i32 to index
        %swap3A_1514 = tpu.vector_load %arg7[%swap3A_1512, %swap3A_1513] {strides = array<i32>} : memref<8x1024xf32, #tpu.memory_space<vmem>>, vector<1x16xf32>,
        %swap3A_1515 = vector.shape_cast %swap3A_1514 : vector<1x16xf32> to vector<16xf32>
        %swap3A_1516 = vector.shape_cast %add3A_1510 : vector<16xf32> to vector<1x16xf32>
        tpu.vector_store %arg7[%swap3A_1512, %swap3A_1513], %swap3A_1516 {strides = array<i32>} : memref<8x1024xf32, #tpu.memory_space<vmem>>, vector<1x16xf32>,
        %get3A_1517 = arith.constant 0 : i32
        %get3A_1518 = arith.index_cast %get3A_1517 : i32 to index
        %get3A_1519 = arith.constant 0 : index
        %get3A_1520 = tpu.vector_load %arg9[%get3A_1518, %get3A_1519] {strides = array<i32>} : memref<7x16xf32, #tpu.memory_space<vmem>>, vector<1x16xf32>,
        %get3A_1521 = vector.shape_cast %get3A_1520 : vector<1x16xf32> to vector<16xf32>
        %get3A_1522 = arith.constant 1 : i32
        %get3A_1523 = arith.constant 0 : i32
        %get3A_1524 = arith.constant 4 : i32
        %get3A_1525 = arith.index_cast %get3A_1522 : i32 to index
        %get3A_1526 = arith.index_cast %get3A_1523 : i32 to index
        %get3A_1527 = arith.index_cast %get3A_1524 : i32 to index
        %get3A_1528 = arith.index_cast %mul3A_1050 : i32 to index
        %get3A_1529 = tpu.vector_load %arg6[%get3A_1525, %get3A_1526, %get3A_1527, %get3A_1528] {strides = array<i32>} : memref<2x7x8x1024xf32, #tpu.memory_space<vmem>>, vector<1x1x1x16xf32>,
        %get3A_1530 = vector.shape_cast %get3A_1529 : vector<1x1x1x16xf32> to vector<16xf32>
        %mul3A_1531 = arith.mulf %get3A_1521, %get3A_1530 : vector<16xf32>
        %get3A_1532 = arith.constant 1 : i32
        %get3A_1533 = arith.index_cast %get3A_1532 : i32 to index
        %get3A_1534 = arith.constant 0 : index
        %get3A_1535 = tpu.vector_load %arg9[%get3A_1533, %get3A_1534] {strides = array<i32>} : memref<7x16xf32, #tpu.memory_space<vmem>>, vector<1x16xf32>,
        %get3A_1536 = vector.shape_cast %get3A_1535 : vector<1x16xf32> to vector<16xf32>
        %get3A_1537 = arith.constant 1 : i32
        %get3A_1538 = arith.constant 1 : i32
        %get3A_1539 = arith.constant 4 : i32
        %get3A_1540 = arith.index_cast %get3A_1537 : i32 to index
        %get3A_1541 = arith.index_cast %get3A_1538 : i32 to index
        %get3A_1542 = arith.index_cast %get3A_1539 : i32 to index
        %get3A_1543 = arith.index_cast %mul3A_1050 : i32 to index
        %get3A_1544 = tpu.vector_load %arg6[%get3A_1540, %get3A_1541, %get3A_1542, %get3A_1543] {strides = array<i32>} : memref<2x7x8x1024xf32, #tpu.memory_space<vmem>>, vector<1x1x1x16xf32>,
        %get3A_1545 = vector.shape_cast %get3A_1544 : vector<1x1x1x16xf32> to vector<16xf32>
        %mul3A_1546 = arith.mulf %get3A_1536, %get3A_1545 : vector<16xf32>
        %add3A_1547 = arith.addf %mul3A_1531, %mul3A_1546 : vector<16xf32>
        %get3A_1548 = arith.constant 2 : i32
        %get3A_1549 = arith.index_cast %get3A_1548 : i32 to index
        %get3A_1550 = arith.constant 0 : index
        %get3A_1551 = tpu.vector_load %arg9[%get3A_1549, %get3A_1550] {strides = array<i32>} : memref<7x16xf32, #tpu.memory_space<vmem>>, vector<1x16xf32>,
        %get3A_1552 = vector.shape_cast %get3A_1551 : vector<1x16xf32> to vector<16xf32>
        %get3A_1553 = arith.constant 1 : i32
        %get3A_1554 = arith.constant 2 : i32
        %get3A_1555 = arith.constant 4 : i32
        %get3A_1556 = arith.index_cast %get3A_1553 : i32 to index
        %get3A_1557 = arith.index_cast %get3A_1554 : i32 to index
        %get3A_1558 = arith.index_cast %get3A_1555 : i32 to index
        %get3A_1559 = arith.index_cast %mul3A_1050 : i32 to index
        %get3A_1560 = tpu.vector_load %arg6[%get3A_1556, %get3A_1557, %get3A_1558, %get3A_1559] {strides = array<i32>} : memref<2x7x8x1024xf32, #tpu.memory_space<vmem>>, vector<1x1x1x16xf32>,
        %get3A_1561 = vector.shape_cast %get3A_1560 : vector<1x1x1x16xf32> to vector<16xf32>
        %mul3A_1562 = arith.mulf %get3A_1552, %get3A_1561 : vector<16xf32>
        %add3A_1563 = arith.addf %add3A_1547, %mul3A_1562 : vector<16xf32>
        %get3A_1564 = arith.constant 3 : i32
        %get3A_1565 = arith.index_cast %get3A_1564 : i32 to index
        %get3A_1566 = arith.constant 0 : index
        %get3A_1567 = tpu.vector_load %arg9[%get3A_1565, %get3A_1566] {strides = array<i32>} : memref<7x16xf32, #tpu.memory_space<vmem>>, vector<1x16xf32>,
        %get3A_1568 = vector.shape_cast %get3A_1567 : vector<1x16xf32> to vector<16xf32>
        %get3A_1569 = arith.constant 1 : i32
        %get3A_1570 = arith.constant 3 : i32
        %get3A_1571 = arith.constant 4 : i32
        %get3A_1572 = arith.index_cast %get3A_1569 : i32 to index
        %get3A_1573 = arith.index_cast %get3A_1570 : i32 to index
        %get3A_1574 = arith.index_cast %get3A_1571 : i32 to index
        %get3A_1575 = arith.index_cast %mul3A_1050 : i32 to index
        %get3A_1576 = tpu.vector_load %arg6[%get3A_1572, %get3A_1573, %get3A_1574, %get3A_1575] {strides = array<i32>} : memref<2x7x8x1024xf32, #tpu.memory_space<vmem>>, vector<1x1x1x16xf32>,
        %get3A_1577 = vector.shape_cast %get3A_1576 : vector<1x1x1x16xf32> to vector<16xf32>
        %mul3A_1578 = arith.mulf %get3A_1568, %get3A_1577 : vector<16xf32>
        %add3A_1579 = arith.addf %add3A_1563, %mul3A_1578 : vector<16xf32>
        %get3A_1580 = arith.constant 4 : i32
        %get3A_1581 = arith.index_cast %get3A_1580 : i32 to index
        %get3A_1582 = arith.constant 0 : index
        %get3A_1583 = tpu.vector_load %arg9[%get3A_1581, %get3A_1582] {strides = array<i32>} : memref<7x16xf32, #tpu.memory_space<vmem>>, vector<1x16xf32>,
        %get3A_1584 = vector.shape_cast %get3A_1583 : vector<1x16xf32> to vector<16xf32>
        %get3A_1585 = arith.constant 1 : i32
        %get3A_1586 = arith.constant 4 : i32
        %get3A_1587 = arith.constant 4 : i32
        %get3A_1588 = arith.index_cast %get3A_1585 : i32 to index
        %get3A_1589 = arith.index_cast %get3A_1586 : i32 to index
        %get3A_1590 = arith.index_cast %get3A_1587 : i32 to index
        %get3A_1591 = arith.index_cast %mul3A_1050 : i32 to index
        %get3A_1592 = tpu.vector_load %arg6[%get3A_1588, %get3A_1589, %get3A_1590, %get3A_1591] {strides = array<i32>} : memref<2x7x8x1024xf32, #tpu.memory_space<vmem>>, vector<1x1x1x16xf32>,
        %get3A_1593 = vector.shape_cast %get3A_1592 : vector<1x1x1x16xf32> to vector<16xf32>
        %mul3A_1594 = arith.mulf %get3A_1584, %get3A_1593 : vector<16xf32>
        %add3A_1595 = arith.addf %add3A_1579, %mul3A_1594 : vector<16xf32>
        %get3A_1596 = arith.constant 5 : i32
        %get3A_1597 = arith.index_cast %get3A_1596 : i32 to index
        %get3A_1598 = arith.constant 0 : index
        %get3A_1599 = tpu.vector_load %arg9[%get3A_1597, %get3A_1598] {strides = array<i32>} : memref<7x16xf32, #tpu.memory_space<vmem>>, vector<1x16xf32>,
        %get3A_1600 = vector.shape_cast %get3A_1599 : vector<1x16xf32> to vector<16xf32>
        %get3A_1601 = arith.constant 1 : i32
        %get3A_1602 = arith.constant 5 : i32
        %get3A_1603 = arith.constant 4 : i32
        %get3A_1604 = arith.index_cast %get3A_1601 : i32 to index
        %get3A_1605 = arith.index_cast %get3A_1602 : i32 to index
        %get3A_1606 = arith.index_cast %get3A_1603 : i32 to index
        %get3A_1607 = arith.index_cast %mul3A_1050 : i32 to index
        %get3A_1608 = tpu.vector_load %arg6[%get3A_1604, %get3A_1605, %get3A_1606, %get3A_1607] {strides = array<i32>} : memref<2x7x8x1024xf32, #tpu.memory_space<vmem>>, vector<1x1x1x16xf32>,
        %get3A_1609 = vector.shape_cast %get3A_1608 : vector<1x1x1x16xf32> to vector<16xf32>
        %mul3A_1610 = arith.mulf %get3A_1600, %get3A_1609 : vector<16xf32>
        %add3A_1611 = arith.addf %add3A_1595, %mul3A_1610 : vector<16xf32>
        %get3A_1612 = arith.constant 6 : i32
        %get3A_1613 = arith.index_cast %get3A_1612 : i32 to index
        %get3A_1614 = arith.constant 0 : index
        %get3A_1615 = tpu.vector_load %arg9[%get3A_1613, %get3A_1614] {strides = array<i32>} : memref<7x16xf32, #tpu.memory_space<vmem>>, vector<1x16xf32>,
        %get3A_1616 = vector.shape_cast %get3A_1615 : vector<1x16xf32> to vector<16xf32>
        %get3A_1617 = arith.constant 1 : i32
        %get3A_1618 = arith.constant 6 : i32
        %get3A_1619 = arith.constant 4 : i32
        %get3A_1620 = arith.index_cast %get3A_1617 : i32 to index
        %get3A_1621 = arith.index_cast %get3A_1618 : i32 to index
        %get3A_1622 = arith.index_cast %get3A_1619 : i32 to index
        %get3A_1623 = arith.index_cast %mul3A_1050 : i32 to index
        %get3A_1624 = tpu.vector_load %arg6[%get3A_1620, %get3A_1621, %get3A_1622, %get3A_1623] {strides = array<i32>} : memref<2x7x8x1024xf32, #tpu.memory_space<vmem>>, vector<1x1x1x16xf32>,
        %get3A_1625 = vector.shape_cast %get3A_1624 : vector<1x1x1x16xf32> to vector<16xf32>
        %mul3A_1626 = arith.mulf %get3A_1616, %get3A_1625 : vector<16xf32>
        %add3A_1627 = arith.addf %add3A_1611, %mul3A_1626 : vector<16xf32>
        %swap3A_1628 = arith.constant 4 : i32
        %swap3A_1629 = arith.index_cast %swap3A_1628 : i32 to index
        %swap3A_1630 = arith.index_cast %mul3A_1050 : i32 to index
        %swap3A_1631 = tpu.vector_load %arg7[%swap3A_1629, %swap3A_1630] {strides = array<i32>} : memref<8x1024xf32, #tpu.memory_space<vmem>>, vector<1x16xf32>,
        %swap3A_1632 = vector.shape_cast %swap3A_1631 : vector<1x16xf32> to vector<16xf32>
        %swap3A_1633 = vector.shape_cast %add3A_1627 : vector<16xf32> to vector<1x16xf32>
        tpu.vector_store %arg7[%swap3A_1629, %swap3A_1630], %swap3A_1633 {strides = array<i32>} : memref<8x1024xf32, #tpu.memory_space<vmem>>, vector<1x16xf32>,
        %get3A_1634 = arith.constant 0 : i32
        %get3A_1635 = arith.index_cast %get3A_1634 : i32 to index
        %get3A_1636 = arith.constant 0 : index
        %get3A_1637 = tpu.vector_load %arg9[%get3A_1635, %get3A_1636] {strides = array<i32>} : memref<7x16xf32, #tpu.memory_space<vmem>>, vector<1x16xf32>,
        %get3A_1638 = vector.shape_cast %get3A_1637 : vector<1x16xf32> to vector<16xf32>
        %get3A_1639 = arith.constant 1 : i32
        %get3A_1640 = arith.constant 0 : i32
        %get3A_1641 = arith.constant 5 : i32
        %get3A_1642 = arith.index_cast %get3A_1639 : i32 to index
        %get3A_1643 = arith.index_cast %get3A_1640 : i32 to index
        %get3A_1644 = arith.index_cast %get3A_1641 : i32 to index
        %get3A_1645 = arith.index_cast %mul3A_1050 : i32 to index
        %get3A_1646 = tpu.vector_load %arg6[%get3A_1642, %get3A_1643, %get3A_1644, %get3A_1645] {strides = array<i32>} : memref<2x7x8x1024xf32, #tpu.memory_space<vmem>>, vector<1x1x1x16xf32>,
        %get3A_1647 = vector.shape_cast %get3A_1646 : vector<1x1x1x16xf32> to vector<16xf32>
        %mul3A_1648 = arith.mulf %get3A_1638, %get3A_1647 : vector<16xf32>
        %get3A_1649 = arith.constant 1 : i32
        %get3A_1650 = arith.index_cast %get3A_1649 : i32 to index
        %get3A_1651 = arith.constant 0 : index
        %get3A_1652 = tpu.vector_load %arg9[%get3A_1650, %get3A_1651] {strides = array<i32>} : memref<7x16xf32, #tpu.memory_space<vmem>>, vector<1x16xf32>,
        %get3A_1653 = vector.shape_cast %get3A_1652 : vector<1x16xf32> to vector<16xf32>
        %get3A_1654 = arith.constant 1 : i32
        %get3A_1655 = arith.constant 1 : i32
        %get3A_1656 = arith.constant 5 : i32
        %get3A_1657 = arith.index_cast %get3A_1654 : i32 to index
        %get3A_1658 = arith.index_cast %get3A_1655 : i32 to index
        %get3A_1659 = arith.index_cast %get3A_1656 : i32 to index
        %get3A_1660 = arith.index_cast %mul3A_1050 : i32 to index
        %get3A_1661 = tpu.vector_load %arg6[%get3A_1657, %get3A_1658, %get3A_1659, %get3A_1660] {strides = array<i32>} : memref<2x7x8x1024xf32, #tpu.memory_space<vmem>>, vector<1x1x1x16xf32>,
        %get3A_1662 = vector.shape_cast %get3A_1661 : vector<1x1x1x16xf32> to vector<16xf32>
        %mul3A_1663 = arith.mulf %get3A_1653, %get3A_1662 : vector<16xf32>
        %add3A_1664 = arith.addf %mul3A_1648, %mul3A_1663 : vector<16xf32>
        %get3A_1665 = arith.constant 2 : i32
        %get3A_1666 = arith.index_cast %get3A_1665 : i32 to index
        %get3A_1667 = arith.constant 0 : index
        %get3A_1668 = tpu.vector_load %arg9[%get3A_1666, %get3A_1667] {strides = array<i32>} : memref<7x16xf32, #tpu.memory_space<vmem>>, vector<1x16xf32>,
        %get3A_1669 = vector.shape_cast %get3A_1668 : vector<1x16xf32> to vector<16xf32>
        %get3A_1670 = arith.constant 1 : i32
        %get3A_1671 = arith.constant 2 : i32
        %get3A_1672 = arith.constant 5 : i32
        %get3A_1673 = arith.index_cast %get3A_1670 : i32 to index
        %get3A_1674 = arith.index_cast %get3A_1671 : i32 to index
        %get3A_1675 = arith.index_cast %get3A_1672 : i32 to index
        %get3A_1676 = arith.index_cast %mul3A_1050 : i32 to index
        %get3A_1677 = tpu.vector_load %arg6[%get3A_1673, %get3A_1674, %get3A_1675, %get3A_1676] {strides = array<i32>} : memref<2x7x8x1024xf32, #tpu.memory_space<vmem>>, vector<1x1x1x16xf32>,
        %get3A_1678 = vector.shape_cast %get3A_1677 : vector<1x1x1x16xf32> to vector<16xf32>
        %mul3A_1679 = arith.mulf %get3A_1669, %get3A_1678 : vector<16xf32>
        %add3A_1680 = arith.addf %add3A_1664, %mul3A_1679 : vector<16xf32>
        %get3A_1681 = arith.constant 3 : i32
        %get3A_1682 = arith.index_cast %get3A_1681 : i32 to index
        %get3A_1683 = arith.constant 0 : index
        %get3A_1684 = tpu.vector_load %arg9[%get3A_1682, %get3A_1683] {strides = array<i32>} : memref<7x16xf32, #tpu.memory_space<vmem>>, vector<1x16xf32>,
        %get3A_1685 = vector.shape_cast %get3A_1684 : vector<1x16xf32> to vector<16xf32>
        %get3A_1686 = arith.constant 1 : i32
        %get3A_1687 = arith.constant 3 : i32
        %get3A_1688 = arith.constant 5 : i32
        %get3A_1689 = arith.index_cast %get3A_1686 : i32 to index
        %get3A_1690 = arith.index_cast %get3A_1687 : i32 to index
        %get3A_1691 = arith.index_cast %get3A_1688 : i32 to index
        %get3A_1692 = arith.index_cast %mul3A_1050 : i32 to index
        %get3A_1693 = tpu.vector_load %arg6[%get3A_1689, %get3A_1690, %get3A_1691, %get3A_1692] {strides = array<i32>} : memref<2x7x8x1024xf32, #tpu.memory_space<vmem>>, vector<1x1x1x16xf32>,
        %get3A_1694 = vector.shape_cast %get3A_1693 : vector<1x1x1x16xf32> to vector<16xf32>
        %mul3A_1695 = arith.mulf %get3A_1685, %get3A_1694 : vector<16xf32>
        %add3A_1696 = arith.addf %add3A_1680, %mul3A_1695 : vector<16xf32>
        %get3A_1697 = arith.constant 4 : i32
        %get3A_1698 = arith.index_cast %get3A_1697 : i32 to index
        %get3A_1699 = arith.constant 0 : index
        %get3A_1700 = tpu.vector_load %arg9[%get3A_1698, %get3A_1699] {strides = array<i32>} : memref<7x16xf32, #tpu.memory_space<vmem>>, vector<1x16xf32>,
        %get3A_1701 = vector.shape_cast %get3A_1700 : vector<1x16xf32> to vector<16xf32>
        %get3A_1702 = arith.constant 1 : i32
        %get3A_1703 = arith.constant 4 : i32
        %get3A_1704 = arith.constant 5 : i32
        %get3A_1705 = arith.index_cast %get3A_1702 : i32 to index
        %get3A_1706 = arith.index_cast %get3A_1703 : i32 to index
        %get3A_1707 = arith.index_cast %get3A_1704 : i32 to index
        %get3A_1708 = arith.index_cast %mul3A_1050 : i32 to index
        %get3A_1709 = tpu.vector_load %arg6[%get3A_1705, %get3A_1706, %get3A_1707, %get3A_1708] {strides = array<i32>} : memref<2x7x8x1024xf32, #tpu.memory_space<vmem>>, vector<1x1x1x16xf32>,
        %get3A_1710 = vector.shape_cast %get3A_1709 : vector<1x1x1x16xf32> to vector<16xf32>
        %mul3A_1711 = arith.mulf %get3A_1701, %get3A_1710 : vector<16xf32>
        %add3A_1712 = arith.addf %add3A_1696, %mul3A_1711 : vector<16xf32>
        %get3A_1713 = arith.constant 5 : i32
        %get3A_1714 = arith.index_cast %get3A_1713 : i32 to index
        %get3A_1715 = arith.constant 0 : index
        %get3A_1716 = tpu.vector_load %arg9[%get3A_1714, %get3A_1715] {strides = array<i32>} : memref<7x16xf32, #tpu.memory_space<vmem>>, vector<1x16xf32>,
        %get3A_1717 = vector.shape_cast %get3A_1716 : vector<1x16xf32> to vector<16xf32>
        %get3A_1718 = arith.constant 1 : i32
        %get3A_1719 = arith.constant 5 : i32
        %get3A_1720 = arith.constant 5 : i32
        %get3A_1721 = arith.index_cast %get3A_1718 : i32 to index
        %get3A_1722 = arith.index_cast %get3A_1719 : i32 to index
        %get3A_1723 = arith.index_cast %get3A_1720 : i32 to index
        %get3A_1724 = arith.index_cast %mul3A_1050 : i32 to index
        %get3A_1725 = tpu.vector_load %arg6[%get3A_1721, %get3A_1722, %get3A_1723, %get3A_1724] {strides = array<i32>} : memref<2x7x8x1024xf32, #tpu.memory_space<vmem>>, vector<1x1x1x16xf32>,
        %get3A_1726 = vector.shape_cast %get3A_1725 : vector<1x1x1x16xf32> to vector<16xf32>
        %mul3A_1727 = arith.mulf %get3A_1717, %get3A_1726 : vector<16xf32>
        %add3A_1728 = arith.addf %add3A_1712, %mul3A_1727 : vector<16xf32>
        %get3A_1729 = arith.constant 6 : i32
        %get3A_1730 = arith.index_cast %get3A_1729 : i32 to index
        %get3A_1731 = arith.constant 0 : index
        %get3A_1732 = tpu.vector_load %arg9[%get3A_1730, %get3A_1731] {strides = array<i32>} : memref<7x16xf32, #tpu.memory_space<vmem>>, vector<1x16xf32>,
        %get3A_1733 = vector.shape_cast %get3A_1732 : vector<1x16xf32> to vector<16xf32>
        %get3A_1734 = arith.constant 1 : i32
        %get3A_1735 = arith.constant 6 : i32
        %get3A_1736 = arith.constant 5 : i32
        %get3A_1737 = arith.index_cast %get3A_1734 : i32 to index
        %get3A_1738 = arith.index_cast %get3A_1735 : i32 to index
        %get3A_1739 = arith.index_cast %get3A_1736 : i32 to index
        %get3A_1740 = arith.index_cast %mul3A_1050 : i32 to index
        %get3A_1741 = tpu.vector_load %arg6[%get3A_1737, %get3A_1738, %get3A_1739, %get3A_1740] {strides = array<i32>} : memref<2x7x8x1024xf32, #tpu.memory_space<vmem>>, vector<1x1x1x16xf32>,
        %get3A_1742 = vector.shape_cast %get3A_1741 : vector<1x1x1x16xf32> to vector<16xf32>
        %mul3A_1743 = arith.mulf %get3A_1733, %get3A_1742 : vector<16xf32>
        %add3A_1744 = arith.addf %add3A_1728, %mul3A_1743 : vector<16xf32>
        %swap3A_1745 = arith.constant 5 : i32
        %swap3A_1746 = arith.index_cast %swap3A_1745 : i32 to index
        %swap3A_1747 = arith.index_cast %mul3A_1050 : i32 to index
        %swap3A_1748 = tpu.vector_load %arg7[%swap3A_1746, %swap3A_1747] {strides = array<i32>} : memref<8x1024xf32, #tpu.memory_space<vmem>>, vector<1x16xf32>,
        %swap3A_1749 = vector.shape_cast %swap3A_1748 : vector<1x16xf32> to vector<16xf32>
        %swap3A_1750 = vector.shape_cast %add3A_1744 : vector<16xf32> to vector<1x16xf32>
        tpu.vector_store %arg7[%swap3A_1746, %swap3A_1747], %swap3A_1750 {strides = array<i32>} : memref<8x1024xf32, #tpu.memory_space<vmem>>, vector<1x16xf32>,
        %get3A_1751 = arith.constant 0 : i32
        %get3A_1752 = arith.index_cast %get3A_1751 : i32 to index
        %get3A_1753 = arith.constant 0 : index
        %get3A_1754 = tpu.vector_load %arg9[%get3A_1752, %get3A_1753] {strides = array<i32>} : memref<7x16xf32, #tpu.memory_space<vmem>>, vector<1x16xf32>,
        %get3A_1755 = vector.shape_cast %get3A_1754 : vector<1x16xf32> to vector<16xf32>
        %get3A_1756 = arith.constant 1 : i32
        %get3A_1757 = arith.constant 0 : i32
        %get3A_1758 = arith.constant 6 : i32
        %get3A_1759 = arith.index_cast %get3A_1756 : i32 to index
        %get3A_1760 = arith.index_cast %get3A_1757 : i32 to index
        %get3A_1761 = arith.index_cast %get3A_1758 : i32 to index
        %get3A_1762 = arith.index_cast %mul3A_1050 : i32 to index
        %get3A_1763 = tpu.vector_load %arg6[%get3A_1759, %get3A_1760, %get3A_1761, %get3A_1762] {strides = array<i32>} : memref<2x7x8x1024xf32, #tpu.memory_space<vmem>>, vector<1x1x1x16xf32>,
        %get3A_1764 = vector.shape_cast %get3A_1763 : vector<1x1x1x16xf32> to vector<16xf32>
        %mul3A_1765 = arith.mulf %get3A_1755, %get3A_1764 : vector<16xf32>
        %get3A_1766 = arith.constant 1 : i32
        %get3A_1767 = arith.index_cast %get3A_1766 : i32 to index
        %get3A_1768 = arith.constant 0 : index
        %get3A_1769 = tpu.vector_load %arg9[%get3A_1767, %get3A_1768] {strides = array<i32>} : memref<7x16xf32, #tpu.memory_space<vmem>>, vector<1x16xf32>,
        %get3A_1770 = vector.shape_cast %get3A_1769 : vector<1x16xf32> to vector<16xf32>
        %get3A_1771 = arith.constant 1 : i32
        %get3A_1772 = arith.constant 1 : i32
        %get3A_1773 = arith.constant 6 : i32
        %get3A_1774 = arith.index_cast %get3A_1771 : i32 to index
        %get3A_1775 = arith.index_cast %get3A_1772 : i32 to index
        %get3A_1776 = arith.index_cast %get3A_1773 : i32 to index
        %get3A_1777 = arith.index_cast %mul3A_1050 : i32 to index
        %get3A_1778 = tpu.vector_load %arg6[%get3A_1774, %get3A_1775, %get3A_1776, %get3A_1777] {strides = array<i32>} : memref<2x7x8x1024xf32, #tpu.memory_space<vmem>>, vector<1x1x1x16xf32>,
        %get3A_1779 = vector.shape_cast %get3A_1778 : vector<1x1x1x16xf32> to vector<16xf32>
        %mul3A_1780 = arith.mulf %get3A_1770, %get3A_1779 : vector<16xf32>
        %add3A_1781 = arith.addf %mul3A_1765, %mul3A_1780 : vector<16xf32>
        %get3A_1782 = arith.constant 2 : i32
        %get3A_1783 = arith.index_cast %get3A_1782 : i32 to index
        %get3A_1784 = arith.constant 0 : index
        %get3A_1785 = tpu.vector_load %arg9[%get3A_1783, %get3A_1784] {strides = array<i32>} : memref<7x16xf32, #tpu.memory_space<vmem>>, vector<1x16xf32>,
        %get3A_1786 = vector.shape_cast %get3A_1785 : vector<1x16xf32> to vector<16xf32>
        %get3A_1787 = arith.constant 1 : i32
        %get3A_1788 = arith.constant 2 : i32
        %get3A_1789 = arith.constant 6 : i32
        %get3A_1790 = arith.index_cast %get3A_1787 : i32 to index
        %get3A_1791 = arith.index_cast %get3A_1788 : i32 to index
        %get3A_1792 = arith.index_cast %get3A_1789 : i32 to index
        %get3A_1793 = arith.index_cast %mul3A_1050 : i32 to index
        %get3A_1794 = tpu.vector_load %arg6[%get3A_1790, %get3A_1791, %get3A_1792, %get3A_1793] {strides = array<i32>} : memref<2x7x8x1024xf32, #tpu.memory_space<vmem>>, vector<1x1x1x16xf32>,
        %get3A_1795 = vector.shape_cast %get3A_1794 : vector<1x1x1x16xf32> to vector<16xf32>
        %mul3A_1796 = arith.mulf %get3A_1786, %get3A_1795 : vector<16xf32>
        %add3A_1797 = arith.addf %add3A_1781, %mul3A_1796 : vector<16xf32>
        %get3A_1798 = arith.constant 3 : i32
        %get3A_1799 = arith.index_cast %get3A_1798 : i32 to index
        %get3A_1800 = arith.constant 0 : index
        %get3A_1801 = tpu.vector_load %arg9[%get3A_1799, %get3A_1800] {strides = array<i32>} : memref<7x16xf32, #tpu.memory_space<vmem>>, vector<1x16xf32>,
        %get3A_1802 = vector.shape_cast %get3A_1801 : vector<1x16xf32> to vector<16xf32>
        %get3A_1803 = arith.constant 1 : i32
        %get3A_1804 = arith.constant 3 : i32
        %get3A_1805 = arith.constant 6 : i32
        %get3A_1806 = arith.index_cast %get3A_1803 : i32 to index
        %get3A_1807 = arith.index_cast %get3A_1804 : i32 to index
        %get3A_1808 = arith.index_cast %get3A_1805 : i32 to index
        %get3A_1809 = arith.index_cast %mul3A_1050 : i32 to index
        %get3A_1810 = tpu.vector_load %arg6[%get3A_1806, %get3A_1807, %get3A_1808, %get3A_1809] {strides = array<i32>} : memref<2x7x8x1024xf32, #tpu.memory_space<vmem>>, vector<1x1x1x16xf32>,
        %get3A_1811 = vector.shape_cast %get3A_1810 : vector<1x1x1x16xf32> to vector<16xf32>
        %mul3A_1812 = arith.mulf %get3A_1802, %get3A_1811 : vector<16xf32>
        %add3A_1813 = arith.addf %add3A_1797, %mul3A_1812 : vector<16xf32>
        %get3A_1814 = arith.constant 4 : i32
        %get3A_1815 = arith.index_cast %get3A_1814 : i32 to index
        %get3A_1816 = arith.constant 0 : index
        %get3A_1817 = tpu.vector_load %arg9[%get3A_1815, %get3A_1816] {strides = array<i32>} : memref<7x16xf32, #tpu.memory_space<vmem>>, vector<1x16xf32>,
        %get3A_1818 = vector.shape_cast %get3A_1817 : vector<1x16xf32> to vector<16xf32>
        %get3A_1819 = arith.constant 1 : i32
        %get3A_1820 = arith.constant 4 : i32
        %get3A_1821 = arith.constant 6 : i32
        %get3A_1822 = arith.index_cast %get3A_1819 : i32 to index
        %get3A_1823 = arith.index_cast %get3A_1820 : i32 to index
        %get3A_1824 = arith.index_cast %get3A_1821 : i32 to index
        %get3A_1825 = arith.index_cast %mul3A_1050 : i32 to index
        %get3A_1826 = tpu.vector_load %arg6[%get3A_1822, %get3A_1823, %get3A_1824, %get3A_1825] {strides = array<i32>} : memref<2x7x8x1024xf32, #tpu.memory_space<vmem>>, vector<1x1x1x16xf32>,
        %get3A_1827 = vector.shape_cast %get3A_1826 : vector<1x1x1x16xf32> to vector<16xf32>
        %mul3A_1828 = arith.mulf %get3A_1818, %get3A_1827 : vector<16xf32>
        %add3A_1829 = arith.addf %add3A_1813, %mul3A_1828 : vector<16xf32>
        %get3A_1830 = arith.constant 5 : i32
        %get3A_1831 = arith.index_cast %get3A_1830 : i32 to index
        %get3A_1832 = arith.constant 0 : index
        %get3A_1833 = tpu.vector_load %arg9[%get3A_1831, %get3A_1832] {strides = array<i32>} : memref<7x16xf32, #tpu.memory_space<vmem>>, vector<1x16xf32>,
        %get3A_1834 = vector.shape_cast %get3A_1833 : vector<1x16xf32> to vector<16xf32>
        %get3A_1835 = arith.constant 1 : i32
        %get3A_1836 = arith.constant 5 : i32
        %get3A_1837 = arith.constant 6 : i32
        %get3A_1838 = arith.index_cast %get3A_1835 : i32 to index
        %get3A_1839 = arith.index_cast %get3A_1836 : i32 to index
        %get3A_1840 = arith.index_cast %get3A_1837 : i32 to index
        %get3A_1841 = arith.index_cast %mul3A_1050 : i32 to index
        %get3A_1842 = tpu.vector_load %arg6[%get3A_1838, %get3A_1839, %get3A_1840, %get3A_1841] {strides = array<i32>} : memref<2x7x8x1024xf32, #tpu.memory_space<vmem>>, vector<1x1x1x16xf32>,
        %get3A_1843 = vector.shape_cast %get3A_1842 : vector<1x1x1x16xf32> to vector<16xf32>
        %mul3A_1844 = arith.mulf %get3A_1834, %get3A_1843 : vector<16xf32>
        %add3A_1845 = arith.addf %add3A_1829, %mul3A_1844 : vector<16xf32>
        %get3A_1846 = arith.constant 6 : i32
        %get3A_1847 = arith.index_cast %get3A_1846 : i32 to index
        %get3A_1848 = arith.constant 0 : index
        %get3A_1849 = tpu.vector_load %arg9[%get3A_1847, %get3A_1848] {strides = array<i32>} : memref<7x16xf32, #tpu.memory_space<vmem>>, vector<1x16xf32>,
        %get3A_1850 = vector.shape_cast %get3A_1849 : vector<1x16xf32> to vector<16xf32>
        %get3A_1851 = arith.constant 1 : i32
        %get3A_1852 = arith.constant 6 : i32
        %get3A_1853 = arith.constant 6 : i32
        %get3A_1854 = arith.index_cast %get3A_1851 : i32 to index
        %get3A_1855 = arith.index_cast %get3A_1852 : i32 to index
        %get3A_1856 = arith.index_cast %get3A_1853 : i32 to index
        %get3A_1857 = arith.index_cast %mul3A_1050 : i32 to index
        %get3A_1858 = tpu.vector_load %arg6[%get3A_1854, %get3A_1855, %get3A_1856, %get3A_1857] {strides = array<i32>} : memref<2x7x8x1024xf32, #tpu.memory_space<vmem>>, vector<1x1x1x16xf32>,
        %get3A_1859 = vector.shape_cast %get3A_1858 : vector<1x1x1x16xf32> to vector<16xf32>
        %mul3A_1860 = arith.mulf %get3A_1850, %get3A_1859 : vector<16xf32>
        %add3A_1861 = arith.addf %add3A_1845, %mul3A_1860 : vector<16xf32>
        %swap3A_1862 = arith.constant 6 : i32
        %swap3A_1863 = arith.index_cast %swap3A_1862 : i32 to index
        %swap3A_1864 = arith.index_cast %mul3A_1050 : i32 to index
        %swap3A_1865 = tpu.vector_load %arg7[%swap3A_1863, %swap3A_1864] {strides = array<i32>} : memref<8x1024xf32, #tpu.memory_space<vmem>>, vector<1x16xf32>,
        %swap3A_1866 = vector.shape_cast %swap3A_1865 : vector<1x16xf32> to vector<16xf32>
        %swap3A_1867 = vector.shape_cast %add3A_1861 : vector<16xf32> to vector<1x16xf32>
        tpu.vector_store %arg7[%swap3A_1863, %swap3A_1864], %swap3A_1867 {strides = array<i32>} : memref<8x1024xf32, #tpu.memory_space<vmem>>, vector<1x16xf32>,
        %get3A_1868 = arith.constant 0 : i32
        %get3A_1869 = arith.index_cast %get3A_1868 : i32 to index
        %get3A_1870 = arith.constant 0 : index
        %get3A_1871 = tpu.vector_load %arg9[%get3A_1869, %get3A_1870] {strides = array<i32>} : memref<7x16xf32, #tpu.memory_space<vmem>>, vector<1x16xf32>,
        %get3A_1872 = vector.shape_cast %get3A_1871 : vector<1x16xf32> to vector<16xf32>
        %get3A_1873 = arith.constant 1 : i32
        %get3A_1874 = arith.constant 0 : i32
        %get3A_1875 = arith.constant 7 : i32
        %get3A_1876 = arith.index_cast %get3A_1873 : i32 to index
        %get3A_1877 = arith.index_cast %get3A_1874 : i32 to index
        %get3A_1878 = arith.index_cast %get3A_1875 : i32 to index
        %get3A_1879 = arith.index_cast %mul3A_1050 : i32 to index
        %get3A_1880 = tpu.vector_load %arg6[%get3A_1876, %get3A_1877, %get3A_1878, %get3A_1879] {strides = array<i32>} : memref<2x7x8x1024xf32, #tpu.memory_space<vmem>>, vector<1x1x1x16xf32>,
        %get3A_1881 = vector.shape_cast %get3A_1880 : vector<1x1x1x16xf32> to vector<16xf32>
        %mul3A_1882 = arith.mulf %get3A_1872, %get3A_1881 : vector<16xf32>
        %get3A_1883 = arith.constant 1 : i32
        %get3A_1884 = arith.index_cast %get3A_1883 : i32 to index
        %get3A_1885 = arith.constant 0 : index
        %get3A_1886 = tpu.vector_load %arg9[%get3A_1884, %get3A_1885] {strides = array<i32>} : memref<7x16xf32, #tpu.memory_space<vmem>>, vector<1x16xf32>,
        %get3A_1887 = vector.shape_cast %get3A_1886 : vector<1x16xf32> to vector<16xf32>
        %get3A_1888 = arith.constant 1 : i32
        %get3A_1889 = arith.constant 1 : i32
        %get3A_1890 = arith.constant 7 : i32
        %get3A_1891 = arith.index_cast %get3A_1888 : i32 to index
        %get3A_1892 = arith.index_cast %get3A_1889 : i32 to index
        %get3A_1893 = arith.index_cast %get3A_1890 : i32 to index
        %get3A_1894 = arith.index_cast %mul3A_1050 : i32 to index
        %get3A_1895 = tpu.vector_load %arg6[%get3A_1891, %get3A_1892, %get3A_1893, %get3A_1894] {strides = array<i32>} : memref<2x7x8x1024xf32, #tpu.memory_space<vmem>>, vector<1x1x1x16xf32>,
        %get3A_1896 = vector.shape_cast %get3A_1895 : vector<1x1x1x16xf32> to vector<16xf32>
        %mul3A_1897 = arith.mulf %get3A_1887, %get3A_1896 : vector<16xf32>
        %add3A_1898 = arith.addf %mul3A_1882, %mul3A_1897 : vector<16xf32>
        %get3A_1899 = arith.constant 2 : i32
        %get3A_1900 = arith.index_cast %get3A_1899 : i32 to index
        %get3A_1901 = arith.constant 0 : index
        %get3A_1902 = tpu.vector_load %arg9[%get3A_1900, %get3A_1901] {strides = array<i32>} : memref<7x16xf32, #tpu.memory_space<vmem>>, vector<1x16xf32>,
        %get3A_1903 = vector.shape_cast %get3A_1902 : vector<1x16xf32> to vector<16xf32>
        %get3A_1904 = arith.constant 1 : i32
        %get3A_1905 = arith.constant 2 : i32
        %get3A_1906 = arith.constant 7 : i32
        %get3A_1907 = arith.index_cast %get3A_1904 : i32 to index
        %get3A_1908 = arith.index_cast %get3A_1905 : i32 to index
        %get3A_1909 = arith.index_cast %get3A_1906 : i32 to index
        %get3A_1910 = arith.index_cast %mul3A_1050 : i32 to index
        %get3A_1911 = tpu.vector_load %arg6[%get3A_1907, %get3A_1908, %get3A_1909, %get3A_1910] {strides = array<i32>} : memref<2x7x8x1024xf32, #tpu.memory_space<vmem>>, vector<1x1x1x16xf32>,
        %get3A_1912 = vector.shape_cast %get3A_1911 : vector<1x1x1x16xf32> to vector<16xf32>
        %mul3A_1913 = arith.mulf %get3A_1903, %get3A_1912 : vector<16xf32>
        %add3A_1914 = arith.addf %add3A_1898, %mul3A_1913 : vector<16xf32>
        %get3A_1915 = arith.constant 3 : i32
        %get3A_1916 = arith.index_cast %get3A_1915 : i32 to index
        %get3A_1917 = arith.constant 0 : index
        %get3A_1918 = tpu.vector_load %arg9[%get3A_1916, %get3A_1917] {strides = array<i32>} : memref<7x16xf32, #tpu.memory_space<vmem>>, vector<1x16xf32>,
        %get3A_1919 = vector.shape_cast %get3A_1918 : vector<1x16xf32> to vector<16xf32>
        %get3A_1920 = arith.constant 1 : i32
        %get3A_1921 = arith.constant 3 : i32
        %get3A_1922 = arith.constant 7 : i32
        %get3A_1923 = arith.index_cast %get3A_1920 : i32 to index
        %get3A_1924 = arith.index_cast %get3A_1921 : i32 to index
        %get3A_1925 = arith.index_cast %get3A_1922 : i32 to index
        %get3A_1926 = arith.index_cast %mul3A_1050 : i32 to index
        %get3A_1927 = tpu.vector_load %arg6[%get3A_1923, %get3A_1924, %get3A_1925, %get3A_1926] {strides = array<i32>} : memref<2x7x8x1024xf32, #tpu.memory_space<vmem>>, vector<1x1x1x16xf32>,
        %get3A_1928 = vector.shape_cast %get3A_1927 : vector<1x1x1x16xf32> to vector<16xf32>
        %mul3A_1929 = arith.mulf %get3A_1919, %get3A_1928 : vector<16xf32>
        %add3A_1930 = arith.addf %add3A_1914, %mul3A_1929 : vector<16xf32>
        %get3A_1931 = arith.constant 4 : i32
        %get3A_1932 = arith.index_cast %get3A_1931 : i32 to index
        %get3A_1933 = arith.constant 0 : index
        %get3A_1934 = tpu.vector_load %arg9[%get3A_1932, %get3A_1933] {strides = array<i32>} : memref<7x16xf32, #tpu.memory_space<vmem>>, vector<1x16xf32>,
        %get3A_1935 = vector.shape_cast %get3A_1934 : vector<1x16xf32> to vector<16xf32>
        %get3A_1936 = arith.constant 1 : i32
        %get3A_1937 = arith.constant 4 : i32
        %get3A_1938 = arith.constant 7 : i32
        %get3A_1939 = arith.index_cast %get3A_1936 : i32 to index
        %get3A_1940 = arith.index_cast %get3A_1937 : i32 to index
        %get3A_1941 = arith.index_cast %get3A_1938 : i32 to index
        %get3A_1942 = arith.index_cast %mul3A_1050 : i32 to index
        %get3A_1943 = tpu.vector_load %arg6[%get3A_1939, %get3A_1940, %get3A_1941, %get3A_1942] {strides = array<i32>} : memref<2x7x8x1024xf32, #tpu.memory_space<vmem>>, vector<1x1x1x16xf32>,
        %get3A_1944 = vector.shape_cast %get3A_1943 : vector<1x1x1x16xf32> to vector<16xf32>
        %mul3A_1945 = arith.mulf %get3A_1935, %get3A_1944 : vector<16xf32>
        %add3A_1946 = arith.addf %add3A_1930, %mul3A_1945 : vector<16xf32>
        %get3A_1947 = arith.constant 5 : i32
        %get3A_1948 = arith.index_cast %get3A_1947 : i32 to index
        %get3A_1949 = arith.constant 0 : index
        %get3A_1950 = tpu.vector_load %arg9[%get3A_1948, %get3A_1949] {strides = array<i32>} : memref<7x16xf32, #tpu.memory_space<vmem>>, vector<1x16xf32>,
        %get3A_1951 = vector.shape_cast %get3A_1950 : vector<1x16xf32> to vector<16xf32>
        %get3A_1952 = arith.constant 1 : i32
        %get3A_1953 = arith.constant 5 : i32
        %get3A_1954 = arith.constant 7 : i32
        %get3A_1955 = arith.index_cast %get3A_1952 : i32 to index
        %get3A_1956 = arith.index_cast %get3A_1953 : i32 to index
        %get3A_1957 = arith.index_cast %get3A_1954 : i32 to index
        %get3A_1958 = arith.index_cast %mul3A_1050 : i32 to index
        %get3A_1959 = tpu.vector_load %arg6[%get3A_1955, %get3A_1956, %get3A_1957, %get3A_1958] {strides = array<i32>} : memref<2x7x8x1024xf32, #tpu.memory_space<vmem>>, vector<1x1x1x16xf32>,
        %get3A_1960 = vector.shape_cast %get3A_1959 : vector<1x1x1x16xf32> to vector<16xf32>
        %mul3A_1961 = arith.mulf %get3A_1951, %get3A_1960 : vector<16xf32>
        %add3A_1962 = arith.addf %add3A_1946, %mul3A_1961 : vector<16xf32>
        %get3A_1963 = arith.constant 6 : i32
        %get3A_1964 = arith.index_cast %get3A_1963 : i32 to index
        %get3A_1965 = arith.constant 0 : index
        %get3A_1966 = tpu.vector_load %arg9[%get3A_1964, %get3A_1965] {strides = array<i32>} : memref<7x16xf32, #tpu.memory_space<vmem>>, vector<1x16xf32>,
        %get3A_1967 = vector.shape_cast %get3A_1966 : vector<1x16xf32> to vector<16xf32>
        %get3A_1968 = arith.constant 1 : i32
        %get3A_1969 = arith.constant 6 : i32
        %get3A_1970 = arith.constant 7 : i32
        %get3A_1971 = arith.index_cast %get3A_1968 : i32 to index
        %get3A_1972 = arith.index_cast %get3A_1969 : i32 to index
        %get3A_1973 = arith.index_cast %get3A_1970 : i32 to index
        %get3A_1974 = arith.index_cast %mul3A_1050 : i32 to index
        %get3A_1975 = tpu.vector_load %arg6[%get3A_1971, %get3A_1972, %get3A_1973, %get3A_1974] {strides = array<i32>} : memref<2x7x8x1024xf32, #tpu.memory_space<vmem>>, vector<1x1x1x16xf32>,
        %get3A_1976 = vector.shape_cast %get3A_1975 : vector<1x1x1x16xf32> to vector<16xf32>
        %mul3A_1977 = arith.mulf %get3A_1967, %get3A_1976 : vector<16xf32>
        %add3A_1978 = arith.addf %add3A_1962, %mul3A_1977 : vector<16xf32>
        %swap3A_1979 = arith.constant 7 : i32
        %swap3A_1980 = arith.index_cast %swap3A_1979 : i32 to index
        %swap3A_1981 = arith.index_cast %mul3A_1050 : i32 to index
        %swap3A_1982 = tpu.vector_load %arg7[%swap3A_1980, %swap3A_1981] {strides = array<i32>} : memref<8x1024xf32, #tpu.memory_space<vmem>>, vector<1x16xf32>,
        %swap3A_1983 = vector.shape_cast %swap3A_1982 : vector<1x16xf32> to vector<16xf32>
        %swap3A_1984 = vector.shape_cast %add3A_1978 : vector<16xf32> to vector<1x16xf32>
        tpu.vector_store %arg7[%swap3A_1980, %swap3A_1981], %swap3A_1984 {strides = array<i32>} : memref<8x1024xf32, #tpu.memory_space<vmem>>, vector<1x16xf32>,
        %scan3A_1985 = arith.constant 0 : i32
        scf.yield %scan3A_1985 : i32
      }
      %scan3A_1042 = arith.constant 64 : i32
      %mul3A_1043 = arith.constant 8 : i32
      %mul3A_1044 = arith.muli %add3A_699, %mul3A_1043 : i32
      %add3A_1045 = arith.addi %mul3A_34, %mul3A_1044 : i32
      "tpu.region"() ({
        %run_scoped3A = tpu.sem_alloc : memref<!tpu.dma_semaphore, #tpu.memory_space<semaphore_mem>>
        %dma_start3A_1047 = arith.constant 0 : i32
        %dma_start3A_1048 = tpu.memref_slice %arg5[%select_n3A, %add3A_1045, %dma_start3A_1047] : memref<4x2048x1024xf32, #tpu.memory_space<hbm>> -> memref<1x8x1024xf32, #tpu.memory_space<hbm>>
        %dma_start3A_1049 = tpu.memref_squeeze %dma_start3A_1048 : memref<1x8x1024xf32, #tpu.memory_space<hbm>> -> memref<8x1024xf32, #tpu.memory_space<hbm>>
        %dma_start3A_1050 = arith.constant 0 : i32
        %dma_start3A_1051 = tpu.memref_slice %arg5[%select_n3A, %add3A_1045, %dma_start3A_1050] : memref<4x2048x1024xf32, #tpu.memory_space<hbm>> -> memref<1x8x1024xf32, #tpu.memory_space<hbm>>
        %dma_start3A_1052 = tpu.memref_squeeze %dma_start3A_1051 : memref<1x8x1024xf32, #tpu.memory_space<hbm>> -> memref<8x1024xf32, #tpu.memory_space<hbm>>
        tpu.enqueue_dma source(%arg7 : memref<8x1024xf32, #tpu.memory_space<vmem>>) target(%dma_start3A_1052 : memref<8x1024xf32, #tpu.memory_space<hbm>>) target_semaphore(%run_scoped3A : memref<!tpu.dma_semaphore, #tpu.memory_space<semaphore_mem>>)
        %dma_wait3A_1053 = arith.constant 0 : i32
        %dma_wait3A_1054 = tpu.memref_slice %arg5[%select_n3A, %add3A_1045, %dma_wait3A_1053] : memref<4x2048x1024xf32, #tpu.memory_space<hbm>> -> memref<1x8x1024xf32, #tpu.memory_space<hbm>>
        %dma_wait3A_1055 = tpu.memref_squeeze %dma_wait3A_1054 : memref<1x8x1024xf32, #tpu.memory_space<hbm>> -> memref<8x1024xf32, #tpu.memory_space<hbm>>
        %dma_wait3A_1056 = arith.constant 0 : i32
        %dma_wait3A_1057 = tpu.memref_slice %arg5[%select_n3A, %add3A_1045, %dma_wait3A_1056] : memref<4x2048x1024xf32, #tpu.memory_space<hbm>> -> memref<1x8x1024xf32, #tpu.memory_space<hbm>>
        %dma_wait3A_1058 = tpu.memref_squeeze %dma_wait3A_1057 : memref<1x8x1024xf32, #tpu.memory_space<hbm>> -> memref<8x1024xf32, #tpu.memory_space<hbm>>
        tpu.wait_dma2 semaphore(%run_scoped3A : memref<!tpu.dma_semaphore, #tpu.memory_space<semaphore_mem>>) src(%arg7 : memref<8x1024xf32, #tpu.memory_space<vmem>>) dst(%dma_wait3A_1058 : memref<8x1024xf32, #tpu.memory_space<hbm>>)
        tpu.yield
      }) : () -> ()
      %scan3A_1046 = arith.constant 0 : i32
      scf.yield %scan3A_1046 : i32
    }
    %scan3A_192 = arith.constant 16 : i32
    %multiple_of3A_193 = arith.constant 256 : i32
    %multiple_of3A_194 = tpu.assume_multiple %multiple_of3A_193, 8 : i32
    %dma_wait3A = arith.constant 0 : i32
    %dma_wait3A_195 = arith.constant 0 : i32
    %dma_wait3A_196 = arith.constant 0 : i32
    %dma_wait3A_197 = arith.constant 0 : i32
    %dma_wait3A_198 = arith.constant 0 : i32
    %dma_wait3A_199 = arith.constant 0 : i32
    %dma_wait3A_200 = arith.constant 0 : i32
    %dma_wait3A_201 = tpu.memref_slice %arg6[%dma_wait3A_195, %dma_wait3A_196, %dma_wait3A_199, %dma_wait3A_200] : memref<2x7x8x1024xf32, #tpu.memory_space<vmem>> -> memref<1x1x8x1024xf32, #tpu.memory_space<vmem>>
    %dma_wait3A_202 = tpu.memref_squeeze %dma_wait3A_201 : memref<1x1x8x1024xf32, #tpu.memory_space<vmem>> -> memref<8x1024xf32, #tpu.memory_space<vmem>>
    %dma_wait3A_203 = tpu.memref_slice %arg8[%dma_wait3A, %multiple_of3A_194] : memref<7x384xi32, #tpu.memory_space<vmem>> -> memref<1x8xi32, #tpu.memory_space<vmem>>
    %dma_wait3A_204 = tpu.memref_squeeze %dma_wait3A_203 : memref<1x8xi32, #tpu.memory_space<vmem>> -> memref<8xi32, #tpu.memory_space<vmem>>
    %dma_wait3A_205 = arith.constant 0 : i32
    %dma_wait3A_206 = arith.constant 0 : i32
    %dma_wait3A_207 = tpu.memref_slice %arg4[%add3A_18, %dma_wait3A_205, %dma_wait3A_206] : memref<4x2048x1024xf32, #tpu.memory_space<hbm>> -> memref<1x2048x1024xf32, #tpu.memory_space<hbm>>
    %dma_wait3A_208 = tpu.memref_squeeze %dma_wait3A_207 : memref<1x2048x1024xf32, #tpu.memory_space<hbm>> -> memref<2048x1024xf32, #tpu.memory_space<hbm>>
    %dma_wait3A_209 = arith.constant 0 : i32
    %dma_wait3A_210 = arith.constant 0 : i32
    %dma_wait3A_211 = tpu.memref_slice %dma_wait3A_208[%dma_wait3A_209, %dma_wait3A_210] : memref<2048x1024xf32, #tpu.memory_space<hbm>> -> memref<2048x1024xf32, #tpu.memory_space<hbm>>
    %dma_wait3A_212 = tpu.memref_slice %arg10[%dma_wait3A_197, %dma_wait3A_198] : memref<2x7x!tpu.dma_semaphore, #tpu.memory_space<semaphore_mem>> -> memref<1x1x!tpu.dma_semaphore, #tpu.memory_space<semaphore_mem>>
    %dma_wait3A_213 = tpu.memref_squeeze %dma_wait3A_212 : memref<1x1x!tpu.dma_semaphore, #tpu.memory_space<semaphore_mem>> -> memref<!tpu.dma_semaphore, #tpu.memory_space<semaphore_mem>>
    tpu.wait_indirect_dma semaphore(%dma_wait3A_213 : memref<!tpu.dma_semaphore, #tpu.memory_space<semaphore_mem>>) src(%dma_wait3A_211 : memref<2048x1024xf32, #tpu.memory_space<hbm>>) dst(%dma_wait3A_202 : memref<8x1024xf32, #tpu.memory_space<vmem>>)
    %multiple_of3A_214 = arith.constant 256 : i32
    %multiple_of3A_215 = tpu.assume_multiple %multiple_of3A_214, 8 : i32
    %dma_wait3A_216 = arith.constant 1 : i32
    %dma_wait3A_217 = arith.constant 0 : i32
    %dma_wait3A_218 = arith.constant 1 : i32
    %dma_wait3A_219 = arith.constant 0 : i32
    %dma_wait3A_220 = arith.constant 1 : i32
    %dma_wait3A_221 = arith.constant 0 : i32
    %dma_wait3A_222 = arith.constant 0 : i32
    %dma_wait3A_223 = tpu.memref_slice %arg6[%dma_wait3A_217, %dma_wait3A_218, %dma_wait3A_221, %dma_wait3A_222] : memref<2x7x8x1024xf32, #tpu.memory_space<vmem>> -> memref<1x1x8x1024xf32, #tpu.memory_space<vmem>>
    %dma_wait3A_224 = tpu.memref_squeeze %dma_wait3A_223 : memref<1x1x8x1024xf32, #tpu.memory_space<vmem>> -> memref<8x1024xf32, #tpu.memory_space<vmem>>
    %dma_wait3A_225 = tpu.memref_slice %arg8[%dma_wait3A_216, %multiple_of3A_215] : memref<7x384xi32, #tpu.memory_space<vmem>> -> memref<1x8xi32, #tpu.memory_space<vmem>>
    %dma_wait3A_226 = tpu.memref_squeeze %dma_wait3A_225 : memref<1x8xi32, #tpu.memory_space<vmem>> -> memref<8xi32, #tpu.memory_space<vmem>>
    %dma_wait3A_227 = arith.constant 0 : i32
    %dma_wait3A_228 = arith.constant 0 : i32
    %dma_wait3A_229 = tpu.memref_slice %arg4[%add3A_18, %dma_wait3A_227, %dma_wait3A_228] : memref<4x2048x1024xf32, #tpu.memory_space<hbm>> -> memref<1x2048x1024xf32, #tpu.memory_space<hbm>>
    %dma_wait3A_230 = tpu.memref_squeeze %dma_wait3A_229 : memref<1x2048x1024xf32, #tpu.memory_space<hbm>> -> memref<2048x1024xf32, #tpu.memory_space<hbm>>
    %dma_wait3A_231 = arith.constant 0 : i32
    %dma_wait3A_232 = arith.constant 0 : i32
    %dma_wait3A_233 = tpu.memref_slice %dma_wait3A_230[%dma_wait3A_231, %dma_wait3A_232] : memref<2048x1024xf32, #tpu.memory_space<hbm>> -> memref<2048x1024xf32, #tpu.memory_space<hbm>>
    %dma_wait3A_234 = tpu.memref_slice %arg10[%dma_wait3A_219, %dma_wait3A_220] : memref<2x7x!tpu.dma_semaphore, #tpu.memory_space<semaphore_mem>> -> memref<1x1x!tpu.dma_semaphore, #tpu.memory_space<semaphore_mem>>
    %dma_wait3A_235 = tpu.memref_squeeze %dma_wait3A_234 : memref<1x1x!tpu.dma_semaphore, #tpu.memory_space<semaphore_mem>> -> memref<!tpu.dma_semaphore, #tpu.memory_space<semaphore_mem>>
    tpu.wait_indirect_dma semaphore(%dma_wait3A_235 : memref<!tpu.dma_semaphore, #tpu.memory_space<semaphore_mem>>) src(%dma_wait3A_233 : memref<2048x1024xf32, #tpu.memory_space<hbm>>) dst(%dma_wait3A_224 : memref<8x1024xf32, #tpu.memory_space<vmem>>)
    %multiple_of3A_236 = arith.constant 256 : i32
    %multiple_of3A_237 = tpu.assume_multiple %multiple_of3A_236, 8 : i32
    %dma_wait3A_238 = arith.constant 2 : i32
    %dma_wait3A_239 = arith.constant 0 : i32
    %dma_wait3A_240 = arith.constant 2 : i32
    %dma_wait3A_241 = arith.constant 0 : i32
    %dma_wait3A_242 = arith.constant 2 : i32
    %dma_wait3A_243 = arith.constant 0 : i32
    %dma_wait3A_244 = arith.constant 0 : i32
    %dma_wait3A_245 = tpu.memref_slice %arg6[%dma_wait3A_239, %dma_wait3A_240, %dma_wait3A_243, %dma_wait3A_244] : memref<2x7x8x1024xf32, #tpu.memory_space<vmem>> -> memref<1x1x8x1024xf32, #tpu.memory_space<vmem>>
    %dma_wait3A_246 = tpu.memref_squeeze %dma_wait3A_245 : memref<1x1x8x1024xf32, #tpu.memory_space<vmem>> -> memref<8x1024xf32, #tpu.memory_space<vmem>>
    %dma_wait3A_247 = tpu.memref_slice %arg8[%dma_wait3A_238, %multiple_of3A_237] : memref<7x384xi32, #tpu.memory_space<vmem>> -> memref<1x8xi32, #tpu.memory_space<vmem>>
    %dma_wait3A_248 = tpu.memref_squeeze %dma_wait3A_247 : memref<1x8xi32, #tpu.memory_space<vmem>> -> memref<8xi32, #tpu.memory_space<vmem>>
    %dma_wait3A_249 = arith.constant 0 : i32
    %dma_wait3A_250 = arith.constant 0 : i32
    %dma_wait3A_251 = tpu.memref_slice %arg4[%add3A_18, %dma_wait3A_249, %dma_wait3A_250] : memref<4x2048x1024xf32, #tpu.memory_space<hbm>> -> memref<1x2048x1024xf32, #tpu.memory_space<hbm>>
    %dma_wait3A_252 = tpu.memref_squeeze %dma_wait3A_251 : memref<1x2048x1024xf32, #tpu.memory_space<hbm>> -> memref<2048x1024xf32, #tpu.memory_space<hbm>>
    %dma_wait3A_253 = arith.constant 0 : i32
    %dma_wait3A_254 = arith.constant 0 : i32
    %dma_wait3A_255 = tpu.memref_slice %dma_wait3A_252[%dma_wait3A_253, %dma_wait3A_254] : memref<2048x1024xf32, #tpu.memory_space<hbm>> -> memref<2048x1024xf32, #tpu.memory_space<hbm>>
    %dma_wait3A_256 = tpu.memref_slice %arg10[%dma_wait3A_241, %dma_wait3A_242] : memref<2x7x!tpu.dma_semaphore, #tpu.memory_space<semaphore_mem>> -> memref<1x1x!tpu.dma_semaphore, #tpu.memory_space<semaphore_mem>>
    %dma_wait3A_257 = tpu.memref_squeeze %dma_wait3A_256 : memref<1x1x!tpu.dma_semaphore, #tpu.memory_space<semaphore_mem>> -> memref<!tpu.dma_semaphore, #tpu.memory_space<semaphore_mem>>
    tpu.wait_indirect_dma semaphore(%dma_wait3A_257 : memref<!tpu.dma_semaphore, #tpu.memory_space<semaphore_mem>>) src(%dma_wait3A_255 : memref<2048x1024xf32, #tpu.memory_space<hbm>>) dst(%dma_wait3A_246 : memref<8x1024xf32, #tpu.memory_space<vmem>>)
    %multiple_of3A_258 = arith.constant 256 : i32
    %multiple_of3A_259 = tpu.assume_multiple %multiple_of3A_258, 8 : i32
    %dma_wait3A_260 = arith.constant 3 : i32
    %dma_wait3A_261 = arith.constant 0 : i32
    %dma_wait3A_262 = arith.constant 3 : i32
    %dma_wait3A_263 = arith.constant 0 : i32
    %dma_wait3A_264 = arith.constant 3 : i32
    %dma_wait3A_265 = arith.constant 0 : i32
    %dma_wait3A_266 = arith.constant 0 : i32
    %dma_wait3A_267 = tpu.memref_slice %arg6[%dma_wait3A_261, %dma_wait3A_262, %dma_wait3A_265, %dma_wait3A_266] : memref<2x7x8x1024xf32, #tpu.memory_space<vmem>> -> memref<1x1x8x1024xf32, #tpu.memory_space<vmem>>
    %dma_wait3A_268 = tpu.memref_squeeze %dma_wait3A_267 : memref<1x1x8x1024xf32, #tpu.memory_space<vmem>> -> memref<8x1024xf32, #tpu.memory_space<vmem>>
    %dma_wait3A_269 = tpu.memref_slice %arg8[%dma_wait3A_260, %multiple_of3A_259] : memref<7x384xi32, #tpu.memory_space<vmem>> -> memref<1x8xi32, #tpu.memory_space<vmem>>
    %dma_wait3A_270 = tpu.memref_squeeze %dma_wait3A_269 : memref<1x8xi32, #tpu.memory_space<vmem>> -> memref<8xi32, #tpu.memory_space<vmem>>
    %dma_wait3A_271 = arith.constant 0 : i32
    %dma_wait3A_272 = arith.constant 0 : i32
    %dma_wait3A_273 = tpu.memref_slice %arg4[%add3A_18, %dma_wait3A_271, %dma_wait3A_272] : memref<4x2048x1024xf32, #tpu.memory_space<hbm>> -> memref<1x2048x1024xf32, #tpu.memory_space<hbm>>
    %dma_wait3A_274 = tpu.memref_squeeze %dma_wait3A_273 : memref<1x2048x1024xf32, #tpu.memory_space<hbm>> -> memref<2048x1024xf32, #tpu.memory_space<hbm>>
    %dma_wait3A_275 = arith.constant 0 : i32
    %dma_wait3A_276 = arith.constant 0 : i32
    %dma_wait3A_277 = tpu.memref_slice %dma_wait3A_274[%dma_wait3A_275, %dma_wait3A_276] : memref<2048x1024xf32, #tpu.memory_space<hbm>> -> memref<2048x1024xf32, #tpu.memory_space<hbm>>
    %dma_wait3A_278 = tpu.memref_slice %arg10[%dma_wait3A_263, %dma_wait3A_264] : memref<2x7x!tpu.dma_semaphore, #tpu.memory_space<semaphore_mem>> -> memref<1x1x!tpu.dma_semaphore, #tpu.memory_space<semaphore_mem>>
    %dma_wait3A_279 = tpu.memref_squeeze %dma_wait3A_278 : memref<1x1x!tpu.dma_semaphore, #tpu.memory_space<semaphore_mem>> -> memref<!tpu.dma_semaphore, #tpu.memory_space<semaphore_mem>>
    tpu.wait_indirect_dma semaphore(%dma_wait3A_279 : memref<!tpu.dma_semaphore, #tpu.memory_space<semaphore_mem>>) src(%dma_wait3A_277 : memref<2048x1024xf32, #tpu.memory_space<hbm>>) dst(%dma_wait3A_268 : memref<8x1024xf32, #tpu.memory_space<vmem>>)
    %multiple_of3A_280 = arith.constant 256 : i32
    %multiple_of3A_281 = tpu.assume_multiple %multiple_of3A_280, 8 : i32
    %dma_wait3A_282 = arith.constant 4 : i32
    %dma_wait3A_283 = arith.constant 0 : i32
    %dma_wait3A_284 = arith.constant 4 : i32
    %dma_wait3A_285 = arith.constant 0 : i32
    %dma_wait3A_286 = arith.constant 4 : i32
    %dma_wait3A_287 = arith.constant 0 : i32
    %dma_wait3A_288 = arith.constant 0 : i32
    %dma_wait3A_289 = tpu.memref_slice %arg6[%dma_wait3A_283, %dma_wait3A_284, %dma_wait3A_287, %dma_wait3A_288] : memref<2x7x8x1024xf32, #tpu.memory_space<vmem>> -> memref<1x1x8x1024xf32, #tpu.memory_space<vmem>>
    %dma_wait3A_290 = tpu.memref_squeeze %dma_wait3A_289 : memref<1x1x8x1024xf32, #tpu.memory_space<vmem>> -> memref<8x1024xf32, #tpu.memory_space<vmem>>
    %dma_wait3A_291 = tpu.memref_slice %arg8[%dma_wait3A_282, %multiple_of3A_281] : memref<7x384xi32, #tpu.memory_space<vmem>> -> memref<1x8xi32, #tpu.memory_space<vmem>>
    %dma_wait3A_292 = tpu.memref_squeeze %dma_wait3A_291 : memref<1x8xi32, #tpu.memory_space<vmem>> -> memref<8xi32, #tpu.memory_space<vmem>>
    %dma_wait3A_293 = arith.constant 0 : i32
    %dma_wait3A_294 = arith.constant 0 : i32
    %dma_wait3A_295 = tpu.memref_slice %arg4[%add3A_18, %dma_wait3A_293, %dma_wait3A_294] : memref<4x2048x1024xf32, #tpu.memory_space<hbm>> -> memref<1x2048x1024xf32, #tpu.memory_space<hbm>>
    %dma_wait3A_296 = tpu.memref_squeeze %dma_wait3A_295 : memref<1x2048x1024xf32, #tpu.memory_space<hbm>> -> memref<2048x1024xf32, #tpu.memory_space<hbm>>
    %dma_wait3A_297 = arith.constant 0 : i32
    %dma_wait3A_298 = arith.constant 0 : i32
    %dma_wait3A_299 = tpu.memref_slice %dma_wait3A_296[%dma_wait3A_297, %dma_wait3A_298] : memref<2048x1024xf32, #tpu.memory_space<hbm>> -> memref<2048x1024xf32, #tpu.memory_space<hbm>>
    %dma_wait3A_300 = tpu.memref_slice %arg10[%dma_wait3A_285, %dma_wait3A_286] : memref<2x7x!tpu.dma_semaphore, #tpu.memory_space<semaphore_mem>> -> memref<1x1x!tpu.dma_semaphore, #tpu.memory_space<semaphore_mem>>
    %dma_wait3A_301 = tpu.memref_squeeze %dma_wait3A_300 : memref<1x1x!tpu.dma_semaphore, #tpu.memory_space<semaphore_mem>> -> memref<!tpu.dma_semaphore, #tpu.memory_space<semaphore_mem>>
    tpu.wait_indirect_dma semaphore(%dma_wait3A_301 : memref<!tpu.dma_semaphore, #tpu.memory_space<semaphore_mem>>) src(%dma_wait3A_299 : memref<2048x1024xf32, #tpu.memory_space<hbm>>) dst(%dma_wait3A_290 : memref<8x1024xf32, #tpu.memory_space<vmem>>)
    %multiple_of3A_302 = arith.constant 256 : i32
    %multiple_of3A_303 = tpu.assume_multiple %multiple_of3A_302, 8 : i32
    %dma_wait3A_304 = arith.constant 5 : i32
    %dma_wait3A_305 = arith.constant 0 : i32
    %dma_wait3A_306 = arith.constant 5 : i32
    %dma_wait3A_307 = arith.constant 0 : i32
    %dma_wait3A_308 = arith.constant 5 : i32
    %dma_wait3A_309 = arith.constant 0 : i32
    %dma_wait3A_310 = arith.constant 0 : i32
    %dma_wait3A_311 = tpu.memref_slice %arg6[%dma_wait3A_305, %dma_wait3A_306, %dma_wait3A_309, %dma_wait3A_310] : memref<2x7x8x1024xf32, #tpu.memory_space<vmem>> -> memref<1x1x8x1024xf32, #tpu.memory_space<vmem>>
    %dma_wait3A_312 = tpu.memref_squeeze %dma_wait3A_311 : memref<1x1x8x1024xf32, #tpu.memory_space<vmem>> -> memref<8x1024xf32, #tpu.memory_space<vmem>>
    %dma_wait3A_313 = tpu.memref_slice %arg8[%dma_wait3A_304, %multiple_of3A_303] : memref<7x384xi32, #tpu.memory_space<vmem>> -> memref<1x8xi32, #tpu.memory_space<vmem>>
    %dma_wait3A_314 = tpu.memref_squeeze %dma_wait3A_313 : memref<1x8xi32, #tpu.memory_space<vmem>> -> memref<8xi32, #tpu.memory_space<vmem>>
    %dma_wait3A_315 = arith.constant 0 : i32
    %dma_wait3A_316 = arith.constant 0 : i32
    %dma_wait3A_317 = tpu.memref_slice %arg4[%add3A_18, %dma_wait3A_315, %dma_wait3A_316] : memref<4x2048x1024xf32, #tpu.memory_space<hbm>> -> memref<1x2048x1024xf32, #tpu.memory_space<hbm>>
    %dma_wait3A_318 = tpu.memref_squeeze %dma_wait3A_317 : memref<1x2048x1024xf32, #tpu.memory_space<hbm>> -> memref<2048x1024xf32, #tpu.memory_space<hbm>>
    %dma_wait3A_319 = arith.constant 0 : i32
    %dma_wait3A_320 = arith.constant 0 : i32
    %dma_wait3A_321 = tpu.memref_slice %dma_wait3A_318[%dma_wait3A_319, %dma_wait3A_320] : memref<2048x1024xf32, #tpu.memory_space<hbm>> -> memref<2048x1024xf32, #tpu.memory_space<hbm>>
    %dma_wait3A_322 = tpu.memref_slice %arg10[%dma_wait3A_307, %dma_wait3A_308] : memref<2x7x!tpu.dma_semaphore, #tpu.memory_space<semaphore_mem>> -> memref<1x1x!tpu.dma_semaphore, #tpu.memory_space<semaphore_mem>>
    %dma_wait3A_323 = tpu.memref_squeeze %dma_wait3A_322 : memref<1x1x!tpu.dma_semaphore, #tpu.memory_space<semaphore_mem>> -> memref<!tpu.dma_semaphore, #tpu.memory_space<semaphore_mem>>
    tpu.wait_indirect_dma semaphore(%dma_wait3A_323 : memref<!tpu.dma_semaphore, #tpu.memory_space<semaphore_mem>>) src(%dma_wait3A_321 : memref<2048x1024xf32, #tpu.memory_space<hbm>>) dst(%dma_wait3A_312 : memref<8x1024xf32, #tpu.memory_space<vmem>>)
    %multiple_of3A_324 = arith.constant 256 : i32
    %multiple_of3A_325 = tpu.assume_multiple %multiple_of3A_324, 8 : i32
    %dma_wait3A_326 = arith.constant 6 : i32
    %dma_wait3A_327 = arith.constant 0 : i32
    %dma_wait3A_328 = arith.constant 6 : i32
    %dma_wait3A_329 = arith.constant 0 : i32
    %dma_wait3A_330 = arith.constant 6 : i32
    %dma_wait3A_331 = arith.constant 0 : i32
    %dma_wait3A_332 = arith.constant 0 : i32
    %dma_wait3A_333 = tpu.memref_slice %arg6[%dma_wait3A_327, %dma_wait3A_328, %dma_wait3A_331, %dma_wait3A_332] : memref<2x7x8x1024xf32, #tpu.memory_space<vmem>> -> memref<1x1x8x1024xf32, #tpu.memory_space<vmem>>
    %dma_wait3A_334 = tpu.memref_squeeze %dma_wait3A_333 : memref<1x1x8x1024xf32, #tpu.memory_space<vmem>> -> memref<8x1024xf32, #tpu.memory_space<vmem>>
    %dma_wait3A_335 = tpu.memref_slice %arg8[%dma_wait3A_326, %multiple_of3A_325] : memref<7x384xi32, #tpu.memory_space<vmem>> -> memref<1x8xi32, #tpu.memory_space<vmem>>
    %dma_wait3A_336 = tpu.memref_squeeze %dma_wait3A_335 : memref<1x8xi32, #tpu.memory_space<vmem>> -> memref<8xi32, #tpu.memory_space<vmem>>
    %dma_wait3A_337 = arith.constant 0 : i32
    %dma_wait3A_338 = arith.constant 0 : i32
    %dma_wait3A_339 = tpu.memref_slice %arg4[%add3A_18, %dma_wait3A_337, %dma_wait3A_338] : memref<4x2048x1024xf32, #tpu.memory_space<hbm>> -> memref<1x2048x1024xf32, #tpu.memory_space<hbm>>
    %dma_wait3A_340 = tpu.memref_squeeze %dma_wait3A_339 : memref<1x2048x1024xf32, #tpu.memory_space<hbm>> -> memref<2048x1024xf32, #tpu.memory_space<hbm>>
    %dma_wait3A_341 = arith.constant 0 : i32
    %dma_wait3A_342 = arith.constant 0 : i32
    %dma_wait3A_343 = tpu.memref_slice %dma_wait3A_340[%dma_wait3A_341, %dma_wait3A_342] : memref<2048x1024xf32, #tpu.memory_space<hbm>> -> memref<2048x1024xf32, #tpu.memory_space<hbm>>
    %dma_wait3A_344 = tpu.memref_slice %arg10[%dma_wait3A_329, %dma_wait3A_330] : memref<2x7x!tpu.dma_semaphore, #tpu.memory_space<semaphore_mem>> -> memref<1x1x!tpu.dma_semaphore, #tpu.memory_space<semaphore_mem>>
    %dma_wait3A_345 = tpu.memref_squeeze %dma_wait3A_344 : memref<1x1x!tpu.dma_semaphore, #tpu.memory_space<semaphore_mem>> -> memref<!tpu.dma_semaphore, #tpu.memory_space<semaphore_mem>>
    tpu.wait_indirect_dma semaphore(%dma_wait3A_345 : memref<!tpu.dma_semaphore, #tpu.memory_space<semaphore_mem>>) src(%dma_wait3A_343 : memref<2048x1024xf32, #tpu.memory_space<hbm>>) dst(%dma_wait3A_334 : memref<8x1024xf32, #tpu.memory_space<vmem>>)
    return
  }
}

module attributes {stable_mosaic.version = 14 : i64} {
  func.func @_corr_kernel(%arg0: i32, %arg1: i32, %arg2: memref<1x256x1024xf32, #tpu.memory_space<vmem>>, %arg3: memref<1x2048x1024xf32, #tpu.memory_space<vmem>>, %arg4: memref<1x1x1x2048xf32, #tpu.memory_space<vmem>>) attributes {dimension_semantics = [#tpu.dimension_semantics<arbitrary>, #tpu.dimension_semantics<arbitrary>], iteration_bounds = array<i64: 4, 8>, scalar_prefetch = 0 : i64, scratch_operands = 0 : i64, tpu.core_type = #tpu.core_type<tc>, window_params = [{transform_indices = @transform_0, window_bounds = array<i64: 1, 256, 1024>}, {transform_indices = @transform_1, window_bounds = array<i64: 1, 2048, 1024>}, {transform_indices = @transform_2, window_bounds = array<i64: 1, 1, 1, 2048>}]} {
    %get3A = arith.constant 0 : index
    %get3A_0 = arith.constant 0 : index
    %get3A_1 = arith.constant 0 : index
    %get3A_2 = vector.load %arg2[%get3A, %get3A_0, %get3A_1] : memref<1x256x1024xf32, #tpu.memory_space<vmem>>, vector<1x256x1024xf32>
    %get3A_3 = vector.shape_cast %get3A_2 : vector<1x256x1024xf32> to vector<256x1024xf32>
    %get3A_4 = arith.constant 0 : index
    %get3A_5 = arith.constant 0 : index
    %get3A_6 = arith.constant 0 : index
    %get3A_7 = vector.load %arg3[%get3A_4, %get3A_5, %get3A_6] : memref<1x2048x1024xf32, #tpu.memory_space<vmem>>, vector<1x2048x1024xf32>
    %get3A_8 = vector.shape_cast %get3A_7 : vector<1x2048x1024xf32> to vector<2048x1024xf32>
    %convert_element_type3A = arith.truncf %get3A_3 : vector<256x1024xf32> to vector<256x1024xbf16>
    %convert_element_type3A_9 = arith.extf %convert_element_type3A : vector<256x1024xbf16> to vector<256x1024xf32>
    %sub3A = arith.subf %get3A_3, %convert_element_type3A_9 : vector<256x1024xf32>
    %convert_element_type3A_10 = arith.truncf %sub3A : vector<256x1024xf32> to vector<256x1024xbf16>
    %convert_element_type3A_11 = arith.truncf %get3A_8 : vector<2048x1024xf32> to vector<2048x1024xbf16>
    %convert_element_type3A_12 = arith.extf %convert_element_type3A_11 : vector<2048x1024xbf16> to vector<2048x1024xf32>
    %sub3A_13 = arith.subf %get3A_8, %convert_element_type3A_12 : vector<2048x1024xf32>
    %convert_element_type3A_14 = arith.truncf %sub3A_13 : vector<2048x1024xf32> to vector<2048x1024xbf16>
    %dot_general3A = arith.constant dense<0.000000e+00> : vector<256x2048xf32>
    %dot_general3A_15 = tpu.matmul %convert_element_type3A, %convert_element_type3A_11, %dot_general3A {dimension_numbers = #tpu.dot_dimension_numbers<[1], [1], [0], [0], [0, 0, 1, 0], [], []>, transpose_lhs_hint = false} : vector<256x1024xbf16>, vector<2048x1024xbf16>, vector<256x2048xf32> -> vector<256x2048xf32>
    %dot_general3A_16 = arith.constant dense<0.000000e+00> : vector<256x2048xf32>
    %dot_general3A_17 = tpu.matmul %convert_element_type3A, %convert_element_type3A_14, %dot_general3A_16 {dimension_numbers = #tpu.dot_dimension_numbers<[1], [1], [0], [0], [0, 0, 1, 0], [], []>, transpose_lhs_hint = false} : vector<256x1024xbf16>, vector<2048x1024xbf16>, vector<256x2048xf32> -> vector<256x2048xf32>
    %add3A = arith.addf %dot_general3A_15, %dot_general3A_17 : vector<256x2048xf32>
    %dot_general3A_18 = arith.constant dense<0.000000e+00> : vector<256x2048xf32>
    %dot_general3A_19 = tpu.matmul %convert_element_type3A_10, %convert_element_type3A_11, %dot_general3A_18 {dimension_numbers = #tpu.dot_dimension_numbers<[1], [1], [0], [0], [0, 0, 1, 0], [], []>, transpose_lhs_hint = false} : vector<256x1024xbf16>, vector<2048x1024xbf16>, vector<256x2048xf32> -> vector<256x2048xf32>
    %add3A_20 = arith.addf %add3A, %dot_general3A_19 : vector<256x2048xf32>
    %iota3A = tpu.iota {dimensions = array<i32: 0>} : vector<256x2048xi32>
    %slice3A = vector.extract_strided_slice %add3A_20 {offsets = [0, 1], sizes = [256, 2047], strides = [1, 1]} : vector<256x2048xf32> to vector<256x2047xf32>
    %slice3A_21 = vector.extract_strided_slice %add3A_20 {offsets = [0, 0], sizes = [256, 1], strides = [1, 1]} : vector<256x2048xf32> to vector<256x1xf32>
    %concatenate3A = tpu.concatenate %slice3A, %slice3A_21 in 1 : vector<256x2047xf32>, vector<256x1xf32> -> vector<256x2048xf32>
    %shift_right_arithmetic3A = arith.constant 0 : i32
    %shift_right_arithmetic3A_22 = vector.broadcast %shift_right_arithmetic3A : i32 to vector<256x2048xi32>
    %shift_right_arithmetic3A_23 = arith.shrsi %iota3A, %shift_right_arithmetic3A_22 : vector<256x2048xi32>
    %and3A = arith.constant 1 : i32
    %and3A_24 = vector.broadcast %and3A : i32 to vector<256x2048xi32>
    %and3A_25 = arith.andi %shift_right_arithmetic3A_23, %and3A_24 : vector<256x2048xi32>
    %eq3A = arith.constant 1 : i32
    %eq3A_26 = vector.broadcast %eq3A : i32 to vector<256x2048xi32>
    %eq3A_27 = arith.cmpi eq, %and3A_25, %eq3A_26 : vector<256x2048xi32>
    %select_n3A = arith.select %eq3A_27, %concatenate3A, %add3A_20 : vector<256x2048xi1>, vector<256x2048xf32>
    %slice3A_28 = vector.extract_strided_slice %select_n3A {offsets = [0, 2], sizes = [256, 2046], strides = [1, 1]} : vector<256x2048xf32> to vector<256x2046xf32>
    %slice3A_29 = vector.extract_strided_slice %select_n3A {offsets = [0, 0], sizes = [256, 2], strides = [1, 1]} : vector<256x2048xf32> to vector<256x2xf32>
    %concatenate3A_30 = tpu.concatenate %slice3A_28, %slice3A_29 in 1 : vector<256x2046xf32>, vector<256x2xf32> -> vector<256x2048xf32>
    %shift_right_arithmetic3A_31 = arith.constant 1 : i32
    %shift_right_arithmetic3A_32 = vector.broadcast %shift_right_arithmetic3A_31 : i32 to vector<256x2048xi32>
    %shift_right_arithmetic3A_33 = arith.shrsi %iota3A, %shift_right_arithmetic3A_32 : vector<256x2048xi32>
    %and3A_34 = arith.constant 1 : i32
    %and3A_35 = vector.broadcast %and3A_34 : i32 to vector<256x2048xi32>
    %and3A_36 = arith.andi %shift_right_arithmetic3A_33, %and3A_35 : vector<256x2048xi32>
    %eq3A_37 = arith.constant 1 : i32
    %eq3A_38 = vector.broadcast %eq3A_37 : i32 to vector<256x2048xi32>
    %eq3A_39 = arith.cmpi eq, %and3A_36, %eq3A_38 : vector<256x2048xi32>
    %select_n3A_40 = arith.select %eq3A_39, %concatenate3A_30, %select_n3A : vector<256x2048xi1>, vector<256x2048xf32>
    %slice3A_41 = vector.extract_strided_slice %select_n3A_40 {offsets = [0, 4], sizes = [256, 2044], strides = [1, 1]} : vector<256x2048xf32> to vector<256x2044xf32>
    %slice3A_42 = vector.extract_strided_slice %select_n3A_40 {offsets = [0, 0], sizes = [256, 4], strides = [1, 1]} : vector<256x2048xf32> to vector<256x4xf32>
    %concatenate3A_43 = tpu.concatenate %slice3A_41, %slice3A_42 in 1 : vector<256x2044xf32>, vector<256x4xf32> -> vector<256x2048xf32>
    %shift_right_arithmetic3A_44 = arith.constant 2 : i32
    %shift_right_arithmetic3A_45 = vector.broadcast %shift_right_arithmetic3A_44 : i32 to vector<256x2048xi32>
    %shift_right_arithmetic3A_46 = arith.shrsi %iota3A, %shift_right_arithmetic3A_45 : vector<256x2048xi32>
    %and3A_47 = arith.constant 1 : i32
    %and3A_48 = vector.broadcast %and3A_47 : i32 to vector<256x2048xi32>
    %and3A_49 = arith.andi %shift_right_arithmetic3A_46, %and3A_48 : vector<256x2048xi32>
    %eq3A_50 = arith.constant 1 : i32
    %eq3A_51 = vector.broadcast %eq3A_50 : i32 to vector<256x2048xi32>
    %eq3A_52 = arith.cmpi eq, %and3A_49, %eq3A_51 : vector<256x2048xi32>
    %select_n3A_53 = arith.select %eq3A_52, %concatenate3A_43, %select_n3A_40 : vector<256x2048xi1>, vector<256x2048xf32>
    %slice3A_54 = vector.extract_strided_slice %select_n3A_53 {offsets = [0, 8], sizes = [256, 2040], strides = [1, 1]} : vector<256x2048xf32> to vector<256x2040xf32>
    %slice3A_55 = vector.extract_strided_slice %select_n3A_53 {offsets = [0, 0], sizes = [256, 8], strides = [1, 1]} : vector<256x2048xf32> to vector<256x8xf32>
    %concatenate3A_56 = tpu.concatenate %slice3A_54, %slice3A_55 in 1 : vector<256x2040xf32>, vector<256x8xf32> -> vector<256x2048xf32>
    %shift_right_arithmetic3A_57 = arith.constant 3 : i32
    %shift_right_arithmetic3A_58 = vector.broadcast %shift_right_arithmetic3A_57 : i32 to vector<256x2048xi32>
    %shift_right_arithmetic3A_59 = arith.shrsi %iota3A, %shift_right_arithmetic3A_58 : vector<256x2048xi32>
    %and3A_60 = arith.constant 1 : i32
    %and3A_61 = vector.broadcast %and3A_60 : i32 to vector<256x2048xi32>
    %and3A_62 = arith.andi %shift_right_arithmetic3A_59, %and3A_61 : vector<256x2048xi32>
    %eq3A_63 = arith.constant 1 : i32
    %eq3A_64 = vector.broadcast %eq3A_63 : i32 to vector<256x2048xi32>
    %eq3A_65 = arith.cmpi eq, %and3A_62, %eq3A_64 : vector<256x2048xi32>
    %select_n3A_66 = arith.select %eq3A_65, %concatenate3A_56, %select_n3A_53 : vector<256x2048xi1>, vector<256x2048xf32>
    %slice3A_67 = vector.extract_strided_slice %select_n3A_66 {offsets = [0, 16], sizes = [256, 2032], strides = [1, 1]} : vector<256x2048xf32> to vector<256x2032xf32>
    %slice3A_68 = vector.extract_strided_slice %select_n3A_66 {offsets = [0, 0], sizes = [256, 16], strides = [1, 1]} : vector<256x2048xf32> to vector<256x16xf32>
    %concatenate3A_69 = tpu.concatenate %slice3A_67, %slice3A_68 in 1 : vector<256x2032xf32>, vector<256x16xf32> -> vector<256x2048xf32>
    %shift_right_arithmetic3A_70 = arith.constant 4 : i32
    %shift_right_arithmetic3A_71 = vector.broadcast %shift_right_arithmetic3A_70 : i32 to vector<256x2048xi32>
    %shift_right_arithmetic3A_72 = arith.shrsi %iota3A, %shift_right_arithmetic3A_71 : vector<256x2048xi32>
    %and3A_73 = arith.constant 1 : i32
    %and3A_74 = vector.broadcast %and3A_73 : i32 to vector<256x2048xi32>
    %and3A_75 = arith.andi %shift_right_arithmetic3A_72, %and3A_74 : vector<256x2048xi32>
    %eq3A_76 = arith.constant 1 : i32
    %eq3A_77 = vector.broadcast %eq3A_76 : i32 to vector<256x2048xi32>
    %eq3A_78 = arith.cmpi eq, %and3A_75, %eq3A_77 : vector<256x2048xi32>
    %select_n3A_79 = arith.select %eq3A_78, %concatenate3A_69, %select_n3A_66 : vector<256x2048xi1>, vector<256x2048xf32>
    %slice3A_80 = vector.extract_strided_slice %select_n3A_79 {offsets = [0, 32], sizes = [256, 2016], strides = [1, 1]} : vector<256x2048xf32> to vector<256x2016xf32>
    %slice3A_81 = vector.extract_strided_slice %select_n3A_79 {offsets = [0, 0], sizes = [256, 32], strides = [1, 1]} : vector<256x2048xf32> to vector<256x32xf32>
    %concatenate3A_82 = tpu.concatenate %slice3A_80, %slice3A_81 in 1 : vector<256x2016xf32>, vector<256x32xf32> -> vector<256x2048xf32>
    %shift_right_arithmetic3A_83 = arith.constant 5 : i32
    %shift_right_arithmetic3A_84 = vector.broadcast %shift_right_arithmetic3A_83 : i32 to vector<256x2048xi32>
    %shift_right_arithmetic3A_85 = arith.shrsi %iota3A, %shift_right_arithmetic3A_84 : vector<256x2048xi32>
    %and3A_86 = arith.constant 1 : i32
    %and3A_87 = vector.broadcast %and3A_86 : i32 to vector<256x2048xi32>
    %and3A_88 = arith.andi %shift_right_arithmetic3A_85, %and3A_87 : vector<256x2048xi32>
    %eq3A_89 = arith.constant 1 : i32
    %eq3A_90 = vector.broadcast %eq3A_89 : i32 to vector<256x2048xi32>
    %eq3A_91 = arith.cmpi eq, %and3A_88, %eq3A_90 : vector<256x2048xi32>
    %select_n3A_92 = arith.select %eq3A_91, %concatenate3A_82, %select_n3A_79 : vector<256x2048xi1>, vector<256x2048xf32>
    %slice3A_93 = vector.extract_strided_slice %select_n3A_92 {offsets = [0, 64], sizes = [256, 1984], strides = [1, 1]} : vector<256x2048xf32> to vector<256x1984xf32>
    %slice3A_94 = vector.extract_strided_slice %select_n3A_92 {offsets = [0, 0], sizes = [256, 64], strides = [1, 1]} : vector<256x2048xf32> to vector<256x64xf32>
    %concatenate3A_95 = tpu.concatenate %slice3A_93, %slice3A_94 in 1 : vector<256x1984xf32>, vector<256x64xf32> -> vector<256x2048xf32>
    %shift_right_arithmetic3A_96 = arith.constant 6 : i32
    %shift_right_arithmetic3A_97 = vector.broadcast %shift_right_arithmetic3A_96 : i32 to vector<256x2048xi32>
    %shift_right_arithmetic3A_98 = arith.shrsi %iota3A, %shift_right_arithmetic3A_97 : vector<256x2048xi32>
    %and3A_99 = arith.constant 1 : i32
    %and3A_100 = vector.broadcast %and3A_99 : i32 to vector<256x2048xi32>
    %and3A_101 = arith.andi %shift_right_arithmetic3A_98, %and3A_100 : vector<256x2048xi32>
    %eq3A_102 = arith.constant 1 : i32
    %eq3A_103 = vector.broadcast %eq3A_102 : i32 to vector<256x2048xi32>
    %eq3A_104 = arith.cmpi eq, %and3A_101, %eq3A_103 : vector<256x2048xi32>
    %select_n3A_105 = arith.select %eq3A_104, %concatenate3A_95, %select_n3A_92 : vector<256x2048xi1>, vector<256x2048xf32>
    %slice3A_106 = vector.extract_strided_slice %select_n3A_105 {offsets = [0, 128], sizes = [256, 1920], strides = [1, 1]} : vector<256x2048xf32> to vector<256x1920xf32>
    %slice3A_107 = vector.extract_strided_slice %select_n3A_105 {offsets = [0, 0], sizes = [256, 128], strides = [1, 1]} : vector<256x2048xf32> to vector<256x128xf32>
    %concatenate3A_108 = tpu.concatenate %slice3A_106, %slice3A_107 in 1 : vector<256x1920xf32>, vector<256x128xf32> -> vector<256x2048xf32>
    %shift_right_arithmetic3A_109 = arith.constant 7 : i32
    %shift_right_arithmetic3A_110 = vector.broadcast %shift_right_arithmetic3A_109 : i32 to vector<256x2048xi32>
    %shift_right_arithmetic3A_111 = arith.shrsi %iota3A, %shift_right_arithmetic3A_110 : vector<256x2048xi32>
    %and3A_112 = arith.constant 1 : i32
    %and3A_113 = vector.broadcast %and3A_112 : i32 to vector<256x2048xi32>
    %and3A_114 = arith.andi %shift_right_arithmetic3A_111, %and3A_113 : vector<256x2048xi32>
    %eq3A_115 = arith.constant 1 : i32
    %eq3A_116 = vector.broadcast %eq3A_115 : i32 to vector<256x2048xi32>
    %eq3A_117 = arith.cmpi eq, %and3A_114, %eq3A_116 : vector<256x2048xi32>
    %select_n3A_118 = arith.select %eq3A_117, %concatenate3A_108, %select_n3A_105 : vector<256x2048xi1>, vector<256x2048xf32>
    %reduce_sum3A = arith.constant dense<0.000000e+00> : vector<2048xf32>
    %reduce_sum3A_119 = vector.multi_reduction <add>, %select_n3A_118, %reduce_sum3A [0] : vector<256x2048xf32> to vector<2048xf32>
    %broadcast_in_dim3A = vector.shape_cast %reduce_sum3A_119 : vector<2048xf32> to vector<1x2048xf32>
    %mul3A = arith.constant 9.765625E-4 : f32
    %mul3A_120 = vector.broadcast %mul3A : f32 to vector<1x2048xf32>
    %mul3A_121 = arith.mulf %broadcast_in_dim3A, %mul3A_120 : vector<1x2048xf32>
    %swap3A = arith.constant 0 : index
    %swap3A_122 = arith.constant 0 : index
    %swap3A_123 = arith.constant 0 : index
    %swap3A_124 = arith.constant 0 : index
    %swap3A_125 = vector.load %arg4[%swap3A, %swap3A_122, %swap3A_123, %swap3A_124] : memref<1x1x1x2048xf32, #tpu.memory_space<vmem>>, vector<1x1x1x2048xf32>
    %swap3A_126 = vector.shape_cast %swap3A_125 : vector<1x1x1x2048xf32> to vector<1x2048xf32>
    %swap3A_127 = vector.shape_cast %mul3A_121 : vector<1x2048xf32> to vector<1x1x1x2048xf32>
    tpu.vector_store %arg4[%swap3A, %swap3A_122, %swap3A_123, %swap3A_124], %swap3A_127 {strides = array<i32>} : memref<1x1x1x2048xf32, #tpu.memory_space<vmem>>, vector<1x1x1x2048xf32>,
    return
  }
  func.func @transform_0(%arg0: i32, %arg1: i32) -> (i32, i32, i32) {
    %c0_i32 = arith.constant 0 : i32
    %c0_i32_0 = arith.constant 0 : i32
    return %arg0, %arg1, %c0_i32 : i32, i32, i32
  }
  func.func @transform_1(%arg0: i32, %arg1: i32) -> (i32, i32, i32) {
    %c0_i32 = arith.constant 0 : i32
    %c0_i32_0 = arith.constant 0 : i32
    %c0_i32_1 = arith.constant 0 : i32
    return %arg0, %c0_i32, %c0_i32_0 : i32, i32, i32
  }
  func.func @transform_2(%arg0: i32, %arg1: i32) -> (i32, i32, i32, i32) {
    %c0_i32 = arith.constant 0 : i32
    %c0_i32_0 = arith.constant 0 : i32
    %c0_i32_1 = arith.constant 0 : i32
    return %arg0, %arg1, %c0_i32, %c0_i32_0 : i32, i32, i32, i32
  }
}

module attributes {stable_mosaic.version = 14 : i64} {
  func.func @_lambda_(%arg0: memref<4x8x1x2048xf32, #tpu.memory_space<vmem>>, %arg1: memref<8xi32, #tpu.memory_space<smem>>, %arg2: memref<4x8xf32, #tpu.memory_space<vmem>>) attributes {dimension_semantics = [], scalar_prefetch = 0 : i64, scratch_operands = 0 : i64, tpu.core_type = #tpu.core_type<tc>} {
    %broadcast_in_dim3A = arith.constant 0.000000e+00 : f32
    %broadcast_in_dim3A_0 = vector.broadcast %broadcast_in_dim3A : f32 to vector<4x2048xf32>
    %get3A = arith.constant 0 : index
    %get3A_1 = arith.constant 0 : index
    %get3A_2 = arith.constant 0 : index
    %get3A_3 = arith.constant 0 : index
    %get3A_4 = vector.load %arg0[%get3A, %get3A_1, %get3A_2, %get3A_3] : memref<4x8x1x2048xf32, #tpu.memory_space<vmem>>, vector<4x1x1x2048xf32>
    %get3A_5 = vector.shape_cast %get3A_4 : vector<4x1x1x2048xf32> to vector<4x2048xf32>
    %add3A = arith.addf %broadcast_in_dim3A_0, %get3A_5 : vector<4x2048xf32>
    %get3A_6 = arith.constant 0 : index
    %get3A_7 = arith.constant 1 : index
    %get3A_8 = arith.constant 0 : index
    %get3A_9 = arith.constant 0 : index
    %get3A_10 = vector.load %arg0[%get3A_6, %get3A_7, %get3A_8, %get3A_9] : memref<4x8x1x2048xf32, #tpu.memory_space<vmem>>, vector<4x1x1x2048xf32>
    %get3A_11 = vector.shape_cast %get3A_10 : vector<4x1x1x2048xf32> to vector<4x2048xf32>
    %slice3A = vector.extract_strided_slice %get3A_11 {offsets = [0, 256], sizes = [4, 1792], strides = [1, 1]} : vector<4x2048xf32> to vector<4x1792xf32>
    %slice3A_12 = vector.extract_strided_slice %get3A_11 {offsets = [0, 0], sizes = [4, 256], strides = [1, 1]} : vector<4x2048xf32> to vector<4x256xf32>
    %concatenate3A = tpu.concatenate %slice3A, %slice3A_12 in 1 : vector<4x1792xf32>, vector<4x256xf32> -> vector<4x2048xf32>
    %add3A_13 = arith.addf %add3A, %concatenate3A : vector<4x2048xf32>
    %get3A_14 = arith.constant 0 : index
    %get3A_15 = arith.constant 2 : index
    %get3A_16 = arith.constant 0 : index
    %get3A_17 = arith.constant 0 : index
    %get3A_18 = vector.load %arg0[%get3A_14, %get3A_15, %get3A_16, %get3A_17] : memref<4x8x1x2048xf32, #tpu.memory_space<vmem>>, vector<4x1x1x2048xf32>
    %get3A_19 = vector.shape_cast %get3A_18 : vector<4x1x1x2048xf32> to vector<4x2048xf32>
    %slice3A_20 = vector.extract_strided_slice %get3A_19 {offsets = [0, 512], sizes = [4, 1536], strides = [1, 1]} : vector<4x2048xf32> to vector<4x1536xf32>
    %slice3A_21 = vector.extract_strided_slice %get3A_19 {offsets = [0, 0], sizes = [4, 512], strides = [1, 1]} : vector<4x2048xf32> to vector<4x512xf32>
    %concatenate3A_22 = tpu.concatenate %slice3A_20, %slice3A_21 in 1 : vector<4x1536xf32>, vector<4x512xf32> -> vector<4x2048xf32>
    %add3A_23 = arith.addf %add3A_13, %concatenate3A_22 : vector<4x2048xf32>
    %get3A_24 = arith.constant 0 : index
    %get3A_25 = arith.constant 3 : index
    %get3A_26 = arith.constant 0 : index
    %get3A_27 = arith.constant 0 : index
    %get3A_28 = vector.load %arg0[%get3A_24, %get3A_25, %get3A_26, %get3A_27] : memref<4x8x1x2048xf32, #tpu.memory_space<vmem>>, vector<4x1x1x2048xf32>
    %get3A_29 = vector.shape_cast %get3A_28 : vector<4x1x1x2048xf32> to vector<4x2048xf32>
    %slice3A_30 = vector.extract_strided_slice %get3A_29 {offsets = [0, 768], sizes = [4, 1280], strides = [1, 1]} : vector<4x2048xf32> to vector<4x1280xf32>
    %slice3A_31 = vector.extract_strided_slice %get3A_29 {offsets = [0, 0], sizes = [4, 768], strides = [1, 1]} : vector<4x2048xf32> to vector<4x768xf32>
    %concatenate3A_32 = tpu.concatenate %slice3A_30, %slice3A_31 in 1 : vector<4x1280xf32>, vector<4x768xf32> -> vector<4x2048xf32>
    %add3A_33 = arith.addf %add3A_23, %concatenate3A_32 : vector<4x2048xf32>
    %get3A_34 = arith.constant 0 : index
    %get3A_35 = arith.constant 4 : index
    %get3A_36 = arith.constant 0 : index
    %get3A_37 = arith.constant 0 : index
    %get3A_38 = vector.load %arg0[%get3A_34, %get3A_35, %get3A_36, %get3A_37] : memref<4x8x1x2048xf32, #tpu.memory_space<vmem>>, vector<4x1x1x2048xf32>
    %get3A_39 = vector.shape_cast %get3A_38 : vector<4x1x1x2048xf32> to vector<4x2048xf32>
    %slice3A_40 = vector.extract_strided_slice %get3A_39 {offsets = [0, 1024], sizes = [4, 1024], strides = [1, 1]} : vector<4x2048xf32> to vector<4x1024xf32>
    %slice3A_41 = vector.extract_strided_slice %get3A_39 {offsets = [0, 0], sizes = [4, 1024], strides = [1, 1]} : vector<4x2048xf32> to vector<4x1024xf32>
    %concatenate3A_42 = tpu.concatenate %slice3A_40, %slice3A_41 in 1 : vector<4x1024xf32>, vector<4x1024xf32> -> vector<4x2048xf32>
    %add3A_43 = arith.addf %add3A_33, %concatenate3A_42 : vector<4x2048xf32>
    %get3A_44 = arith.constant 0 : index
    %get3A_45 = arith.constant 5 : index
    %get3A_46 = arith.constant 0 : index
    %get3A_47 = arith.constant 0 : index
    %get3A_48 = vector.load %arg0[%get3A_44, %get3A_45, %get3A_46, %get3A_47] : memref<4x8x1x2048xf32, #tpu.memory_space<vmem>>, vector<4x1x1x2048xf32>
    %get3A_49 = vector.shape_cast %get3A_48 : vector<4x1x1x2048xf32> to vector<4x2048xf32>
    %slice3A_50 = vector.extract_strided_slice %get3A_49 {offsets = [0, 1280], sizes = [4, 768], strides = [1, 1]} : vector<4x2048xf32> to vector<4x768xf32>
    %slice3A_51 = vector.extract_strided_slice %get3A_49 {offsets = [0, 0], sizes = [4, 1280], strides = [1, 1]} : vector<4x2048xf32> to vector<4x1280xf32>
    %concatenate3A_52 = tpu.concatenate %slice3A_50, %slice3A_51 in 1 : vector<4x768xf32>, vector<4x1280xf32> -> vector<4x2048xf32>
    %add3A_53 = arith.addf %add3A_43, %concatenate3A_52 : vector<4x2048xf32>
    %get3A_54 = arith.constant 0 : index
    %get3A_55 = arith.constant 6 : index
    %get3A_56 = arith.constant 0 : index
    %get3A_57 = arith.constant 0 : index
    %get3A_58 = vector.load %arg0[%get3A_54, %get3A_55, %get3A_56, %get3A_57] : memref<4x8x1x2048xf32, #tpu.memory_space<vmem>>, vector<4x1x1x2048xf32>
    %get3A_59 = vector.shape_cast %get3A_58 : vector<4x1x1x2048xf32> to vector<4x2048xf32>
    %slice3A_60 = vector.extract_strided_slice %get3A_59 {offsets = [0, 1536], sizes = [4, 512], strides = [1, 1]} : vector<4x2048xf32> to vector<4x512xf32>
    %slice3A_61 = vector.extract_strided_slice %get3A_59 {offsets = [0, 0], sizes = [4, 1536], strides = [1, 1]} : vector<4x2048xf32> to vector<4x1536xf32>
    %concatenate3A_62 = tpu.concatenate %slice3A_60, %slice3A_61 in 1 : vector<4x512xf32>, vector<4x1536xf32> -> vector<4x2048xf32>
    %add3A_63 = arith.addf %add3A_53, %concatenate3A_62 : vector<4x2048xf32>
    %get3A_64 = arith.constant 0 : index
    %get3A_65 = arith.constant 7 : index
    %get3A_66 = arith.constant 0 : index
    %get3A_67 = arith.constant 0 : index
    %get3A_68 = vector.load %arg0[%get3A_64, %get3A_65, %get3A_66, %get3A_67] : memref<4x8x1x2048xf32, #tpu.memory_space<vmem>>, vector<4x1x1x2048xf32>
    %get3A_69 = vector.shape_cast %get3A_68 : vector<4x1x1x2048xf32> to vector<4x2048xf32>
    %slice3A_70 = vector.extract_strided_slice %get3A_69 {offsets = [0, 1792], sizes = [4, 256], strides = [1, 1]} : vector<4x2048xf32> to vector<4x256xf32>
    %slice3A_71 = vector.extract_strided_slice %get3A_69 {offsets = [0, 0], sizes = [4, 1792], strides = [1, 1]} : vector<4x2048xf32> to vector<4x1792xf32>
    %concatenate3A_72 = tpu.concatenate %slice3A_70, %slice3A_71 in 1 : vector<4x256xf32>, vector<4x1792xf32> -> vector<4x2048xf32>
    %add3A_73 = arith.addf %add3A_63, %concatenate3A_72 : vector<4x2048xf32>
    %reduce_sum3A = arith.constant dense<0.000000e+00> : vector<2048xf32>
    %reduce_sum3A_74 = vector.multi_reduction <add>, %add3A_73, %reduce_sum3A [0] : vector<4x2048xf32> to vector<2048xf32>
    %broadcast_in_dim3A_75 = vector.shape_cast %reduce_sum3A_74 : vector<2048xf32> to vector<1x2048xf32>
    %div3A = arith.constant 4.000000e+00 : f32
    %div3A_76 = vector.broadcast %div3A : f32 to vector<1x2048xf32>
    %div3A_77 = arith.divf %broadcast_in_dim3A_75, %div3A_76 : vector<1x2048xf32>
    %iota3A = tpu.iota {dimensions = array<i32: 1>} : vector<1x2048xi32>
    %reduce_max3A = vector.shape_cast %div3A_77 : vector<1x2048xf32> to vector<1x1x2048xf32>
    %reduce_max3A_78 = arith.constant dense<0xFF800000> : vector<1xf32>
    %reduce_max3A_79 = vector.multi_reduction <maximumf>, %reduce_max3A, %reduce_max3A_78 [1, 2] : vector<1x1x2048xf32> to vector<1xf32>
    %reduce_max3A_80 = vector.shape_cast %reduce_max3A_79 : vector<1xf32> to vector<1x1x1xf32>
    %reduce_max3A_81 = vector.extract %reduce_max3A_80[0, 0, 0] : f32 from vector<1x1x1xf32>
    %eq3A = vector.broadcast %reduce_max3A_81 : f32 to vector<1x2048xf32>
    %eq3A_82 = arith.cmpf oeq, %div3A_77, %eq3A : vector<1x2048xf32>
    %jit3A = arith.constant 2048 : i32
    %broadcast_in_dim3A_83 = vector.broadcast %jit3A : i32 to vector<1x2048xi32>
    %select_n3A = arith.select %eq3A_82, %iota3A, %broadcast_in_dim3A_83 : vector<1x2048xi1>, vector<1x2048xi32>
    %reduce_min3A = vector.shape_cast %select_n3A : vector<1x2048xi32> to vector<1x1x2048xi32>
    %reduce_min3A_84 = arith.constant dense<2147483647> : vector<1xi32>
    %reduce_min3A_85 = vector.multi_reduction <minsi>, %reduce_min3A, %reduce_min3A_84 [1, 2] : vector<1x1x2048xi32> to vector<1xi32>
    %reduce_min3A_86 = vector.shape_cast %reduce_min3A_85 : vector<1xi32> to vector<1x1x1xi32>
    %reduce_min3A_87 = vector.extract %reduce_min3A_86[0, 0, 0] : i32 from vector<1x1x1xi32>
    %eq3A_88 = arith.constant 0 : i32
    %eq3A_89 = arith.cmpi eq, %reduce_min3A_87, %eq3A_88 : i32
    %sub3A = arith.constant 2048 : i32
    %sub3A_90 = arith.subi %sub3A, %reduce_min3A_87 : i32
    %jit3A_91 = arith.constant 0 : i32
    %select_n3A_92 = arith.select %eq3A_89, %jit3A_91, %sub3A_90 : i32
    %swap3A = arith.constant 0 : index
    %swap3A_93 = memref.load %arg1[%swap3A] : memref<8xi32, #tpu.memory_space<smem>>
    memref.store %select_n3A_92, %arg1[%swap3A] : memref<8xi32, #tpu.memory_space<smem>>
    %eq3A_94 = vector.broadcast %reduce_min3A_87 : i32 to vector<1x2048xi32>
    %eq3A_95 = arith.cmpi eq, %iota3A, %eq3A_94 : vector<1x2048xi32>
    %jit3A_96 = arith.constant 0.000000e+00 : f32
    %broadcast_in_dim3A_97 = vector.shape_cast %eq3A_95 : vector<1x2048xi1> to vector<1x2048xi1>
    %broadcast_in_dim3A_98 = vector.broadcast %broadcast_in_dim3A_97 : vector<1x2048xi1> to vector<4x2048xi1>
    %broadcast_in_dim3A_99 = vector.broadcast %jit3A_96 : f32 to vector<4x2048xf32>
    %select_n3A_100 = arith.select %broadcast_in_dim3A_98, %add3A_73, %broadcast_in_dim3A_99 : vector<4x2048xi1>, vector<4x2048xf32>
    %reduce_sum3A_101 = arith.constant dense<0.000000e+00> : vector<4xf32>
    %reduce_sum3A_102 = vector.multi_reduction <add>, %select_n3A_100, %reduce_sum3A_101 [1] : vector<4x2048xf32> to vector<4xf32>
    %broadcast_in_dim3A_103 = vector.shape_cast %reduce_sum3A_102 : vector<4xf32> to vector<4x1xf32>
    %eq3A_104 = vector.broadcast %reduce_min3A_87 : i32 to vector<1x2048xi32>
    %eq3A_105 = arith.cmpi eq, %iota3A, %eq3A_104 : vector<1x2048xi32>
    %jit3A_106 = arith.constant 0xFF800000 : f32
    %broadcast_in_dim3A_107 = vector.broadcast %jit3A_106 : f32 to vector<1x2048xf32>
    %select_n3A_108 = arith.select %eq3A_105, %broadcast_in_dim3A_107, %div3A_77 : vector<1x2048xi1>, vector<1x2048xf32>
    %reduce_max3A_109 = vector.shape_cast %select_n3A_108 : vector<1x2048xf32> to vector<1x1x2048xf32>
    %reduce_max3A_110 = arith.constant dense<0xFF800000> : vector<1xf32>
    %reduce_max3A_111 = vector.multi_reduction <maximumf>, %reduce_max3A_109, %reduce_max3A_110 [1, 2] : vector<1x1x2048xf32> to vector<1xf32>
    %reduce_max3A_112 = vector.shape_cast %reduce_max3A_111 : vector<1xf32> to vector<1x1x1xf32>
    %reduce_max3A_113 = vector.extract %reduce_max3A_112[0, 0, 0] : f32 from vector<1x1x1xf32>
    %eq3A_114 = vector.broadcast %reduce_max3A_113 : f32 to vector<1x2048xf32>
    %eq3A_115 = arith.cmpf oeq, %select_n3A_108, %eq3A_114 : vector<1x2048xf32>
    %jit3A_116 = arith.constant 2048 : i32
    %broadcast_in_dim3A_117 = vector.broadcast %jit3A_116 : i32 to vector<1x2048xi32>
    %select_n3A_118 = arith.select %eq3A_115, %iota3A, %broadcast_in_dim3A_117 : vector<1x2048xi1>, vector<1x2048xi32>
    %reduce_min3A_119 = vector.shape_cast %select_n3A_118 : vector<1x2048xi32> to vector<1x1x2048xi32>
    %reduce_min3A_120 = arith.constant dense<2147483647> : vector<1xi32>
    %reduce_min3A_121 = vector.multi_reduction <minsi>, %reduce_min3A_119, %reduce_min3A_120 [1, 2] : vector<1x1x2048xi32> to vector<1xi32>
    %reduce_min3A_122 = vector.shape_cast %reduce_min3A_121 : vector<1xi32> to vector<1x1x1xi32>
    %reduce_min3A_123 = vector.extract %reduce_min3A_122[0, 0, 0] : i32 from vector<1x1x1xi32>
    %eq3A_124 = arith.constant 0 : i32
    %eq3A_125 = arith.cmpi eq, %reduce_min3A_123, %eq3A_124 : i32
    %sub3A_126 = arith.constant 2048 : i32
    %sub3A_127 = arith.subi %sub3A_126, %reduce_min3A_123 : i32
    %jit3A_128 = arith.constant 0 : i32
    %select_n3A_129 = arith.select %eq3A_125, %jit3A_128, %sub3A_127 : i32
    %swap3A_130 = arith.constant 1 : index
    %swap3A_131 = memref.load %arg1[%swap3A_130] : memref<8xi32, #tpu.memory_space<smem>>
    memref.store %select_n3A_129, %arg1[%swap3A_130] : memref<8xi32, #tpu.memory_space<smem>>
    %eq3A_132 = vector.broadcast %reduce_min3A_123 : i32 to vector<1x2048xi32>
    %eq3A_133 = arith.cmpi eq, %iota3A, %eq3A_132 : vector<1x2048xi32>
    %jit3A_134 = arith.constant 0.000000e+00 : f32
    %broadcast_in_dim3A_135 = vector.shape_cast %eq3A_133 : vector<1x2048xi1> to vector<1x2048xi1>
    %broadcast_in_dim3A_136 = vector.broadcast %broadcast_in_dim3A_135 : vector<1x2048xi1> to vector<4x2048xi1>
    %broadcast_in_dim3A_137 = vector.broadcast %jit3A_134 : f32 to vector<4x2048xf32>
    %select_n3A_138 = arith.select %broadcast_in_dim3A_136, %add3A_73, %broadcast_in_dim3A_137 : vector<4x2048xi1>, vector<4x2048xf32>
    %reduce_sum3A_139 = arith.constant dense<0.000000e+00> : vector<4xf32>
    %reduce_sum3A_140 = vector.multi_reduction <add>, %select_n3A_138, %reduce_sum3A_139 [1] : vector<4x2048xf32> to vector<4xf32>
    %broadcast_in_dim3A_141 = vector.shape_cast %reduce_sum3A_140 : vector<4xf32> to vector<4x1xf32>
    %eq3A_142 = vector.broadcast %reduce_min3A_123 : i32 to vector<1x2048xi32>
    %eq3A_143 = arith.cmpi eq, %iota3A, %eq3A_142 : vector<1x2048xi32>
    %jit3A_144 = arith.constant 0xFF800000 : f32
    %broadcast_in_dim3A_145 = vector.broadcast %jit3A_144 : f32 to vector<1x2048xf32>
    %select_n3A_146 = arith.select %eq3A_143, %broadcast_in_dim3A_145, %select_n3A_108 : vector<1x2048xi1>, vector<1x2048xf32>
    %reduce_max3A_147 = vector.shape_cast %select_n3A_146 : vector<1x2048xf32> to vector<1x1x2048xf32>
    %reduce_max3A_148 = arith.constant dense<0xFF800000> : vector<1xf32>
    %reduce_max3A_149 = vector.multi_reduction <maximumf>, %reduce_max3A_147, %reduce_max3A_148 [1, 2] : vector<1x1x2048xf32> to vector<1xf32>
    %reduce_max3A_150 = vector.shape_cast %reduce_max3A_149 : vector<1xf32> to vector<1x1x1xf32>
    %reduce_max3A_151 = vector.extract %reduce_max3A_150[0, 0, 0] : f32 from vector<1x1x1xf32>
    %eq3A_152 = vector.broadcast %reduce_max3A_151 : f32 to vector<1x2048xf32>
    %eq3A_153 = arith.cmpf oeq, %select_n3A_146, %eq3A_152 : vector<1x2048xf32>
    %jit3A_154 = arith.constant 2048 : i32
    %broadcast_in_dim3A_155 = vector.broadcast %jit3A_154 : i32 to vector<1x2048xi32>
    %select_n3A_156 = arith.select %eq3A_153, %iota3A, %broadcast_in_dim3A_155 : vector<1x2048xi1>, vector<1x2048xi32>
    %reduce_min3A_157 = vector.shape_cast %select_n3A_156 : vector<1x2048xi32> to vector<1x1x2048xi32>
    %reduce_min3A_158 = arith.constant dense<2147483647> : vector<1xi32>
    %reduce_min3A_159 = vector.multi_reduction <minsi>, %reduce_min3A_157, %reduce_min3A_158 [1, 2] : vector<1x1x2048xi32> to vector<1xi32>
    %reduce_min3A_160 = vector.shape_cast %reduce_min3A_159 : vector<1xi32> to vector<1x1x1xi32>
    %reduce_min3A_161 = vector.extract %reduce_min3A_160[0, 0, 0] : i32 from vector<1x1x1xi32>
    %eq3A_162 = arith.constant 0 : i32
    %eq3A_163 = arith.cmpi eq, %reduce_min3A_161, %eq3A_162 : i32
    %sub3A_164 = arith.constant 2048 : i32
    %sub3A_165 = arith.subi %sub3A_164, %reduce_min3A_161 : i32
    %jit3A_166 = arith.constant 0 : i32
    %select_n3A_167 = arith.select %eq3A_163, %jit3A_166, %sub3A_165 : i32
    %swap3A_168 = arith.constant 2 : index
    %swap3A_169 = memref.load %arg1[%swap3A_168] : memref<8xi32, #tpu.memory_space<smem>>
    memref.store %select_n3A_167, %arg1[%swap3A_168] : memref<8xi32, #tpu.memory_space<smem>>
    %eq3A_170 = vector.broadcast %reduce_min3A_161 : i32 to vector<1x2048xi32>
    %eq3A_171 = arith.cmpi eq, %iota3A, %eq3A_170 : vector<1x2048xi32>
    %jit3A_172 = arith.constant 0.000000e+00 : f32
    %broadcast_in_dim3A_173 = vector.shape_cast %eq3A_171 : vector<1x2048xi1> to vector<1x2048xi1>
    %broadcast_in_dim3A_174 = vector.broadcast %broadcast_in_dim3A_173 : vector<1x2048xi1> to vector<4x2048xi1>
    %broadcast_in_dim3A_175 = vector.broadcast %jit3A_172 : f32 to vector<4x2048xf32>
    %select_n3A_176 = arith.select %broadcast_in_dim3A_174, %add3A_73, %broadcast_in_dim3A_175 : vector<4x2048xi1>, vector<4x2048xf32>
    %reduce_sum3A_177 = arith.constant dense<0.000000e+00> : vector<4xf32>
    %reduce_sum3A_178 = vector.multi_reduction <add>, %select_n3A_176, %reduce_sum3A_177 [1] : vector<4x2048xf32> to vector<4xf32>
    %broadcast_in_dim3A_179 = vector.shape_cast %reduce_sum3A_178 : vector<4xf32> to vector<4x1xf32>
    %eq3A_180 = vector.broadcast %reduce_min3A_161 : i32 to vector<1x2048xi32>
    %eq3A_181 = arith.cmpi eq, %iota3A, %eq3A_180 : vector<1x2048xi32>
    %jit3A_182 = arith.constant 0xFF800000 : f32
    %broadcast_in_dim3A_183 = vector.broadcast %jit3A_182 : f32 to vector<1x2048xf32>
    %select_n3A_184 = arith.select %eq3A_181, %broadcast_in_dim3A_183, %select_n3A_146 : vector<1x2048xi1>, vector<1x2048xf32>
    %reduce_max3A_185 = vector.shape_cast %select_n3A_184 : vector<1x2048xf32> to vector<1x1x2048xf32>
    %reduce_max3A_186 = arith.constant dense<0xFF800000> : vector<1xf32>
    %reduce_max3A_187 = vector.multi_reduction <maximumf>, %reduce_max3A_185, %reduce_max3A_186 [1, 2] : vector<1x1x2048xf32> to vector<1xf32>
    %reduce_max3A_188 = vector.shape_cast %reduce_max3A_187 : vector<1xf32> to vector<1x1x1xf32>
    %reduce_max3A_189 = vector.extract %reduce_max3A_188[0, 0, 0] : f32 from vector<1x1x1xf32>
    %eq3A_190 = vector.broadcast %reduce_max3A_189 : f32 to vector<1x2048xf32>
    %eq3A_191 = arith.cmpf oeq, %select_n3A_184, %eq3A_190 : vector<1x2048xf32>
    %jit3A_192 = arith.constant 2048 : i32
    %broadcast_in_dim3A_193 = vector.broadcast %jit3A_192 : i32 to vector<1x2048xi32>
    %select_n3A_194 = arith.select %eq3A_191, %iota3A, %broadcast_in_dim3A_193 : vector<1x2048xi1>, vector<1x2048xi32>
    %reduce_min3A_195 = vector.shape_cast %select_n3A_194 : vector<1x2048xi32> to vector<1x1x2048xi32>
    %reduce_min3A_196 = arith.constant dense<2147483647> : vector<1xi32>
    %reduce_min3A_197 = vector.multi_reduction <minsi>, %reduce_min3A_195, %reduce_min3A_196 [1, 2] : vector<1x1x2048xi32> to vector<1xi32>
    %reduce_min3A_198 = vector.shape_cast %reduce_min3A_197 : vector<1xi32> to vector<1x1x1xi32>
    %reduce_min3A_199 = vector.extract %reduce_min3A_198[0, 0, 0] : i32 from vector<1x1x1xi32>
    %eq3A_200 = arith.constant 0 : i32
    %eq3A_201 = arith.cmpi eq, %reduce_min3A_199, %eq3A_200 : i32
    %sub3A_202 = arith.constant 2048 : i32
    %sub3A_203 = arith.subi %sub3A_202, %reduce_min3A_199 : i32
    %jit3A_204 = arith.constant 0 : i32
    %select_n3A_205 = arith.select %eq3A_201, %jit3A_204, %sub3A_203 : i32
    %swap3A_206 = arith.constant 3 : index
    %swap3A_207 = memref.load %arg1[%swap3A_206] : memref<8xi32, #tpu.memory_space<smem>>
    memref.store %select_n3A_205, %arg1[%swap3A_206] : memref<8xi32, #tpu.memory_space<smem>>
    %eq3A_208 = vector.broadcast %reduce_min3A_199 : i32 to vector<1x2048xi32>
    %eq3A_209 = arith.cmpi eq, %iota3A, %eq3A_208 : vector<1x2048xi32>
    %jit3A_210 = arith.constant 0.000000e+00 : f32
    %broadcast_in_dim3A_211 = vector.shape_cast %eq3A_209 : vector<1x2048xi1> to vector<1x2048xi1>
    %broadcast_in_dim3A_212 = vector.broadcast %broadcast_in_dim3A_211 : vector<1x2048xi1> to vector<4x2048xi1>
    %broadcast_in_dim3A_213 = vector.broadcast %jit3A_210 : f32 to vector<4x2048xf32>
    %select_n3A_214 = arith.select %broadcast_in_dim3A_212, %add3A_73, %broadcast_in_dim3A_213 : vector<4x2048xi1>, vector<4x2048xf32>
    %reduce_sum3A_215 = arith.constant dense<0.000000e+00> : vector<4xf32>
    %reduce_sum3A_216 = vector.multi_reduction <add>, %select_n3A_214, %reduce_sum3A_215 [1] : vector<4x2048xf32> to vector<4xf32>
    %broadcast_in_dim3A_217 = vector.shape_cast %reduce_sum3A_216 : vector<4xf32> to vector<4x1xf32>
    %eq3A_218 = vector.broadcast %reduce_min3A_199 : i32 to vector<1x2048xi32>
    %eq3A_219 = arith.cmpi eq, %iota3A, %eq3A_218 : vector<1x2048xi32>
    %jit3A_220 = arith.constant 0xFF800000 : f32
    %broadcast_in_dim3A_221 = vector.broadcast %jit3A_220 : f32 to vector<1x2048xf32>
    %select_n3A_222 = arith.select %eq3A_219, %broadcast_in_dim3A_221, %select_n3A_184 : vector<1x2048xi1>, vector<1x2048xf32>
    %reduce_max3A_223 = vector.shape_cast %select_n3A_222 : vector<1x2048xf32> to vector<1x1x2048xf32>
    %reduce_max3A_224 = arith.constant dense<0xFF800000> : vector<1xf32>
    %reduce_max3A_225 = vector.multi_reduction <maximumf>, %reduce_max3A_223, %reduce_max3A_224 [1, 2] : vector<1x1x2048xf32> to vector<1xf32>
    %reduce_max3A_226 = vector.shape_cast %reduce_max3A_225 : vector<1xf32> to vector<1x1x1xf32>
    %reduce_max3A_227 = vector.extract %reduce_max3A_226[0, 0, 0] : f32 from vector<1x1x1xf32>
    %eq3A_228 = vector.broadcast %reduce_max3A_227 : f32 to vector<1x2048xf32>
    %eq3A_229 = arith.cmpf oeq, %select_n3A_222, %eq3A_228 : vector<1x2048xf32>
    %jit3A_230 = arith.constant 2048 : i32
    %broadcast_in_dim3A_231 = vector.broadcast %jit3A_230 : i32 to vector<1x2048xi32>
    %select_n3A_232 = arith.select %eq3A_229, %iota3A, %broadcast_in_dim3A_231 : vector<1x2048xi1>, vector<1x2048xi32>
    %reduce_min3A_233 = vector.shape_cast %select_n3A_232 : vector<1x2048xi32> to vector<1x1x2048xi32>
    %reduce_min3A_234 = arith.constant dense<2147483647> : vector<1xi32>
    %reduce_min3A_235 = vector.multi_reduction <minsi>, %reduce_min3A_233, %reduce_min3A_234 [1, 2] : vector<1x1x2048xi32> to vector<1xi32>
    %reduce_min3A_236 = vector.shape_cast %reduce_min3A_235 : vector<1xi32> to vector<1x1x1xi32>
    %reduce_min3A_237 = vector.extract %reduce_min3A_236[0, 0, 0] : i32 from vector<1x1x1xi32>
    %eq3A_238 = arith.constant 0 : i32
    %eq3A_239 = arith.cmpi eq, %reduce_min3A_237, %eq3A_238 : i32
    %sub3A_240 = arith.constant 2048 : i32
    %sub3A_241 = arith.subi %sub3A_240, %reduce_min3A_237 : i32
    %jit3A_242 = arith.constant 0 : i32
    %select_n3A_243 = arith.select %eq3A_239, %jit3A_242, %sub3A_241 : i32
    %swap3A_244 = arith.constant 4 : index
    %swap3A_245 = memref.load %arg1[%swap3A_244] : memref<8xi32, #tpu.memory_space<smem>>
    memref.store %select_n3A_243, %arg1[%swap3A_244] : memref<8xi32, #tpu.memory_space<smem>>
    %eq3A_246 = vector.broadcast %reduce_min3A_237 : i32 to vector<1x2048xi32>
    %eq3A_247 = arith.cmpi eq, %iota3A, %eq3A_246 : vector<1x2048xi32>
    %jit3A_248 = arith.constant 0.000000e+00 : f32
    %broadcast_in_dim3A_249 = vector.shape_cast %eq3A_247 : vector<1x2048xi1> to vector<1x2048xi1>
    %broadcast_in_dim3A_250 = vector.broadcast %broadcast_in_dim3A_249 : vector<1x2048xi1> to vector<4x2048xi1>
    %broadcast_in_dim3A_251 = vector.broadcast %jit3A_248 : f32 to vector<4x2048xf32>
    %select_n3A_252 = arith.select %broadcast_in_dim3A_250, %add3A_73, %broadcast_in_dim3A_251 : vector<4x2048xi1>, vector<4x2048xf32>
    %reduce_sum3A_253 = arith.constant dense<0.000000e+00> : vector<4xf32>
    %reduce_sum3A_254 = vector.multi_reduction <add>, %select_n3A_252, %reduce_sum3A_253 [1] : vector<4x2048xf32> to vector<4xf32>
    %broadcast_in_dim3A_255 = vector.shape_cast %reduce_sum3A_254 : vector<4xf32> to vector<4x1xf32>
    %eq3A_256 = vector.broadcast %reduce_min3A_237 : i32 to vector<1x2048xi32>
    %eq3A_257 = arith.cmpi eq, %iota3A, %eq3A_256 : vector<1x2048xi32>
    %jit3A_258 = arith.constant 0xFF800000 : f32
    %broadcast_in_dim3A_259 = vector.broadcast %jit3A_258 : f32 to vector<1x2048xf32>
    %select_n3A_260 = arith.select %eq3A_257, %broadcast_in_dim3A_259, %select_n3A_222 : vector<1x2048xi1>, vector<1x2048xf32>
    %reduce_max3A_261 = vector.shape_cast %select_n3A_260 : vector<1x2048xf32> to vector<1x1x2048xf32>
    %reduce_max3A_262 = arith.constant dense<0xFF800000> : vector<1xf32>
    %reduce_max3A_263 = vector.multi_reduction <maximumf>, %reduce_max3A_261, %reduce_max3A_262 [1, 2] : vector<1x1x2048xf32> to vector<1xf32>
    %reduce_max3A_264 = vector.shape_cast %reduce_max3A_263 : vector<1xf32> to vector<1x1x1xf32>
    %reduce_max3A_265 = vector.extract %reduce_max3A_264[0, 0, 0] : f32 from vector<1x1x1xf32>
    %eq3A_266 = vector.broadcast %reduce_max3A_265 : f32 to vector<1x2048xf32>
    %eq3A_267 = arith.cmpf oeq, %select_n3A_260, %eq3A_266 : vector<1x2048xf32>
    %jit3A_268 = arith.constant 2048 : i32
    %broadcast_in_dim3A_269 = vector.broadcast %jit3A_268 : i32 to vector<1x2048xi32>
    %select_n3A_270 = arith.select %eq3A_267, %iota3A, %broadcast_in_dim3A_269 : vector<1x2048xi1>, vector<1x2048xi32>
    %reduce_min3A_271 = vector.shape_cast %select_n3A_270 : vector<1x2048xi32> to vector<1x1x2048xi32>
    %reduce_min3A_272 = arith.constant dense<2147483647> : vector<1xi32>
    %reduce_min3A_273 = vector.multi_reduction <minsi>, %reduce_min3A_271, %reduce_min3A_272 [1, 2] : vector<1x1x2048xi32> to vector<1xi32>
    %reduce_min3A_274 = vector.shape_cast %reduce_min3A_273 : vector<1xi32> to vector<1x1x1xi32>
    %reduce_min3A_275 = vector.extract %reduce_min3A_274[0, 0, 0] : i32 from vector<1x1x1xi32>
    %eq3A_276 = arith.constant 0 : i32
    %eq3A_277 = arith.cmpi eq, %reduce_min3A_275, %eq3A_276 : i32
    %sub3A_278 = arith.constant 2048 : i32
    %sub3A_279 = arith.subi %sub3A_278, %reduce_min3A_275 : i32
    %jit3A_280 = arith.constant 0 : i32
    %select_n3A_281 = arith.select %eq3A_277, %jit3A_280, %sub3A_279 : i32
    %swap3A_282 = arith.constant 5 : index
    %swap3A_283 = memref.load %arg1[%swap3A_282] : memref<8xi32, #tpu.memory_space<smem>>
    memref.store %select_n3A_281, %arg1[%swap3A_282] : memref<8xi32, #tpu.memory_space<smem>>
    %eq3A_284 = vector.broadcast %reduce_min3A_275 : i32 to vector<1x2048xi32>
    %eq3A_285 = arith.cmpi eq, %iota3A, %eq3A_284 : vector<1x2048xi32>
    %jit3A_286 = arith.constant 0.000000e+00 : f32
    %broadcast_in_dim3A_287 = vector.shape_cast %eq3A_285 : vector<1x2048xi1> to vector<1x2048xi1>
    %broadcast_in_dim3A_288 = vector.broadcast %broadcast_in_dim3A_287 : vector<1x2048xi1> to vector<4x2048xi1>
    %broadcast_in_dim3A_289 = vector.broadcast %jit3A_286 : f32 to vector<4x2048xf32>
    %select_n3A_290 = arith.select %broadcast_in_dim3A_288, %add3A_73, %broadcast_in_dim3A_289 : vector<4x2048xi1>, vector<4x2048xf32>
    %reduce_sum3A_291 = arith.constant dense<0.000000e+00> : vector<4xf32>
    %reduce_sum3A_292 = vector.multi_reduction <add>, %select_n3A_290, %reduce_sum3A_291 [1] : vector<4x2048xf32> to vector<4xf32>
    %broadcast_in_dim3A_293 = vector.shape_cast %reduce_sum3A_292 : vector<4xf32> to vector<4x1xf32>
    %eq3A_294 = vector.broadcast %reduce_min3A_275 : i32 to vector<1x2048xi32>
    %eq3A_295 = arith.cmpi eq, %iota3A, %eq3A_294 : vector<1x2048xi32>
    %jit3A_296 = arith.constant 0xFF800000 : f32
    %broadcast_in_dim3A_297 = vector.broadcast %jit3A_296 : f32 to vector<1x2048xf32>
    %select_n3A_298 = arith.select %eq3A_295, %broadcast_in_dim3A_297, %select_n3A_260 : vector<1x2048xi1>, vector<1x2048xf32>
    %reduce_max3A_299 = vector.shape_cast %select_n3A_298 : vector<1x2048xf32> to vector<1x1x2048xf32>
    %reduce_max3A_300 = arith.constant dense<0xFF800000> : vector<1xf32>
    %reduce_max3A_301 = vector.multi_reduction <maximumf>, %reduce_max3A_299, %reduce_max3A_300 [1, 2] : vector<1x1x2048xf32> to vector<1xf32>
    %reduce_max3A_302 = vector.shape_cast %reduce_max3A_301 : vector<1xf32> to vector<1x1x1xf32>
    %reduce_max3A_303 = vector.extract %reduce_max3A_302[0, 0, 0] : f32 from vector<1x1x1xf32>
    %eq3A_304 = vector.broadcast %reduce_max3A_303 : f32 to vector<1x2048xf32>
    %eq3A_305 = arith.cmpf oeq, %select_n3A_298, %eq3A_304 : vector<1x2048xf32>
    %jit3A_306 = arith.constant 2048 : i32
    %broadcast_in_dim3A_307 = vector.broadcast %jit3A_306 : i32 to vector<1x2048xi32>
    %select_n3A_308 = arith.select %eq3A_305, %iota3A, %broadcast_in_dim3A_307 : vector<1x2048xi1>, vector<1x2048xi32>
    %reduce_min3A_309 = vector.shape_cast %select_n3A_308 : vector<1x2048xi32> to vector<1x1x2048xi32>
    %reduce_min3A_310 = arith.constant dense<2147483647> : vector<1xi32>
    %reduce_min3A_311 = vector.multi_reduction <minsi>, %reduce_min3A_309, %reduce_min3A_310 [1, 2] : vector<1x1x2048xi32> to vector<1xi32>
    %reduce_min3A_312 = vector.shape_cast %reduce_min3A_311 : vector<1xi32> to vector<1x1x1xi32>
    %reduce_min3A_313 = vector.extract %reduce_min3A_312[0, 0, 0] : i32 from vector<1x1x1xi32>
    %eq3A_314 = arith.constant 0 : i32
    %eq3A_315 = arith.cmpi eq, %reduce_min3A_313, %eq3A_314 : i32
    %sub3A_316 = arith.constant 2048 : i32
    %sub3A_317 = arith.subi %sub3A_316, %reduce_min3A_313 : i32
    %jit3A_318 = arith.constant 0 : i32
    %select_n3A_319 = arith.select %eq3A_315, %jit3A_318, %sub3A_317 : i32
    %swap3A_320 = arith.constant 6 : index
    %swap3A_321 = memref.load %arg1[%swap3A_320] : memref<8xi32, #tpu.memory_space<smem>>
    memref.store %select_n3A_319, %arg1[%swap3A_320] : memref<8xi32, #tpu.memory_space<smem>>
    %eq3A_322 = vector.broadcast %reduce_min3A_313 : i32 to vector<1x2048xi32>
    %eq3A_323 = arith.cmpi eq, %iota3A, %eq3A_322 : vector<1x2048xi32>
    %jit3A_324 = arith.constant 0.000000e+00 : f32
    %broadcast_in_dim3A_325 = vector.shape_cast %eq3A_323 : vector<1x2048xi1> to vector<1x2048xi1>
    %broadcast_in_dim3A_326 = vector.broadcast %broadcast_in_dim3A_325 : vector<1x2048xi1> to vector<4x2048xi1>
    %broadcast_in_dim3A_327 = vector.broadcast %jit3A_324 : f32 to vector<4x2048xf32>
    %select_n3A_328 = arith.select %broadcast_in_dim3A_326, %add3A_73, %broadcast_in_dim3A_327 : vector<4x2048xi1>, vector<4x2048xf32>
    %reduce_sum3A_329 = arith.constant dense<0.000000e+00> : vector<4xf32>
    %reduce_sum3A_330 = vector.multi_reduction <add>, %select_n3A_328, %reduce_sum3A_329 [1] : vector<4x2048xf32> to vector<4xf32>
    %broadcast_in_dim3A_331 = vector.shape_cast %reduce_sum3A_330 : vector<4xf32> to vector<4x1xf32>
    %concatenate3A_332 = tpu.concatenate %broadcast_in_dim3A_103, %broadcast_in_dim3A_141, %broadcast_in_dim3A_179, %broadcast_in_dim3A_217, %broadcast_in_dim3A_255, %broadcast_in_dim3A_293, %broadcast_in_dim3A_331 in 1 : vector<4x1xf32>, vector<4x1xf32>, vector<4x1xf32>, vector<4x1xf32>, vector<4x1xf32>, vector<4x1xf32>, vector<4x1xf32> -> vector<4x7xf32>
    %reduce_max3A_333 = arith.constant dense<0xFF800000> : vector<4xf32>
    %reduce_max3A_334 = vector.multi_reduction <maximumf>, %concatenate3A_332, %reduce_max3A_333 [1] : vector<4x7xf32> to vector<4xf32>
    %broadcast_in_dim3A_335 = vector.shape_cast %reduce_max3A_334 : vector<4xf32> to vector<4x1xf32>
    %sub3A_336 = vector.broadcast %broadcast_in_dim3A_335 : vector<4x1xf32> to vector<4x7xf32>
    %sub3A_337 = arith.subf %concatenate3A_332, %sub3A_336 : vector<4x7xf32>
    %exp3A = math.exp %sub3A_337 : vector<4x7xf32>
    %reduce_sum3A_338 = arith.constant dense<0.000000e+00> : vector<4xf32>
    %reduce_sum3A_339 = vector.multi_reduction <add>, %exp3A, %reduce_sum3A_338 [1] : vector<4x7xf32> to vector<4xf32>
    %broadcast_in_dim3A_340 = vector.shape_cast %reduce_sum3A_339 : vector<4xf32> to vector<4x1xf32>
    %div3A_341 = vector.broadcast %broadcast_in_dim3A_340 : vector<4x1xf32> to vector<4x7xf32>
    %div3A_342 = arith.divf %exp3A, %div3A_341 : vector<4x7xf32>
    %broadcast_in_dim3A_343 = arith.constant 0.000000e+00 : f32
    %broadcast_in_dim3A_344 = vector.broadcast %broadcast_in_dim3A_343 : f32 to vector<4x1xf32>
    %concatenate3A_345 = tpu.concatenate %div3A_342, %broadcast_in_dim3A_344 in 1 : vector<4x7xf32>, vector<4x1xf32> -> vector<4x8xf32>
    %swap3A_346 = arith.constant 0 : index
    %swap3A_347 = arith.constant 0 : index
    %swap3A_348 = vector.load %arg2[%swap3A_346, %swap3A_347] : memref<4x8xf32, #tpu.memory_space<vmem>>, vector<4x8xf32>
    tpu.vector_store %arg2[%swap3A_346, %swap3A_347], %concatenate3A_345 {strides = array<i32>} : memref<4x8xf32, #tpu.memory_space<vmem>>, vector<4x8xf32>,
    return
  }
}

</mosaic_0001>

<sc_bundles>
// kernel: kernel.5.cloned.1.call-start
scs
__scs_entry_jumppad:
0x0: {  	(pc) =	sbr.rel $0x88, $3  }
0x1: {  	(tag) =	ssettag $0x0;
	lr =	simm.s32 $0x1  }
0x2: {  	[smem:$0x3F9E] =	sst lr;
	_ =	strace $0xD0000000  }
0x3: {  	_ = 	snop  }
0x4: {  	_ = 	snop  }
0x5: {  	_ = 	snop  }
0x6: {  	_ = 	snop  }
0x7: {  	_ = 	snop  }
__scs_overlays_trampoline_lowered:
0x8: {  	[smem:$0x3FAD] =	sst s0  }
0x9: {  	[smem:$0x3FAE] =	sst s1  }
0xa: {  	[smem:$0x3FAF] =	sst s2  }
0xb: {  	[smem:$0x3FB0] =	sst s3  }
0xc: {  	[smem:$0x3FB1] =	sst s4  }
0xd: {  	[smem:$0x3FB2] =	sst s5  }
0xe: {  	[smem:$0x3FB3] =	sst s6  }
0xf: {  	[smem:$0x3FB4] =	sst s7  }
0x10: {  	[smem:$0x3FB5] =	sst s8  }
0x11: {  	[smem:$0x3FB6] =	sst s9;
	s0 =	simm.s32 @!p0 $0x0  }
0x12: {  	s1 =	sld [smem:$0x3F9C];
	s0 =	simm.s32 @p0 $0x1  }
0x13: {  	[smem:$0x3FB7] =	sst s0;
	s0 =	simm.s32 @!p1 $0x0  }
0x14: {  	s2 =	sld [smem:$0x3F9B];
	s0 =	simm.s32 @p1 $0x1  }
0x15: {  	[smem:$0x3FB8] =	sst s0;
	s0 =	simm.s32 @!p2 $0x0  }
0x16: {  	s3 =	sld [smem:$0x3FDB];
	s0 =	simm.s32 @p2 $0x1  }
0x17: {  	s4 =	simm.s32 $0x1BF5;
	[smem:$0x3FBA] =	sst s0  }
0x18: {  	s0 =	sld [smem:$0x3F9D];
	_ =	swait.ge [sflag:s4], $0x0  }
0x19: {  	s7 =	sld [smem:$0x3F9E]  }
0x1a: {  	s8 =	sadd.s32 $0xFFFFE003, lr  }
0x1b: {  	s9 =	sadd.s32 $0xFFFFFEF7, lr;
	s5 =	simm.s32 $0xFFFFFFFF;
	p2 =	slt.u32 s8, $0xFFFFF086  }
0x1c: {  	p1 =	slt.u32 s9, $0xF7A;
	s5 =	simm.s32 @!p2 $0x0  }
0x1d: {  	s5 =	simm.s32 @p1 $0x1;
	p0 =	seq.s32 s7, s2  }
0x1e: {  	s7 =	smul.u32 @!p0 $0xF7A, s2;
	p2 =	seq.s32 @!p0 s5, $0x0  }
0x1f: {  	s9 =	smul.u32 $0xF7A, s1;
	s8 =	simm.s32 @!p0 $0x1BF5;
	p2 =	por !p2, p0  }
0x20: {  	[sflag:s8] =	ssyncset.s32 @!p0 $0xFFFFF086;
	s6 =	sadd.s32 @!p0 s3, s7;
	s7 =	simm.s32 @!p0 $0x108  }
0x21: {  	s3 =	sadd.s32 s3, s9;
	s6 =	sadd.s32 @!p0 $0x88, s6;
	s7 =	simm.s32 @p2 $0x1082  }
0x22: {  	[simem:s7], [sflag:s8] =	dma.local @!p0 [hbm:s6], $0xF7A  }
0x23: {  	s9 =	sor.u32 $0xD0000000, s2;
	s6 =	simm.s32 $0x108;
	_ =	swait.ge @!p0 [sflag:s8], $0x0  }
0x24: {  	s3 =	sadd.s32 $0x88, s3;
	s6 =	simm.s32 @!p1 $0x1082;
	[sflag:s4] =	ssyncset.s32 $0xFFFFF086  }
0x25: {  	[simem:s6], [sflag:s4] =	dma.local [hbm:s3], $0xF7A  }
0x26: {  	[smem:$0x3F9E] =	sst s1;
	(tag) =	ssettag s2;
	_ =	strace s9  }
0x27: {  	s1 =	sld [smem:$0x3FAE]  }
0x28: {  	s2 =	sld [smem:$0x3FAF]  }
0x29: {  	s4 =	sld [smem:$0x3FB1]  }
0x2a: {  	p0 =	seq.s32 s5, $0x0;
	s5 =	sld [smem:$0x3FB2]  }
0x2b: {  	s6 =	sld [smem:$0x3FB3]  }
0x2c: {  	s7 =	sld [smem:$0x3FB4]  }
0x2d: {  	s3 =	simm.s32 $0x108;
	s8 =	sld [smem:$0x3FB5]  }
0x2e: {  	s3 =	simm.s32 @!p0 $0x1082;
	s9 =	sld [smem:$0x3FB6]  }
0x2f: {  	lr =	sadd.s32 s0, s3;
	s0 =	sld [smem:$0x3FAD]  }
0x30: {  	s3 =	sld [smem:$0x3FB0]  }
0x31: {  	[smem:$0x3FB9] =	sst s10  }
0x32: {  	s10 =	sld [smem:$0x3FB7];
	_ =	sdelay $0x3  }
0x33: {  	p0 =	seq.s32 s10, $0x1;
	s10 =	sld [smem:$0x3FB9];
	_ =	sdelay $0x3  }
0x34: {  	[smem:$0x3FB9] =	sst s10  }
0x35: {  	s10 =	sld [smem:$0x3FB8];
	_ =	sdelay $0x3  }
0x36: {  	p1 =	seq.s32 s10, $0x1;
	s10 =	sld [smem:$0x3FB9];
	_ =	sdelay $0x3  }
0x37: {  	[smem:$0x3FB9] =	sst s10  }
0x38: {  	s10 =	sld [smem:$0x3FBA]  }
0x39: {  	_ = 	snop;
	(pc) =	sbr.ind lr, $3  }
0x3a: {  	_ = 	snop  }
0x3b: {  	_ = 	snop  }
0x3c: {  	p2 =	seq.s32 s10, $0x1;
	s10 =	sld [smem:$0x3FB9]  }
0x3d: {  	_ =	shalt  }
0x3e: {  	_ =	shalt  }
0x3f: {  	_ =	shalt  }
0x40: {  	_ =	shalt  }
0x41: {  	_ =	shalt  }
0x42: {  	_ =	shalt  }
0x43: {  	_ =	shalt  }
0x44: {  	_ =	shalt  }
0x45: {  	_ =	shalt  }
0x46: {  	_ =	shalt  }
0x47: {  	_ =	shalt  }
0x48: {  	_ =	shalt  }
0x49: {  	_ =	shalt  }
0x4a: {  	_ =	shalt  }
0x4b: {  	_ =	shalt  }
0x4c: {  	_ =	shalt  }
0x4d: {  	_ =	shalt  }
0x4e: {  	_ =	shalt  }
0x4f: {  	_ =	shalt  }
0x50: {  	_ =	shalt  }
0x51: {  	_ =	shalt  }
0x52: {  	_ =	shalt  }
0x53: {  	_ =	shalt  }
0x54: {  	_ =	shalt  }
0x55: {  	_ =	shalt  }
0x56: {  	_ =	shalt  }
0x57: {  	_ =	shalt  }
0x58: {  	_ =	shalt  }
0x59: {  	_ =	shalt  }
0x5a: {  	_ =	shalt  }
0x5b: {  	_ =	shalt  }
0x5c: {  	_ =	shalt  }
0x5d: {  	_ =	shalt  }
0x5e: {  	_ =	shalt  }
0x5f: {  	_ =	shalt  }
0x60: {  	_ =	shalt  }
0x61: {  	_ =	shalt  }
0x62: {  	_ =	shalt  }
0x63: {  	_ =	shalt  }
0x64: {  	_ =	shalt  }
0x65: {  	_ =	shalt  }
0x66: {  	_ =	shalt  }
0x67: {  	_ =	shalt  }
0x68: {  	_ =	shalt  }
0x69: {  	_ =	shalt  }
0x6a: {  	_ =	shalt  }
0x6b: {  	_ =	shalt  }
0x6c: {  	_ =	shalt  }
0x6d: {  	_ =	shalt  }
0x6e: {  	_ =	shalt  }
0x6f: {  	_ =	shalt  }
0x70: {  	_ =	shalt  }
0x71: {  	_ =	shalt  }
0x72: {  	_ =	shalt  }
0x73: {  	_ =	shalt  }
0x74: {  	_ =	shalt  }
0x75: {  	_ =	shalt  }
0x76: {  	_ =	shalt  }
0x77: {  	_ =	shalt  }
0x78: {  	_ =	shalt  }
0x79: {  	_ =	shalt  }
0x7a: {  	_ =	shalt  }
0x7b: {  	_ =	shalt  }
0x7c: {  	_ =	shalt  }
0x7d: {  	_ =	shalt  }
0x7e: {  	_ =	shalt  }
0x7f: {  	_ =	shalt  }
0x80: {  	_ =	shalt  }
0x81: {  	_ =	shalt  }
0x82: {  	_ =	shalt  }
0x83: {  	_ =	shalt  }
0x84: {  	_ =	shalt  }
0x85: {  	_ =	shalt  }
0x86: {  	_ =	shalt  }
0x87: {  	_ =	shalt  }
.Lfunc_end0:
.L_simem_size_0:
called_computation_lowered:
.L_overlay_start_0:
0x88: {  	s2 =	sld [smem:$0x3FD9]  }
0x89: {  	s3 =	sld [smem:$0x3FFE];
	_ =	sdelay $0x1  }
0x8a: {  	s1 =	srdreg.scid  }
0x8b: {  	s0 =	sand.u32 $0x1, s1  }
0x8c: {  	s17 =	sshll.u32 s0, $0xA;
	s2 =	sadd.s32 s3, s2  }
0x8d: {  	s2 =	sadd.s32 s2, s17  }
0x8e: {  	[smem:$0x3FC5] =	sst s2  }
0x8f: {  	_ = 	snop  }
0x90: {  	s2 =	sld [smem:$0x3FD0];
	(tm) =	ssettm $0x1  }
0x91: {  	s18 =	sld [smem:$0x3FFB];
	_ =	sdelay $0x3  }
0x92: {  	_ =	strace s18  }
0x93: {  	s3 =	sld [smem:$0x3FFC];
	_ =	sdelay $0x3  }
0x94: {  	_ =	strace s3  }
0x95: {  	s3 =	sld [smem:$0x3FFD];
	_ =	sdelay $0x3  }
0x96: {  	_ =	strace s3  }
0x97: {  	_ =	strace $0x8FFFFFFF  }
0x98: {  	s19 =	sld [smem:$0x3FDB];
	_ =	sdelay $0x1  }
0x99: {  	s4 =	simm.s32 $_scs_section_size  }
0x9a: {  	s5 =	simm.s32 $_size__tile_overlayer_lowered;
	s6 =	simm.s32 $_tile_overlayer_lowered  }
0x9b: {  	s22 =	simm.s32 $0x1BFF;
	s21 =	sshll.u32 s6, $0x1;
	s3 =	sadd.s32 s4, s19  }
0x9c: {  	s7 =	simm.s32 $0x0;
	s20 =	sshll.u32 s5, $0x1;
	s5 =	sadd.s32 s21, s3  }
0x9d: {  	[timem:s7], [sflag:s22] =	dma.local [hbm:s5], s20  }
0x9e: {  	_ =	swait.ge [sflag:s22], s20  }
0x9f: {  	s4 =	ssub.s32 $0x0, s20;
	[sflag:s22] =	ssyncset.done $0x0  }
0xa0: {  	[sflag:s22] =	ssyncadd.s32 s4;
	_ =	sdelay $0x1  }
0xa1: {  	s23 =	simm.s32 $0x1B8B  }
0xa2: {  	_ =	swait.ge [sflag:s23], $0x1  }
0xa3: {  	[sflag:s23] =	ssyncset.done $0x0  }
0xa4: {  	s25 =	simm.s32 $0x1B8E;
	s24 =	sld [smem:$0x3FFE];
	[sflag:s23] =	ssyncadd.s32 $0xFFFFFFFF  }
0xa5: {  	s26 =	simm.s32 $execute0_lowered;
	[smem:$0x3FD2] =	sst s25  }
0xa6: {  	s5 =	sshll.u32 s26, $0x1;
	_ =	strace $0x80000046;
	[dreg:$0x1] =	wrdreg $0xFFFFFFFF  }
0xa7: {  	s28 =	simm.s32 $_size_execute0_lowered;
	s3 =	sadd.s32 s3, s5;
	[dreg:$0x0] =	wrdreg $0x0  }
0xa8: {  	s5 =	sshll.u32 s28, $0x1;
	[dreg:$0x2] =	wrdreg s3  }
0xa9: {  	[dreg:$0x3] =	wrdreg s5  }
0xaa: {  	[dreg:$0x4] =	wrdreg $0xC0  }
0xab: {  	_ =	task [dreg:s7], $0x5FFFF  }
0xac: {  	[dreg:$0x1] =	wrdreg $0xFFFFFFFF  }
0xad: {  	[dreg:$0x0] =	wrdreg $0x60  }
0xae: {  	[dreg:$0x2] =	wrdreg s24  }
0xaf: {  	[dreg:$0x3] =	wrdreg s2  }
0xb0: {  	[dreg:$0x4] =	wrdreg $0x9  }
0xb1: {  	_ =	task.clear_ibuf [dreg:s7], $0x5FFFF;
	_ =	strace $0x90000046  }
0xb2: {  	s29 =	simm.s32 $0x9;
	_ =	strace $0x80000048  }
0xb3: {  	_ =	swait.ge [sflag:s29], $0x1  }
0xb4: {  	[sflag:s29] =	ssyncadd.s32 $0xFFFFFFFF  }
0xb5: {  	_ =	strace $0x90000048  }
0xb6: {  	_ =	sfence  }
0xb7: {  	s30 =	sld [smem:$0x0];
	_ =	sdelay $0x2  }
0xb8: {  	s31 =	sshll.u32 s1, $0xD;
	s1 =	sshrl.u32 s1, $0x2  }
0xb9: {  	s3 =	sand.u32 $0x4000, s31;
	s1 =	sadd.s32 s1, s30  }
0xba: {  	s0 =	sor.u32 s3, s0;
	s1 =	sshll.u32 s1, $0x11  }
0xbb: {  	s0 =	sor.u32 s1, s0  }
0xbc: {  	s0 =	sadd.s32 $0x8F2B, s0  }
0xbd: {  	[sflag:s0] =	ssyncadd.remote.s32 $0x1  }
0xbe: {  	_ =	sfence.sel $0xFFFF  }
0xbf: {  	[dreg:$0x0] =	wrdreg $0xFFFFFFFF;
	(pc) =	sbr.abs _section_cstart, $3  }
0xc0: {  	[dreg:$0x1] =	wrdreg $0xFFFFFFFF  }
0xc1: {  	_ =	task.clear_ibuf [dreg:s7], $0x2FFFF;
	_ =	strace $0x9FFFFFFF  }
0xc2: {  	(tm) =	ssettm $0x7FFFFFFF  }
0xc3: {  	_ =	shalt  }
tec
execute0_lowered:
.L_overlay_start_1:
0x0: {  	(tag) =	ssettag $0x1  }
0x1: {  	s0 =	rddreg [dreg:$0x0]  }
0x2: {  	s1 =	rddreg [dreg:$0x1];
	s4 =	stileid.u32  }
0x3: {  	s5 =	simm.s32 $0x0;
	s2 =	srdreg.scid;
	s12 =	simm.s32 $0xF  }
0x4: {  	s28 =	simm.s32 $0x5;
	s29 =	simm.s32 $0x6;
	s30 =	simm.s32 $0x7  }
0x5: {  	s31 =	simm.s32 $0x1C000;
	s11 =	simm.s32 $0xA;
	s13 =	simm.s32 $0xB  }
0x6: {  	s10 =	simm.s32 $0xE;
	s3 =	sshll.u32 s4, $0x1;
	[smem:$0x7FF] =	sst s5  }
0x7: {  	s2 =	sand.u32 $0x1, s2;
	s20 =	sshrl.u32 s4, $0x2;
	s5 =	simm.s32 $0xC  }
0x8: {  	s3 =	sand.u32 $0x6, s3;
	_ =	strace $0x80000047;
	s4 =	sshll.u32 s20, $0x7  }
0x9: {  	s23 =	sshll.u32 s20, $0x15;
	s24 =	sshll.u32 s20, $0x12;
	s3 =	sor.u32 s2, s3  }
0xa: {  	s2 =	ssub.s32 $0x2, s2;
	s7 =	sadd.s32 s4, s0;
	s4 =	sadd.s32 $0x1200, s0  }
0xb: {  	s9 =	smov.u32 s23;
	s6 =	sshll.u32 s3, $0x8;
	s8 =	sshrl.u32 s2, $0x1  }
0xc: {  	s3 =	sshll.u32 s3, $0x12;
	s25 =	sadd.s32 $0x1000, s7;
	s7 =	simm.s32 $0xD  }
0xd: {  	[dreg:$0x4] =	wrdreg s6;
	s6 =	sadd.s32 s6, s0;
	s21 =	ssub.s32 s2, s8  }
0xe: {  	[dreg:$0x5] =	wrdreg s25;
	s8 =	sadd.s32 s1, s24;
	s26 =	sor.u32 s23, s3  }
0xf: {  	s23 =	simm.s32 $0x1;
	s24 =	simm.s32 $0x2;
	s25 =	simm.s32 $0x3  }
0x10: {  	s1 =	simm.s32 $0x9;
	s3 =	simm.s32 $0x0;
	s22 =	sadd.s32 $0x600, s6  }
0x11: {  	v0 =	vlaneseq.u32;
	[dreg:$0x6] =	wrdreg s26;
	s0 =	smax.u32 s21, $0x1;
	s14 =	sadd.s32 $0x100, s8  }
0x12: {  	v1 =	vshrl.u32 v0, $0x3;
	s16 =	sadd.s32 $0x200, s8;
	s18 =	sadd.s32 $0x300, s8;
	[dreg:$0x3] =	wrdreg s22  }
0x13: {  	vm0 =	vmmov $0xffff;
	v0 =	vand.u32 $0x7, v0;
	v1 =	vmul.u32 $0x8, v1;
	s26 =	simm.s32 $0x4;
	[dreg:$0x7] =	wrdreg s0;
	s0 =	simm.s32 $0x8  }
.LBB2_1:
0x14: {  	[dreg:$0x8] =	wrdreg s3  }
0x15: {  	s2 =	simm.s32 $0x0;
	s20 =	rddreg [dreg:$0x3];
	s6 =	simm.s32 $0x1E000  }
0x16: {  	[tilespmem:s6], [sflag:$0xF] =	stream.linear.gather [hbm4b:s20+s2], $0xC00, $0x38;
	[tilespmem:$0x1F000] =	vst v63  }
0x17: {  	_ =	swait.ge [sflag:s12], $0xC00  }
0x18: {  	[sflag:s12] =	ssyncset.done $0x0  }
0x19: {  	s22 =	simm.s32 $0x1EC00;
	s21 =	rddreg [dreg:$0x5];
	[sflag:s12] =	ssyncadd.s32 $0xFFFFF400  }
0x1a: {  	[tilespmem:s22], [sflag:$0xF] =	stream.linear.gather [hbm4b:s21+s2], $0x380, $0x38;
	[tilespmem:$0x1F000] =	vst v63  }
0x1b: {  	_ =	swait.ge [sflag:s12], $0x380  }
0x1c: {  	[sflag:s12] =	ssyncset.done $0x0  }
0x1d: {  	[sflag:s12] =	ssyncadd.s32 $0xFFFFFC80  }
0x1e: {  	v2 =	vld.msk [tilespmem:$0x1E000], $0xff;
	_ =	sdelay $0x4  }
0x1f: {  	v3 =	vshll.u32 v2, $0x3  }
0x20: {  	v2 =	vand.u32 $0x7, v2;
	v3 =	vand.u32 $0xFFFFFFC0, v3  }
0x21: {  	v2 =	vor.u32 v2, v3  }
0x22: {  	v2 =	vperm.xlane v2, v0;
	_ =	sdelay $0x1  }
0x23: {  	v2 =	vadd.s32 v1, v2;
	_ =	sdelay $0x4  }
0x24: {  	[tilespmem:s2], [sflag:$0x1] =	stream.indirect_vreg.gather [hbm4b:s8+s2], $0x80, v2, vm0, $0xb8;
	[tilespmem:$0x1F000] =	vst v63  }
0x25: {  	s15 =	simm.s32 $0x800  }
0x26: {  	[tilespmem:s15], [sflag:$0x1] =	stream.indirect_vreg.gather [hbm4b:s14+s2], $0x80, v2, vm0, $0xb8;
	[tilespmem:$0x1F000] =	vst v63  }
0x27: {  	s17 =	simm.s32 $0x1000  }
0x28: {  	[tilespmem:s17], [sflag:$0x1] =	stream.indirect_vreg.gather [hbm4b:s16+s2], $0x80, v2, vm0, $0xb8;
	[tilespmem:$0x1F000] =	vst v63  }
0x29: {  	s19 =	simm.s32 $0x1800  }
0x2a: {  	[tilespmem:s19], [sflag:$0x1] =	stream.indirect_vreg.gather [hbm4b:s18+s2], $0x80, v2, vm0, $0xb8;
	[tilespmem:$0x1F000] =	vst v63  }
0x2b: {  	v2 =	vld.msk [tilespmem:$0x1E080], $0xff;
	_ =	sdelay $0x4  }
0x2c: {  	v3 =	vshll.u32 v2, $0x3  }
0x2d: {  	v2 =	vand.u32 $0x7, v2;
	v3 =	vand.u32 $0xFFFFFFC0, v3  }
0x2e: {  	v2 =	vor.u32 v2, v3  }
0x2f: {  	v2 =	vperm.xlane v2, v0;
	_ =	sdelay $0x1  }
0x30: {  	v2 =	vadd.s32 v1, v2;
	_ =	sdelay $0x3  }
0x31: {  	s20 =	simm.s32 $0x2000  }
0x32: {  	[tilespmem:s20], [sflag:$0x2] =	stream.indirect_vreg.gather [hbm4b:s8+s2], $0x80, v2, vm0, $0xb8;
	[tilespmem:$0x1F000] =	vst v63  }
0x33: {  	s21 =	simm.s32 $0x2800  }
0x34: {  	[tilespmem:s21], [sflag:$0x2] =	stream.indirect_vreg.gather [hbm4b:s14+s2], $0x80, v2, vm0, $0xb8;
	[tilespmem:$0x1F000] =	vst v63  }
0x35: {  	s22 =	simm.s32 $0x3000  }
0x36: {  	[tilespmem:s22], [sflag:$0x2] =	stream.indirect_vreg.gather [hbm4b:s16+s2], $0x80, v2, vm0, $0xb8;
	[tilespmem:$0x1F000] =	vst v63  }
0x37: {  	s6 =	simm.s32 $0x3800  }
0x38: {  	[tilespmem:s6], [sflag:$0x2] =	stream.indirect_vreg.gather [hbm4b:s18+s2], $0x80, v2, vm0, $0xb8;
	[tilespmem:$0x1F000] =	vst v63  }
0x39: {  	v2 =	vld.msk [tilespmem:$0x1E100], $0xff;
	_ =	sdelay $0x4  }
0x3a: {  	v3 =	vshll.u32 v2, $0x3  }
0x3b: {  	v2 =	vand.u32 $0x7, v2;
	v3 =	vand.u32 $0xFFFFFFC0, v3  }
0x3c: {  	v2 =	vor.u32 v2, v3  }
0x3d: {  	v2 =	vperm.xlane v2, v0;
	_ =	sdelay $0x1  }
0x3e: {  	v2 =	vadd.s32 v1, v2;
	_ =	sdelay $0x3  }
0x3f: {  	s15 =	simm.s32 $0x4000  }
0x40: {  	[tilespmem:s15], [sflag:$0x3] =	stream.indirect_vreg.gather [hbm4b:s8+s2], $0x80, v2, vm0, $0xb8;
	[tilespmem:$0x1F000] =	vst v63  }
0x41: {  	s17 =	simm.s32 $0x4800  }
0x42: {  	[tilespmem:s17], [sflag:$0x3] =	stream.indirect_vreg.gather [hbm4b:s14+s2], $0x80, v2, vm0, $0xb8;
	[tilespmem:$0x1F000] =	vst v63  }
0x43: {  	s19 =	simm.s32 $0x5000  }
0x44: {  	[tilespmem:s19], [sflag:$0x3] =	stream.indirect_vreg.gather [hbm4b:s16+s2], $0x80, v2, vm0, $0xb8;
	[tilespmem:$0x1F000] =	vst v63  }
0x45: {  	s20 =	simm.s32 $0x5800  }
0x46: {  	[tilespmem:s20], [sflag:$0x3] =	stream.indirect_vreg.gather [hbm4b:s18+s2], $0x80, v2, vm0, $0xb8;
	[tilespmem:$0x1F000] =	vst v63  }
0x47: {  	v2 =	vld.msk [tilespmem:$0x1E180], $0xff;
	_ =	sdelay $0x4  }
0x48: {  	v3 =	vshll.u32 v2, $0x3  }
0x49: {  	v2 =	vand.u32 $0x7, v2;
	v3 =	vand.u32 $0xFFFFFFC0, v3  }
0x4a: {  	v2 =	vor.u32 v2, v3  }
0x4b: {  	v2 =	vperm.xlane v2, v0;
	_ =	sdelay $0x1  }
0x4c: {  	v2 =	vadd.s32 v1, v2;
	_ =	sdelay $0x3  }
0x4d: {  	s21 =	simm.s32 $0x6000  }
0x4e: {  	[tilespmem:s21], [sflag:$0x4] =	stream.indirect_vreg.gather [hbm4b:s8+s2], $0x80, v2, vm0, $0xb8;
	[tilespmem:$0x1F000] =	vst v63  }
0x4f: {  	s22 =	simm.s32 $0x6800  }
0x50: {  	[tilespmem:s22], [sflag:$0x4] =	stream.indirect_vreg.gather [hbm4b:s14+s2], $0x80, v2, vm0, $0xb8;
	[tilespmem:$0x1F000] =	vst v63  }
0x51: {  	s6 =	simm.s32 $0x7000  }
0x52: {  	[tilespmem:s6], [sflag:$0x4] =	stream.indirect_vreg.gather [hbm4b:s16+s2], $0x80, v2, vm0, $0xb8;
	[tilespmem:$0x1F000] =	vst v63  }
0x53: {  	s15 =	simm.s32 $0x7800  }
0x54: {  	[tilespmem:s15], [sflag:$0x4] =	stream.indirect_vreg.gather [hbm4b:s18+s2], $0x80, v2, vm0, $0xb8;
	[tilespmem:$0x1F000] =	vst v63  }
0x55: {  	v2 =	vld.msk [tilespmem:$0x1E200], $0xff;
	_ =	sdelay $0x4  }
0x56: {  	v3 =	vshll.u32 v2, $0x3  }
0x57: {  	v2 =	vand.u32 $0x7, v2;
	v3 =	vand.u32 $0xFFFFFFC0, v3  }
0x58: {  	v2 =	vor.u32 v2, v3  }
0x59: {  	v2 =	vperm.xlane v2, v0;
	_ =	sdelay $0x1  }
0x5a: {  	v2 =	vadd.s32 v1, v2;
	_ =	sdelay $0x3  }
0x5b: {  	s17 =	simm.s32 $0x8000  }
0x5c: {  	[tilespmem:s17], [sflag:$0x5] =	stream.indirect_vreg.gather [hbm4b:s8+s2], $0x80, v2, vm0, $0xb8;
	[tilespmem:$0x1F000] =	vst v63  }
0x5d: {  	s19 =	simm.s32 $0x8800  }
0x5e: {  	[tilespmem:s19], [sflag:$0x5] =	stream.indirect_vreg.gather [hbm4b:s14+s2], $0x80, v2, vm0, $0xb8;
	[tilespmem:$0x1F000] =	vst v63  }
0x5f: {  	s20 =	simm.s32 $0x9000  }
0x60: {  	[tilespmem:s20], [sflag:$0x5] =	stream.indirect_vreg.gather [hbm4b:s16+s2], $0x80, v2, vm0, $0xb8;
	[tilespmem:$0x1F000] =	vst v63  }
0x61: {  	s21 =	simm.s32 $0x9800  }
0x62: {  	[tilespmem:s21], [sflag:$0x5] =	stream.indirect_vreg.gather [hbm4b:s18+s2], $0x80, v2, vm0, $0xb8;
	[tilespmem:$0x1F000] =	vst v63  }
0x63: {  	v2 =	vld.msk [tilespmem:$0x1E280], $0xff;
	_ =	sdelay $0x4  }
0x64: {  	v3 =	vshll.u32 v2, $0x3  }
0x65: {  	v2 =	vand.u32 $0x7, v2;
	v3 =	vand.u32 $0xFFFFFFC0, v3  }
0x66: {  	v2 =	vor.u32 v2, v3  }
0x67: {  	v2 =	vperm.xlane v2, v0;
	_ =	sdelay $0x1  }
0x68: {  	v2 =	vadd.s32 v1, v2;
	_ =	sdelay $0x3  }
0x69: {  	s22 =	simm.s32 $0xA000  }
0x6a: {  	[tilespmem:s22], [sflag:$0x6] =	stream.indirect_vreg.gather [hbm4b:s8+s2], $0x80, v2, vm0, $0xb8;
	[tilespmem:$0x1F000] =	vst v63  }
0x6b: {  	s6 =	simm.s32 $0xA800  }
0x6c: {  	[tilespmem:s6], [sflag:$0x6] =	stream.indirect_vreg.gather [hbm4b:s14+s2], $0x80, v2, vm0, $0xb8;
	[tilespmem:$0x1F000] =	vst v63  }
0x6d: {  	s15 =	simm.s32 $0xB000  }
0x6e: {  	[tilespmem:s15], [sflag:$0x6] =	stream.indirect_vreg.gather [hbm4b:s16+s2], $0x80, v2, vm0, $0xb8;
	[tilespmem:$0x1F000] =	vst v63  }
0x6f: {  	s17 =	simm.s32 $0xB800  }
0x70: {  	[tilespmem:s17], [sflag:$0x6] =	stream.indirect_vreg.gather [hbm4b:s18+s2], $0x80, v2, vm0, $0xb8;
	[tilespmem:$0x1F000] =	vst v63  }
0x71: {  	v2 =	vld.msk [tilespmem:$0x1E300], $0xff;
	_ =	sdelay $0x4  }
0x72: {  	v3 =	vshll.u32 v2, $0x3  }
0x73: {  	v2 =	vand.u32 $0x7, v2;
	v3 =	vand.u32 $0xFFFFFFC0, v3  }
0x74: {  	v2 =	vor.u32 v2, v3  }
0x75: {  	v2 =	vperm.xlane v2, v0;
	_ =	sdelay $0x1  }
0x76: {  	v2 =	vadd.s32 v1, v2;
	_ =	sdelay $0x3  }
0x77: {  	s19 =	simm.s32 $0xC000  }
0x78: {  	[tilespmem:s19], [sflag:$0x7] =	stream.indirect_vreg.gather [hbm4b:s8+s2], $0x80, v2, vm0, $0xb8;
	[tilespmem:$0x1F000] =	vst v63  }
0x79: {  	s20 =	simm.s32 $0xC800  }
0x7a: {  	[tilespmem:s20], [sflag:$0x7] =	stream.indirect_vreg.gather [hbm4b:s14+s2], $0x80, v2, vm0, $0xb8;
	[tilespmem:$0x1F000] =	vst v63  }
0x7b: {  	s21 =	simm.s32 $0xD000  }
0x7c: {  	[tilespmem:s21], [sflag:$0x7] =	stream.indirect_vreg.gather [hbm4b:s16+s2], $0x80, v2, vm0, $0xb8;
	[tilespmem:$0x1F000] =	vst v63  }
0x7d: {  	s22 =	simm.s32 $0xD800;
	s15 =	simm.s32 $0x0  }
0x7e: {  	[tilespmem:s22], [sflag:$0x7] =	stream.indirect_vreg.gather [hbm4b:s18+s2], $0x80, v2, vm0, $0xb8;
	[tilespmem:$0x1F000] =	vst v63  }
.LBB2_2:
0x7f: {  	s19 =	sshll.u32 s15, $0x4  }
0x80: {  	s2 =	sshll.u32 s15, $0x7;
	s17 =	sor.u32 $0x8, s19  }
0x81: {  	s2 =	sand.u32 $0x400, s2;
	s3 =	sand.u32 $0x78, s17  }
0x82: {  	s2 =	sor.u32 s3, s2  }
0x83: {  	s3 =	sor.u32 $0x1E000, s2  }
0x84: {  	v2 =	vld.msk [tilespmem:s3+$0x0], $0xff;
	_ =	sdelay $0x4  }
0x85: {  	v3 =	vshll.u32 v2, $0x3  }
0x86: {  	v2 =	vand.u32 $0x7, v2;
	v3 =	vand.u32 $0xFFFFFFC0, v3  }
0x87: {  	v2 =	vor.u32 v2, v3  }
0x88: {  	v2 =	vperm.xlane v2, v0;
	_ =	sdelay $0x1  }
0x89: {  	v2 =	vadd.s32 v1, v2;
	_ =	sdelay $0x3  }
0x8a: {  	s20 =	simm.s32 $0x0;
	s21 =	simm.s32 $0xE000  }
0x8b: {  	[tilespmem:s21], [sflag:$0x8] =	stream.indirect_vreg.gather [hbm4b:s8+s20], $0x80, v2, vm0, $0xb8;
	[tilespmem:$0x1F000] =	vst v63  }
0x8c: {  	s22 =	simm.s32 $0xE800  }
0x8d: {  	[tilespmem:s22], [sflag:$0x8] =	stream.indirect_vreg.gather [hbm4b:s14+s20], $0x80, v2, vm0, $0xb8;
	[tilespmem:$0x1F000] =	vst v63  }
0x8e: {  	s6 =	simm.s32 $0xF000  }
0x8f: {  	[tilespmem:s6], [sflag:$0x8] =	stream.indirect_vreg.gather [hbm4b:s16+s20], $0x80, v2, vm0, $0xb8;
	[tilespmem:$0x1F000] =	vst v63  }
0x90: {  	s21 =	simm.s32 $0xF800;
	s22 =	sor.u32 $0x1E080, s2  }
0x91: {  	[tilespmem:s21], [sflag:$0x8] =	stream.indirect_vreg.gather [hbm4b:s18+s20], $0x80, v2, vm0, $0xb8;
	[tilespmem:$0x1F000] =	vst v63  }
0x92: {  	v2 =	vld.msk [tilespmem:s22+$0x0], $0xff;
	_ =	sdelay $0x4  }
0x93: {  	v3 =	vshll.u32 v2, $0x3  }
0x94: {  	v2 =	vand.u32 $0x7, v2;
	v3 =	vand.u32 $0xFFFFFFC0, v3  }
0x95: {  	v2 =	vor.u32 v2, v3  }
0x96: {  	v2 =	vperm.xlane v2, v0;
	_ =	sdelay $0x1  }
0x97: {  	v2 =	vadd.s32 v1, v2;
	_ =	sdelay $0x3  }
0x98: {  	s6 =	simm.s32 $0x10000  }
0x99: {  	[tilespmem:s6], [sflag:$0x9] =	stream.indirect_vreg.gather [hbm4b:s8+s20], $0x80, v2, vm0, $0xb8;
	[tilespmem:$0x1F000] =	vst v63  }
0x9a: {  	s21 =	simm.s32 $0x10800  }
0x9b: {  	[tilespmem:s21], [sflag:$0x9] =	stream.indirect_vreg.gather [hbm4b:s14+s20], $0x80, v2, vm0, $0xb8;
	[tilespmem:$0x1F000] =	vst v63  }
0x9c: {  	s22 =	simm.s32 $0x11000  }
0x9d: {  	[tilespmem:s22], [sflag:$0x9] =	stream.indirect_vreg.gather [hbm4b:s16+s20], $0x80, v2, vm0, $0xb8;
	[tilespmem:$0x1F000] =	vst v63  }
0x9e: {  	s6 =	simm.s32 $0x11800;
	s21 =	sor.u32 $0x1E100, s2  }
0x9f: {  	[tilespmem:s6], [sflag:$0x9] =	stream.indirect_vreg.gather [hbm4b:s18+s20], $0x80, v2, vm0, $0xb8;
	[tilespmem:$0x1F000] =	vst v63  }
0xa0: {  	v2 =	vld.msk [tilespmem:s21+$0x0], $0xff;
	_ =	sdelay $0x4  }
0xa1: {  	v3 =	vshll.u32 v2, $0x3  }
0xa2: {  	v2 =	vand.u32 $0x7, v2;
	v3 =	vand.u32 $0xFFFFFFC0, v3  }
0xa3: {  	v2 =	vor.u32 v2, v3  }
0xa4: {  	v2 =	vperm.xlane v2, v0;
	_ =	sdelay $0x1  }
0xa5: {  	v2 =	vadd.s32 v1, v2;
	_ =	sdelay $0x3  }
0xa6: {  	s22 =	simm.s32 $0x12000  }
0xa7: {  	[tilespmem:s22], [sflag:$0xA] =	stream.indirect_vreg.gather [hbm4b:s8+s20], $0x80, v2, vm0, $0xb8;
	[tilespmem:$0x1F000] =	vst v63  }
0xa8: {  	s6 =	simm.s32 $0x12800  }
0xa9: {  	[tilespmem:s6], [sflag:$0xA] =	stream.indirect_vreg.gather [hbm4b:s14+s20], $0x80, v2, vm0, $0xb8;
	[tilespmem:$0x1F000] =	vst v63  }
0xaa: {  	s21 =	simm.s32 $0x13000  }
0xab: {  	[tilespmem:s21], [sflag:$0xA] =	stream.indirect_vreg.gather [hbm4b:s16+s20], $0x80, v2, vm0, $0xb8;
	[tilespmem:$0x1F000] =	vst v63  }
0xac: {  	s22 =	simm.s32 $0x13800;
	s6 =	sor.u32 $0x1E180, s2  }
0xad: {  	[tilespmem:s22], [sflag:$0xA] =	stream.indirect_vreg.gather [hbm4b:s18+s20], $0x80, v2, vm0, $0xb8;
	[tilespmem:$0x1F000] =	vst v63  }
0xae: {  	v2 =	vld.msk [tilespmem:s6+$0x0], $0xff;
	_ =	sdelay $0x4  }
0xaf: {  	v3 =	vshll.u32 v2, $0x3  }
0xb0: {  	v2 =	vand.u32 $0x7, v2;
	v3 =	vand.u32 $0xFFFFFFC0, v3  }
0xb1: {  	v2 =	vor.u32 v2, v3  }
0xb2: {  	v2 =	vperm.xlane v2, v0;
	_ =	sdelay $0x1  }
0xb3: {  	v2 =	vadd.s32 v1, v2;
	_ =	sdelay $0x3  }
0xb4: {  	s21 =	simm.s32 $0x14000  }
0xb5: {  	[tilespmem:s21], [sflag:$0xB] =	stream.indirect_vreg.gather [hbm4b:s8+s20], $0x80, v2, vm0, $0xb8;
	[tilespmem:$0x1F000] =	vst v63  }
0xb6: {  	s22 =	simm.s32 $0x14800  }
0xb7: {  	[tilespmem:s22], [sflag:$0xB] =	stream.indirect_vreg.gather [hbm4b:s14+s20], $0x80, v2, vm0, $0xb8;
	[tilespmem:$0x1F000] =	vst v63  }
0xb8: {  	s6 =	simm.s32 $0x15000  }
0xb9: {  	[tilespmem:s6], [sflag:$0xB] =	stream.indirect_vreg.gather [hbm4b:s16+s20], $0x80, v2, vm0, $0xb8;
	[tilespmem:$0x1F000] =	vst v63  }
0xba: {  	s21 =	simm.s32 $0x15800;
	s22 =	sor.u32 $0x1E200, s2  }
0xbb: {  	[tilespmem:s21], [sflag:$0xB] =	stream.indirect_vreg.gather [hbm4b:s18+s20], $0x80, v2, vm0, $0xb8;
	[tilespmem:$0x1F000] =	vst v63  }
0xbc: {  	v2 =	vld.msk [tilespmem:s22+$0x0], $0xff;
	_ =	sdelay $0x4  }
0xbd: {  	v3 =	vshll.u32 v2, $0x3  }
0xbe: {  	v2 =	vand.u32 $0x7, v2;
	v3 =	vand.u32 $0xFFFFFFC0, v3  }
0xbf: {  	v2 =	vor.u32 v2, v3  }
0xc0: {  	v2 =	vperm.xlane v2, v0;
	_ =	sdelay $0x1  }
0xc1: {  	v2 =	vadd.s32 v1, v2;
	_ =	sdelay $0x3  }
0xc2: {  	s6 =	simm.s32 $0x16000  }
0xc3: {  	[tilespmem:s6], [sflag:$0xC] =	stream.indirect_vreg.gather [hbm4b:s8+s20], $0x80, v2, vm0, $0xb8;
	[tilespmem:$0x1F000] =	vst v63  }
0xc4: {  	s21 =	simm.s32 $0x16800  }
0xc5: {  	[tilespmem:s21], [sflag:$0xC] =	stream.indirect_vreg.gather [hbm4b:s14+s20], $0x80, v2, vm0, $0xb8;
	[tilespmem:$0x1F000] =	vst v63  }
0xc6: {  	s22 =	simm.s32 $0x17000  }
0xc7: {  	[tilespmem:s22], [sflag:$0xC] =	stream.indirect_vreg.gather [hbm4b:s16+s20], $0x80, v2, vm0, $0xb8;
	[tilespmem:$0x1F000] =	vst v63  }
0xc8: {  	s6 =	simm.s32 $0x17800;
	s21 =	sor.u32 $0x1E280, s2  }
0xc9: {  	[tilespmem:s6], [sflag:$0xC] =	stream.indirect_vreg.gather [hbm4b:s18+s20], $0x80, v2, vm0, $0xb8;
	[tilespmem:$0x1F000] =	vst v63  }
0xca: {  	v2 =	vld.msk [tilespmem:s21+$0x0], $0xff;
	_ =	sdelay $0x4  }
0xcb: {  	v3 =	vshll.u32 v2, $0x3  }
0xcc: {  	v2 =	vand.u32 $0x7, v2;
	v3 =	vand.u32 $0xFFFFFFC0, v3  }
0xcd: {  	v2 =	vor.u32 v2, v3  }
0xce: {  	v2 =	vperm.xlane v2, v0;
	_ =	sdelay $0x1  }
0xcf: {  	v2 =	vadd.s32 v1, v2;
	_ =	sdelay $0x3  }
0xd0: {  	s22 =	simm.s32 $0x18000  }
0xd1: {  	[tilespmem:s22], [sflag:$0xD] =	stream.indirect_vreg.gather [hbm4b:s8+s20], $0x80, v2, vm0, $0xb8;
	[tilespmem:$0x1F000] =	vst v63  }
0xd2: {  	s6 =	simm.s32 $0x18800  }
0xd3: {  	[tilespmem:s6], [sflag:$0xD] =	stream.indirect_vreg.gather [hbm4b:s14+s20], $0x80, v2, vm0, $0xb8;
	[tilespmem:$0x1F000] =	vst v63  }
0xd4: {  	s21 =	simm.s32 $0x19000  }
0xd5: {  	[tilespmem:s21], [sflag:$0xD] =	stream.indirect_vreg.gather [hbm4b:s16+s20], $0x80, v2, vm0, $0xb8;
	[tilespmem:$0x1F000] =	vst v63  }
0xd6: {  	s2 =	sor.u32 $0x1E300, s2;
	s22 =	simm.s32 $0x19800  }
0xd7: {  	[tilespmem:s22], [sflag:$0xD] =	stream.indirect_vreg.gather [hbm4b:s18+s20], $0x80, v2, vm0, $0xb8;
	[tilespmem:$0x1F000] =	vst v63  }
0xd8: {  	v2 =	vld.msk [tilespmem:s2+$0x0], $0xff;
	_ =	sdelay $0x4  }
0xd9: {  	v3 =	vshll.u32 v2, $0x3  }
0xda: {  	v2 =	vand.u32 $0x7, v2;
	v3 =	vand.u32 $0xFFFFFFC0, v3  }
0xdb: {  	v2 =	vor.u32 v2, v3  }
0xdc: {  	v2 =	vperm.xlane v2, v0;
	_ =	sdelay $0x1  }
0xdd: {  	v2 =	vadd.s32 v1, v2;
	_ =	sdelay $0x3  }
0xde: {  	s6 =	simm.s32 $0x1A000  }
0xdf: {  	[tilespmem:s6], [sflag:$0xE] =	stream.indirect_vreg.gather [hbm4b:s8+s20], $0x80, v2, vm0, $0xb8;
	[tilespmem:$0x1F000] =	vst v63  }
0xe0: {  	s21 =	simm.s32 $0x1A800  }
0xe1: {  	[tilespmem:s21], [sflag:$0xE] =	stream.indirect_vreg.gather [hbm4b:s14+s20], $0x80, v2, vm0, $0xb8;
	[tilespmem:$0x1F000] =	vst v63  }
0xe2: {  	s22 =	simm.s32 $0x1B000  }
0xe3: {  	[tilespmem:s22], [sflag:$0xE] =	stream.indirect_vreg.gather [hbm4b:s16+s20], $0x80, v2, vm0, $0xb8;
	[tilespmem:$0x1F000] =	vst v63  }
0xe4: {  	s3 =	simm.s32 $0x1B800  }
0xe5: {  	[tilespmem:s3], [sflag:$0xE] =	stream.indirect_vreg.gather [hbm4b:s18+s20], $0x80, v2, vm0, $0xb8;
	[tilespmem:$0x1F000] =	vst v63  }
0xe6: {  	_ =	swait.ge [sflag:s23], $0x2000  }
0xe7: {  	[sflag:s23] =	ssyncset.done $0x0  }
0xe8: {  	[sflag:s23] =	ssyncadd.s32 $0xFFFFE000  }
0xe9: {  	_ =	swait.ge [sflag:s24], $0x2000  }
0xea: {  	[sflag:s24] =	ssyncset.done $0x0  }
0xeb: {  	[sflag:s24] =	ssyncadd.s32 $0xFFFFE000  }
0xec: {  	_ =	swait.ge [sflag:s25], $0x2000  }
0xed: {  	[sflag:s25] =	ssyncset.done $0x0  }
0xee: {  	[sflag:s25] =	ssyncadd.s32 $0xFFFFE000  }
0xef: {  	_ =	swait.ge [sflag:s26], $0x2000  }
0xf0: {  	[sflag:s26] =	ssyncset.done $0x0  }
0xf1: {  	[sflag:s26] =	ssyncadd.s32 $0xFFFFE000  }
0xf2: {  	_ =	swait.ge [sflag:s28], $0x2000  }
0xf3: {  	[sflag:s28] =	ssyncset.done $0x0  }
0xf4: {  	[sflag:s28] =	ssyncadd.s32 $0xFFFFE000  }
0xf5: {  	_ =	swait.ge [sflag:s29], $0x2000  }
0xf6: {  	[sflag:s29] =	ssyncset.done $0x0  }
0xf7: {  	[sflag:s29] =	ssyncadd.s32 $0xFFFFE000  }
0xf8: {  	_ =	swait.ge [sflag:s30], $0x2000  }
0xf9: {  	s6 =	sand.u32 $0x70, s20;
	s21 =	sand.u32 $0x1C00, s20;
	[sflag:s30] =	ssyncset.done $0x0  }
0xfa: {  	s21 =	sor.u32 s6, s21;
	[sflag:s30] =	ssyncadd.s32 $0xFFFFE000  }
0xfb: {  	v2 =	vld [tilespmem:s21+$0x0]  }
0xfc: {  	v3 =	vld [tilespmem:$0x1EC00]  }
0xfd: {  	v4 =	vld [tilespmem:$0x1EC80]  }
0xfe: {  	v5 =	vld [tilespmem:s21+$0x2000]  }
0xff: {  	v6 =	vld [tilespmem:s21+$0x4000]  }
0x100: {  	v7 =	vld [tilespmem:$0x1ED00]  }
0x101: {  	v8 =	vld [tilespmem:s21+$0x6000]  }
0x102: {  	v9 =	vld [tilespmem:$0x1ED80]  }
0x103: {  	v2 =	vmul.f32 v2, v3;
	v3 =	vmul.f32 v5, v4;
	v4 =	vld [tilespmem:s21+$0x8000]  }
0x104: {  	v5 =	vld [tilespmem:$0x1EE00]  }
0x105: {  	v2 =	vadd.f32 v3, v2;
	v3 =	vmul.f32 v6, v7;
	v6 =	vld [tilespmem:s21+$0xA000]  }
0x106: {  	v7 =	vld [tilespmem:$0x1EE80]  }
0x107: {  	v2 =	vadd.f32 v3, v2;
	v3 =	vmul.f32 v8, v9;
	v8 =	vld [tilespmem:s21+$0xC000]  }
0x108: {  	v9 =	vld [tilespmem:$0x1EF00]  }
0x109: {  	v2 =	vadd.f32 v3, v2;
	v3 =	vmul.f32 v4, v5;
	_ =	sdelay $0x1  }
0x10a: {  	v2 =	vadd.f32 v3, v2;
	v3 =	vmul.f32 v6, v7;
	_ =	sdelay $0x1  }
0x10b: {  	v2 =	vadd.f32 v3, v2;
	v3 =	vmul.f32 v8, v9;
	_ =	sdelay $0x1  }
0x10c: {  	v2 =	vadd.f32 v3, v2  }
0x10d: {  	v3 =	vld [tilespmem:s21+$0x2080]  }
0x10e: {  	[tilespmem:s21+$0x1C000] =	vst v2;
	v2 =	vld [tilespmem:s21+$0x80]  }
0x10f: {  	v4 =	vld [tilespmem:$0x1EC00]  }
0x110: {  	v5 =	vld [tilespmem:$0x1EC80]  }
0x111: {  	v6 =	vld [tilespmem:s21+$0x4080]  }
0x112: {  	v7 =	vld [tilespmem:$0x1ED00]  }
0x113: {  	v8 =	vld [tilespmem:s21+$0x6080]  }
0x114: {  	v9 =	vld [tilespmem:$0x1ED80]  }
0x115: {  	v2 =	vmul.f32 v2, v4;
	v3 =	vmul.f32 v3, v5;
	v4 =	vld [tilespmem:s21+$0x8080]  }
0x116: {  	v5 =	vld [tilespmem:$0x1EE00]  }
0x117: {  	v2 =	vadd.f32 v3, v2;
	v3 =	vmul.f32 v6, v7;
	v6 =	vld [tilespmem:s21+$0xA080]  }
0x118: {  	v7 =	vld [tilespmem:$0x1EE80]  }
0x119: {  	v2 =	vadd.f32 v3, v2;
	v3 =	vmul.f32 v8, v9;
	v8 =	vld [tilespmem:s21+$0xC080]  }
0x11a: {  	v9 =	vld [tilespmem:$0x1EF00]  }
0x11b: {  	v2 =	vadd.f32 v3, v2;
	v3 =	vmul.f32 v4, v5;
	_ =	sdelay $0x1  }
0x11c: {  	v2 =	vadd.f32 v3, v2;
	v3 =	vmul.f32 v6, v7;
	_ =	sdelay $0x1  }
0x11d: {  	v2 =	vadd.f32 v3, v2;
	v3 =	vmul.f32 v8, v9;
	_ =	sdelay $0x1  }
0x11e: {  	v2 =	vadd.f32 v3, v2  }
0x11f: {  	v3 =	vld [tilespmem:s21+$0x2100]  }
0x120: {  	[tilespmem:s21+$0x1C080] =	vst v2;
	v2 =	vld [tilespmem:s21+$0x100]  }
0x121: {  	v4 =	vld [tilespmem:$0x1EC00]  }
0x122: {  	v5 =	vld [tilespmem:$0x1EC80]  }
0x123: {  	v6 =	vld [tilespmem:s21+$0x4100]  }
0x124: {  	v7 =	vld [tilespmem:$0x1ED00]  }
0x125: {  	v8 =	vld [tilespmem:s21+$0x6100]  }
0x126: {  	v9 =	vld [tilespmem:$0x1ED80]  }
0x127: {  	v2 =	vmul.f32 v2, v4;
	v3 =	vmul.f32 v3, v5;
	v4 =	vld [tilespmem:s21+$0x8100]  }
0x128: {  	v5 =	vld [tilespmem:$0x1EE00]  }
0x129: {  	v2 =	vadd.f32 v3, v2;
	v3 =	vmul.f32 v6, v7;
	v6 =	vld [tilespmem:s21+$0xA100]  }
0x12a: {  	v7 =	vld [tilespmem:$0x1EE80]  }
0x12b: {  	v2 =	vadd.f32 v3, v2;
	v3 =	vmul.f32 v8, v9;
	v8 =	vld [tilespmem:s21+$0xC100]  }
0x12c: {  	v9 =	vld [tilespmem:$0x1EF00]  }
0x12d: {  	v2 =	vadd.f32 v3, v2;
	v3 =	vmul.f32 v4, v5;
	_ =	sdelay $0x1  }
0x12e: {  	v2 =	vadd.f32 v3, v2;
	v3 =	vmul.f32 v6, v7;
	_ =	sdelay $0x1  }
0x12f: {  	v2 =	vadd.f32 v3, v2;
	v3 =	vmul.f32 v8, v9;
	_ =	sdelay $0x1  }
0x130: {  	v2 =	vadd.f32 v3, v2  }
0x131: {  	v3 =	vld [tilespmem:s21+$0x2180]  }
0x132: {  	[tilespmem:s21+$0x1C100] =	vst v2;
	v2 =	vld [tilespmem:s21+$0x180]  }
0x133: {  	v4 =	vld [tilespmem:$0x1EC00]  }
0x134: {  	v5 =	vld [tilespmem:$0x1EC80]  }
0x135: {  	v6 =	vld [tilespmem:s21+$0x4180]  }
0x136: {  	v7 =	vld [tilespmem:$0x1ED00]  }
0x137: {  	v8 =	vld [tilespmem:s21+$0x6180]  }
0x138: {  	v9 =	vld [tilespmem:$0x1ED80]  }
0x139: {  	v2 =	vmul.f32 v2, v4;
	v3 =	vmul.f32 v3, v5;
	v4 =	vld [tilespmem:s21+$0x8180]  }
0x13a: {  	v5 =	vld [tilespmem:$0x1EE00]  }
0x13b: {  	v2 =	vadd.f32 v3, v2;
	v3 =	vmul.f32 v6, v7;
	v6 =	vld [tilespmem:s21+$0xA180]  }
0x13c: {  	v7 =	vld [tilespmem:$0x1EE80]  }
0x13d: {  	v2 =	vadd.f32 v3, v2;
	v3 =	vmul.f32 v8, v9;
	v8 =	vld [tilespmem:s21+$0xC180]  }
0x13e: {  	v9 =	vld [tilespmem:$0x1EF00]  }
0x13f: {  	v2 =	vadd.f32 v3, v2;
	v3 =	vmul.f32 v4, v5;
	_ =	sdelay $0x1  }
0x140: {  	v2 =	vadd.f32 v3, v2;
	v3 =	vmul.f32 v6, v7;
	_ =	sdelay $0x1  }
0x141: {  	v2 =	vadd.f32 v3, v2;
	v3 =	vmul.f32 v8, v9;
	_ =	sdelay $0x1  }
0x142: {  	v2 =	vadd.f32 v3, v2  }
0x143: {  	v3 =	vld [tilespmem:s21+$0x2200]  }
0x144: {  	[tilespmem:s21+$0x1C180] =	vst v2;
	v2 =	vld [tilespmem:s21+$0x200]  }
0x145: {  	v4 =	vld [tilespmem:$0x1EC00]  }
0x146: {  	v5 =	vld [tilespmem:$0x1EC80]  }
0x147: {  	v7 =	vld [tilespmem:s21+$0x4200]  }
0x148: {  	v6 =	vld [tilespmem:$0x1ED00]  }
0x149: {  	v8 =	vld [tilespmem:s21+$0x6200]  }
0x14a: {  	v9 =	vld [tilespmem:$0x1ED80]  }
0x14b: {  	v2 =	vmul.f32 v2, v4;
	v3 =	vmul.f32 v3, v5;
	v4 =	vld [tilespmem:s21+$0x8200]  }
0x14c: {  	v5 =	vld [tilespmem:$0x1EE00]  }
0x14d: {  	v2 =	vadd.f32 v3, v2;
	v3 =	vmul.f32 v7, v6;
	v6 =	vld [tilespmem:s21+$0xA200]  }
0x14e: {  	v7 =	vld [tilespmem:$0x1EE80]  }
0x14f: {  	v2 =	vadd.f32 v3, v2;
	v3 =	vmul.f32 v8, v9;
	v8 =	vld [tilespmem:s21+$0xC200]  }
0x150: {  	v9 =	vld [tilespmem:$0x1EF00]  }
0x151: {  	v2 =	vadd.f32 v3, v2;
	v3 =	vmul.f32 v4, v5;
	_ =	sdelay $0x1  }
0x152: {  	v2 =	vadd.f32 v3, v2;
	v3 =	vmul.f32 v6, v7;
	_ =	sdelay $0x1  }
0x153: {  	v2 =	vadd.f32 v3, v2;
	v3 =	vmul.f32 v8, v9;
	_ =	sdelay $0x1  }
0x154: {  	v2 =	vadd.f32 v3, v2  }
0x155: {  	v5 =	vld [tilespmem:s21+$0x2280]  }
0x156: {  	[tilespmem:s21+$0x1C200] =	vst v2;
	v2 =	vld [tilespmem:s21+$0x280]  }
0x157: {  	v6 =	vld [tilespmem:$0x1EC00]  }
0x158: {  	v7 =	vld [tilespmem:$0x1EC80]  }
0x159: {  	v3 =	vld [tilespmem:s21+$0x4280]  }
0x15a: {  	v8 =	vld [tilespmem:$0x1ED00]  }
0x15b: {  	v4 =	vld [tilespmem:s21+$0x6280]  }
0x15c: {  	v9 =	vld [tilespmem:$0x1ED80]  }
0x15d: {  	v10 =	vld [tilespmem:$0x1EE00];
	v2 =	vmul.f32 v2, v6;
	v5 =	vmul.f32 v5, v7  }
0x15e: {  	v6 =	vld [tilespmem:s21+$0x8280]  }
0x15f: {  	v7 =	vld [tilespmem:$0x1EE80];
	v3 =	vmul.f32 v3, v8;
	v2 =	vadd.f32 v5, v2  }
0x160: {  	v5 =	vld [tilespmem:s21+$0xA280]  }
0x161: {  	v8 =	vld [tilespmem:$0x1EF00];
	v2 =	vadd.f32 v3, v2;
	v3 =	vmul.f32 v4, v9  }
0x162: {  	v4 =	vld [tilespmem:s21+$0xC280]  }
0x163: {  	v2 =	vadd.f32 v3, v2;
	v3 =	vmul.f32 v6, v10;
	_ =	sdelay $0x1  }
0x164: {  	v2 =	vadd.f32 v3, v2;
	v3 =	vmul.f32 v5, v7;
	_ =	sdelay $0x1  }
0x165: {  	v2 =	vadd.f32 v3, v2;
	v3 =	vmul.f32 v4, v8;
	_ =	sdelay $0x1  }
0x166: {  	v2 =	vadd.f32 v3, v2  }
0x167: {  	v5 =	vld [tilespmem:s21+$0x2300]  }
0x168: {  	[tilespmem:s21+$0x1C280] =	vst v2;
	v2 =	vld [tilespmem:s21+$0x300]  }
0x169: {  	v6 =	vld [tilespmem:$0x1EC00]  }
0x16a: {  	v7 =	vld [tilespmem:$0x1EC80]  }
0x16b: {  	v3 =	vld [tilespmem:s21+$0x4300]  }
0x16c: {  	v8 =	vld [tilespmem:$0x1ED00]  }
0x16d: {  	v4 =	vld [tilespmem:s21+$0x6300]  }
0x16e: {  	v9 =	vld [tilespmem:$0x1ED80]  }
0x16f: {  	v10 =	vld [tilespmem:$0x1EE00];
	v2 =	vmul.f32 v2, v6;
	v5 =	vmul.f32 v5, v7  }
0x170: {  	v6 =	vld [tilespmem:s21+$0x8300]  }
0x171: {  	v7 =	vld [tilespmem:$0x1EE80];
	v3 =	vmul.f32 v3, v8;
	v2 =	vadd.f32 v5, v2  }
0x172: {  	v5 =	vld [tilespmem:s21+$0xA300]  }
0x173: {  	v8 =	vld [tilespmem:$0x1EF00];
	v2 =	vadd.f32 v3, v2;
	v3 =	vmul.f32 v4, v9  }
0x174: {  	v4 =	vld [tilespmem:s21+$0xC300]  }
0x175: {  	v2 =	vadd.f32 v3, v2;
	v3 =	vmul.f32 v6, v10;
	_ =	sdelay $0x1  }
0x176: {  	v2 =	vadd.f32 v3, v2;
	v3 =	vmul.f32 v5, v7;
	_ =	sdelay $0x1  }
0x177: {  	v2 =	vadd.f32 v3, v2;
	v3 =	vmul.f32 v4, v8;
	_ =	sdelay $0x1  }
0x178: {  	v9 =	vld [tilespmem:s21+$0x2380];
	v3 =	vadd.f32 v3, v2  }
0x179: {  	v7 =	vld [tilespmem:s21+$0x4380]  }
0x17a: {  	s22 =	sor.u32 s20, s20;
	v2 =	vld [tilespmem:s21+$0x6380];
	[tilespmem:s21+$0x1C300] =	vst v3  }
0x17b: {  	s3 =	sor.u32 $0x380, s22;
	v3 =	vld [tilespmem:$0x1EC00]  }
0x17c: {  	v8 =	vld [tilespmem:s3+$0x0]  }
0x17d: {  	v10 =	vld [tilespmem:$0x1EC80]  }
0x17e: {  	v11 =	vld [tilespmem:$0x1ED00]  }
0x17f: {  	v6 =	vld [tilespmem:$0x1ED80]  }
0x180: {  	v5 =	vld [tilespmem:$0x1EE00]  }
0x181: {  	v4 =	vld [tilespmem:$0x1EE80]  }
0x182: {  	v8 =	vmul.f32 v8, v3;
	v3 =	vld [tilespmem:$0x1EF00]  }
0x183: {  	s22 =	simm.s32 $0x10;
	v10 =	vmul.f32 v9, v10;
	v9 =	vmul.f32 v7, v11;
	v7 =	vld [tilespmem:s21+$0x8380]  }
.LBB2_3:
0x184: {  	p0 =	sne.s32 s22, $0x3F0  }
0x185: {  	v8 =	vadd.f32 v10, v8;
	s20 =	sadd.s32 $0x80, s20;
	s2 =	smov.u32 s22;
	s22 =	sadd.s32 $0x10, s22  }
0x186: {  	v10 =	vld [tilespmem:s21+$0xA380]  }
0x187: {  	v2 =	vmul.f32 v2, v6;
	v8 =	vadd.f32 v9, v8  }
0x188: {  	v6 =	vld [tilespmem:s21+$0xC380]  }
0x189: {  	v2 =	vadd.f32 v2, v8;
	v5 =	vmul.f32 v7, v5;
	_ =	sdelay $0x1  }
0x18a: {  	v2 =	vadd.f32 v5, v2;
	v4 =	vmul.f32 v10, v4;
	_ =	sdelay $0x1  }
0x18b: {  	v2 =	vadd.f32 v4, v2;
	v3 =	vmul.f32 v6, v3;
	_ =	sdelay $0x1  }
0x18c: {  	v2 =	vadd.f32 v3, v2  }
0x18d: {  	s6 =	sand.u32 $0x1C00, s20;
	s21 =	sand.u32 $0x70, s2  }
0x18e: {  	s21 =	sor.u32 s21, s6;
	[tilespmem:s3+$0x1C000] =	vst v2  }
0x18f: {  	v2 =	vld [tilespmem:s21+$0x0]  }
0x190: {  	v3 =	vld [tilespmem:$0x1EC00]  }
0x191: {  	v4 =	vld [tilespmem:$0x1EC80]  }
0x192: {  	v5 =	vld [tilespmem:s21+$0x4000]  }
0x193: {  	v6 =	vld [tilespmem:s21+$0x2000];
	_ =	sdelay $0x1  }
0x194: {  	v7 =	vld [tilespmem:$0x1ED00]  }
0x195: {  	v8 =	vld [tilespmem:s21+$0x6000]  }
0x196: {  	v2 =	vmul.f32 v2, v3;
	v3 =	vld [tilespmem:$0x1ED80]  }
0x197: {  	v4 =	vmul.f32 v6, v4;
	v6 =	vld [tilespmem:s21+$0x8000]  }
0x198: {  	v9 =	vld [tilespmem:$0x1EE00]  }
0x199: {  	v2 =	vadd.f32 v4, v2;
	v4 =	vmul.f32 v5, v7;
	v5 =	vld [tilespmem:s21+$0xA000]  }
0x19a: {  	v7 =	vld [tilespmem:$0x1EE80]  }
0x19b: {  	v2 =	vadd.f32 v4, v2;
	v3 =	vmul.f32 v8, v3;
	v4 =	vld [tilespmem:s21+$0xC000]  }
0x19c: {  	v8 =	vld [tilespmem:$0x1EF00]  }
0x19d: {  	v2 =	vadd.f32 v3, v2;
	v3 =	vmul.f32 v6, v9;
	_ =	sdelay $0x1  }
0x19e: {  	v2 =	vadd.f32 v3, v2;
	v3 =	vmul.f32 v5, v7;
	_ =	sdelay $0x1  }
0x19f: {  	v2 =	vadd.f32 v3, v2;
	v3 =	vmul.f32 v4, v8;
	_ =	sdelay $0x1  }
0x1a0: {  	v2 =	vadd.f32 v3, v2  }
0x1a1: {  	v3 =	vld [tilespmem:s21+$0x2080]  }
0x1a2: {  	[tilespmem:s21+$0x1C000] =	vst v2;
	v2 =	vld [tilespmem:s21+$0x80]  }
0x1a3: {  	v4 =	vld [tilespmem:$0x1EC00]  }
0x1a4: {  	v5 =	vld [tilespmem:$0x1EC80]  }
0x1a5: {  	v6 =	vld [tilespmem:s21+$0x4080]  }
0x1a6: {  	v7 =	vld [tilespmem:$0x1ED00]  }
0x1a7: {  	v8 =	vld [tilespmem:s21+$0x6080]  }
0x1a8: {  	v2 =	vmul.f32 v2, v4;
	v4 =	vld [tilespmem:$0x1ED80]  }
0x1a9: {  	v3 =	vmul.f32 v3, v5;
	v5 =	vld [tilespmem:s21+$0x8080]  }
0x1aa: {  	v9 =	vld [tilespmem:$0x1EE00]  }
0x1ab: {  	v2 =	vadd.f32 v3, v2;
	v3 =	vmul.f32 v6, v7;
	v6 =	vld [tilespmem:s21+$0xA080]  }
0x1ac: {  	v7 =	vld [tilespmem:$0x1EE80]  }
0x1ad: {  	v2 =	vadd.f32 v3, v2;
	v3 =	vmul.f32 v8, v4;
	v4 =	vld [tilespmem:s21+$0xC080]  }
0x1ae: {  	v8 =	vld [tilespmem:$0x1EF00]  }
0x1af: {  	v2 =	vadd.f32 v3, v2;
	v3 =	vmul.f32 v5, v9;
	_ =	sdelay $0x1  }
0x1b0: {  	v2 =	vadd.f32 v3, v2;
	v3 =	vmul.f32 v6, v7;
	_ =	sdelay $0x1  }
0x1b1: {  	v2 =	vadd.f32 v3, v2;
	v3 =	vmul.f32 v4, v8;
	_ =	sdelay $0x1  }
0x1b2: {  	v2 =	vadd.f32 v3, v2  }
0x1b3: {  	v3 =	vld [tilespmem:s21+$0x2100]  }
0x1b4: {  	[tilespmem:s21+$0x1C080] =	vst v2;
	v2 =	vld [tilespmem:s21+$0x100]  }
0x1b5: {  	v4 =	vld [tilespmem:$0x1EC00]  }
0x1b6: {  	v5 =	vld [tilespmem:$0x1EC80]  }
0x1b7: {  	v6 =	vld [tilespmem:s21+$0x4100]  }
0x1b8: {  	v7 =	vld [tilespmem:$0x1ED00]  }
0x1b9: {  	v8 =	vld [tilespmem:s21+$0x6100]  }
0x1ba: {  	v2 =	vmul.f32 v2, v4;
	v4 =	vld [tilespmem:$0x1ED80]  }
0x1bb: {  	v3 =	vmul.f32 v3, v5;
	v5 =	vld [tilespmem:s21+$0x8100]  }
0x1bc: {  	v9 =	vld [tilespmem:$0x1EE00]  }
0x1bd: {  	v2 =	vadd.f32 v3, v2;
	v3 =	vmul.f32 v6, v7;
	v6 =	vld [tilespmem:s21+$0xA100]  }
0x1be: {  	v7 =	vld [tilespmem:$0x1EE80]  }
0x1bf: {  	v2 =	vadd.f32 v3, v2;
	v3 =	vmul.f32 v8, v4;
	v4 =	vld [tilespmem:s21+$0xC100]  }
0x1c0: {  	v8 =	vld [tilespmem:$0x1EF00]  }
0x1c1: {  	v2 =	vadd.f32 v3, v2;
	v3 =	vmul.f32 v5, v9;
	_ =	sdelay $0x1  }
0x1c2: {  	v2 =	vadd.f32 v3, v2;
	v3 =	vmul.f32 v6, v7;
	_ =	sdelay $0x1  }
0x1c3: {  	v2 =	vadd.f32 v3, v2;
	v3 =	vmul.f32 v4, v8;
	_ =	sdelay $0x1  }
0x1c4: {  	v2 =	vadd.f32 v3, v2  }
0x1c5: {  	v3 =	vld [tilespmem:s21+$0x2180]  }
0x1c6: {  	[tilespmem:s21+$0x1C100] =	vst v2;
	v2 =	vld [tilespmem:s21+$0x180]  }
0x1c7: {  	v4 =	vld [tilespmem:$0x1EC00]  }
0x1c8: {  	v5 =	vld [tilespmem:$0x1EC80]  }
0x1c9: {  	v6 =	vld [tilespmem:s21+$0x4180]  }
0x1ca: {  	v7 =	vld [tilespmem:$0x1ED00]  }
0x1cb: {  	v8 =	vld [tilespmem:s21+$0x6180]  }
0x1cc: {  	v2 =	vmul.f32 v2, v4;
	v4 =	vld [tilespmem:$0x1ED80]  }
0x1cd: {  	v3 =	vmul.f32 v3, v5;
	v5 =	vld [tilespmem:s21+$0x8180]  }
0x1ce: {  	v9 =	vld [tilespmem:$0x1EE00]  }
0x1cf: {  	v2 =	vadd.f32 v3, v2;
	v3 =	vmul.f32 v6, v7;
	v6 =	vld [tilespmem:s21+$0xA180]  }
0x1d0: {  	v7 =	vld [tilespmem:$0x1EE80]  }
0x1d1: {  	v2 =	vadd.f32 v3, v2;
	v3 =	vmul.f32 v8, v4;
	v4 =	vld [tilespmem:s21+$0xC180]  }
0x1d2: {  	v8 =	vld [tilespmem:$0x1EF00]  }
0x1d3: {  	v2 =	vadd.f32 v3, v2;
	v3 =	vmul.f32 v5, v9;
	_ =	sdelay $0x1  }
0x1d4: {  	v2 =	vadd.f32 v3, v2;
	v3 =	vmul.f32 v6, v7;
	_ =	sdelay $0x1  }
0x1d5: {  	v2 =	vadd.f32 v3, v2;
	v3 =	vmul.f32 v4, v8;
	_ =	sdelay $0x1  }
0x1d6: {  	v2 =	vadd.f32 v3, v2  }
0x1d7: {  	v3 =	vld [tilespmem:s21+$0x2200]  }
0x1d8: {  	[tilespmem:s21+$0x1C180] =	vst v2;
	v2 =	vld [tilespmem:s21+$0x200]  }
0x1d9: {  	v4 =	vld [tilespmem:$0x1EC00]  }
0x1da: {  	v5 =	vld [tilespmem:$0x1EC80]  }
0x1db: {  	v6 =	vld [tilespmem:$0x1ED00]  }
0x1dc: {  	v7 =	vld [tilespmem:s21+$0x4200]  }
0x1dd: {  	v8 =	vld [tilespmem:s21+$0x6200]  }
0x1de: {  	v2 =	vmul.f32 v2, v4;
	v4 =	vld [tilespmem:$0x1ED80]  }
0x1df: {  	v3 =	vmul.f32 v3, v5;
	v5 =	vld [tilespmem:s21+$0x8200]  }
0x1e0: {  	v9 =	vld [tilespmem:$0x1EE00]  }
0x1e1: {  	v2 =	vadd.f32 v3, v2;
	v3 =	vmul.f32 v7, v6;
	v6 =	vld [tilespmem:s21+$0xA200]  }
0x1e2: {  	v7 =	vld [tilespmem:$0x1EE80]  }
0x1e3: {  	v2 =	vadd.f32 v3, v2;
	v3 =	vmul.f32 v8, v4;
	v4 =	vld [tilespmem:s21+$0xC200]  }
0x1e4: {  	v8 =	vld [tilespmem:$0x1EF00]  }
0x1e5: {  	v2 =	vadd.f32 v3, v2;
	v3 =	vmul.f32 v5, v9;
	_ =	sdelay $0x1  }
0x1e6: {  	v2 =	vadd.f32 v3, v2;
	v3 =	vmul.f32 v6, v7;
	_ =	sdelay $0x1  }
0x1e7: {  	v2 =	vadd.f32 v3, v2;
	v3 =	vmul.f32 v4, v8  }
0x1e8: {  	v4 =	vld [tilespmem:s21+$0x6280]  }
0x1e9: {  	v2 =	vadd.f32 v3, v2;
	v3 =	vld [tilespmem:s21+$0x4280]  }
0x1ea: {  	v5 =	vld [tilespmem:s21+$0x2280]  }
0x1eb: {  	[tilespmem:s21+$0x1C200] =	vst v2;
	v2 =	vld [tilespmem:s21+$0x280]  }
0x1ec: {  	v6 =	vld [tilespmem:$0x1EC00]  }
0x1ed: {  	v7 =	vld [tilespmem:$0x1EC80]  }
0x1ee: {  	v8 =	vld [tilespmem:$0x1ED00]  }
0x1ef: {  	v9 =	vld [tilespmem:$0x1ED80]  }
0x1f0: {  	v10 =	vld [tilespmem:$0x1EE00]  }
0x1f1: {  	v2 =	vmul.f32 v2, v6;
	v6 =	vld [tilespmem:$0x1EE80]  }
0x1f2: {  	v5 =	vmul.f32 v5, v7;
	v7 =	vld [tilespmem:$0x1EF00]  }
0x1f3: {  	v11 =	vld [tilespmem:s21+$0x8280]  }
0x1f4: {  	v3 =	vmul.f32 v3, v8;
	v2 =	vadd.f32 v5, v2  }
0x1f5: {  	v5 =	vld [tilespmem:s21+$0xA280]  }
0x1f6: {  	v2 =	vadd.f32 v3, v2;
	v3 =	vmul.f32 v4, v9  }
0x1f7: {  	v4 =	vld [tilespmem:s21+$0xC280]  }
0x1f8: {  	v2 =	vadd.f32 v3, v2;
	v3 =	vmul.f32 v11, v10;
	_ =	sdelay $0x1  }
0x1f9: {  	v2 =	vadd.f32 v3, v2;
	v3 =	vmul.f32 v5, v6;
	_ =	sdelay $0x1  }
0x1fa: {  	v2 =	vadd.f32 v3, v2;
	v3 =	vmul.f32 v4, v7  }
0x1fb: {  	v4 =	vld [tilespmem:s21+$0x6300]  }
0x1fc: {  	v2 =	vadd.f32 v3, v2;
	v3 =	vld [tilespmem:s21+$0x4300]  }
0x1fd: {  	v5 =	vld [tilespmem:s21+$0x2300]  }
0x1fe: {  	[tilespmem:s21+$0x1C280] =	vst v2;
	v2 =	vld [tilespmem:s21+$0x300]  }
0x1ff: {  	v6 =	vld [tilespmem:$0x1EC00]  }
0x200: {  	v7 =	vld [tilespmem:$0x1EC80]  }
0x201: {  	v8 =	vld [tilespmem:$0x1ED00]  }
0x202: {  	v9 =	vld [tilespmem:$0x1ED80]  }
0x203: {  	v10 =	vld [tilespmem:$0x1EE00]  }
0x204: {  	v2 =	vmul.f32 v2, v6;
	v6 =	vld [tilespmem:$0x1EE80]  }
0x205: {  	v5 =	vmul.f32 v5, v7;
	v7 =	vld [tilespmem:$0x1EF00]  }
0x206: {  	v11 =	vld [tilespmem:s21+$0x8300]  }
0x207: {  	v3 =	vmul.f32 v3, v8;
	v2 =	vadd.f32 v5, v2  }
0x208: {  	v5 =	vld [tilespmem:s21+$0xA300]  }
0x209: {  	v2 =	vadd.f32 v3, v2;
	v3 =	vmul.f32 v4, v9  }
0x20a: {  	v4 =	vld [tilespmem:s21+$0xC300]  }
0x20b: {  	v2 =	vadd.f32 v3, v2;
	v3 =	vmul.f32 v11, v10;
	_ =	sdelay $0x1  }
0x20c: {  	v2 =	vadd.f32 v3, v2;
	v3 =	vmul.f32 v5, v6;
	_ =	sdelay $0x1  }
0x20d: {  	v2 =	vadd.f32 v3, v2;
	v3 =	vmul.f32 v4, v7;
	_ =	sdelay $0x1  }
0x20e: {  	v3 =	vadd.f32 v3, v2;
	v2 =	vld [tilespmem:s21+$0x6380]  }
0x20f: {  	v7 =	vld [tilespmem:s21+$0x4380]  }
0x210: {  	s2 =	sor.u32 s20, s2;
	[tilespmem:s21+$0x1C300] =	vst v3;
	v3 =	vld [tilespmem:s21+$0x2380]  }
0x211: {  	s3 =	sor.u32 $0x380, s2;
	v4 =	vld [tilespmem:$0x1EC00]  }
0x212: {  	v8 =	vld [tilespmem:s3+$0x0]  }
0x213: {  	v9 =	vld [tilespmem:$0x1EC80]  }
0x214: {  	v11 =	vld [tilespmem:$0x1ED00]  }
.Ltmp0:
0x215: {  	v6 =	vld [tilespmem:$0x1ED80];
	(pc) =	sbr.rel @p0 .LBB2_3-.Ltmp0, $4  }
0x216: {  	v5 =	vld [tilespmem:$0x1EE00]  }
0x217: {  	v8 =	vmul.f32 v8, v4;
	v4 =	vld [tilespmem:$0x1EE80]  }
0x218: {  	v10 =	vmul.f32 v3, v9;
	v3 =	vld [tilespmem:$0x1EF00]  }
0x219: {  	v9 =	vmul.f32 v7, v11;
	v7 =	vld [tilespmem:s21+$0x8380]  }
0x21a: {  	v8 =	vadd.f32 v10, v8  }
0x21b: {  	v49 =	vld [tilespmem:s21+$0xA380]  }
0x21c: {  	v2 =	vmul.f32 v2, v6;
	v8 =	vadd.f32 v9, v8  }
0x21d: {  	v6 =	vld [tilespmem:s21+$0xC380]  }
0x21e: {  	v2 =	vadd.f32 v2, v8;
	v5 =	vmul.f32 v7, v5;
	_ =	sdelay $0x1  }
0x21f: {  	v4 =	vmul.f32 v49, v4;
	v2 =	vadd.f32 v5, v2;
	_ =	sdelay $0x1  }
0x220: {  	v3 =	vmul.f32 v6, v3;
	v2 =	vadd.f32 v4, v2  }
0x221: {  	s2 =	sshll.u32 s15, $0xE;
	s6 =	rddreg [dreg:$0x6]  }
0x222: {  	s2 =	sadd.s32 s6, s2;
	v2 =	vadd.f32 v3, v2  }
0x223: {  	s19 =	sadd.s32 $0x10, s19;
	s2 =	sshrl.u32 s2, $0x3  }
0x224: {  	s20 =	simm.s32 $0x0;
	s21 =	sshll.u32 s19, $0x3;
	s2 =	sadd.s32 s4, s2;
	[tilespmem:s3+$0x1C000] =	vst v2  }
0x225: {  	[hbm4b:s2+s20] =	stream.linear.scatter [tilespmem:s31], [sflag:$0xF], $0x2000, $0x38;
	[tilespmem:$0x1F000] =	vst v63  }
0x226: {  	s3 =	sand.u32 $0xC00, s21;
	s2 =	sand.u32 $0x70, s19;
	_ =	swait.ge [sflag:s12], $0x2000  }
0x227: {  	s2 =	sor.u32 s2, s3;
	[sflag:s12] =	ssyncset.done $0x0  }
0x228: {  	s3 =	sor.u32 $0x1E000, s2;
	[sflag:s12] =	ssyncadd.s32 $0xFFFFE000  }
0x229: {  	v2 =	vld.msk [tilespmem:s3+$0x0], $0xff;
	_ =	sdelay $0x4  }
0x22a: {  	v3 =	vshll.u32 v2, $0x3  }
0x22b: {  	v2 =	vand.u32 $0x7, v2;
	v3 =	vand.u32 $0xFFFFFFC0, v3  }
0x22c: {  	v2 =	vor.u32 v2, v3  }
0x22d: {  	v2 =	vperm.xlane v2, v0;
	_ =	sdelay $0x1  }
0x22e: {  	v2 =	vadd.s32 v1, v2;
	_ =	sdelay $0x4  }
0x22f: {  	[tilespmem:s20], [sflag:$0x1] =	stream.indirect_vreg.gather [hbm4b:s8+s20], $0x80, v2, vm0, $0xb8;
	[tilespmem:$0x1F000] =	vst v63  }
0x230: {  	s22 =	simm.s32 $0x800  }
0x231: {  	[tilespmem:s22], [sflag:$0x1] =	stream.indirect_vreg.gather [hbm4b:s14+s20], $0x80, v2, vm0, $0xb8;
	[tilespmem:$0x1F000] =	vst v63  }
0x232: {  	s6 =	simm.s32 $0x1000  }
0x233: {  	[tilespmem:s6], [sflag:$0x1] =	stream.indirect_vreg.gather [hbm4b:s16+s20], $0x80, v2, vm0, $0xb8;
	[tilespmem:$0x1F000] =	vst v63  }
0x234: {  	s19 =	simm.s32 $0x1800;
	s21 =	sor.u32 $0x1E080, s2  }
0x235: {  	[tilespmem:s19], [sflag:$0x1] =	stream.indirect_vreg.gather [hbm4b:s18+s20], $0x80, v2, vm0, $0xb8;
	[tilespmem:$0x1F000] =	vst v63  }
0x236: {  	v2 =	vld.msk [tilespmem:s21+$0x0], $0xff;
	_ =	sdelay $0x4  }
0x237: {  	v3 =	vshll.u32 v2, $0x3  }
0x238: {  	v2 =	vand.u32 $0x7, v2;
	v3 =	vand.u32 $0xFFFFFFC0, v3  }
0x239: {  	v2 =	vor.u32 v2, v3  }
0x23a: {  	v2 =	vperm.xlane v2, v0;
	_ =	sdelay $0x1  }
0x23b: {  	v2 =	vadd.s32 v1, v2;
	_ =	sdelay $0x3  }
0x23c: {  	s22 =	simm.s32 $0x2000  }
0x23d: {  	[tilespmem:s22], [sflag:$0x2] =	stream.indirect_vreg.gather [hbm4b:s8+s20], $0x80, v2, vm0, $0xb8;
	[tilespmem:$0x1F000] =	vst v63  }
0x23e: {  	s6 =	simm.s32 $0x2800  }
0x23f: {  	[tilespmem:s6], [sflag:$0x2] =	stream.indirect_vreg.gather [hbm4b:s14+s20], $0x80, v2, vm0, $0xb8;
	[tilespmem:$0x1F000] =	vst v63  }
0x240: {  	s19 =	simm.s32 $0x3000  }
0x241: {  	[tilespmem:s19], [sflag:$0x2] =	stream.indirect_vreg.gather [hbm4b:s16+s20], $0x80, v2, vm0, $0xb8;
	[tilespmem:$0x1F000] =	vst v63  }
0x242: {  	s21 =	simm.s32 $0x3800;
	s22 =	sor.u32 $0x1E100, s2  }
0x243: {  	[tilespmem:s21], [sflag:$0x2] =	stream.indirect_vreg.gather [hbm4b:s18+s20], $0x80, v2, vm0, $0xb8;
	[tilespmem:$0x1F000] =	vst v63  }
0x244: {  	v2 =	vld.msk [tilespmem:s22+$0x0], $0xff;
	_ =	sdelay $0x4  }
0x245: {  	v3 =	vshll.u32 v2, $0x3  }
0x246: {  	v2 =	vand.u32 $0x7, v2;
	v3 =	vand.u32 $0xFFFFFFC0, v3  }
0x247: {  	v2 =	vor.u32 v2, v3  }
0x248: {  	v2 =	vperm.xlane v2, v0;
	_ =	sdelay $0x1  }
0x249: {  	v2 =	vadd.s32 v1, v2;
	_ =	sdelay $0x3  }
0x24a: {  	s6 =	simm.s32 $0x4000  }
0x24b: {  	[tilespmem:s6], [sflag:$0x3] =	stream.indirect_vreg.gather [hbm4b:s8+s20], $0x80, v2, vm0, $0xb8;
	[tilespmem:$0x1F000] =	vst v63  }
0x24c: {  	s19 =	simm.s32 $0x4800  }
0x24d: {  	[tilespmem:s19], [sflag:$0x3] =	stream.indirect_vreg.gather [hbm4b:s14+s20], $0x80, v2, vm0, $0xb8;
	[tilespmem:$0x1F000] =	vst v63  }
0x24e: {  	s21 =	simm.s32 $0x5000  }
0x24f: {  	[tilespmem:s21], [sflag:$0x3] =	stream.indirect_vreg.gather [hbm4b:s16+s20], $0x80, v2, vm0, $0xb8;
	[tilespmem:$0x1F000] =	vst v63  }
0x250: {  	s22 =	simm.s32 $0x5800;
	s6 =	sor.u32 $0x1E180, s2  }
0x251: {  	[tilespmem:s22], [sflag:$0x3] =	stream.indirect_vreg.gather [hbm4b:s18+s20], $0x80, v2, vm0, $0xb8;
	[tilespmem:$0x1F000] =	vst v63  }
0x252: {  	v2 =	vld.msk [tilespmem:s6+$0x0], $0xff;
	_ =	sdelay $0x4  }
0x253: {  	v3 =	vshll.u32 v2, $0x3  }
0x254: {  	v2 =	vand.u32 $0x7, v2;
	v3 =	vand.u32 $0xFFFFFFC0, v3  }
0x255: {  	v2 =	vor.u32 v2, v3  }
0x256: {  	v2 =	vperm.xlane v2, v0;
	_ =	sdelay $0x1  }
0x257: {  	v2 =	vadd.s32 v1, v2;
	_ =	sdelay $0x3  }
0x258: {  	s19 =	simm.s32 $0x6000  }
0x259: {  	[tilespmem:s19], [sflag:$0x4] =	stream.indirect_vreg.gather [hbm4b:s8+s20], $0x80, v2, vm0, $0xb8;
	[tilespmem:$0x1F000] =	vst v63  }
0x25a: {  	s21 =	simm.s32 $0x6800  }
0x25b: {  	[tilespmem:s21], [sflag:$0x4] =	stream.indirect_vreg.gather [hbm4b:s14+s20], $0x80, v2, vm0, $0xb8;
	[tilespmem:$0x1F000] =	vst v63  }
0x25c: {  	s22 =	simm.s32 $0x7000  }
0x25d: {  	[tilespmem:s22], [sflag:$0x4] =	stream.indirect_vreg.gather [hbm4b:s16+s20], $0x80, v2, vm0, $0xb8;
	[tilespmem:$0x1F000] =	vst v63  }
0x25e: {  	s6 =	simm.s32 $0x7800;
	s19 =	sor.u32 $0x1E200, s2  }
0x25f: {  	[tilespmem:s6], [sflag:$0x4] =	stream.indirect_vreg.gather [hbm4b:s18+s20], $0x80, v2, vm0, $0xb8;
	[tilespmem:$0x1F000] =	vst v63  }
0x260: {  	v2 =	vld.msk [tilespmem:s19+$0x0], $0xff;
	_ =	sdelay $0x4  }
0x261: {  	v3 =	vshll.u32 v2, $0x3  }
0x262: {  	v2 =	vand.u32 $0x7, v2;
	v3 =	vand.u32 $0xFFFFFFC0, v3  }
0x263: {  	v2 =	vor.u32 v2, v3  }
0x264: {  	v2 =	vperm.xlane v2, v0;
	_ =	sdelay $0x1  }
0x265: {  	v2 =	vadd.s32 v1, v2;
	_ =	sdelay $0x3  }
0x266: {  	s21 =	simm.s32 $0x8000  }
0x267: {  	[tilespmem:s21], [sflag:$0x5] =	stream.indirect_vreg.gather [hbm4b:s8+s20], $0x80, v2, vm0, $0xb8;
	[tilespmem:$0x1F000] =	vst v63  }
0x268: {  	s22 =	simm.s32 $0x8800  }
0x269: {  	[tilespmem:s22], [sflag:$0x5] =	stream.indirect_vreg.gather [hbm4b:s14+s20], $0x80, v2, vm0, $0xb8;
	[tilespmem:$0x1F000] =	vst v63  }
0x26a: {  	s6 =	simm.s32 $0x9000  }
0x26b: {  	[tilespmem:s6], [sflag:$0x5] =	stream.indirect_vreg.gather [hbm4b:s16+s20], $0x80, v2, vm0, $0xb8;
	[tilespmem:$0x1F000] =	vst v63  }
0x26c: {  	s19 =	simm.s32 $0x9800;
	s21 =	sor.u32 $0x1E280, s2  }
0x26d: {  	[tilespmem:s19], [sflag:$0x5] =	stream.indirect_vreg.gather [hbm4b:s18+s20], $0x80, v2, vm0, $0xb8;
	[tilespmem:$0x1F000] =	vst v63  }
0x26e: {  	v2 =	vld.msk [tilespmem:s21+$0x0], $0xff;
	_ =	sdelay $0x4  }
0x26f: {  	v3 =	vshll.u32 v2, $0x3  }
0x270: {  	v2 =	vand.u32 $0x7, v2;
	v3 =	vand.u32 $0xFFFFFFC0, v3  }
0x271: {  	v2 =	vor.u32 v2, v3  }
0x272: {  	v2 =	vperm.xlane v2, v0;
	_ =	sdelay $0x1  }
0x273: {  	v2 =	vadd.s32 v1, v2;
	_ =	sdelay $0x3  }
0x274: {  	s22 =	simm.s32 $0xA000  }
0x275: {  	[tilespmem:s22], [sflag:$0x6] =	stream.indirect_vreg.gather [hbm4b:s8+s20], $0x80, v2, vm0, $0xb8;
	[tilespmem:$0x1F000] =	vst v63  }
0x276: {  	s6 =	simm.s32 $0xA800  }
0x277: {  	[tilespmem:s6], [sflag:$0x6] =	stream.indirect_vreg.gather [hbm4b:s14+s20], $0x80, v2, vm0, $0xb8;
	[tilespmem:$0x1F000] =	vst v63  }
0x278: {  	s19 =	simm.s32 $0xB000  }
0x279: {  	[tilespmem:s19], [sflag:$0x6] =	stream.indirect_vreg.gather [hbm4b:s16+s20], $0x80, v2, vm0, $0xb8;
	[tilespmem:$0x1F000] =	vst v63  }
0x27a: {  	s2 =	sor.u32 $0x1E300, s2;
	s21 =	simm.s32 $0xB800  }
0x27b: {  	[tilespmem:s21], [sflag:$0x6] =	stream.indirect_vreg.gather [hbm4b:s18+s20], $0x80, v2, vm0, $0xb8;
	[tilespmem:$0x1F000] =	vst v63  }
0x27c: {  	v2 =	vld.msk [tilespmem:s2+$0x0], $0xff;
	_ =	sdelay $0x4  }
0x27d: {  	v3 =	vshll.u32 v2, $0x3  }
0x27e: {  	v2 =	vand.u32 $0x7, v2;
	v3 =	vand.u32 $0xFFFFFFC0, v3  }
0x27f: {  	v2 =	vor.u32 v2, v3  }
0x280: {  	v2 =	vperm.xlane v2, v0;
	_ =	sdelay $0x1  }
0x281: {  	v2 =	vadd.s32 v1, v2;
	_ =	sdelay $0x3  }
0x282: {  	s22 =	simm.s32 $0xC000  }
0x283: {  	[tilespmem:s22], [sflag:$0x7] =	stream.indirect_vreg.gather [hbm4b:s8+s20], $0x80, v2, vm0, $0xb8;
	[tilespmem:$0x1F000] =	vst v63  }
0x284: {  	s3 =	simm.s32 $0xC800  }
0x285: {  	[tilespmem:s3], [sflag:$0x7] =	stream.indirect_vreg.gather [hbm4b:s14+s20], $0x80, v2, vm0, $0xb8;
	[tilespmem:$0x1F000] =	vst v63  }
0x286: {  	s6 =	simm.s32 $0xD000  }
0x287: {  	[tilespmem:s6], [sflag:$0x7] =	stream.indirect_vreg.gather [hbm4b:s16+s20], $0x80, v2, vm0, $0xb8;
	[tilespmem:$0x1F000] =	vst v63  }
0x288: {  	s19 =	simm.s32 $0xD800  }
0x289: {  	[tilespmem:s19], [sflag:$0x7] =	stream.indirect_vreg.gather [hbm4b:s18+s20], $0x80, v2, vm0, $0xb8;
	[tilespmem:$0x1F000] =	vst v63  }
0x28a: {  	_ =	swait.ge [sflag:s0], $0x2000  }
0x28b: {  	[sflag:s0] =	ssyncset.done $0x0  }
0x28c: {  	[sflag:s0] =	ssyncadd.s32 $0xFFFFE000  }
0x28d: {  	_ =	swait.ge [sflag:s1], $0x2000  }
0x28e: {  	[sflag:s1] =	ssyncset.done $0x0  }
0x28f: {  	[sflag:s1] =	ssyncadd.s32 $0xFFFFE000  }
0x290: {  	_ =	swait.ge [sflag:s11], $0x2000  }
0x291: {  	[sflag:s11] =	ssyncset.done $0x0  }
0x292: {  	[sflag:s11] =	ssyncadd.s32 $0xFFFFE000  }
0x293: {  	_ =	swait.ge [sflag:s13], $0x2000  }
0x294: {  	[sflag:s13] =	ssyncset.done $0x0  }
0x295: {  	[sflag:s13] =	ssyncadd.s32 $0xFFFFE000  }
0x296: {  	_ =	swait.ge [sflag:s5], $0x2000  }
0x297: {  	[sflag:s5] =	ssyncset.done $0x0  }
0x298: {  	[sflag:s5] =	ssyncadd.s32 $0xFFFFE000  }
0x299: {  	_ =	swait.ge [sflag:s7], $0x2000  }
0x29a: {  	[sflag:s7] =	ssyncset.done $0x0  }
0x29b: {  	[sflag:s7] =	ssyncadd.s32 $0xFFFFE000  }
0x29c: {  	_ =	swait.ge [sflag:s10], $0x2000  }
0x29d: {  	s21 =	sand.u32 $0x70, s20;
	s22 =	sand.u32 $0x1C00, s20;
	[sflag:s10] =	ssyncset.done $0x0  }
0x29e: {  	s19 =	sor.u32 s21, s22;
	[sflag:s10] =	ssyncadd.s32 $0xFFFFE000  }
0x29f: {  	v2 =	vld [tilespmem:s19+$0x10000]  }
0x2a0: {  	v3 =	vld [tilespmem:s19+$0xE000]  }
0x2a1: {  	v4 =	vld [tilespmem:$0x1EC00]  }
0x2a2: {  	v5 =	vld [tilespmem:$0x1EC80]  }
0x2a3: {  	v6 =	vld [tilespmem:s19+$0x12000]  }
0x2a4: {  	v7 =	vld [tilespmem:$0x1ED00]  }
0x2a5: {  	v8 =	vld [tilespmem:s19+$0x14000]  }
0x2a6: {  	v50 =	vld [tilespmem:$0x1ED80]  }
0x2a7: {  	v3 =	vmul.f32 v3, v4;
	v2 =	vmul.f32 v2, v5;
	v4 =	vld [tilespmem:s19+$0x16000]  }
0x2a8: {  	v5 =	vld [tilespmem:$0x1EE00]  }
0x2a9: {  	v2 =	vadd.f32 v2, v3;
	v3 =	vmul.f32 v6, v7;
	v6 =	vld [tilespmem:s19+$0x18000]  }
0x2aa: {  	v7 =	vld [tilespmem:$0x1EE80]  }
0x2ab: {  	v51 =	vld [tilespmem:$0x1EF00];
	v2 =	vadd.f32 v3, v2;
	v3 =	vmul.f32 v8, v50  }
0x2ac: {  	v8 =	vld [tilespmem:s19+$0x1A000]  }
0x2ad: {  	v2 =	vadd.f32 v3, v2;
	v3 =	vmul.f32 v4, v5;
	_ =	sdelay $0x1  }
0x2ae: {  	v2 =	vadd.f32 v3, v2;
	v3 =	vmul.f32 v6, v7;
	_ =	sdelay $0x1  }
0x2af: {  	v2 =	vadd.f32 v3, v2;
	v3 =	vmul.f32 v8, v51;
	_ =	sdelay $0x1  }
0x2b0: {  	v2 =	vadd.f32 v3, v2  }
0x2b1: {  	v3 =	vld [tilespmem:s19+$0x10080]  }
0x2b2: {  	[tilespmem:s19+$0x1C000] =	vst v2;
	v2 =	vld [tilespmem:s19+$0xE080]  }
0x2b3: {  	v4 =	vld [tilespmem:$0x1EC00]  }
0x2b4: {  	v5 =	vld [tilespmem:$0x1EC80]  }
0x2b5: {  	v6 =	vld [tilespmem:s19+$0x12080]  }
0x2b6: {  	v7 =	vld [tilespmem:$0x1ED00]  }
0x2b7: {  	v8 =	vld [tilespmem:s19+$0x14080]  }
0x2b8: {  	v52 =	vld [tilespmem:$0x1ED80]  }
0x2b9: {  	v2 =	vmul.f32 v2, v4;
	v3 =	vmul.f32 v3, v5;
	v4 =	vld [tilespmem:s19+$0x16080]  }
0x2ba: {  	v5 =	vld [tilespmem:$0x1EE00]  }
0x2bb: {  	v2 =	vadd.f32 v3, v2;
	v3 =	vmul.f32 v6, v7;
	v6 =	vld [tilespmem:s19+$0x18080]  }
0x2bc: {  	v7 =	vld [tilespmem:$0x1EE80]  }
0x2bd: {  	v53 =	vld [tilespmem:$0x1EF00];
	v2 =	vadd.f32 v3, v2;
	v3 =	vmul.f32 v8, v52  }
0x2be: {  	v8 =	vld [tilespmem:s19+$0x1A080]  }
0x2bf: {  	v2 =	vadd.f32 v3, v2;
	v3 =	vmul.f32 v4, v5;
	_ =	sdelay $0x1  }
0x2c0: {  	v2 =	vadd.f32 v3, v2;
	v3 =	vmul.f32 v6, v7;
	_ =	sdelay $0x1  }
0x2c1: {  	v2 =	vadd.f32 v3, v2;
	v3 =	vmul.f32 v8, v53;
	_ =	sdelay $0x1  }
0x2c2: {  	v2 =	vadd.f32 v3, v2  }
0x2c3: {  	v3 =	vld [tilespmem:s19+$0x10100]  }
0x2c4: {  	[tilespmem:s19+$0x1C080] =	vst v2;
	v2 =	vld [tilespmem:s19+$0xE100]  }
0x2c5: {  	v4 =	vld [tilespmem:$0x1EC00]  }
0x2c6: {  	v5 =	vld [tilespmem:$0x1EC80]  }
0x2c7: {  	v6 =	vld [tilespmem:s19+$0x12100]  }
0x2c8: {  	v7 =	vld [tilespmem:$0x1ED00]  }
0x2c9: {  	v8 =	vld [tilespmem:s19+$0x14100]  }
0x2ca: {  	v54 =	vld [tilespmem:$0x1ED80]  }
0x2cb: {  	v2 =	vmul.f32 v2, v4;
	v3 =	vmul.f32 v3, v5;
	v4 =	vld [tilespmem:s19+$0x16100]  }
0x2cc: {  	v5 =	vld [tilespmem:$0x1EE00]  }
0x2cd: {  	v2 =	vadd.f32 v3, v2;
	v3 =	vmul.f32 v6, v7;
	v6 =	vld [tilespmem:s19+$0x18100]  }
0x2ce: {  	v7 =	vld [tilespmem:$0x1EE80]  }
0x2cf: {  	v55 =	vld [tilespmem:$0x1EF00];
	v2 =	vadd.f32 v3, v2;
	v3 =	vmul.f32 v8, v54  }
0x2d0: {  	v8 =	vld [tilespmem:s19+$0x1A100]  }
0x2d1: {  	v2 =	vadd.f32 v3, v2;
	v3 =	vmul.f32 v4, v5;
	_ =	sdelay $0x1  }
0x2d2: {  	v2 =	vadd.f32 v3, v2;
	v3 =	vmul.f32 v6, v7;
	_ =	sdelay $0x1  }
0x2d3: {  	v2 =	vadd.f32 v3, v2;
	v3 =	vmul.f32 v8, v55;
	_ =	sdelay $0x1  }
0x2d4: {  	v2 =	vadd.f32 v3, v2  }
0x2d5: {  	v4 =	vld [tilespmem:s19+$0x10180]  }
0x2d6: {  	[tilespmem:s19+$0x1C100] =	vst v2;
	v2 =	vld [tilespmem:s19+$0xE180]  }
0x2d7: {  	v5 =	vld [tilespmem:$0x1EC00]  }
0x2d8: {  	v6 =	vld [tilespmem:$0x1EC80]  }
0x2d9: {  	v3 =	vld [tilespmem:s19+$0x12180]  }
0x2da: {  	v7 =	vld [tilespmem:$0x1ED00]  }
0x2db: {  	v56 =	vld [tilespmem:s19+$0x14180]  }
0x2dc: {  	v8 =	vld [tilespmem:$0x1ED80]  }
0x2dd: {  	v2 =	vmul.f32 v2, v5;
	v4 =	vmul.f32 v4, v6;
	v5 =	vld [tilespmem:s19+$0x16180]  }
0x2de: {  	v6 =	vld [tilespmem:$0x1EE00]  }
0x2df: {  	v3 =	vmul.f32 v3, v7;
	v7 =	vld [tilespmem:$0x1EE80];
	v2 =	vadd.f32 v4, v2  }
0x2e0: {  	v4 =	vld [tilespmem:s19+$0x18180]  }
0x2e1: {  	v57 =	vld [tilespmem:$0x1EF00];
	v2 =	vadd.f32 v3, v2;
	v3 =	vmul.f32 v56, v8  }
0x2e2: {  	v8 =	vld [tilespmem:s19+$0x1A180]  }
0x2e3: {  	v2 =	vadd.f32 v3, v2;
	v3 =	vmul.f32 v5, v6;
	_ =	sdelay $0x1  }
0x2e4: {  	v2 =	vadd.f32 v3, v2;
	v3 =	vmul.f32 v4, v7;
	_ =	sdelay $0x1  }
0x2e5: {  	v2 =	vadd.f32 v3, v2;
	v3 =	vmul.f32 v8, v57;
	_ =	sdelay $0x1  }
0x2e6: {  	v2 =	vadd.f32 v3, v2  }
0x2e7: {  	v4 =	vld [tilespmem:s19+$0x10200]  }
0x2e8: {  	[tilespmem:s19+$0x1C180] =	vst v2;
	v2 =	vld [tilespmem:s19+$0xE200]  }
0x2e9: {  	v5 =	vld [tilespmem:$0x1EC00]  }
0x2ea: {  	v6 =	vld [tilespmem:$0x1EC80]  }
0x2eb: {  	v3 =	vld [tilespmem:s19+$0x12200]  }
0x2ec: {  	v7 =	vld [tilespmem:$0x1ED00]  }
0x2ed: {  	v58 =	vld [tilespmem:s19+$0x14200]  }
0x2ee: {  	v8 =	vld [tilespmem:$0x1ED80]  }
0x2ef: {  	v2 =	vmul.f32 v2, v5;
	v4 =	vmul.f32 v4, v6;
	v5 =	vld [tilespmem:s19+$0x16200]  }
0x2f0: {  	v6 =	vld [tilespmem:$0x1EE00]  }
0x2f1: {  	v3 =	vmul.f32 v3, v7;
	v7 =	vld [tilespmem:$0x1EE80];
	v2 =	vadd.f32 v4, v2  }
0x2f2: {  	v4 =	vld [tilespmem:s19+$0x18200]  }
0x2f3: {  	v59 =	vld [tilespmem:$0x1EF00];
	v2 =	vadd.f32 v3, v2;
	v3 =	vmul.f32 v58, v8  }
0x2f4: {  	v8 =	vld [tilespmem:s19+$0x1A200]  }
0x2f5: {  	v2 =	vadd.f32 v3, v2;
	v3 =	vmul.f32 v5, v6;
	_ =	sdelay $0x1  }
0x2f6: {  	v2 =	vadd.f32 v3, v2;
	v3 =	vmul.f32 v4, v7;
	_ =	sdelay $0x1  }
0x2f7: {  	v2 =	vadd.f32 v3, v2;
	v3 =	vmul.f32 v8, v59;
	_ =	sdelay $0x1  }
0x2f8: {  	v2 =	vadd.f32 v3, v2  }
0x2f9: {  	v5 =	vld [tilespmem:s19+$0x10280]  }
0x2fa: {  	[tilespmem:s19+$0x1C200] =	vst v2;
	v2 =	vld [tilespmem:s19+$0xE280]  }
0x2fb: {  	v6 =	vld [tilespmem:$0x1EC00]  }
0x2fc: {  	v7 =	vld [tilespmem:$0x1EC80]  }
0x2fd: {  	v3 =	vld [tilespmem:s19+$0x12280]  }
0x2fe: {  	v8 =	vld [tilespmem:$0x1ED00]  }
0x2ff: {  	v4 =	vld [tilespmem:s19+$0x14280]  }
0x300: {  	v60 =	vld [tilespmem:$0x1ED80]  }
0x301: {  	v61 =	vld [tilespmem:$0x1EE00];
	v2 =	vmul.f32 v2, v6;
	v5 =	vmul.f32 v5, v7  }
0x302: {  	v6 =	vld [tilespmem:s19+$0x16280]  }
0x303: {  	v7 =	vld [tilespmem:$0x1EE80];
	v3 =	vmul.f32 v3, v8;
	v2 =	vadd.f32 v5, v2  }
0x304: {  	v5 =	vld [tilespmem:s19+$0x18280]  }
0x305: {  	v8 =	vld [tilespmem:$0x1EF00];
	v2 =	vadd.f32 v3, v2;
	v3 =	vmul.f32 v4, v60  }
0x306: {  	v4 =	vld [tilespmem:s19+$0x1A280]  }
0x307: {  	v2 =	vadd.f32 v3, v2;
	v3 =	vmul.f32 v6, v61;
	_ =	sdelay $0x1  }
0x308: {  	v2 =	vadd.f32 v3, v2;
	v3 =	vmul.f32 v5, v7;
	_ =	sdelay $0x1  }
0x309: {  	v2 =	vadd.f32 v3, v2;
	v3 =	vmul.f32 v4, v8;
	_ =	sdelay $0x1  }
0x30a: {  	v2 =	vadd.f32 v3, v2  }
0x30b: {  	v5 =	vld [tilespmem:s19+$0x10300]  }
0x30c: {  	[tilespmem:s19+$0x1C280] =	vst v2;
	v2 =	vld [tilespmem:s19+$0xE300]  }
0x30d: {  	v6 =	vld [tilespmem:$0x1EC00]  }
0x30e: {  	v7 =	vld [tilespmem:$0x1EC80]  }
0x30f: {  	v3 =	vld [tilespmem:s19+$0x12300]  }
0x310: {  	v8 =	vld [tilespmem:$0x1ED00]  }
0x311: {  	v4 =	vld [tilespmem:s19+$0x14300]  }
0x312: {  	v62 =	vld [tilespmem:$0x1ED80]  }
0x313: {  	v63 =	vld [tilespmem:$0x1EE00];
	v2 =	vmul.f32 v2, v6;
	v5 =	vmul.f32 v5, v7  }
0x314: {  	v7 =	vld [tilespmem:s19+$0x16300]  }
0x315: {  	v6 =	vmul.f32 v3, v8;
	v5 =	vadd.f32 v5, v2  }
0x316: {  	v3 =	vld [tilespmem:$0x1EE80]  }
0x317: {  	v8 =	vmul.f32 v4, v62;
	v4 =	vld [tilespmem:s19+$0x18300];
	v6 =	vadd.f32 v6, v5  }
0x318: {  	v2 =	vld [tilespmem:$0x1EF00]  }
0x319: {  	s22 =	simm.s32 $0x10;
	s21 =	sor.u32 s20, s20;
	v5 =	vld [tilespmem:s19+$0x1A300];
	v7 =	vmul.f32 v7, v63;
	v6 =	vadd.f32 v8, v6  }
.LBB2_5:
0x31a: {  	p0 =	sne.s32 s22, $0x3F0  }
0x31b: {  	s20 =	sadd.s32 $0x80, s20;
	s3 =	smov.u32 s22;
	s22 =	sadd.s32 $0x10, s22  }
0x31c: {  	s2 =	sor.u32 s20, s3;
	v6 =	vadd.f32 v7, v6;
	v3 =	vmul.f32 v4, v3;
	_ =	sdelay $0x1  }
0x31d: {  	v3 =	vadd.f32 v3, v6;
	v2 =	vmul.f32 v5, v2  }
0x31e: {  	v4 =	vld [tilespmem:s19+$0x14380]  }
0x31f: {  	v2 =	vadd.f32 v2, v3;
	v3 =	vld [tilespmem:s19+$0x12380]  }
0x320: {  	v5 =	vld [tilespmem:s19+$0x10380]  }
0x321: {  	[tilespmem:s19+$0x1C300] =	vst v2;
	v2 =	vld [tilespmem:s19+$0xE380]  }
0x322: {  	v6 =	vld [tilespmem:$0x1EC00]  }
0x323: {  	s3 =	sand.u32 $0x70, s3;
	s6 =	sand.u32 $0x1C00, s20;
	v7 =	vld [tilespmem:$0x1EC80]  }
0x324: {  	s3 =	sor.u32 s3, s6;
	v8 =	vld [tilespmem:$0x1ED00]  }
0x325: {  	v9 =	vld [tilespmem:$0x1ED80]  }
0x326: {  	v10 =	vld [tilespmem:$0x1EE00]  }
0x327: {  	v2 =	vmul.f32 v2, v6;
	v6 =	vld [tilespmem:$0x1EE80]  }
0x328: {  	v5 =	vmul.f32 v5, v7;
	v7 =	vld [tilespmem:$0x1EF00]  }
0x329: {  	v11 =	vld [tilespmem:s19+$0x16380]  }
0x32a: {  	v3 =	vmul.f32 v3, v8;
	v2 =	vadd.f32 v5, v2  }
0x32b: {  	v5 =	vld [tilespmem:s19+$0x18380]  }
0x32c: {  	v2 =	vadd.f32 v3, v2;
	v3 =	vmul.f32 v4, v9  }
0x32d: {  	v4 =	vld [tilespmem:s19+$0x1A380];
	s19 =	smov.u32 s3  }
0x32e: {  	v2 =	vadd.f32 v3, v2;
	v3 =	vmul.f32 v11, v10;
	_ =	sdelay $0x1  }
0x32f: {  	v2 =	vadd.f32 v3, v2;
	v3 =	vmul.f32 v5, v6;
	_ =	sdelay $0x1  }
0x330: {  	v2 =	vadd.f32 v3, v2;
	v3 =	vmul.f32 v4, v7;
	_ =	sdelay $0x1  }
0x331: {  	v2 =	vadd.f32 v3, v2  }
0x332: {  	s3 =	sor.u32 $0x380, s21;
	s21 =	smov.u32 s2  }
0x333: {  	[tilespmem:s3+$0x1C000] =	vst v2  }
0x334: {  	v2 =	vld [tilespmem:s19+$0x10000]  }
0x335: {  	v3 =	vld [tilespmem:s19+$0xE000]  }
0x336: {  	v4 =	vld [tilespmem:$0x1EC00]  }
0x337: {  	v5 =	vld [tilespmem:$0x1EC80]  }
0x338: {  	v6 =	vld [tilespmem:s19+$0x12000]  }
0x339: {  	v7 =	vld [tilespmem:$0x1ED00]  }
0x33a: {  	v8 =	vld [tilespmem:s19+$0x14000]  }
0x33b: {  	v9 =	vld [tilespmem:$0x1ED80]  }
0x33c: {  	v3 =	vmul.f32 v3, v4;
	v2 =	vmul.f32 v2, v5;
	v4 =	vld [tilespmem:s19+$0x16000]  }
0x33d: {  	v5 =	vld [tilespmem:$0x1EE00]  }
0x33e: {  	v2 =	vadd.f32 v2, v3;
	v3 =	vmul.f32 v6, v7;
	v6 =	vld [tilespmem:s19+$0x18000]  }
0x33f: {  	v7 =	vld [tilespmem:$0x1EE80]  }
0x340: {  	v2 =	vadd.f32 v3, v2;
	v3 =	vmul.f32 v8, v9;
	v8 =	vld [tilespmem:s19+$0x1A000]  }
0x341: {  	v9 =	vld [tilespmem:$0x1EF00]  }
0x342: {  	v2 =	vadd.f32 v3, v2;
	v3 =	vmul.f32 v4, v5;
	_ =	sdelay $0x1  }
0x343: {  	v2 =	vadd.f32 v3, v2;
	v3 =	vmul.f32 v6, v7;
	_ =	sdelay $0x1  }
0x344: {  	v2 =	vadd.f32 v3, v2;
	v3 =	vmul.f32 v8, v9;
	_ =	sdelay $0x1  }
0x345: {  	v2 =	vadd.f32 v3, v2  }
0x346: {  	v3 =	vld [tilespmem:s19+$0x10080]  }
0x347: {  	[tilespmem:s19+$0x1C000] =	vst v2;
	v2 =	vld [tilespmem:s19+$0xE080]  }
0x348: {  	v4 =	vld [tilespmem:$0x1EC00]  }
0x349: {  	v5 =	vld [tilespmem:$0x1EC80]  }
0x34a: {  	v6 =	vld [tilespmem:s19+$0x12080]  }
0x34b: {  	v7 =	vld [tilespmem:$0x1ED00]  }
0x34c: {  	v8 =	vld [tilespmem:s19+$0x14080]  }
0x34d: {  	v9 =	vld [tilespmem:$0x1ED80]  }
0x34e: {  	v2 =	vmul.f32 v2, v4;
	v3 =	vmul.f32 v3, v5;
	v4 =	vld [tilespmem:s19+$0x16080]  }
0x34f: {  	v5 =	vld [tilespmem:$0x1EE00]  }
0x350: {  	v2 =	vadd.f32 v3, v2;
	v3 =	vmul.f32 v6, v7;
	v6 =	vld [tilespmem:s19+$0x18080]  }
0x351: {  	v7 =	vld [tilespmem:$0x1EE80]  }
0x352: {  	v2 =	vadd.f32 v3, v2;
	v3 =	vmul.f32 v8, v9;
	v8 =	vld [tilespmem:s19+$0x1A080]  }
0x353: {  	v9 =	vld [tilespmem:$0x1EF00]  }
0x354: {  	v2 =	vadd.f32 v3, v2;
	v3 =	vmul.f32 v4, v5;
	_ =	sdelay $0x1  }
0x355: {  	v2 =	vadd.f32 v3, v2;
	v3 =	vmul.f32 v6, v7;
	_ =	sdelay $0x1  }
0x356: {  	v2 =	vadd.f32 v3, v2;
	v3 =	vmul.f32 v8, v9;
	_ =	sdelay $0x1  }
0x357: {  	v2 =	vadd.f32 v3, v2  }
0x358: {  	v3 =	vld [tilespmem:s19+$0x10100]  }
0x359: {  	[tilespmem:s19+$0x1C080] =	vst v2;
	v2 =	vld [tilespmem:s19+$0xE100]  }
0x35a: {  	v4 =	vld [tilespmem:$0x1EC00]  }
0x35b: {  	v5 =	vld [tilespmem:$0x1EC80]  }
0x35c: {  	v6 =	vld [tilespmem:s19+$0x12100]  }
0x35d: {  	v7 =	vld [tilespmem:$0x1ED00]  }
0x35e: {  	v8 =	vld [tilespmem:s19+$0x14100]  }
0x35f: {  	v2 =	vmul.f32 v2, v4;
	v4 =	vld [tilespmem:$0x1ED80]  }
0x360: {  	v3 =	vmul.f32 v3, v5;
	v5 =	vld [tilespmem:s19+$0x16100]  }
0x361: {  	v9 =	vld [tilespmem:$0x1EE00]  }
0x362: {  	v2 =	vadd.f32 v3, v2;
	v3 =	vmul.f32 v6, v7;
	v6 =	vld [tilespmem:s19+$0x18100]  }
0x363: {  	v7 =	vld [tilespmem:$0x1EE80]  }
0x364: {  	v2 =	vadd.f32 v3, v2;
	v3 =	vmul.f32 v8, v4;
	v4 =	vld [tilespmem:s19+$0x1A100]  }
0x365: {  	v8 =	vld [tilespmem:$0x1EF00]  }
0x366: {  	v2 =	vadd.f32 v3, v2;
	v3 =	vmul.f32 v5, v9;
	_ =	sdelay $0x1  }
0x367: {  	v2 =	vadd.f32 v3, v2;
	v3 =	vmul.f32 v6, v7;
	_ =	sdelay $0x1  }
0x368: {  	v2 =	vadd.f32 v3, v2;
	v3 =	vmul.f32 v4, v8;
	_ =	sdelay $0x1  }
0x369: {  	v2 =	vadd.f32 v3, v2;
	v3 =	vld [tilespmem:s19+$0x12180]  }
0x36a: {  	v4 =	vld [tilespmem:s19+$0x10180]  }
0x36b: {  	[tilespmem:s19+$0x1C100] =	vst v2;
	v2 =	vld [tilespmem:s19+$0xE180]  }
0x36c: {  	v5 =	vld [tilespmem:$0x1EC00]  }
0x36d: {  	v6 =	vld [tilespmem:$0x1EC80]  }
0x36e: {  	v7 =	vld [tilespmem:$0x1ED80]  }
0x36f: {  	v8 =	vld [tilespmem:$0x1ED00];
	_ =	sdelay $0x1  }
0x370: {  	v2 =	vmul.f32 v2, v5;
	v5 =	vld [tilespmem:s19+$0x14180]  }
0x371: {  	v4 =	vmul.f32 v4, v6;
	v6 =	vld [tilespmem:s19+$0x16180]  }
0x372: {  	v9 =	vld [tilespmem:$0x1EE00]  }
0x373: {  	v2 =	vadd.f32 v4, v2;
	v3 =	vmul.f32 v3, v8;
	v4 =	vld [tilespmem:s19+$0x18180]  }
0x374: {  	v8 =	vld [tilespmem:$0x1EE80]  }
0x375: {  	v2 =	vadd.f32 v3, v2;
	v3 =	vmul.f32 v5, v7;
	v5 =	vld [tilespmem:s19+$0x1A180]  }
0x376: {  	v7 =	vld [tilespmem:$0x1EF00]  }
0x377: {  	v2 =	vadd.f32 v3, v2;
	v3 =	vmul.f32 v6, v9;
	_ =	sdelay $0x1  }
0x378: {  	v2 =	vadd.f32 v3, v2;
	v3 =	vmul.f32 v4, v8;
	_ =	sdelay $0x1  }
0x379: {  	v2 =	vadd.f32 v3, v2;
	v3 =	vmul.f32 v5, v7;
	_ =	sdelay $0x1  }
0x37a: {  	v2 =	vadd.f32 v3, v2;
	v3 =	vld [tilespmem:s19+$0x12200]  }
0x37b: {  	v4 =	vld [tilespmem:s19+$0x10200]  }
0x37c: {  	[tilespmem:s19+$0x1C180] =	vst v2;
	v2 =	vld [tilespmem:s19+$0xE200]  }
0x37d: {  	v5 =	vld [tilespmem:$0x1EC00]  }
0x37e: {  	v6 =	vld [tilespmem:$0x1EC80]  }
0x37f: {  	v7 =	vld [tilespmem:$0x1ED80]  }
0x380: {  	v8 =	vld [tilespmem:$0x1ED00];
	_ =	sdelay $0x1  }
0x381: {  	v9 =	vld [tilespmem:s19+$0x14200]  }
0x382: {  	v2 =	vmul.f32 v2, v5;
	v4 =	vmul.f32 v4, v6;
	v5 =	vld [tilespmem:s19+$0x16200]  }
0x383: {  	v6 =	vld [tilespmem:$0x1EE00]  }
0x384: {  	v2 =	vadd.f32 v4, v2;
	v3 =	vmul.f32 v3, v8;
	v4 =	vld [tilespmem:s19+$0x18200]  }
0x385: {  	v8 =	vld [tilespmem:$0x1EE80]  }
0x386: {  	v2 =	vadd.f32 v3, v2;
	v3 =	vmul.f32 v9, v7;
	v7 =	vld [tilespmem:s19+$0x1A200]  }
0x387: {  	v9 =	vld [tilespmem:$0x1EF00]  }
0x388: {  	v2 =	vadd.f32 v3, v2;
	v3 =	vmul.f32 v5, v6;
	_ =	sdelay $0x1  }
0x389: {  	v2 =	vadd.f32 v3, v2;
	v3 =	vmul.f32 v4, v8;
	_ =	sdelay $0x1  }
0x38a: {  	v2 =	vadd.f32 v3, v2;
	v3 =	vmul.f32 v7, v9  }
0x38b: {  	v4 =	vld [tilespmem:s19+$0x14280]  }
0x38c: {  	v2 =	vadd.f32 v3, v2;
	v3 =	vld [tilespmem:s19+$0x12280]  }
0x38d: {  	v5 =	vld [tilespmem:s19+$0x10280]  }
0x38e: {  	[tilespmem:s19+$0x1C200] =	vst v2;
	v2 =	vld [tilespmem:s19+$0xE280]  }
0x38f: {  	v6 =	vld [tilespmem:$0x1EC00]  }
0x390: {  	v7 =	vld [tilespmem:$0x1EC80]  }
0x391: {  	v8 =	vld [tilespmem:$0x1ED00]  }
0x392: {  	v9 =	vld [tilespmem:$0x1ED80]  }
0x393: {  	v10 =	vld [tilespmem:$0x1EE00]  }
0x394: {  	v11 =	vld [tilespmem:$0x1EE80]  }
0x395: {  	v2 =	vmul.f32 v2, v6;
	v5 =	vmul.f32 v5, v7;
	v6 =	vld [tilespmem:$0x1EF00]  }
0x396: {  	v7 =	vld [tilespmem:s19+$0x16280]  }
0x397: {  	v3 =	vmul.f32 v3, v8;
	v2 =	vadd.f32 v5, v2  }
0x398: {  	v5 =	vld [tilespmem:s19+$0x18280]  }
0x399: {  	v2 =	vadd.f32 v3, v2;
	v3 =	vmul.f32 v4, v9  }
0x39a: {  	v4 =	vld [tilespmem:s19+$0x1A280]  }
0x39b: {  	v2 =	vadd.f32 v3, v2;
	v3 =	vmul.f32 v7, v10;
	_ =	sdelay $0x1  }
0x39c: {  	v2 =	vadd.f32 v3, v2;
	v3 =	vmul.f32 v5, v11;
	_ =	sdelay $0x1  }
0x39d: {  	v2 =	vadd.f32 v3, v2;
	v3 =	vmul.f32 v4, v6  }
0x39e: {  	v5 =	vld [tilespmem:s19+$0x14300]  }
0x39f: {  	v2 =	vadd.f32 v3, v2;
	v4 =	vld [tilespmem:s19+$0x12300]  }
0x3a0: {  	v6 =	vld [tilespmem:s19+$0x10300]  }
0x3a1: {  	[tilespmem:s19+$0x1C280] =	vst v2;
	v2 =	vld [tilespmem:s19+$0xE300]  }
0x3a2: {  	v7 =	vld [tilespmem:$0x1EC00]  }
0x3a3: {  	v8 =	vld [tilespmem:$0x1EC80]  }
0x3a4: {  	v9 =	vld [tilespmem:$0x1ED00]  }
0x3a5: {  	v10 =	vld [tilespmem:$0x1ED80]  }
0x3a6: {  	v11 =	vld [tilespmem:$0x1EE00]  }
0x3a7: {  	v3 =	vld [tilespmem:$0x1EE80]  }
0x3a8: {  	v7 =	vmul.f32 v2, v7;
	v6 =	vmul.f32 v6, v8;
	v2 =	vld [tilespmem:$0x1EF00]  }
0x3a9: {  	v8 =	vld [tilespmem:s19+$0x16300]  }
.Ltmp1:
0x3aa: {  	v6 =	vadd.f32 v6, v7;
	v7 =	vmul.f32 v4, v9;
	(pc) =	sbr.rel @p0 .LBB2_5-.Ltmp1, $4  }
0x3ab: {  	v4 =	vld [tilespmem:s19+$0x18300]  }
0x3ac: {  	v6 =	vadd.f32 v7, v6;
	v7 =	vmul.f32 v5, v10  }
0x3ad: {  	v5 =	vld [tilespmem:s19+$0x1A300]  }
0x3ae: {  	v6 =	vadd.f32 v7, v6;
	v7 =	vmul.f32 v8, v11  }
0x3af: {  	_ = 	snop  }
0x3b0: {  	v6 =	vadd.f32 v7, v6;
	v3 =	vmul.f32 v4, v3;
	_ =	sdelay $0x1  }
0x3b1: {  	v3 =	vadd.f32 v3, v6;
	v2 =	vmul.f32 v5, v2;
	_ =	sdelay $0x1  }
0x3b2: {  	v2 =	vadd.f32 v2, v3  }
0x3b3: {  	v56 =	vld [tilespmem:s19+$0x10380]  }
0x3b4: {  	[tilespmem:s19+$0x1C300] =	vst v2;
	v2 =	vld [tilespmem:s19+$0xE380]  }
0x3b5: {  	v57 =	vld [tilespmem:$0x1EC00]  }
0x3b6: {  	v58 =	vld [tilespmem:$0x1EC80]  }
0x3b7: {  	v3 =	vld [tilespmem:s19+$0x12380]  }
0x3b8: {  	v8 =	vld [tilespmem:$0x1ED00]  }
0x3b9: {  	v55 =	vld [tilespmem:s19+$0x14380]  }
0x3ba: {  	v9 =	vld [tilespmem:$0x1ED80]  }
0x3bb: {  	v59 =	vld [tilespmem:s19+$0x16380];
	v2 =	vmul.f32 v2, v57;
	v5 =	vmul.f32 v56, v58  }
0x3bc: {  	v10 =	vld [tilespmem:$0x1EE00]  }
0x3bd: {  	v61 =	vld [tilespmem:s19+$0x18380];
	v3 =	vmul.f32 v3, v8;
	v2 =	vadd.f32 v5, v2  }
0x3be: {  	v60 =	vld [tilespmem:$0x1EE80]  }
0x3bf: {  	v63 =	vld [tilespmem:s19+$0x1A380];
	v2 =	vadd.f32 v3, v2;
	v3 =	vmul.f32 v55, v9  }
0x3c0: {  	v62 =	vld [tilespmem:$0x1EF00]  }
0x3c1: {  	v2 =	vadd.f32 v3, v2;
	v3 =	vmul.f32 v59, v10;
	_ =	sdelay $0x1  }
0x3c2: {  	v2 =	vadd.f32 v3, v2;
	v3 =	vmul.f32 v61, v60  }
0x3c3: {  	s2 =	rddreg [dreg:$0x4]  }
0x3c4: {  	s2 =	sadd.s32 s2, s17;
	v2 =	vadd.f32 v3, v2;
	v3 =	vmul.f32 v63, v62  }
0x3c5: {  	s2 =	sshll.u32 s2, $0xA  }
0x3c6: {  	s15 =	sadd.s32 $0x1, s15;
	s2 =	sadd.s32 s9, s2;
	v2 =	vadd.f32 v3, v2  }
0x3c7: {  	s3 =	sor.u32 $0x380, s21;
	p0 =	sne.s32 s15, $0x10;
	s2 =	sshrl.u32 s2, $0x3  }
.Ltmp2:
0x3c8: {  	s22 =	simm.s32 $0x0;
	s2 =	sadd.s32 s4, s2;
	[tilespmem:s3+$0x1C000] =	vst v2;
	(pc) =	sbr.rel @p0 .LBB2_2-.Ltmp2, $4  }
0x3c9: {  	[hbm4b:s2+s22] =	stream.linear.scatter [tilespmem:s31], [sflag:$0xF], $0x2000, $0x38;
	[tilespmem:$0x1F000] =	vst v63  }
0x3ca: {  	_ =	swait.ge [sflag:s12], $0x2000  }
0x3cb: {  	[sflag:s12] =	ssyncset.done $0x0  }
0x3cc: {  	[sflag:s12] =	ssyncadd.s32 $0xFFFFE000  }
0x3cd: {  	_ =	swait.ge [sflag:s23], $0x2000  }
0x3ce: {  	[sflag:s23] =	ssyncset.done $0x0  }
0x3cf: {  	[sflag:s23] =	ssyncadd.s32 $0xFFFFE000  }
0x3d0: {  	_ =	swait.ge [sflag:s24], $0x2000  }
0x3d1: {  	[sflag:s24] =	ssyncset.done $0x0  }
0x3d2: {  	[sflag:s24] =	ssyncadd.s32 $0xFFFFE000  }
0x3d3: {  	_ =	swait.ge [sflag:s25], $0x2000  }
0x3d4: {  	[sflag:s25] =	ssyncset.done $0x0  }
0x3d5: {  	[sflag:s25] =	ssyncadd.s32 $0xFFFFE000  }
0x3d6: {  	_ =	swait.ge [sflag:s26], $0x2000  }
0x3d7: {  	[sflag:s26] =	ssyncset.done $0x0  }
0x3d8: {  	[sflag:s26] =	ssyncadd.s32 $0xFFFFE000  }
0x3d9: {  	_ =	swait.ge [sflag:s28], $0x2000  }
0x3da: {  	[sflag:s28] =	ssyncset.done $0x0  }
0x3db: {  	[sflag:s28] =	ssyncadd.s32 $0xFFFFE000  }
0x3dc: {  	_ =	swait.ge [sflag:s29], $0x2000  }
0x3dd: {  	[sflag:s29] =	ssyncset.done $0x0  }
0x3de: {  	[sflag:s29] =	ssyncadd.s32 $0xFFFFE000  }
0x3df: {  	_ =	swait.ge [sflag:s30], $0x2000  }
0x3e0: {  	s3 =	rddreg [dreg:$0x8]  }
0x3e1: {  	s2 =	rddreg [dreg:$0x7];
	s3 =	sadd.s32 $0x1, s3  }
0x3e2: {  	p0 =	sne.s32 s3, s2  }
.Ltmp3:
0x3e3: {  	_ = 	snop;
	(pc) =	sbr.rel @p0 .LBB2_1-.Ltmp3, $3  }
0x3e4: {  	_ =	sdelay $0x1  }
0x3e5: {  	[sflag:s30] =	ssyncset.done $0x0  }
0x3e6: {  	[sflag:s30] =	ssyncadd.s32 $0xFFFFE000  }
0x3e7: {  	_ =	sfence.sel $0x180000  }
0x3e8: {  	[bflag:$0x0] =	sbarrier.arrive $0xFFFF  }
0x3e9: {  	_ =	strace $0x90000047  }
0x3ea: {  	s0 =	stileid.u32;
	[bflag:$0x2] =	sbarrier.arrive $0xFFFF  }
0x3eb: {  	p0 =	sne.s32 s0, $0x0;
	s0 =	rddreg [dreg:$0x2]  }
0x3ec: {  	s0 =	sadd.s32 @!p0 $0x100000, s0  }
0x3ed: {  	[sflag:s0] =	ssyncadd.tile.s32 @!p0 $0x1;
	_ =	shalt  }
.Lfunc_end2:
_tile_overlayer_lowered:
.L_overlay_start_2:
0x3ee: {  	(tag) =	ssettag $0x2  }
0x3ef: {  	s0 =	rddreg [dreg:$0x0];
	s2 =	stileid.u32  }
0x3f0: {  	s1 =	rddreg [dreg:$0x1];
	p0 =	sne.s32 s2, $0x0  }
0x3f1: {  	s3 =	rddreg [dreg:$0x2];
	[bflag:$0x3] =	sbarrier.arrive $0xFFFF;
	s2 =	simm.s32 @!p0 $0x1C0F  }
0x3f2: {  	[timem:s3], [sflag:s2] =	dma.local @!p0 [hbm:s0], s1  }
0x3f3: {  	s0 =	simm.s32 @!p0 $0xF  }
0x3f4: {  	_ =	swait.ge @!p0 [sflag:s0], s1  }
0x3f5: {  	s1 =	ssub.s32 @!p0 $0x0, s1;
	[sflag:s0] =	ssyncset.done @!p0 $0x0  }
0x3f6: {  	[sflag:s0] =	ssyncadd.s32 @!p0 s1  }
0x3f7: {  	[bflag:$0x3] =	sbarrier.arrive $0xFFFF  }
0x3f8: {  	_ =	shalt  }

</sc_bundles>
